<compile_context>
chip_gen: v7x
topology: tpu7x:2x2x1
jax: 0.10.2.dev20260603
libtpu: 0.0.44.dev20260713+nightly
codegen_flags: <defaults>
</compile_context>

<pallas_src>
import functools

import jax
import jax.numpy as jnp
from jax import lax
from jax.experimental import pallas as pl
from jax.experimental.pallas import tpu as pltpu
from jax.experimental.pallas import tpu_sc as plsc

_N = 50000
_D = 512
_G = 128
_N_SC = 12000
_BT = 2000
_TC_OFF = _N_SC // _BT
_NBT = (_N - _N_SC) // _BT
_R = 32
_NB = (_N_SC + _R - 1) // _R
_LAST_BASE = _N_SC - _R
_NC = 2
_NS = 16
_NW = _NC * _NS
_TRIPS = (_NB + _NW - 1) // _NW
_PAIRS = (_TRIPS + 2) // 2
_ACC = _G * _D


def _pool_sc(x_hbm, batch_hbm, part_hbm, rows0_v, rows1_v, idx0_v, idx1_v,
             accf_v, gat_v, red_v, zro_v, stage_sh, sx0, sx1, si0, si1):
    cid = lax.axis_index("c")
    sid = lax.axis_index("s")
    wid = cid * _NS + sid

    rows_bufs = (rows0_v, rows1_v)
    idx_bufs = (idx0_v, idx1_v)
    x_sems = (sx0, sx1)
    i_sems = (si0, si1)

    pltpu.sync_copy(batch_hbm.at[pl.ds(0, 16)], idx0_v.at[pl.ds(0, 16)])
    pltpu.sync_copy(batch_hbm.at[pl.ds(_N_SC - 16, 16)],
                    idx0_v.at[pl.ds(16, 16)])
    lo = idx0_v[pl.ds(0, 16)][0]
    hi = idx0_v[pl.ds(16, 16)][15]
    qlo = lo // 16
    qhi = hi // 16

    def _z512(i, carry):
        zro_v[pl.ds(i * 16, 16)] = jnp.zeros((16,), jnp.float32)
        return carry

    lax.fori_loop(0, _D // 16, _z512, 0)

    def _zbody(r, carry):
        for k in range(_D // 16):
            accf_v[pl.ds(r * _D + k * 16, 16)] = jnp.zeros((16,),
                                                           jnp.float32)
        return carry

    lax.fori_loop(qlo * 16, (qhi + 1) * 16, _zbody, 0)

    lanes = lax.broadcasted_iota(jnp.int32, (16,), 0)

    def _base_of(t):
        blk = wid + t * _NW
        row_start = jnp.minimum(blk, _NB - 1) * _R
        return jnp.minimum(row_start, _LAST_BASE), blk

    def _start(t, b):
        base, _ = _base_of(t)
        pltpu.make_async_copy(x_hbm.at[pl.ds(base, _R)], rows_bufs[b],
                              x_sems[b]).start()
        pltpu.make_async_copy(batch_hbm.at[pl.ds(base, _R)], idx_bufs[b],
                              i_sems[b]).start()

    def _wait(t, b):
        base, _ = _base_of(t)
        pltpu.make_async_copy(x_hbm.at[pl.ds(base, _R)], rows_bufs[b],
                              x_sems[b]).wait()
        pltpu.make_async_copy(batch_hbm.at[pl.ds(base, _R)], idx_bufs[b],
                              i_sems[b]).wait()

    def _compute(t, b):
        rows_v = rows_bufs[b]
        idx_v = idx_bufs[b]
        base, blk = _base_of(t)

        @pl.when(blk < _NB)
        def _():
            shift = jnp.minimum(blk, _NB - 1) * _R - base

            def _grp(g, carry2):
                @pl.when((g * 16) >= shift)
                def _do():
                    ids16 = idx_v[pl.ds(g * 16, 16)]
                    first = ids16[0]
                    last = ids16[15]

                    @pl.when(first == last)
                    def _fast():
                        seg_vec = plsc.load_gather(
                            idx_v, [jnp.full((16,), g * 16, jnp.int32)])
                        tgt = seg_vec * _D + lanes

                        @plsc.parallel_loop(0, _D, 16, unroll=4)
                        def _strip(c):
                            vs = [rows_v[g * 16 + rr, pl.ds(c, 16)]
                                  for rr in range(16)]
                            while len(vs) > 1:
                                vs = [vs[i] + vs[i + 1]
                                      for i in range(0, len(vs) - 1, 2)] + (
                                          [vs[-1]] if len(vs) % 2 else [])
                            plsc.addupdate_scatter(accf_v, [tgt + c], vs[0])

                    @pl.when(first != last)
                    def _slow():
                        for rr in range(16):
                            seg_vec = plsc.load_gather(
                                idx_v,
                                [jnp.full((16,), g * 16 + rr, jnp.int32)])
                            tgt = seg_vec * _D + lanes

                            @plsc.parallel_loop(0, _D, 16, unroll=8)
                            def _strip(c):
                                vals = rows_v[g * 16 + rr, pl.ds(c, 16)]
                                plsc.addupdate_scatter(accf_v, [tgt + c],
                                                       vals)

                return carry2

            lax.fori_loop(0, _R // 16, _grp, 0)

    _start(0, 0)

    def _pair(p, carry):
        for b in range(2):
            t = 2 * p + b
            _wait(t, b)
            _start(t + 1, 1 - b)
            _compute(t, b)
        return carry

    lax.fori_loop(0, _PAIRS, _pair, 0)
    _wait(2 * _PAIRS, 0)

    def _round(q, carry):
        active = jnp.logical_and(q >= qlo, q <= qhi)

        @pl.when(active)
        def _():
            pltpu.sync_copy(accf_v.at[pl.ds(q * 16 * _D, 16 * _D)],
                            stage_sh.at[sid])

        plsc.subcore_barrier()

        @pl.when(active)
        def _():
            pltpu.sync_copy(stage_sh.at[:, pl.ds(sid * _D, _D)], gat_v)

            def _abody(i, carry2):
                o = i * 16
                vs = [gat_v[src, pl.ds(o, 16)] for src in range(_NS)]
                while len(vs) > 1:
                    vs = [vs[j] + vs[j + 1]
                          for j in range(0, len(vs) - 1, 2)] + (
                              [vs[-1]] if len(vs) % 2 else [])
                red_v[pl.ds(o, 16)] = vs[0]
                return carry2

            lax.fori_loop(0, _D // 16, _abody, 0)

            pltpu.sync_copy(red_v, part_hbm.at[cid * _G + q * 16 + sid])

        @pl.when(jnp.logical_not(active))
        def _():
            pltpu.sync_copy(zro_v, part_hbm.at[cid * _G + q * 16 + sid])

        plsc.subcore_barrier()
        return carry

    lax.fori_loop(0, _G // 16, _round, 0)


_pool = pl.kernel(
    _pool_sc,
    out_type=jax.ShapeDtypeStruct((_NC * _G, _D), jnp.float32),
    mesh=plsc.VectorSubcoreMesh(core_axis_name="c", subcore_axis_name="s"),
    compiler_params=pltpu.CompilerParams(use_tc_tiling_on_sc=True,
                                         needs_layout_passes=False),
    scratch_types=[
        pltpu.VMEM((_R, _D), jnp.float32),
        pltpu.VMEM((_R, _D), jnp.float32),
        pltpu.VMEM((_R,), jnp.int32),
        pltpu.VMEM((_R,), jnp.int32),
        pltpu.VMEM((_ACC,), jnp.float32),
        pltpu.VMEM((_NS, _D), jnp.float32),
        pltpu.VMEM((_D,), jnp.float32),
        pltpu.VMEM((_D,), jnp.float32),
        pltpu.VMEM_SHARED((_NS, 16 * _D), jnp.float32),
        pltpu.SemaphoreType.DMA,
        pltpu.SemaphoreType.DMA,
        pltpu.SemaphoreType.DMA,
        pltpu.SemaphoreType.DMA,
    ],
)


def _pool_tc_body(batch_ref, x_ref, out_ref):
    i = pl.program_id(0)
    ids = batch_ref[0, 0, :]
    seg = lax.broadcasted_iota(jnp.int32, (_G, _BT), 0)
    onehot = jnp.where(seg == ids[None, :], 1.0, 0.0).astype(jnp.float32)
    part = jax.lax.dot_general(
        onehot, x_ref[...],
        dimension_numbers=(((1,), (0,)), ((), ())),
        preferred_element_type=jnp.float32)

    @pl.when(i == 0)
    def _():
        out_ref[...] = part

    @pl.when(i != 0)
    def _():
        out_ref[...] += part


def _proj_body(part_ref, ptc_ref, w_ref, b_ref, out_ref):
    pooled = part_ref[0] + part_ref[1] + ptc_ref[...]
    out_ref[...] = jax.lax.dot_general(
        pooled, w_ref[...],
        dimension_numbers=(((1,), (1,)), ((), ())),
        preferred_element_type=jnp.float32) + b_ref[...]


@jax.jit
def kernel(x_0, batch_0, W, b):
    partials = _pool(x_0, batch_0)
    batch3 = batch_0.reshape(_N // _BT, 1, _BT)
    pooled_tc = pl.pallas_call(
        _pool_tc_body,
        grid=(_NBT,),
        in_specs=[
            pl.BlockSpec((1, 1, _BT), lambda i: (i + _TC_OFF, 0, 0)),
            pl.BlockSpec((_BT, _D), lambda i: (i + _TC_OFF, 0)),
        ],
        out_specs=pl.BlockSpec((_G, _D), lambda i: (0, 0)),
        out_shape=jax.ShapeDtypeStruct((_G, _D), jnp.float32),
    )(batch3, x_0)
    logits = pl.pallas_call(
        _proj_body,
        out_shape=jax.ShapeDtypeStruct((_G, _D), jnp.float32),
    )(partials.reshape(_NC, _G, _D), pooled_tc, W, b.reshape(1, _D))
    return logits

# --- scband reference (transcript-rebuilt; emitter-appended) ---
"""Pipeline reference for scband-default-head-87170656240319 (READ-ONLY COPY).

The authoritative reference and input builder live on the scoring server;
editing this copy changes nothing except your own understanding.
"""

import jax, jax.numpy as jnp
import numpy as np

N_NODES = 50000
D_IN = 512
D_OUT = 512
NUM_GRAPHS = 128


def setup_inputs(seed: int = 0) -> dict:
    key = jax.random.key(seed)
    k1, k2, k3 = jax.random.split(key, 3)
    x_0 = jax.random.normal(k1, (N_NODES, D_IN), dtype=jnp.float32)
    batch_0 = jnp.sort(jax.random.randint(k2, (N_NODES,), 0, NUM_GRAPHS, dtype=jnp.int32))
    # Linear layer parameters (torch.nn.Linear: y = x @ W.T + b)
    bound = 1.0 / np.sqrt(D_IN)
    W = jax.random.uniform(k3, (D_OUT, D_IN), dtype=jnp.float32, minval=-bound, maxval=bound)
    b = jnp.zeros((D_OUT,), dtype=jnp.float32)
    return {"x_0": x_0, "batch_0": batch_0, "W": W, "b": b}


def reference(x_0, batch_0, W, b):
    # task_level='graph', pooling_type='sum': scatter-sum node features to graph level
    pooled = jax.ops.segment_sum(x_0, batch_0, num_segments=NUM_GRAPHS)
    logits = pooled @ W.T + b
    return logits

if __name__ == "__main__":
    import jax
    _d = setup_inputs()
    print(jax.jit(kernel)(*tuple(_d.values())))

</pallas_src>

<mosaic_0001>
#map = affine_map<(d0, d1) -> (0, 0)>
#map1 = affine_map<(d0, d1) -> (0)>
module attributes {stable_mosaic.version = 14 : i64} {
  func.func @_pool_sc(%arg0: i32, %arg1: i32, %arg2: memref<50000x512xf32, #tpu.memory_space<hbm>>, %arg3: memref<50000xi32, #tpu.memory_space<hbm>>, %arg4: memref<256x512xf32, #tpu.memory_space<hbm>>, %arg5: memref<32x512xf32, #tpu.memory_space<vmem>>, %arg6: memref<32x512xf32, #tpu.memory_space<vmem>>, %arg7: memref<32xi32, #tpu.memory_space<vmem>>, %arg8: memref<32xi32, #tpu.memory_space<vmem>>, %arg9: memref<65536xf32, #tpu.memory_space<vmem>>, %arg10: memref<16x512xf32, #tpu.memory_space<vmem>>, %arg11: memref<512xf32, #tpu.memory_space<vmem>>, %arg12: memref<512xf32, #tpu.memory_space<vmem>>, %arg13: memref<16x8192xf32, #tpu.memory_space<vmem_shared>>, %arg14: memref<!tpu.dma_semaphore, #tpu.memory_space<semaphore_mem>>, %arg15: memref<!tpu.dma_semaphore, #tpu.memory_space<semaphore_mem>>, %arg16: memref<!tpu.dma_semaphore, #tpu.memory_space<semaphore_mem>>, %arg17: memref<!tpu.dma_semaphore, #tpu.memory_space<semaphore_mem>>) attributes {dimension_semantics = [#tpu.dimension_semantics<core_parallel>, #tpu.dimension_semantics<subcore_parallel>], iteration_bounds = array<i64: 2, 16>, scalar_prefetch = 0 : i64, scratch_operands = 13 : i64, tpu.core_type = #tpu.core_type<sc_vector_subcore>, window_params = [{transform_indices = #map}, {transform_indices = #map1}, {transform_indices = #map}]} {
    %mul3A = arith.constant 16 : i32
    %mul3A_0 = arith.muli %arg0, %mul3A : i32
    %add3A = arith.addi %mul3A_0, %arg1 : i32
    "tpu.region"() ({
      %run_scoped3A = tpu.sem_alloc : memref<!tpu.dma_semaphore, #tpu.memory_space<semaphore_mem>>
      %dma_start3A_102 = arith.constant 0 : i32
      %dma_start3A_103 = tpu.memref_slice %arg7[%dma_start3A_102] : memref<32xi32, #tpu.memory_space<vmem>> -> memref<16xi32, #tpu.memory_space<vmem>>
      %dma_start3A_104 = arith.constant 0 : i32
      %dma_start3A_105 = tpu.memref_slice %arg3[%dma_start3A_104] : memref<50000xi32, #tpu.memory_space<hbm>> -> memref<16xi32, #tpu.memory_space<hbm>>
      %dma_start3A_106 = arith.constant 0 : i32
      %dma_start3A_107 = tpu.memref_slice %arg7[%dma_start3A_106] : memref<32xi32, #tpu.memory_space<vmem>> -> memref<16xi32, #tpu.memory_space<vmem>>
      %dma_start3A_108 = arith.constant 0 : i32
      %dma_start3A_109 = tpu.memref_slice %arg3[%dma_start3A_108] : memref<50000xi32, #tpu.memory_space<hbm>> -> memref<16xi32, #tpu.memory_space<hbm>>
      tpu.enqueue_dma source(%dma_start3A_109 : memref<16xi32, #tpu.memory_space<hbm>>) target(%dma_start3A_107 : memref<16xi32, #tpu.memory_space<vmem>>) target_semaphore(%run_scoped3A : memref<!tpu.dma_semaphore, #tpu.memory_space<semaphore_mem>>)
      %dma_wait3A_110 = arith.constant 0 : i32
      %dma_wait3A_111 = tpu.memref_slice %arg7[%dma_wait3A_110] : memref<32xi32, #tpu.memory_space<vmem>> -> memref<16xi32, #tpu.memory_space<vmem>>
      %dma_wait3A_112 = arith.constant 0 : i32
      %dma_wait3A_113 = tpu.memref_slice %arg3[%dma_wait3A_112] : memref<50000xi32, #tpu.memory_space<hbm>> -> memref<16xi32, #tpu.memory_space<hbm>>
      %dma_wait3A_114 = arith.constant 0 : i32
      %dma_wait3A_115 = tpu.memref_slice %arg7[%dma_wait3A_114] : memref<32xi32, #tpu.memory_space<vmem>> -> memref<16xi32, #tpu.memory_space<vmem>>
      %dma_wait3A_116 = arith.constant 0 : i32
      %dma_wait3A_117 = tpu.memref_slice %arg3[%dma_wait3A_116] : memref<50000xi32, #tpu.memory_space<hbm>> -> memref<16xi32, #tpu.memory_space<hbm>>
      tpu.wait_dma2 semaphore(%run_scoped3A : memref<!tpu.dma_semaphore, #tpu.memory_space<semaphore_mem>>) src(%dma_wait3A_117 : memref<16xi32, #tpu.memory_space<hbm>>) dst(%dma_wait3A_115 : memref<16xi32, #tpu.memory_space<vmem>>)
      tpu.yield
    }) : () -> ()
    "tpu.region"() ({
      %run_scoped3A = tpu.sem_alloc : memref<!tpu.dma_semaphore, #tpu.memory_space<semaphore_mem>>
      %dma_start3A_102 = arith.constant 16 : i32
      %dma_start3A_103 = tpu.memref_slice %arg7[%dma_start3A_102] : memref<32xi32, #tpu.memory_space<vmem>> -> memref<16xi32, #tpu.memory_space<vmem>>
      %dma_start3A_104 = arith.constant 11984 : i32
      %dma_start3A_105 = tpu.memref_slice %arg3[%dma_start3A_104] : memref<50000xi32, #tpu.memory_space<hbm>> -> memref<16xi32, #tpu.memory_space<hbm>>
      %dma_start3A_106 = arith.constant 16 : i32
      %dma_start3A_107 = tpu.memref_slice %arg7[%dma_start3A_106] : memref<32xi32, #tpu.memory_space<vmem>> -> memref<16xi32, #tpu.memory_space<vmem>>
      %dma_start3A_108 = arith.constant 11984 : i32
      %dma_start3A_109 = tpu.memref_slice %arg3[%dma_start3A_108] : memref<50000xi32, #tpu.memory_space<hbm>> -> memref<16xi32, #tpu.memory_space<hbm>>
      tpu.enqueue_dma source(%dma_start3A_109 : memref<16xi32, #tpu.memory_space<hbm>>) target(%dma_start3A_107 : memref<16xi32, #tpu.memory_space<vmem>>) target_semaphore(%run_scoped3A : memref<!tpu.dma_semaphore, #tpu.memory_space<semaphore_mem>>)
      %dma_wait3A_110 = arith.constant 16 : i32
      %dma_wait3A_111 = tpu.memref_slice %arg7[%dma_wait3A_110] : memref<32xi32, #tpu.memory_space<vmem>> -> memref<16xi32, #tpu.memory_space<vmem>>
      %dma_wait3A_112 = arith.constant 11984 : i32
      %dma_wait3A_113 = tpu.memref_slice %arg3[%dma_wait3A_112] : memref<50000xi32, #tpu.memory_space<hbm>> -> memref<16xi32, #tpu.memory_space<hbm>>
      %dma_wait3A_114 = arith.constant 16 : i32
      %dma_wait3A_115 = tpu.memref_slice %arg7[%dma_wait3A_114] : memref<32xi32, #tpu.memory_space<vmem>> -> memref<16xi32, #tpu.memory_space<vmem>>
      %dma_wait3A_116 = arith.constant 11984 : i32
      %dma_wait3A_117 = tpu.memref_slice %arg3[%dma_wait3A_116] : memref<50000xi32, #tpu.memory_space<hbm>> -> memref<16xi32, #tpu.memory_space<hbm>>
      tpu.wait_dma2 semaphore(%run_scoped3A : memref<!tpu.dma_semaphore, #tpu.memory_space<semaphore_mem>>) src(%dma_wait3A_117 : memref<16xi32, #tpu.memory_space<hbm>>) dst(%dma_wait3A_115 : memref<16xi32, #tpu.memory_space<vmem>>)
      tpu.yield
    }) : () -> ()
    %get3A = arith.constant 0 : index
    %get3A_1 = tpu.vector_load %arg7[%get3A] {strides = array<i32>} : memref<32xi32, #tpu.memory_space<vmem>>, vector<16xi32>,
    %slice3A = vector.extract_strided_slice %get3A_1 {offsets = [0], sizes = [1], strides = [1]} : vector<16xi32> to vector<1xi32>
    %squeeze3A = vector.extract %slice3A[0] : i32 from vector<1xi32>
    %get3A_2 = arith.constant 16 : index
    %get3A_3 = tpu.vector_load %arg7[%get3A_2] {strides = array<i32>} : memref<32xi32, #tpu.memory_space<vmem>>, vector<16xi32>,
    %slice3A_4 = vector.extract_strided_slice %get3A_3 {offsets = [15], sizes = [1], strides = [1]} : vector<16xi32> to vector<1xi32>
    %squeeze3A_5 = vector.extract %slice3A_4[0] : i32 from vector<1xi32>
    %jit3A = arith.constant 16 : i32
    %div3A = arith.divsi %squeeze3A, %jit3A : i32
    %sign3A = arith.constant 0 : i32
    %sign3A_6 = arith.cmpi sgt, %squeeze3A, %sign3A : i32
    %sign3A_7 = arith.extui %sign3A_6 : i1 to i32
    %sign3A_8 = arith.constant 0 : i32
    %sign3A_9 = arith.cmpi slt, %squeeze3A, %sign3A_8 : i32
    %sign3A_10 = arith.extui %sign3A_9 : i1 to i32
    %sign3A_11 = arith.subi %sign3A_7, %sign3A_10 : i32
    %sign3A_12 = arith.constant 0 : i32
    %sign3A_13 = arith.cmpi sgt, %jit3A, %sign3A_12 : i32
    %sign3A_14 = arith.extui %sign3A_13 : i1 to i32
    %sign3A_15 = arith.constant 0 : i32
    %sign3A_16 = arith.cmpi slt, %jit3A, %sign3A_15 : i32
    %sign3A_17 = arith.extui %sign3A_16 : i1 to i32
    %sign3A_18 = arith.subi %sign3A_14, %sign3A_17 : i32
    %ne3A = arith.cmpi ne, %sign3A_11, %sign3A_18 : i32
    %rem3A = arith.remsi %squeeze3A, %jit3A : i32
    %ne3A_19 = arith.constant 0 : i32
    %ne3A_20 = arith.cmpi ne, %rem3A, %ne3A_19 : i32
    %and3A = arith.andi %ne3A, %ne3A_20 : i1
    %sub3A = arith.constant 1 : i32
    %sub3A_21 = arith.subi %div3A, %sub3A : i32
    %select_n3A = arith.select %and3A, %sub3A_21, %div3A : i32
    %jit3A_22 = arith.constant 16 : i32
    %div3A_23 = arith.divsi %squeeze3A_5, %jit3A_22 : i32
    %sign3A_24 = arith.constant 0 : i32
    %sign3A_25 = arith.cmpi sgt, %squeeze3A_5, %sign3A_24 : i32
    %sign3A_26 = arith.extui %sign3A_25 : i1 to i32
    %sign3A_27 = arith.constant 0 : i32
    %sign3A_28 = arith.cmpi slt, %squeeze3A_5, %sign3A_27 : i32
    %sign3A_29 = arith.extui %sign3A_28 : i1 to i32
    %sign3A_30 = arith.subi %sign3A_26, %sign3A_29 : i32
    %sign3A_31 = arith.constant 0 : i32
    %sign3A_32 = arith.cmpi sgt, %jit3A_22, %sign3A_31 : i32
    %sign3A_33 = arith.extui %sign3A_32 : i1 to i32
    %sign3A_34 = arith.constant 0 : i32
    %sign3A_35 = arith.cmpi slt, %jit3A_22, %sign3A_34 : i32
    %sign3A_36 = arith.extui %sign3A_35 : i1 to i32
    %sign3A_37 = arith.subi %sign3A_33, %sign3A_36 : i32
    %ne3A_38 = arith.cmpi ne, %sign3A_30, %sign3A_37 : i32
    %rem3A_39 = arith.remsi %squeeze3A_5, %jit3A_22 : i32
    %ne3A_40 = arith.constant 0 : i32
    %ne3A_41 = arith.cmpi ne, %rem3A_39, %ne3A_40 : i32
    %and3A_42 = arith.andi %ne3A_38, %ne3A_41 : i1
    %sub3A_43 = arith.constant 1 : i32
    %sub3A_44 = arith.subi %div3A_23, %sub3A_43 : i32
    %select_n3A_45 = arith.select %and3A_42, %sub3A_44, %div3A_23 : i32
    %scan3A = arith.constant 0 : i32
    %scan3A_46 = arith.constant 0 : i32
    %scan3A_47 = arith.constant 32 : i32
    %scan3A_48 = arith.addi %scan3A_46, %scan3A_47 : i32
    %scan3A_49 = arith.constant 1 : i32
    scf.for %scan3A_102 = %scan3A_46 to %scan3A_48 step %scan3A_49  : i32 {
      %broadcast_in_dim3A = arith.constant 0.000000e+00 : f32
      %broadcast_in_dim3A_103 = vector.broadcast %broadcast_in_dim3A : f32 to vector<16xf32>
      %mul3A_104 = arith.constant 16 : i32
      %mul3A_105 = arith.muli %scan3A_102, %mul3A_104 : i32
      %swap3A = arith.index_cast %mul3A_105 : i32 to index
      %swap3A_106 = tpu.vector_load %arg12[%swap3A] {strides = array<i32>} : memref<512xf32, #tpu.memory_space<vmem>>, vector<16xf32>,
      tpu.vector_store %arg12[%swap3A], %broadcast_in_dim3A_103 {strides = array<i32>} : memref<512xf32, #tpu.memory_space<vmem>>, vector<16xf32>,
    }
    %scan3A_50 = arith.constant 32 : i32
    %mul3A_51 = arith.constant 16 : i32
    %mul3A_52 = arith.muli %select_n3A, %mul3A_51 : i32
    %add3A_53 = arith.constant 1 : i32
    %add3A_54 = arith.addi %select_n3A_45, %add3A_53 : i32
    %mul3A_55 = arith.constant 16 : i32
    %mul3A_56 = arith.muli %add3A_54, %mul3A_55 : i32
    %while3A = arith.constant 0 : i32
    %while3A_57 = arith.subi %mul3A_56, %mul3A_52 : i32
    %while3A_58 = arith.addi %mul3A_52, %while3A_57 : i32
    %while3A_59 = arith.constant 1 : i32
    %while3A_60 = arith.divsi %while3A_57, %while3A_59 : i32
    %while3A_61 = arith.muli %while3A_60, %while3A_59 : i32
    %while3A_62 = arith.addi %mul3A_52, %while3A_61 : i32
    %while3A_63 = arith.constant 1 : i32
    scf.for %while3A_102 = %mul3A_52 to %while3A_62 step %while3A_63  : i32 {
      %broadcast_in_dim3A = arith.constant 0.000000e+00 : f32
      %broadcast_in_dim3A_103 = vector.broadcast %broadcast_in_dim3A : f32 to vector<16xf32>
      %mul3A_104 = arith.constant 512 : i32
      %mul3A_105 = arith.muli %while3A_102, %mul3A_104 : i32
      %add3A_106 = arith.constant 0 : i32
      %add3A_107 = arith.addi %mul3A_105, %add3A_106 : i32
      %swap3A = arith.index_cast %add3A_107 : i32 to index
      %swap3A_108 = tpu.vector_load %arg9[%swap3A] {strides = array<i32>} : memref<65536xf32, #tpu.memory_space<vmem>>, vector<16xf32>,
      tpu.vector_store %arg9[%swap3A], %broadcast_in_dim3A_103 {strides = array<i32>} : memref<65536xf32, #tpu.memory_space<vmem>>, vector<16xf32>,
      %broadcast_in_dim3A_109 = arith.constant 0.000000e+00 : f32
      %broadcast_in_dim3A_110 = vector.broadcast %broadcast_in_dim3A_109 : f32 to vector<16xf32>
      %mul3A_111 = arith.constant 512 : i32
      %mul3A_112 = arith.muli %while3A_102, %mul3A_111 : i32
      %add3A_113 = arith.constant 16 : i32
      %add3A_114 = arith.addi %mul3A_112, %add3A_113 : i32
      %swap3A_115 = arith.index_cast %add3A_114 : i32 to index
      %swap3A_116 = tpu.vector_load %arg9[%swap3A_115] {strides = array<i32>} : memref<65536xf32, #tpu.memory_space<vmem>>, vector<16xf32>,
      tpu.vector_store %arg9[%swap3A_115], %broadcast_in_dim3A_110 {strides = array<i32>} : memref<65536xf32, #tpu.memory_space<vmem>>, vector<16xf32>,
      %broadcast_in_dim3A_117 = arith.constant 0.000000e+00 : f32
      %broadcast_in_dim3A_118 = vector.broadcast %broadcast_in_dim3A_117 : f32 to vector<16xf32>
      %mul3A_119 = arith.constant 512 : i32
      %mul3A_120 = arith.muli %while3A_102, %mul3A_119 : i32
      %add3A_121 = arith.constant 32 : i32
      %add3A_122 = arith.addi %mul3A_120, %add3A_121 : i32
      %swap3A_123 = arith.index_cast %add3A_122 : i32 to index
      %swap3A_124 = tpu.vector_load %arg9[%swap3A_123] {strides = array<i32>} : memref<65536xf32, #tpu.memory_space<vmem>>, vector<16xf32>,
      tpu.vector_store %arg9[%swap3A_123], %broadcast_in_dim3A_118 {strides = array<i32>} : memref<65536xf32, #tpu.memory_space<vmem>>, vector<16xf32>,
      %broadcast_in_dim3A_125 = arith.constant 0.000000e+00 : f32
      %broadcast_in_dim3A_126 = vector.broadcast %broadcast_in_dim3A_125 : f32 to vector<16xf32>
      %mul3A_127 = arith.constant 512 : i32
      %mul3A_128 = arith.muli %while3A_102, %mul3A_127 : i32
      %add3A_129 = arith.constant 48 : i32
      %add3A_130 = arith.addi %mul3A_128, %add3A_129 : i32
      %swap3A_131 = arith.index_cast %add3A_130 : i32 to index
      %swap3A_132 = tpu.vector_load %arg9[%swap3A_131] {strides = array<i32>} : memref<65536xf32, #tpu.memory_space<vmem>>, vector<16xf32>,
      tpu.vector_store %arg9[%swap3A_131], %broadcast_in_dim3A_126 {strides = array<i32>} : memref<65536xf32, #tpu.memory_space<vmem>>, vector<16xf32>,
      %broadcast_in_dim3A_133 = arith.constant 0.000000e+00 : f32
      %broadcast_in_dim3A_134 = vector.broadcast %broadcast_in_dim3A_133 : f32 to vector<16xf32>
      %mul3A_135 = arith.constant 512 : i32
      %mul3A_136 = arith.muli %while3A_102, %mul3A_135 : i32
      %add3A_137 = arith.constant 64 : i32
      %add3A_138 = arith.addi %mul3A_136, %add3A_137 : i32
      %swap3A_139 = arith.index_cast %add3A_138 : i32 to index
      %swap3A_140 = tpu.vector_load %arg9[%swap3A_139] {strides = array<i32>} : memref<65536xf32, #tpu.memory_space<vmem>>, vector<16xf32>,
      tpu.vector_store %arg9[%swap3A_139], %broadcast_in_dim3A_134 {strides = array<i32>} : memref<65536xf32, #tpu.memory_space<vmem>>, vector<16xf32>,
      %broadcast_in_dim3A_141 = arith.constant 0.000000e+00 : f32
      %broadcast_in_dim3A_142 = vector.broadcast %broadcast_in_dim3A_141 : f32 to vector<16xf32>
      %mul3A_143 = arith.constant 512 : i32
      %mul3A_144 = arith.muli %while3A_102, %mul3A_143 : i32
      %add3A_145 = arith.constant 80 : i32
      %add3A_146 = arith.addi %mul3A_144, %add3A_145 : i32
      %swap3A_147 = arith.index_cast %add3A_146 : i32 to index
      %swap3A_148 = tpu.vector_load %arg9[%swap3A_147] {strides = array<i32>} : memref<65536xf32, #tpu.memory_space<vmem>>, vector<16xf32>,
      tpu.vector_store %arg9[%swap3A_147], %broadcast_in_dim3A_142 {strides = array<i32>} : memref<65536xf32, #tpu.memory_space<vmem>>, vector<16xf32>,
      %broadcast_in_dim3A_149 = arith.constant 0.000000e+00 : f32
      %broadcast_in_dim3A_150 = vector.broadcast %broadcast_in_dim3A_149 : f32 to vector<16xf32>
      %mul3A_151 = arith.constant 512 : i32
      %mul3A_152 = arith.muli %while3A_102, %mul3A_151 : i32
      %add3A_153 = arith.constant 96 : i32
      %add3A_154 = arith.addi %mul3A_152, %add3A_153 : i32
      %swap3A_155 = arith.index_cast %add3A_154 : i32 to index
      %swap3A_156 = tpu.vector_load %arg9[%swap3A_155] {strides = array<i32>} : memref<65536xf32, #tpu.memory_space<vmem>>, vector<16xf32>,
      tpu.vector_store %arg9[%swap3A_155], %broadcast_in_dim3A_150 {strides = array<i32>} : memref<65536xf32, #tpu.memory_space<vmem>>, vector<16xf32>,
      %broadcast_in_dim3A_157 = arith.constant 0.000000e+00 : f32
      %broadcast_in_dim3A_158 = vector.broadcast %broadcast_in_dim3A_157 : f32 to vector<16xf32>
      %mul3A_159 = arith.constant 512 : i32
      %mul3A_160 = arith.muli %while3A_102, %mul3A_159 : i32
      %add3A_161 = arith.constant 112 : i32
      %add3A_162 = arith.addi %mul3A_160, %add3A_161 : i32
      %swap3A_163 = arith.index_cast %add3A_162 : i32 to index
      %swap3A_164 = tpu.vector_load %arg9[%swap3A_163] {strides = array<i32>} : memref<65536xf32, #tpu.memory_space<vmem>>, vector<16xf32>,
      tpu.vector_store %arg9[%swap3A_163], %broadcast_in_dim3A_158 {strides = array<i32>} : memref<65536xf32, #tpu.memory_space<vmem>>, vector<16xf32>,
      %broadcast_in_dim3A_165 = arith.constant 0.000000e+00 : f32
      %broadcast_in_dim3A_166 = vector.broadcast %broadcast_in_dim3A_165 : f32 to vector<16xf32>
      %mul3A_167 = arith.constant 512 : i32
      %mul3A_168 = arith.muli %while3A_102, %mul3A_167 : i32
      %add3A_169 = arith.constant 128 : i32
      %add3A_170 = arith.addi %mul3A_168, %add3A_169 : i32
      %swap3A_171 = arith.index_cast %add3A_170 : i32 to index
      %swap3A_172 = tpu.vector_load %arg9[%swap3A_171] {strides = array<i32>} : memref<65536xf32, #tpu.memory_space<vmem>>, vector<16xf32>,
      tpu.vector_store %arg9[%swap3A_171], %broadcast_in_dim3A_166 {strides = array<i32>} : memref<65536xf32, #tpu.memory_space<vmem>>, vector<16xf32>,
      %broadcast_in_dim3A_173 = arith.constant 0.000000e+00 : f32
      %broadcast_in_dim3A_174 = vector.broadcast %broadcast_in_dim3A_173 : f32 to vector<16xf32>
      %mul3A_175 = arith.constant 512 : i32
      %mul3A_176 = arith.muli %while3A_102, %mul3A_175 : i32
      %add3A_177 = arith.constant 144 : i32
      %add3A_178 = arith.addi %mul3A_176, %add3A_177 : i32
      %swap3A_179 = arith.index_cast %add3A_178 : i32 to index
      %swap3A_180 = tpu.vector_load %arg9[%swap3A_179] {strides = array<i32>} : memref<65536xf32, #tpu.memory_space<vmem>>, vector<16xf32>,
      tpu.vector_store %arg9[%swap3A_179], %broadcast_in_dim3A_174 {strides = array<i32>} : memref<65536xf32, #tpu.memory_space<vmem>>, vector<16xf32>,
      %broadcast_in_dim3A_181 = arith.constant 0.000000e+00 : f32
      %broadcast_in_dim3A_182 = vector.broadcast %broadcast_in_dim3A_181 : f32 to vector<16xf32>
      %mul3A_183 = arith.constant 512 : i32
      %mul3A_184 = arith.muli %while3A_102, %mul3A_183 : i32
      %add3A_185 = arith.constant 160 : i32
      %add3A_186 = arith.addi %mul3A_184, %add3A_185 : i32
      %swap3A_187 = arith.index_cast %add3A_186 : i32 to index
      %swap3A_188 = tpu.vector_load %arg9[%swap3A_187] {strides = array<i32>} : memref<65536xf32, #tpu.memory_space<vmem>>, vector<16xf32>,
      tpu.vector_store %arg9[%swap3A_187], %broadcast_in_dim3A_182 {strides = array<i32>} : memref<65536xf32, #tpu.memory_space<vmem>>, vector<16xf32>,
      %broadcast_in_dim3A_189 = arith.constant 0.000000e+00 : f32
      %broadcast_in_dim3A_190 = vector.broadcast %broadcast_in_dim3A_189 : f32 to vector<16xf32>
      %mul3A_191 = arith.constant 512 : i32
      %mul3A_192 = arith.muli %while3A_102, %mul3A_191 : i32
      %add3A_193 = arith.constant 176 : i32
      %add3A_194 = arith.addi %mul3A_192, %add3A_193 : i32
      %swap3A_195 = arith.index_cast %add3A_194 : i32 to index
      %swap3A_196 = tpu.vector_load %arg9[%swap3A_195] {strides = array<i32>} : memref<65536xf32, #tpu.memory_space<vmem>>, vector<16xf32>,
      tpu.vector_store %arg9[%swap3A_195], %broadcast_in_dim3A_190 {strides = array<i32>} : memref<65536xf32, #tpu.memory_space<vmem>>, vector<16xf32>,
      %broadcast_in_dim3A_197 = arith.constant 0.000000e+00 : f32
      %broadcast_in_dim3A_198 = vector.broadcast %broadcast_in_dim3A_197 : f32 to vector<16xf32>
      %mul3A_199 = arith.constant 512 : i32
      %mul3A_200 = arith.muli %while3A_102, %mul3A_199 : i32
      %add3A_201 = arith.constant 192 : i32
      %add3A_202 = arith.addi %mul3A_200, %add3A_201 : i32
      %swap3A_203 = arith.index_cast %add3A_202 : i32 to index
      %swap3A_204 = tpu.vector_load %arg9[%swap3A_203] {strides = array<i32>} : memref<65536xf32, #tpu.memory_space<vmem>>, vector<16xf32>,
      tpu.vector_store %arg9[%swap3A_203], %broadcast_in_dim3A_198 {strides = array<i32>} : memref<65536xf32, #tpu.memory_space<vmem>>, vector<16xf32>,
      %broadcast_in_dim3A_205 = arith.constant 0.000000e+00 : f32
      %broadcast_in_dim3A_206 = vector.broadcast %broadcast_in_dim3A_205 : f32 to vector<16xf32>
      %mul3A_207 = arith.constant 512 : i32
      %mul3A_208 = arith.muli %while3A_102, %mul3A_207 : i32
      %add3A_209 = arith.constant 208 : i32
      %add3A_210 = arith.addi %mul3A_208, %add3A_209 : i32
      %swap3A_211 = arith.index_cast %add3A_210 : i32 to index
      %swap3A_212 = tpu.vector_load %arg9[%swap3A_211] {strides = array<i32>} : memref<65536xf32, #tpu.memory_space<vmem>>, vector<16xf32>,
      tpu.vector_store %arg9[%swap3A_211], %broadcast_in_dim3A_206 {strides = array<i32>} : memref<65536xf32, #tpu.memory_space<vmem>>, vector<16xf32>,
      %broadcast_in_dim3A_213 = arith.constant 0.000000e+00 : f32
      %broadcast_in_dim3A_214 = vector.broadcast %broadcast_in_dim3A_213 : f32 to vector<16xf32>
      %mul3A_215 = arith.constant 512 : i32
      %mul3A_216 = arith.muli %while3A_102, %mul3A_215 : i32
      %add3A_217 = arith.constant 224 : i32
      %add3A_218 = arith.addi %mul3A_216, %add3A_217 : i32
      %swap3A_219 = arith.index_cast %add3A_218 : i32 to index
      %swap3A_220 = tpu.vector_load %arg9[%swap3A_219] {strides = array<i32>} : memref<65536xf32, #tpu.memory_space<vmem>>, vector<16xf32>,
      tpu.vector_store %arg9[%swap3A_219], %broadcast_in_dim3A_214 {strides = array<i32>} : memref<65536xf32, #tpu.memory_space<vmem>>, vector<16xf32>,
      %broadcast_in_dim3A_221 = arith.constant 0.000000e+00 : f32
      %broadcast_in_dim3A_222 = vector.broadcast %broadcast_in_dim3A_221 : f32 to vector<16xf32>
      %mul3A_223 = arith.constant 512 : i32
      %mul3A_224 = arith.muli %while3A_102, %mul3A_223 : i32
      %add3A_225 = arith.constant 240 : i32
      %add3A_226 = arith.addi %mul3A_224, %add3A_225 : i32
      %swap3A_227 = arith.index_cast %add3A_226 : i32 to index
      %swap3A_228 = tpu.vector_load %arg9[%swap3A_227] {strides = array<i32>} : memref<65536xf32, #tpu.memory_space<vmem>>, vector<16xf32>,
      tpu.vector_store %arg9[%swap3A_227], %broadcast_in_dim3A_222 {strides = array<i32>} : memref<65536xf32, #tpu.memory_space<vmem>>, vector<16xf32>,
      %broadcast_in_dim3A_229 = arith.constant 0.000000e+00 : f32
      %broadcast_in_dim3A_230 = vector.broadcast %broadcast_in_dim3A_229 : f32 to vector<16xf32>
      %mul3A_231 = arith.constant 512 : i32
      %mul3A_232 = arith.muli %while3A_102, %mul3A_231 : i32
      %add3A_233 = arith.constant 256 : i32
      %add3A_234 = arith.addi %mul3A_232, %add3A_233 : i32
      %swap3A_235 = arith.index_cast %add3A_234 : i32 to index
      %swap3A_236 = tpu.vector_load %arg9[%swap3A_235] {strides = array<i32>} : memref<65536xf32, #tpu.memory_space<vmem>>, vector<16xf32>,
      tpu.vector_store %arg9[%swap3A_235], %broadcast_in_dim3A_230 {strides = array<i32>} : memref<65536xf32, #tpu.memory_space<vmem>>, vector<16xf32>,
      %broadcast_in_dim3A_237 = arith.constant 0.000000e+00 : f32
      %broadcast_in_dim3A_238 = vector.broadcast %broadcast_in_dim3A_237 : f32 to vector<16xf32>
      %mul3A_239 = arith.constant 512 : i32
      %mul3A_240 = arith.muli %while3A_102, %mul3A_239 : i32
      %add3A_241 = arith.constant 272 : i32
      %add3A_242 = arith.addi %mul3A_240, %add3A_241 : i32
      %swap3A_243 = arith.index_cast %add3A_242 : i32 to index
      %swap3A_244 = tpu.vector_load %arg9[%swap3A_243] {strides = array<i32>} : memref<65536xf32, #tpu.memory_space<vmem>>, vector<16xf32>,
      tpu.vector_store %arg9[%swap3A_243], %broadcast_in_dim3A_238 {strides = array<i32>} : memref<65536xf32, #tpu.memory_space<vmem>>, vector<16xf32>,
      %broadcast_in_dim3A_245 = arith.constant 0.000000e+00 : f32
      %broadcast_in_dim3A_246 = vector.broadcast %broadcast_in_dim3A_245 : f32 to vector<16xf32>
      %mul3A_247 = arith.constant 512 : i32
      %mul3A_248 = arith.muli %while3A_102, %mul3A_247 : i32
      %add3A_249 = arith.constant 288 : i32
      %add3A_250 = arith.addi %mul3A_248, %add3A_249 : i32
      %swap3A_251 = arith.index_cast %add3A_250 : i32 to index
      %swap3A_252 = tpu.vector_load %arg9[%swap3A_251] {strides = array<i32>} : memref<65536xf32, #tpu.memory_space<vmem>>, vector<16xf32>,
      tpu.vector_store %arg9[%swap3A_251], %broadcast_in_dim3A_246 {strides = array<i32>} : memref<65536xf32, #tpu.memory_space<vmem>>, vector<16xf32>,
      %broadcast_in_dim3A_253 = arith.constant 0.000000e+00 : f32
      %broadcast_in_dim3A_254 = vector.broadcast %broadcast_in_dim3A_253 : f32 to vector<16xf32>
      %mul3A_255 = arith.constant 512 : i32
      %mul3A_256 = arith.muli %while3A_102, %mul3A_255 : i32
      %add3A_257 = arith.constant 304 : i32
      %add3A_258 = arith.addi %mul3A_256, %add3A_257 : i32
      %swap3A_259 = arith.index_cast %add3A_258 : i32 to index
      %swap3A_260 = tpu.vector_load %arg9[%swap3A_259] {strides = array<i32>} : memref<65536xf32, #tpu.memory_space<vmem>>, vector<16xf32>,
      tpu.vector_store %arg9[%swap3A_259], %broadcast_in_dim3A_254 {strides = array<i32>} : memref<65536xf32, #tpu.memory_space<vmem>>, vector<16xf32>,
      %broadcast_in_dim3A_261 = arith.constant 0.000000e+00 : f32
      %broadcast_in_dim3A_262 = vector.broadcast %broadcast_in_dim3A_261 : f32 to vector<16xf32>
      %mul3A_263 = arith.constant 512 : i32
      %mul3A_264 = arith.muli %while3A_102, %mul3A_263 : i32
      %add3A_265 = arith.constant 320 : i32
      %add3A_266 = arith.addi %mul3A_264, %add3A_265 : i32
      %swap3A_267 = arith.index_cast %add3A_266 : i32 to index
      %swap3A_268 = tpu.vector_load %arg9[%swap3A_267] {strides = array<i32>} : memref<65536xf32, #tpu.memory_space<vmem>>, vector<16xf32>,
      tpu.vector_store %arg9[%swap3A_267], %broadcast_in_dim3A_262 {strides = array<i32>} : memref<65536xf32, #tpu.memory_space<vmem>>, vector<16xf32>,
      %broadcast_in_dim3A_269 = arith.constant 0.000000e+00 : f32
      %broadcast_in_dim3A_270 = vector.broadcast %broadcast_in_dim3A_269 : f32 to vector<16xf32>
      %mul3A_271 = arith.constant 512 : i32
      %mul3A_272 = arith.muli %while3A_102, %mul3A_271 : i32
      %add3A_273 = arith.constant 336 : i32
      %add3A_274 = arith.addi %mul3A_272, %add3A_273 : i32
      %swap3A_275 = arith.index_cast %add3A_274 : i32 to index
      %swap3A_276 = tpu.vector_load %arg9[%swap3A_275] {strides = array<i32>} : memref<65536xf32, #tpu.memory_space<vmem>>, vector<16xf32>,
      tpu.vector_store %arg9[%swap3A_275], %broadcast_in_dim3A_270 {strides = array<i32>} : memref<65536xf32, #tpu.memory_space<vmem>>, vector<16xf32>,
      %broadcast_in_dim3A_277 = arith.constant 0.000000e+00 : f32
      %broadcast_in_dim3A_278 = vector.broadcast %broadcast_in_dim3A_277 : f32 to vector<16xf32>
      %mul3A_279 = arith.constant 512 : i32
      %mul3A_280 = arith.muli %while3A_102, %mul3A_279 : i32
      %add3A_281 = arith.constant 352 : i32
      %add3A_282 = arith.addi %mul3A_280, %add3A_281 : i32
      %swap3A_283 = arith.index_cast %add3A_282 : i32 to index
      %swap3A_284 = tpu.vector_load %arg9[%swap3A_283] {strides = array<i32>} : memref<65536xf32, #tpu.memory_space<vmem>>, vector<16xf32>,
      tpu.vector_store %arg9[%swap3A_283], %broadcast_in_dim3A_278 {strides = array<i32>} : memref<65536xf32, #tpu.memory_space<vmem>>, vector<16xf32>,
      %broadcast_in_dim3A_285 = arith.constant 0.000000e+00 : f32
      %broadcast_in_dim3A_286 = vector.broadcast %broadcast_in_dim3A_285 : f32 to vector<16xf32>
      %mul3A_287 = arith.constant 512 : i32
      %mul3A_288 = arith.muli %while3A_102, %mul3A_287 : i32
      %add3A_289 = arith.constant 368 : i32
      %add3A_290 = arith.addi %mul3A_288, %add3A_289 : i32
      %swap3A_291 = arith.index_cast %add3A_290 : i32 to index
      %swap3A_292 = tpu.vector_load %arg9[%swap3A_291] {strides = array<i32>} : memref<65536xf32, #tpu.memory_space<vmem>>, vector<16xf32>,
      tpu.vector_store %arg9[%swap3A_291], %broadcast_in_dim3A_286 {strides = array<i32>} : memref<65536xf32, #tpu.memory_space<vmem>>, vector<16xf32>,
      %broadcast_in_dim3A_293 = arith.constant 0.000000e+00 : f32
      %broadcast_in_dim3A_294 = vector.broadcast %broadcast_in_dim3A_293 : f32 to vector<16xf32>
      %mul3A_295 = arith.constant 512 : i32
      %mul3A_296 = arith.muli %while3A_102, %mul3A_295 : i32
      %add3A_297 = arith.constant 384 : i32
      %add3A_298 = arith.addi %mul3A_296, %add3A_297 : i32
      %swap3A_299 = arith.index_cast %add3A_298 : i32 to index
      %swap3A_300 = tpu.vector_load %arg9[%swap3A_299] {strides = array<i32>} : memref<65536xf32, #tpu.memory_space<vmem>>, vector<16xf32>,
      tpu.vector_store %arg9[%swap3A_299], %broadcast_in_dim3A_294 {strides = array<i32>} : memref<65536xf32, #tpu.memory_space<vmem>>, vector<16xf32>,
      %broadcast_in_dim3A_301 = arith.constant 0.000000e+00 : f32
      %broadcast_in_dim3A_302 = vector.broadcast %broadcast_in_dim3A_301 : f32 to vector<16xf32>
      %mul3A_303 = arith.constant 512 : i32
      %mul3A_304 = arith.muli %while3A_102, %mul3A_303 : i32
      %add3A_305 = arith.constant 400 : i32
      %add3A_306 = arith.addi %mul3A_304, %add3A_305 : i32
      %swap3A_307 = arith.index_cast %add3A_306 : i32 to index
      %swap3A_308 = tpu.vector_load %arg9[%swap3A_307] {strides = array<i32>} : memref<65536xf32, #tpu.memory_space<vmem>>, vector<16xf32>,
      tpu.vector_store %arg9[%swap3A_307], %broadcast_in_dim3A_302 {strides = array<i32>} : memref<65536xf32, #tpu.memory_space<vmem>>, vector<16xf32>,
      %broadcast_in_dim3A_309 = arith.constant 0.000000e+00 : f32
      %broadcast_in_dim3A_310 = vector.broadcast %broadcast_in_dim3A_309 : f32 to vector<16xf32>
      %mul3A_311 = arith.constant 512 : i32
      %mul3A_312 = arith.muli %while3A_102, %mul3A_311 : i32
      %add3A_313 = arith.constant 416 : i32
      %add3A_314 = arith.addi %mul3A_312, %add3A_313 : i32
      %swap3A_315 = arith.index_cast %add3A_314 : i32 to index
      %swap3A_316 = tpu.vector_load %arg9[%swap3A_315] {strides = array<i32>} : memref<65536xf32, #tpu.memory_space<vmem>>, vector<16xf32>,
      tpu.vector_store %arg9[%swap3A_315], %broadcast_in_dim3A_310 {strides = array<i32>} : memref<65536xf32, #tpu.memory_space<vmem>>, vector<16xf32>,
      %broadcast_in_dim3A_317 = arith.constant 0.000000e+00 : f32
      %broadcast_in_dim3A_318 = vector.broadcast %broadcast_in_dim3A_317 : f32 to vector<16xf32>
      %mul3A_319 = arith.constant 512 : i32
      %mul3A_320 = arith.muli %while3A_102, %mul3A_319 : i32
      %add3A_321 = arith.constant 432 : i32
      %add3A_322 = arith.addi %mul3A_320, %add3A_321 : i32
      %swap3A_323 = arith.index_cast %add3A_322 : i32 to index
      %swap3A_324 = tpu.vector_load %arg9[%swap3A_323] {strides = array<i32>} : memref<65536xf32, #tpu.memory_space<vmem>>, vector<16xf32>,
      tpu.vector_store %arg9[%swap3A_323], %broadcast_in_dim3A_318 {strides = array<i32>} : memref<65536xf32, #tpu.memory_space<vmem>>, vector<16xf32>,
      %broadcast_in_dim3A_325 = arith.constant 0.000000e+00 : f32
      %broadcast_in_dim3A_326 = vector.broadcast %broadcast_in_dim3A_325 : f32 to vector<16xf32>
      %mul3A_327 = arith.constant 512 : i32
      %mul3A_328 = arith.muli %while3A_102, %mul3A_327 : i32
      %add3A_329 = arith.constant 448 : i32
      %add3A_330 = arith.addi %mul3A_328, %add3A_329 : i32
      %swap3A_331 = arith.index_cast %add3A_330 : i32 to index
      %swap3A_332 = tpu.vector_load %arg9[%swap3A_331] {strides = array<i32>} : memref<65536xf32, #tpu.memory_space<vmem>>, vector<16xf32>,
      tpu.vector_store %arg9[%swap3A_331], %broadcast_in_dim3A_326 {strides = array<i32>} : memref<65536xf32, #tpu.memory_space<vmem>>, vector<16xf32>,
      %broadcast_in_dim3A_333 = arith.constant 0.000000e+00 : f32
      %broadcast_in_dim3A_334 = vector.broadcast %broadcast_in_dim3A_333 : f32 to vector<16xf32>
      %mul3A_335 = arith.constant 512 : i32
      %mul3A_336 = arith.muli %while3A_102, %mul3A_335 : i32
      %add3A_337 = arith.constant 464 : i32
      %add3A_338 = arith.addi %mul3A_336, %add3A_337 : i32
      %swap3A_339 = arith.index_cast %add3A_338 : i32 to index
      %swap3A_340 = tpu.vector_load %arg9[%swap3A_339] {strides = array<i32>} : memref<65536xf32, #tpu.memory_space<vmem>>, vector<16xf32>,
      tpu.vector_store %arg9[%swap3A_339], %broadcast_in_dim3A_334 {strides = array<i32>} : memref<65536xf32, #tpu.memory_space<vmem>>, vector<16xf32>,
      %broadcast_in_dim3A_341 = arith.constant 0.000000e+00 : f32
      %broadcast_in_dim3A_342 = vector.broadcast %broadcast_in_dim3A_341 : f32 to vector<16xf32>
      %mul3A_343 = arith.constant 512 : i32
      %mul3A_344 = arith.muli %while3A_102, %mul3A_343 : i32
      %add3A_345 = arith.constant 480 : i32
      %add3A_346 = arith.addi %mul3A_344, %add3A_345 : i32
      %swap3A_347 = arith.index_cast %add3A_346 : i32 to index
      %swap3A_348 = tpu.vector_load %arg9[%swap3A_347] {strides = array<i32>} : memref<65536xf32, #tpu.memory_space<vmem>>, vector<16xf32>,
      tpu.vector_store %arg9[%swap3A_347], %broadcast_in_dim3A_342 {strides = array<i32>} : memref<65536xf32, #tpu.memory_space<vmem>>, vector<16xf32>,
      %broadcast_in_dim3A_349 = arith.constant 0.000000e+00 : f32
      %broadcast_in_dim3A_350 = vector.broadcast %broadcast_in_dim3A_349 : f32 to vector<16xf32>
      %mul3A_351 = arith.constant 512 : i32
      %mul3A_352 = arith.muli %while3A_102, %mul3A_351 : i32
      %add3A_353 = arith.constant 496 : i32
      %add3A_354 = arith.addi %mul3A_352, %add3A_353 : i32
      %swap3A_355 = arith.index_cast %add3A_354 : i32 to index
      %swap3A_356 = tpu.vector_load %arg9[%swap3A_355] {strides = array<i32>} : memref<65536xf32, #tpu.memory_space<vmem>>, vector<16xf32>,
      tpu.vector_store %arg9[%swap3A_355], %broadcast_in_dim3A_350 {strides = array<i32>} : memref<65536xf32, #tpu.memory_space<vmem>>, vector<16xf32>,
    }
    %while3A_64 = arith.constant 1 : i32
    scf.for %while3A_102 = %while3A_62 to %while3A_58 step %while3A_64  : i32 {
      %broadcast_in_dim3A = arith.constant 0.000000e+00 : f32
      %broadcast_in_dim3A_103 = vector.broadcast %broadcast_in_dim3A : f32 to vector<16xf32>
      %mul3A_104 = arith.constant 512 : i32
      %mul3A_105 = arith.muli %while3A_102, %mul3A_104 : i32
      %add3A_106 = arith.constant 0 : i32
      %add3A_107 = arith.addi %mul3A_105, %add3A_106 : i32
      %swap3A = arith.index_cast %add3A_107 : i32 to index
      %swap3A_108 = tpu.vector_load %arg9[%swap3A] {strides = array<i32>} : memref<65536xf32, #tpu.memory_space<vmem>>, vector<16xf32>,
      tpu.vector_store %arg9[%swap3A], %broadcast_in_dim3A_103 {strides = array<i32>} : memref<65536xf32, #tpu.memory_space<vmem>>, vector<16xf32>,
      %broadcast_in_dim3A_109 = arith.constant 0.000000e+00 : f32
      %broadcast_in_dim3A_110 = vector.broadcast %broadcast_in_dim3A_109 : f32 to vector<16xf32>
      %mul3A_111 = arith.constant 512 : i32
      %mul3A_112 = arith.muli %while3A_102, %mul3A_111 : i32
      %add3A_113 = arith.constant 16 : i32
      %add3A_114 = arith.addi %mul3A_112, %add3A_113 : i32
      %swap3A_115 = arith.index_cast %add3A_114 : i32 to index
      %swap3A_116 = tpu.vector_load %arg9[%swap3A_115] {strides = array<i32>} : memref<65536xf32, #tpu.memory_space<vmem>>, vector<16xf32>,
      tpu.vector_store %arg9[%swap3A_115], %broadcast_in_dim3A_110 {strides = array<i32>} : memref<65536xf32, #tpu.memory_space<vmem>>, vector<16xf32>,
      %broadcast_in_dim3A_117 = arith.constant 0.000000e+00 : f32
      %broadcast_in_dim3A_118 = vector.broadcast %broadcast_in_dim3A_117 : f32 to vector<16xf32>
      %mul3A_119 = arith.constant 512 : i32
      %mul3A_120 = arith.muli %while3A_102, %mul3A_119 : i32
      %add3A_121 = arith.constant 32 : i32
      %add3A_122 = arith.addi %mul3A_120, %add3A_121 : i32
      %swap3A_123 = arith.index_cast %add3A_122 : i32 to index
      %swap3A_124 = tpu.vector_load %arg9[%swap3A_123] {strides = array<i32>} : memref<65536xf32, #tpu.memory_space<vmem>>, vector<16xf32>,
      tpu.vector_store %arg9[%swap3A_123], %broadcast_in_dim3A_118 {strides = array<i32>} : memref<65536xf32, #tpu.memory_space<vmem>>, vector<16xf32>,
      %broadcast_in_dim3A_125 = arith.constant 0.000000e+00 : f32
      %broadcast_in_dim3A_126 = vector.broadcast %broadcast_in_dim3A_125 : f32 to vector<16xf32>
      %mul3A_127 = arith.constant 512 : i32
      %mul3A_128 = arith.muli %while3A_102, %mul3A_127 : i32
      %add3A_129 = arith.constant 48 : i32
      %add3A_130 = arith.addi %mul3A_128, %add3A_129 : i32
      %swap3A_131 = arith.index_cast %add3A_130 : i32 to index
      %swap3A_132 = tpu.vector_load %arg9[%swap3A_131] {strides = array<i32>} : memref<65536xf32, #tpu.memory_space<vmem>>, vector<16xf32>,
      tpu.vector_store %arg9[%swap3A_131], %broadcast_in_dim3A_126 {strides = array<i32>} : memref<65536xf32, #tpu.memory_space<vmem>>, vector<16xf32>,
      %broadcast_in_dim3A_133 = arith.constant 0.000000e+00 : f32
      %broadcast_in_dim3A_134 = vector.broadcast %broadcast_in_dim3A_133 : f32 to vector<16xf32>
      %mul3A_135 = arith.constant 512 : i32
      %mul3A_136 = arith.muli %while3A_102, %mul3A_135 : i32
      %add3A_137 = arith.constant 64 : i32
      %add3A_138 = arith.addi %mul3A_136, %add3A_137 : i32
      %swap3A_139 = arith.index_cast %add3A_138 : i32 to index
      %swap3A_140 = tpu.vector_load %arg9[%swap3A_139] {strides = array<i32>} : memref<65536xf32, #tpu.memory_space<vmem>>, vector<16xf32>,
      tpu.vector_store %arg9[%swap3A_139], %broadcast_in_dim3A_134 {strides = array<i32>} : memref<65536xf32, #tpu.memory_space<vmem>>, vector<16xf32>,
      %broadcast_in_dim3A_141 = arith.constant 0.000000e+00 : f32
      %broadcast_in_dim3A_142 = vector.broadcast %broadcast_in_dim3A_141 : f32 to vector<16xf32>
      %mul3A_143 = arith.constant 512 : i32
      %mul3A_144 = arith.muli %while3A_102, %mul3A_143 : i32
      %add3A_145 = arith.constant 80 : i32
      %add3A_146 = arith.addi %mul3A_144, %add3A_145 : i32
      %swap3A_147 = arith.index_cast %add3A_146 : i32 to index
      %swap3A_148 = tpu.vector_load %arg9[%swap3A_147] {strides = array<i32>} : memref<65536xf32, #tpu.memory_space<vmem>>, vector<16xf32>,
      tpu.vector_store %arg9[%swap3A_147], %broadcast_in_dim3A_142 {strides = array<i32>} : memref<65536xf32, #tpu.memory_space<vmem>>, vector<16xf32>,
      %broadcast_in_dim3A_149 = arith.constant 0.000000e+00 : f32
      %broadcast_in_dim3A_150 = vector.broadcast %broadcast_in_dim3A_149 : f32 to vector<16xf32>
      %mul3A_151 = arith.constant 512 : i32
      %mul3A_152 = arith.muli %while3A_102, %mul3A_151 : i32
      %add3A_153 = arith.constant 96 : i32
      %add3A_154 = arith.addi %mul3A_152, %add3A_153 : i32
      %swap3A_155 = arith.index_cast %add3A_154 : i32 to index
      %swap3A_156 = tpu.vector_load %arg9[%swap3A_155] {strides = array<i32>} : memref<65536xf32, #tpu.memory_space<vmem>>, vector<16xf32>,
      tpu.vector_store %arg9[%swap3A_155], %broadcast_in_dim3A_150 {strides = array<i32>} : memref<65536xf32, #tpu.memory_space<vmem>>, vector<16xf32>,
      %broadcast_in_dim3A_157 = arith.constant 0.000000e+00 : f32
      %broadcast_in_dim3A_158 = vector.broadcast %broadcast_in_dim3A_157 : f32 to vector<16xf32>
      %mul3A_159 = arith.constant 512 : i32
      %mul3A_160 = arith.muli %while3A_102, %mul3A_159 : i32
      %add3A_161 = arith.constant 112 : i32
      %add3A_162 = arith.addi %mul3A_160, %add3A_161 : i32
      %swap3A_163 = arith.index_cast %add3A_162 : i32 to index
      %swap3A_164 = tpu.vector_load %arg9[%swap3A_163] {strides = array<i32>} : memref<65536xf32, #tpu.memory_space<vmem>>, vector<16xf32>,
      tpu.vector_store %arg9[%swap3A_163], %broadcast_in_dim3A_158 {strides = array<i32>} : memref<65536xf32, #tpu.memory_space<vmem>>, vector<16xf32>,
      %broadcast_in_dim3A_165 = arith.constant 0.000000e+00 : f32
      %broadcast_in_dim3A_166 = vector.broadcast %broadcast_in_dim3A_165 : f32 to vector<16xf32>
      %mul3A_167 = arith.constant 512 : i32
      %mul3A_168 = arith.muli %while3A_102, %mul3A_167 : i32
      %add3A_169 = arith.constant 128 : i32
      %add3A_170 = arith.addi %mul3A_168, %add3A_169 : i32
      %swap3A_171 = arith.index_cast %add3A_170 : i32 to index
      %swap3A_172 = tpu.vector_load %arg9[%swap3A_171] {strides = array<i32>} : memref<65536xf32, #tpu.memory_space<vmem>>, vector<16xf32>,
      tpu.vector_store %arg9[%swap3A_171], %broadcast_in_dim3A_166 {strides = array<i32>} : memref<65536xf32, #tpu.memory_space<vmem>>, vector<16xf32>,
      %broadcast_in_dim3A_173 = arith.constant 0.000000e+00 : f32
      %broadcast_in_dim3A_174 = vector.broadcast %broadcast_in_dim3A_173 : f32 to vector<16xf32>
      %mul3A_175 = arith.constant 512 : i32
      %mul3A_176 = arith.muli %while3A_102, %mul3A_175 : i32
      %add3A_177 = arith.constant 144 : i32
      %add3A_178 = arith.addi %mul3A_176, %add3A_177 : i32
      %swap3A_179 = arith.index_cast %add3A_178 : i32 to index
      %swap3A_180 = tpu.vector_load %arg9[%swap3A_179] {strides = array<i32>} : memref<65536xf32, #tpu.memory_space<vmem>>, vector<16xf32>,
      tpu.vector_store %arg9[%swap3A_179], %broadcast_in_dim3A_174 {strides = array<i32>} : memref<65536xf32, #tpu.memory_space<vmem>>, vector<16xf32>,
      %broadcast_in_dim3A_181 = arith.constant 0.000000e+00 : f32
      %broadcast_in_dim3A_182 = vector.broadcast %broadcast_in_dim3A_181 : f32 to vector<16xf32>
      %mul3A_183 = arith.constant 512 : i32
      %mul3A_184 = arith.muli %while3A_102, %mul3A_183 : i32
      %add3A_185 = arith.constant 160 : i32
      %add3A_186 = arith.addi %mul3A_184, %add3A_185 : i32
      %swap3A_187 = arith.index_cast %add3A_186 : i32 to index
      %swap3A_188 = tpu.vector_load %arg9[%swap3A_187] {strides = array<i32>} : memref<65536xf32, #tpu.memory_space<vmem>>, vector<16xf32>,
      tpu.vector_store %arg9[%swap3A_187], %broadcast_in_dim3A_182 {strides = array<i32>} : memref<65536xf32, #tpu.memory_space<vmem>>, vector<16xf32>,
      %broadcast_in_dim3A_189 = arith.constant 0.000000e+00 : f32
      %broadcast_in_dim3A_190 = vector.broadcast %broadcast_in_dim3A_189 : f32 to vector<16xf32>
      %mul3A_191 = arith.constant 512 : i32
      %mul3A_192 = arith.muli %while3A_102, %mul3A_191 : i32
      %add3A_193 = arith.constant 176 : i32
      %add3A_194 = arith.addi %mul3A_192, %add3A_193 : i32
      %swap3A_195 = arith.index_cast %add3A_194 : i32 to index
      %swap3A_196 = tpu.vector_load %arg9[%swap3A_195] {strides = array<i32>} : memref<65536xf32, #tpu.memory_space<vmem>>, vector<16xf32>,
      tpu.vector_store %arg9[%swap3A_195], %broadcast_in_dim3A_190 {strides = array<i32>} : memref<65536xf32, #tpu.memory_space<vmem>>, vector<16xf32>,
      %broadcast_in_dim3A_197 = arith.constant 0.000000e+00 : f32
      %broadcast_in_dim3A_198 = vector.broadcast %broadcast_in_dim3A_197 : f32 to vector<16xf32>
      %mul3A_199 = arith.constant 512 : i32
      %mul3A_200 = arith.muli %while3A_102, %mul3A_199 : i32
      %add3A_201 = arith.constant 192 : i32
      %add3A_202 = arith.addi %mul3A_200, %add3A_201 : i32
      %swap3A_203 = arith.index_cast %add3A_202 : i32 to index
      %swap3A_204 = tpu.vector_load %arg9[%swap3A_203] {strides = array<i32>} : memref<65536xf32, #tpu.memory_space<vmem>>, vector<16xf32>,
      tpu.vector_store %arg9[%swap3A_203], %broadcast_in_dim3A_198 {strides = array<i32>} : memref<65536xf32, #tpu.memory_space<vmem>>, vector<16xf32>,
      %broadcast_in_dim3A_205 = arith.constant 0.000000e+00 : f32
      %broadcast_in_dim3A_206 = vector.broadcast %broadcast_in_dim3A_205 : f32 to vector<16xf32>
      %mul3A_207 = arith.constant 512 : i32
      %mul3A_208 = arith.muli %while3A_102, %mul3A_207 : i32
      %add3A_209 = arith.constant 208 : i32
      %add3A_210 = arith.addi %mul3A_208, %add3A_209 : i32
      %swap3A_211 = arith.index_cast %add3A_210 : i32 to index
      %swap3A_212 = tpu.vector_load %arg9[%swap3A_211] {strides = array<i32>} : memref<65536xf32, #tpu.memory_space<vmem>>, vector<16xf32>,
      tpu.vector_store %arg9[%swap3A_211], %broadcast_in_dim3A_206 {strides = array<i32>} : memref<65536xf32, #tpu.memory_space<vmem>>, vector<16xf32>,
      %broadcast_in_dim3A_213 = arith.constant 0.000000e+00 : f32
      %broadcast_in_dim3A_214 = vector.broadcast %broadcast_in_dim3A_213 : f32 to vector<16xf32>
      %mul3A_215 = arith.constant 512 : i32
      %mul3A_216 = arith.muli %while3A_102, %mul3A_215 : i32
      %add3A_217 = arith.constant 224 : i32
      %add3A_218 = arith.addi %mul3A_216, %add3A_217 : i32
      %swap3A_219 = arith.index_cast %add3A_218 : i32 to index
      %swap3A_220 = tpu.vector_load %arg9[%swap3A_219] {strides = array<i32>} : memref<65536xf32, #tpu.memory_space<vmem>>, vector<16xf32>,
      tpu.vector_store %arg9[%swap3A_219], %broadcast_in_dim3A_214 {strides = array<i32>} : memref<65536xf32, #tpu.memory_space<vmem>>, vector<16xf32>,
      %broadcast_in_dim3A_221 = arith.constant 0.000000e+00 : f32
      %broadcast_in_dim3A_222 = vector.broadcast %broadcast_in_dim3A_221 : f32 to vector<16xf32>
      %mul3A_223 = arith.constant 512 : i32
      %mul3A_224 = arith.muli %while3A_102, %mul3A_223 : i32
      %add3A_225 = arith.constant 240 : i32
      %add3A_226 = arith.addi %mul3A_224, %add3A_225 : i32
      %swap3A_227 = arith.index_cast %add3A_226 : i32 to index
      %swap3A_228 = tpu.vector_load %arg9[%swap3A_227] {strides = array<i32>} : memref<65536xf32, #tpu.memory_space<vmem>>, vector<16xf32>,
      tpu.vector_store %arg9[%swap3A_227], %broadcast_in_dim3A_222 {strides = array<i32>} : memref<65536xf32, #tpu.memory_space<vmem>>, vector<16xf32>,
      %broadcast_in_dim3A_229 = arith.constant 0.000000e+00 : f32
      %broadcast_in_dim3A_230 = vector.broadcast %broadcast_in_dim3A_229 : f32 to vector<16xf32>
      %mul3A_231 = arith.constant 512 : i32
      %mul3A_232 = arith.muli %while3A_102, %mul3A_231 : i32
      %add3A_233 = arith.constant 256 : i32
      %add3A_234 = arith.addi %mul3A_232, %add3A_233 : i32
      %swap3A_235 = arith.index_cast %add3A_234 : i32 to index
      %swap3A_236 = tpu.vector_load %arg9[%swap3A_235] {strides = array<i32>} : memref<65536xf32, #tpu.memory_space<vmem>>, vector<16xf32>,
      tpu.vector_store %arg9[%swap3A_235], %broadcast_in_dim3A_230 {strides = array<i32>} : memref<65536xf32, #tpu.memory_space<vmem>>, vector<16xf32>,
      %broadcast_in_dim3A_237 = arith.constant 0.000000e+00 : f32
      %broadcast_in_dim3A_238 = vector.broadcast %broadcast_in_dim3A_237 : f32 to vector<16xf32>
      %mul3A_239 = arith.constant 512 : i32
      %mul3A_240 = arith.muli %while3A_102, %mul3A_239 : i32
      %add3A_241 = arith.constant 272 : i32
      %add3A_242 = arith.addi %mul3A_240, %add3A_241 : i32
      %swap3A_243 = arith.index_cast %add3A_242 : i32 to index
      %swap3A_244 = tpu.vector_load %arg9[%swap3A_243] {strides = array<i32>} : memref<65536xf32, #tpu.memory_space<vmem>>, vector<16xf32>,
      tpu.vector_store %arg9[%swap3A_243], %broadcast_in_dim3A_238 {strides = array<i32>} : memref<65536xf32, #tpu.memory_space<vmem>>, vector<16xf32>,
      %broadcast_in_dim3A_245 = arith.constant 0.000000e+00 : f32
      %broadcast_in_dim3A_246 = vector.broadcast %broadcast_in_dim3A_245 : f32 to vector<16xf32>
      %mul3A_247 = arith.constant 512 : i32
      %mul3A_248 = arith.muli %while3A_102, %mul3A_247 : i32
      %add3A_249 = arith.constant 288 : i32
      %add3A_250 = arith.addi %mul3A_248, %add3A_249 : i32
      %swap3A_251 = arith.index_cast %add3A_250 : i32 to index
      %swap3A_252 = tpu.vector_load %arg9[%swap3A_251] {strides = array<i32>} : memref<65536xf32, #tpu.memory_space<vmem>>, vector<16xf32>,
      tpu.vector_store %arg9[%swap3A_251], %broadcast_in_dim3A_246 {strides = array<i32>} : memref<65536xf32, #tpu.memory_space<vmem>>, vector<16xf32>,
      %broadcast_in_dim3A_253 = arith.constant 0.000000e+00 : f32
      %broadcast_in_dim3A_254 = vector.broadcast %broadcast_in_dim3A_253 : f32 to vector<16xf32>
      %mul3A_255 = arith.constant 512 : i32
      %mul3A_256 = arith.muli %while3A_102, %mul3A_255 : i32
      %add3A_257 = arith.constant 304 : i32
      %add3A_258 = arith.addi %mul3A_256, %add3A_257 : i32
      %swap3A_259 = arith.index_cast %add3A_258 : i32 to index
      %swap3A_260 = tpu.vector_load %arg9[%swap3A_259] {strides = array<i32>} : memref<65536xf32, #tpu.memory_space<vmem>>, vector<16xf32>,
      tpu.vector_store %arg9[%swap3A_259], %broadcast_in_dim3A_254 {strides = array<i32>} : memref<65536xf32, #tpu.memory_space<vmem>>, vector<16xf32>,
      %broadcast_in_dim3A_261 = arith.constant 0.000000e+00 : f32
      %broadcast_in_dim3A_262 = vector.broadcast %broadcast_in_dim3A_261 : f32 to vector<16xf32>
      %mul3A_263 = arith.constant 512 : i32
      %mul3A_264 = arith.muli %while3A_102, %mul3A_263 : i32
      %add3A_265 = arith.constant 320 : i32
      %add3A_266 = arith.addi %mul3A_264, %add3A_265 : i32
      %swap3A_267 = arith.index_cast %add3A_266 : i32 to index
      %swap3A_268 = tpu.vector_load %arg9[%swap3A_267] {strides = array<i32>} : memref<65536xf32, #tpu.memory_space<vmem>>, vector<16xf32>,
      tpu.vector_store %arg9[%swap3A_267], %broadcast_in_dim3A_262 {strides = array<i32>} : memref<65536xf32, #tpu.memory_space<vmem>>, vector<16xf32>,
      %broadcast_in_dim3A_269 = arith.constant 0.000000e+00 : f32
      %broadcast_in_dim3A_270 = vector.broadcast %broadcast_in_dim3A_269 : f32 to vector<16xf32>
      %mul3A_271 = arith.constant 512 : i32
      %mul3A_272 = arith.muli %while3A_102, %mul3A_271 : i32
      %add3A_273 = arith.constant 336 : i32
      %add3A_274 = arith.addi %mul3A_272, %add3A_273 : i32
      %swap3A_275 = arith.index_cast %add3A_274 : i32 to index
      %swap3A_276 = tpu.vector_load %arg9[%swap3A_275] {strides = array<i32>} : memref<65536xf32, #tpu.memory_space<vmem>>, vector<16xf32>,
      tpu.vector_store %arg9[%swap3A_275], %broadcast_in_dim3A_270 {strides = array<i32>} : memref<65536xf32, #tpu.memory_space<vmem>>, vector<16xf32>,
      %broadcast_in_dim3A_277 = arith.constant 0.000000e+00 : f32
      %broadcast_in_dim3A_278 = vector.broadcast %broadcast_in_dim3A_277 : f32 to vector<16xf32>
      %mul3A_279 = arith.constant 512 : i32
      %mul3A_280 = arith.muli %while3A_102, %mul3A_279 : i32
      %add3A_281 = arith.constant 352 : i32
      %add3A_282 = arith.addi %mul3A_280, %add3A_281 : i32
      %swap3A_283 = arith.index_cast %add3A_282 : i32 to index
      %swap3A_284 = tpu.vector_load %arg9[%swap3A_283] {strides = array<i32>} : memref<65536xf32, #tpu.memory_space<vmem>>, vector<16xf32>,
      tpu.vector_store %arg9[%swap3A_283], %broadcast_in_dim3A_278 {strides = array<i32>} : memref<65536xf32, #tpu.memory_space<vmem>>, vector<16xf32>,
      %broadcast_in_dim3A_285 = arith.constant 0.000000e+00 : f32
      %broadcast_in_dim3A_286 = vector.broadcast %broadcast_in_dim3A_285 : f32 to vector<16xf32>
      %mul3A_287 = arith.constant 512 : i32
      %mul3A_288 = arith.muli %while3A_102, %mul3A_287 : i32
      %add3A_289 = arith.constant 368 : i32
      %add3A_290 = arith.addi %mul3A_288, %add3A_289 : i32
      %swap3A_291 = arith.index_cast %add3A_290 : i32 to index
      %swap3A_292 = tpu.vector_load %arg9[%swap3A_291] {strides = array<i32>} : memref<65536xf32, #tpu.memory_space<vmem>>, vector<16xf32>,
      tpu.vector_store %arg9[%swap3A_291], %broadcast_in_dim3A_286 {strides = array<i32>} : memref<65536xf32, #tpu.memory_space<vmem>>, vector<16xf32>,
      %broadcast_in_dim3A_293 = arith.constant 0.000000e+00 : f32
      %broadcast_in_dim3A_294 = vector.broadcast %broadcast_in_dim3A_293 : f32 to vector<16xf32>
      %mul3A_295 = arith.constant 512 : i32
      %mul3A_296 = arith.muli %while3A_102, %mul3A_295 : i32
      %add3A_297 = arith.constant 384 : i32
      %add3A_298 = arith.addi %mul3A_296, %add3A_297 : i32
      %swap3A_299 = arith.index_cast %add3A_298 : i32 to index
      %swap3A_300 = tpu.vector_load %arg9[%swap3A_299] {strides = array<i32>} : memref<65536xf32, #tpu.memory_space<vmem>>, vector<16xf32>,
      tpu.vector_store %arg9[%swap3A_299], %broadcast_in_dim3A_294 {strides = array<i32>} : memref<65536xf32, #tpu.memory_space<vmem>>, vector<16xf32>,
      %broadcast_in_dim3A_301 = arith.constant 0.000000e+00 : f32
      %broadcast_in_dim3A_302 = vector.broadcast %broadcast_in_dim3A_301 : f32 to vector<16xf32>
      %mul3A_303 = arith.constant 512 : i32
      %mul3A_304 = arith.muli %while3A_102, %mul3A_303 : i32
      %add3A_305 = arith.constant 400 : i32
      %add3A_306 = arith.addi %mul3A_304, %add3A_305 : i32
      %swap3A_307 = arith.index_cast %add3A_306 : i32 to index
      %swap3A_308 = tpu.vector_load %arg9[%swap3A_307] {strides = array<i32>} : memref<65536xf32, #tpu.memory_space<vmem>>, vector<16xf32>,
      tpu.vector_store %arg9[%swap3A_307], %broadcast_in_dim3A_302 {strides = array<i32>} : memref<65536xf32, #tpu.memory_space<vmem>>, vector<16xf32>,
      %broadcast_in_dim3A_309 = arith.constant 0.000000e+00 : f32
      %broadcast_in_dim3A_310 = vector.broadcast %broadcast_in_dim3A_309 : f32 to vector<16xf32>
      %mul3A_311 = arith.constant 512 : i32
      %mul3A_312 = arith.muli %while3A_102, %mul3A_311 : i32
      %add3A_313 = arith.constant 416 : i32
      %add3A_314 = arith.addi %mul3A_312, %add3A_313 : i32
      %swap3A_315 = arith.index_cast %add3A_314 : i32 to index
      %swap3A_316 = tpu.vector_load %arg9[%swap3A_315] {strides = array<i32>} : memref<65536xf32, #tpu.memory_space<vmem>>, vector<16xf32>,
      tpu.vector_store %arg9[%swap3A_315], %broadcast_in_dim3A_310 {strides = array<i32>} : memref<65536xf32, #tpu.memory_space<vmem>>, vector<16xf32>,
      %broadcast_in_dim3A_317 = arith.constant 0.000000e+00 : f32
      %broadcast_in_dim3A_318 = vector.broadcast %broadcast_in_dim3A_317 : f32 to vector<16xf32>
      %mul3A_319 = arith.constant 512 : i32
      %mul3A_320 = arith.muli %while3A_102, %mul3A_319 : i32
      %add3A_321 = arith.constant 432 : i32
      %add3A_322 = arith.addi %mul3A_320, %add3A_321 : i32
      %swap3A_323 = arith.index_cast %add3A_322 : i32 to index
      %swap3A_324 = tpu.vector_load %arg9[%swap3A_323] {strides = array<i32>} : memref<65536xf32, #tpu.memory_space<vmem>>, vector<16xf32>,
      tpu.vector_store %arg9[%swap3A_323], %broadcast_in_dim3A_318 {strides = array<i32>} : memref<65536xf32, #tpu.memory_space<vmem>>, vector<16xf32>,
      %broadcast_in_dim3A_325 = arith.constant 0.000000e+00 : f32
      %broadcast_in_dim3A_326 = vector.broadcast %broadcast_in_dim3A_325 : f32 to vector<16xf32>
      %mul3A_327 = arith.constant 512 : i32
      %mul3A_328 = arith.muli %while3A_102, %mul3A_327 : i32
      %add3A_329 = arith.constant 448 : i32
      %add3A_330 = arith.addi %mul3A_328, %add3A_329 : i32
      %swap3A_331 = arith.index_cast %add3A_330 : i32 to index
      %swap3A_332 = tpu.vector_load %arg9[%swap3A_331] {strides = array<i32>} : memref<65536xf32, #tpu.memory_space<vmem>>, vector<16xf32>,
      tpu.vector_store %arg9[%swap3A_331], %broadcast_in_dim3A_326 {strides = array<i32>} : memref<65536xf32, #tpu.memory_space<vmem>>, vector<16xf32>,
      %broadcast_in_dim3A_333 = arith.constant 0.000000e+00 : f32
      %broadcast_in_dim3A_334 = vector.broadcast %broadcast_in_dim3A_333 : f32 to vector<16xf32>
      %mul3A_335 = arith.constant 512 : i32
      %mul3A_336 = arith.muli %while3A_102, %mul3A_335 : i32
      %add3A_337 = arith.constant 464 : i32
      %add3A_338 = arith.addi %mul3A_336, %add3A_337 : i32
      %swap3A_339 = arith.index_cast %add3A_338 : i32 to index
      %swap3A_340 = tpu.vector_load %arg9[%swap3A_339] {strides = array<i32>} : memref<65536xf32, #tpu.memory_space<vmem>>, vector<16xf32>,
      tpu.vector_store %arg9[%swap3A_339], %broadcast_in_dim3A_334 {strides = array<i32>} : memref<65536xf32, #tpu.memory_space<vmem>>, vector<16xf32>,
      %broadcast_in_dim3A_341 = arith.constant 0.000000e+00 : f32
      %broadcast_in_dim3A_342 = vector.broadcast %broadcast_in_dim3A_341 : f32 to vector<16xf32>
      %mul3A_343 = arith.constant 512 : i32
      %mul3A_344 = arith.muli %while3A_102, %mul3A_343 : i32
      %add3A_345 = arith.constant 480 : i32
      %add3A_346 = arith.addi %mul3A_344, %add3A_345 : i32
      %swap3A_347 = arith.index_cast %add3A_346 : i32 to index
      %swap3A_348 = tpu.vector_load %arg9[%swap3A_347] {strides = array<i32>} : memref<65536xf32, #tpu.memory_space<vmem>>, vector<16xf32>,
      tpu.vector_store %arg9[%swap3A_347], %broadcast_in_dim3A_342 {strides = array<i32>} : memref<65536xf32, #tpu.memory_space<vmem>>, vector<16xf32>,
      %broadcast_in_dim3A_349 = arith.constant 0.000000e+00 : f32
      %broadcast_in_dim3A_350 = vector.broadcast %broadcast_in_dim3A_349 : f32 to vector<16xf32>
      %mul3A_351 = arith.constant 512 : i32
      %mul3A_352 = arith.muli %while3A_102, %mul3A_351 : i32
      %add3A_353 = arith.constant 496 : i32
      %add3A_354 = arith.addi %mul3A_352, %add3A_353 : i32
      %swap3A_355 = arith.index_cast %add3A_354 : i32 to index
      %swap3A_356 = tpu.vector_load %arg9[%swap3A_355] {strides = array<i32>} : memref<65536xf32, #tpu.memory_space<vmem>>, vector<16xf32>,
      tpu.vector_store %arg9[%swap3A_355], %broadcast_in_dim3A_350 {strides = array<i32>} : memref<65536xf32, #tpu.memory_space<vmem>>, vector<16xf32>,
    }
    %iota3A = tpu.iota {dimensions = array<i32: 0>} : vector<16xi32>
    %add3A_65 = arith.constant 0 : i32
    %add3A_66 = arith.addi %add3A, %add3A_65 : i32
    %min3A = arith.constant 374 : i32
    %min3A_67 = arith.minsi %add3A_66, %min3A : i32
    %mul3A_68 = arith.constant 32 : i32
    %mul3A_69 = arith.muli %min3A_67, %mul3A_68 : i32
    %min3A_70 = arith.constant 11968 : i32
    %min3A_71 = arith.minsi %mul3A_69, %min3A_70 : i32
    %dma_start3A = arith.constant 0 : i32
    %dma_start3A_72 = tpu.memref_slice %arg2[%min3A_71, %dma_start3A] : memref<50000x512xf32, #tpu.memory_space<hbm>> -> memref<32x512xf32, #tpu.memory_space<hbm>>
    %dma_start3A_73 = arith.constant 0 : i32
    %dma_start3A_74 = tpu.memref_slice %arg2[%min3A_71, %dma_start3A_73] : memref<50000x512xf32, #tpu.memory_space<hbm>> -> memref<32x512xf32, #tpu.memory_space<hbm>>
    tpu.enqueue_dma source(%dma_start3A_74 : memref<32x512xf32, #tpu.memory_space<hbm>>) target(%arg5 : memref<32x512xf32, #tpu.memory_space<vmem>>) target_semaphore(%arg14 : memref<!tpu.dma_semaphore, #tpu.memory_space<semaphore_mem>>)
    %dma_start3A_75 = tpu.memref_slice %arg3[%min3A_71] : memref<50000xi32, #tpu.memory_space<hbm>> -> memref<32xi32, #tpu.memory_space<hbm>>
    %dma_start3A_76 = tpu.memref_slice %arg3[%min3A_71] : memref<50000xi32, #tpu.memory_space<hbm>> -> memref<32xi32, #tpu.memory_space<hbm>>
    tpu.enqueue_dma source(%dma_start3A_76 : memref<32xi32, #tpu.memory_space<hbm>>) target(%arg7 : memref<32xi32, #tpu.memory_space<vmem>>) target_semaphore(%arg16 : memref<!tpu.dma_semaphore, #tpu.memory_space<semaphore_mem>>)
    %scan3A_77 = arith.constant 0 : i32
    %scan3A_78 = arith.constant 0 : i32
    %scan3A_79 = arith.constant 7 : i32
    %scan3A_80 = arith.addi %scan3A_78, %scan3A_79 : i32
    %scan3A_81 = arith.constant 1 : i32
    scf.for %scan3A_102 = %scan3A_78 to %scan3A_80 step %scan3A_81  : i32 {
      %mul3A_103 = arith.constant 2 : i32
      %mul3A_104 = arith.muli %mul3A_103, %scan3A_102 : i32
      %add3A_105 = arith.constant 0 : i32
      %add3A_106 = arith.addi %mul3A_104, %add3A_105 : i32
      %mul3A_107 = arith.constant 32 : i32
      %mul3A_108 = arith.muli %add3A_106, %mul3A_107 : i32
      %add3A_109 = arith.addi %add3A, %mul3A_108 : i32
      %min3A_110 = arith.constant 374 : i32
      %min3A_111 = arith.minsi %add3A_109, %min3A_110 : i32
      %mul3A_112 = arith.constant 32 : i32
      %mul3A_113 = arith.muli %min3A_111, %mul3A_112 : i32
      %min3A_114 = arith.constant 11968 : i32
      %min3A_115 = arith.minsi %mul3A_113, %min3A_114 : i32
      %dma_wait3A_116 = arith.constant 0 : i32
      %dma_wait3A_117 = tpu.memref_slice %arg2[%min3A_115, %dma_wait3A_116] : memref<50000x512xf32, #tpu.memory_space<hbm>> -> memref<32x512xf32, #tpu.memory_space<hbm>>
      %dma_wait3A_118 = arith.constant 0 : i32
      %dma_wait3A_119 = tpu.memref_slice %arg2[%min3A_115, %dma_wait3A_118] : memref<50000x512xf32, #tpu.memory_space<hbm>> -> memref<32x512xf32, #tpu.memory_space<hbm>>
      tpu.wait_dma2 semaphore(%arg14 : memref<!tpu.dma_semaphore, #tpu.memory_space<semaphore_mem>>) src(%dma_wait3A_119 : memref<32x512xf32, #tpu.memory_space<hbm>>) dst(%arg5 : memref<32x512xf32, #tpu.memory_space<vmem>>)
      %dma_wait3A_120 = tpu.memref_slice %arg3[%min3A_115] : memref<50000xi32, #tpu.memory_space<hbm>> -> memref<32xi32, #tpu.memory_space<hbm>>
      %dma_wait3A_121 = tpu.memref_slice %arg3[%min3A_115] : memref<50000xi32, #tpu.memory_space<hbm>> -> memref<32xi32, #tpu.memory_space<hbm>>
      tpu.wait_dma2 semaphore(%arg16 : memref<!tpu.dma_semaphore, #tpu.memory_space<semaphore_mem>>) src(%dma_wait3A_121 : memref<32xi32, #tpu.memory_space<hbm>>) dst(%arg7 : memref<32xi32, #tpu.memory_space<vmem>>)
      %add3A_122 = arith.constant 1 : i32
      %add3A_123 = arith.addi %add3A_106, %add3A_122 : i32
      %mul3A_124 = arith.constant 32 : i32
      %mul3A_125 = arith.muli %add3A_123, %mul3A_124 : i32
      %add3A_126 = arith.addi %add3A, %mul3A_125 : i32
      %min3A_127 = arith.constant 374 : i32
      %min3A_128 = arith.minsi %add3A_126, %min3A_127 : i32
      %mul3A_129 = arith.constant 32 : i32
      %mul3A_130 = arith.muli %min3A_128, %mul3A_129 : i32
      %min3A_131 = arith.constant 11968 : i32
      %min3A_132 = arith.minsi %mul3A_130, %min3A_131 : i32
      %dma_start3A_133 = arith.constant 0 : i32
      %dma_start3A_134 = tpu.memref_slice %arg2[%min3A_132, %dma_start3A_133] : memref<50000x512xf32, #tpu.memory_space<hbm>> -> memref<32x512xf32, #tpu.memory_space<hbm>>
      %dma_start3A_135 = arith.constant 0 : i32
      %dma_start3A_136 = tpu.memref_slice %arg2[%min3A_132, %dma_start3A_135] : memref<50000x512xf32, #tpu.memory_space<hbm>> -> memref<32x512xf32, #tpu.memory_space<hbm>>
      tpu.enqueue_dma source(%dma_start3A_136 : memref<32x512xf32, #tpu.memory_space<hbm>>) target(%arg6 : memref<32x512xf32, #tpu.memory_space<vmem>>) target_semaphore(%arg15 : memref<!tpu.dma_semaphore, #tpu.memory_space<semaphore_mem>>)
      %dma_start3A_137 = tpu.memref_slice %arg3[%min3A_132] : memref<50000xi32, #tpu.memory_space<hbm>> -> memref<32xi32, #tpu.memory_space<hbm>>
      %dma_start3A_138 = tpu.memref_slice %arg3[%min3A_132] : memref<50000xi32, #tpu.memory_space<hbm>> -> memref<32xi32, #tpu.memory_space<hbm>>
      tpu.enqueue_dma source(%dma_start3A_138 : memref<32xi32, #tpu.memory_space<hbm>>) target(%arg8 : memref<32xi32, #tpu.memory_space<vmem>>) target_semaphore(%arg17 : memref<!tpu.dma_semaphore, #tpu.memory_space<semaphore_mem>>)
      %mul3A_139 = arith.constant 32 : i32
      %mul3A_140 = arith.muli %add3A_106, %mul3A_139 : i32
      %add3A_141 = arith.addi %add3A, %mul3A_140 : i32
      %min3A_142 = arith.constant 374 : i32
      %min3A_143 = arith.minsi %add3A_141, %min3A_142 : i32
      %mul3A_144 = arith.constant 32 : i32
      %mul3A_145 = arith.muli %min3A_143, %mul3A_144 : i32
      %min3A_146 = arith.constant 11968 : i32
      %min3A_147 = arith.minsi %mul3A_145, %min3A_146 : i32
      %lt3A = arith.constant 375 : i32
      %lt3A_148 = arith.cmpi slt, %add3A_141, %lt3A : i32
      %convert_element_type3A = arith.extui %lt3A_148 : i1 to i32
      %cond3A = arith.constant 0 : i32
      %cond3A_149 = arith.cmpi ne, %convert_element_type3A, %cond3A : i32
      scf.if %cond3A_149 {
        %min3A_200 = arith.constant 374 : i32
        %min3A_201 = arith.minsi %add3A_141, %min3A_200 : i32
        %mul3A_202 = arith.constant 32 : i32
        %mul3A_203 = arith.muli %min3A_201, %mul3A_202 : i32
        %sub3A_204 = arith.subi %mul3A_203, %min3A_147 : i32
        %scan3A_205 = arith.constant 0 : i32
        %scan3A_206 = arith.constant 0 : i32
        %scan3A_207 = arith.constant 2 : i32
        %scan3A_208 = arith.addi %scan3A_206, %scan3A_207 : i32
        %scan3A_209 = arith.constant 1 : i32
        scf.for %scan3A_211 = %scan3A_206 to %scan3A_208 step %scan3A_209  : i32 {
          %mul3A_212 = arith.constant 16 : i32
          %mul3A_213 = arith.muli %scan3A_211, %mul3A_212 : i32
          %ge3A = arith.cmpi sge, %mul3A_213, %sub3A_204 : i32
          %convert_element_type3A_214 = arith.extui %ge3A : i1 to i32
          %cond3A_215 = arith.constant 0 : i32
          %cond3A_216 = arith.cmpi ne, %convert_element_type3A_214, %cond3A_215 : i32
          scf.if %cond3A_216 {
            %mul3A_217 = arith.constant 16 : i32
            %mul3A_218 = arith.muli %scan3A_211, %mul3A_217 : i32
            %get3A_219 = arith.index_cast %mul3A_218 : i32 to index
            %get3A_220 = tpu.vector_load %arg7[%get3A_219] {strides = array<i32>} : memref<32xi32, #tpu.memory_space<vmem>>, vector<16xi32>,
            %slice3A_221 = vector.extract_strided_slice %get3A_220 {offsets = [0], sizes = [1], strides = [1]} : vector<16xi32> to vector<1xi32>
            %squeeze3A_222 = vector.extract %slice3A_221[0] : i32 from vector<1xi32>
            %slice3A_223 = vector.extract_strided_slice %get3A_220 {offsets = [15], sizes = [1], strides = [1]} : vector<16xi32> to vector<1xi32>
            %squeeze3A_224 = vector.extract %slice3A_223[0] : i32 from vector<1xi32>
            %eq3A = arith.cmpi eq, %squeeze3A_222, %squeeze3A_224 : i32
            %convert_element_type3A_225 = arith.extui %eq3A : i1 to i32
            %cond3A_226 = arith.constant 0 : i32
            %cond3A_227 = arith.cmpi ne, %convert_element_type3A_225, %cond3A_226 : i32
            scf.if %cond3A_227 {
              %mul3A_232 = arith.constant 16 : i32
              %mul3A_233 = arith.muli %scan3A_211, %mul3A_232 : i32
              %broadcast_in_dim3A = vector.broadcast %mul3A_233 : i32 to vector<16xi32>
              %gather3A = tpu.vector_load_idx %arg7[%broadcast_in_dim3A] : memref<32xi32, #tpu.memory_space<vmem>>[vector<16xi32>], vector<16xi32>,
              %mul3A_234 = arith.constant 512 : i32
              %mul3A_235 = vector.broadcast %mul3A_234 : i32 to vector<16xi32>
              %mul3A_236 = arith.muli %gather3A, %mul3A_235 : vector<16xi32>
              %add3A_237 = arith.addi %mul3A_236, %iota3A : vector<16xi32>
              %parallel_loop3A = arith.constant 0 : i32
              %parallel_loop3A_238 = arith.constant 512 : i32
              %parallel_loop3A_239 = arith.constant 16 : i32
              scf.for %parallel_loop3A_240 = %parallel_loop3A to %parallel_loop3A_238 step %parallel_loop3A_239  : i32 {
                %parallel_loop3A_241 = arith.constant 16 : i32
                %parallel_loop3A_242 = arith.muli %scan3A_211, %parallel_loop3A_241 : i32
                %parallel_loop3A_243 = arith.constant 0 : i32
                %parallel_loop3A_244 = arith.addi %parallel_loop3A_242, %parallel_loop3A_243 : i32
                %parallel_loop3A_245 = arith.index_cast %parallel_loop3A_244 : i32 to index
                %parallel_loop3A_246 = arith.index_cast %parallel_loop3A_240 : i32 to index
                %parallel_loop3A_247 = tpu.vector_load %arg5[%parallel_loop3A_245, %parallel_loop3A_246] {strides = array<i32>} : memref<32x512xf32, #tpu.memory_space<vmem>>, vector<16xf32>,
                %parallel_loop3A_248 = arith.constant 16 : i32
                %parallel_loop3A_249 = arith.muli %scan3A_211, %parallel_loop3A_248 : i32
                %parallel_loop3A_250 = arith.constant 1 : i32
                %parallel_loop3A_251 = arith.addi %parallel_loop3A_249, %parallel_loop3A_250 : i32
                %parallel_loop3A_252 = arith.index_cast %parallel_loop3A_251 : i32 to index
                %parallel_loop3A_253 = arith.index_cast %parallel_loop3A_240 : i32 to index
                %parallel_loop3A_254 = tpu.vector_load %arg5[%parallel_loop3A_252, %parallel_loop3A_253] {strides = array<i32>} : memref<32x512xf32, #tpu.memory_space<vmem>>, vector<16xf32>,
                %parallel_loop3A_255 = arith.constant 16 : i32
                %parallel_loop3A_256 = arith.muli %scan3A_211, %parallel_loop3A_255 : i32
                %parallel_loop3A_257 = arith.constant 2 : i32
                %parallel_loop3A_258 = arith.addi %parallel_loop3A_256, %parallel_loop3A_257 : i32
                %parallel_loop3A_259 = arith.index_cast %parallel_loop3A_258 : i32 to index
                %parallel_loop3A_260 = arith.index_cast %parallel_loop3A_240 : i32 to index
                %parallel_loop3A_261 = tpu.vector_load %arg5[%parallel_loop3A_259, %parallel_loop3A_260] {strides = array<i32>} : memref<32x512xf32, #tpu.memory_space<vmem>>, vector<16xf32>,
                %parallel_loop3A_262 = arith.constant 16 : i32
                %parallel_loop3A_263 = arith.muli %scan3A_211, %parallel_loop3A_262 : i32
                %parallel_loop3A_264 = arith.constant 3 : i32
                %parallel_loop3A_265 = arith.addi %parallel_loop3A_263, %parallel_loop3A_264 : i32
                %parallel_loop3A_266 = arith.index_cast %parallel_loop3A_265 : i32 to index
                %parallel_loop3A_267 = arith.index_cast %parallel_loop3A_240 : i32 to index
                %parallel_loop3A_268 = tpu.vector_load %arg5[%parallel_loop3A_266, %parallel_loop3A_267] {strides = array<i32>} : memref<32x512xf32, #tpu.memory_space<vmem>>, vector<16xf32>,
                %parallel_loop3A_269 = arith.constant 16 : i32
                %parallel_loop3A_270 = arith.muli %scan3A_211, %parallel_loop3A_269 : i32
                %parallel_loop3A_271 = arith.constant 4 : i32
                %parallel_loop3A_272 = arith.addi %parallel_loop3A_270, %parallel_loop3A_271 : i32
                %parallel_loop3A_273 = arith.index_cast %parallel_loop3A_272 : i32 to index
                %parallel_loop3A_274 = arith.index_cast %parallel_loop3A_240 : i32 to index
                %parallel_loop3A_275 = tpu.vector_load %arg5[%parallel_loop3A_273, %parallel_loop3A_274] {strides = array<i32>} : memref<32x512xf32, #tpu.memory_space<vmem>>, vector<16xf32>,
                %parallel_loop3A_276 = arith.constant 16 : i32
                %parallel_loop3A_277 = arith.muli %scan3A_211, %parallel_loop3A_276 : i32
                %parallel_loop3A_278 = arith.constant 5 : i32
                %parallel_loop3A_279 = arith.addi %parallel_loop3A_277, %parallel_loop3A_278 : i32
                %parallel_loop3A_280 = arith.index_cast %parallel_loop3A_279 : i32 to index
                %parallel_loop3A_281 = arith.index_cast %parallel_loop3A_240 : i32 to index
                %parallel_loop3A_282 = tpu.vector_load %arg5[%parallel_loop3A_280, %parallel_loop3A_281] {strides = array<i32>} : memref<32x512xf32, #tpu.memory_space<vmem>>, vector<16xf32>,
                %parallel_loop3A_283 = arith.constant 16 : i32
                %parallel_loop3A_284 = arith.muli %scan3A_211, %parallel_loop3A_283 : i32
                %parallel_loop3A_285 = arith.constant 6 : i32
                %parallel_loop3A_286 = arith.addi %parallel_loop3A_284, %parallel_loop3A_285 : i32
                %parallel_loop3A_287 = arith.index_cast %parallel_loop3A_286 : i32 to index
                %parallel_loop3A_288 = arith.index_cast %parallel_loop3A_240 : i32 to index
                %parallel_loop3A_289 = tpu.vector_load %arg5[%parallel_loop3A_287, %parallel_loop3A_288] {strides = array<i32>} : memref<32x512xf32, #tpu.memory_space<vmem>>, vector<16xf32>,
                %parallel_loop3A_290 = arith.constant 16 : i32
                %parallel_loop3A_291 = arith.muli %scan3A_211, %parallel_loop3A_290 : i32
                %parallel_loop3A_292 = arith.constant 7 : i32
                %parallel_loop3A_293 = arith.addi %parallel_loop3A_291, %parallel_loop3A_292 : i32
                %parallel_loop3A_294 = arith.index_cast %parallel_loop3A_293 : i32 to index
                %parallel_loop3A_295 = arith.index_cast %parallel_loop3A_240 : i32 to index
                %parallel_loop3A_296 = tpu.vector_load %arg5[%parallel_loop3A_294, %parallel_loop3A_295] {strides = array<i32>} : memref<32x512xf32, #tpu.memory_space<vmem>>, vector<16xf32>,
                %parallel_loop3A_297 = arith.constant 16 : i32
                %parallel_loop3A_298 = arith.muli %scan3A_211, %parallel_loop3A_297 : i32
                %parallel_loop3A_299 = arith.constant 8 : i32
                %parallel_loop3A_300 = arith.addi %parallel_loop3A_298, %parallel_loop3A_299 : i32
                %parallel_loop3A_301 = arith.index_cast %parallel_loop3A_300 : i32 to index
                %parallel_loop3A_302 = arith.index_cast %parallel_loop3A_240 : i32 to index
                %parallel_loop3A_303 = tpu.vector_load %arg5[%parallel_loop3A_301, %parallel_loop3A_302] {strides = array<i32>} : memref<32x512xf32, #tpu.memory_space<vmem>>, vector<16xf32>,
                %parallel_loop3A_304 = arith.constant 16 : i32
                %parallel_loop3A_305 = arith.muli %scan3A_211, %parallel_loop3A_304 : i32
                %parallel_loop3A_306 = arith.constant 9 : i32
                %parallel_loop3A_307 = arith.addi %parallel_loop3A_305, %parallel_loop3A_306 : i32
                %parallel_loop3A_308 = arith.index_cast %parallel_loop3A_307 : i32 to index
                %parallel_loop3A_309 = arith.index_cast %parallel_loop3A_240 : i32 to index
                %parallel_loop3A_310 = tpu.vector_load %arg5[%parallel_loop3A_308, %parallel_loop3A_309] {strides = array<i32>} : memref<32x512xf32, #tpu.memory_space<vmem>>, vector<16xf32>,
                %parallel_loop3A_311 = arith.constant 16 : i32
                %parallel_loop3A_312 = arith.muli %scan3A_211, %parallel_loop3A_311 : i32
                %parallel_loop3A_313 = arith.constant 10 : i32
                %parallel_loop3A_314 = arith.addi %parallel_loop3A_312, %parallel_loop3A_313 : i32
                %parallel_loop3A_315 = arith.index_cast %parallel_loop3A_314 : i32 to index
                %parallel_loop3A_316 = arith.index_cast %parallel_loop3A_240 : i32 to index
                %parallel_loop3A_317 = tpu.vector_load %arg5[%parallel_loop3A_315, %parallel_loop3A_316] {strides = array<i32>} : memref<32x512xf32, #tpu.memory_space<vmem>>, vector<16xf32>,
                %parallel_loop3A_318 = arith.constant 16 : i32
                %parallel_loop3A_319 = arith.muli %scan3A_211, %parallel_loop3A_318 : i32
                %parallel_loop3A_320 = arith.constant 11 : i32
                %parallel_loop3A_321 = arith.addi %parallel_loop3A_319, %parallel_loop3A_320 : i32
                %parallel_loop3A_322 = arith.index_cast %parallel_loop3A_321 : i32 to index
                %parallel_loop3A_323 = arith.index_cast %parallel_loop3A_240 : i32 to index
                %parallel_loop3A_324 = tpu.vector_load %arg5[%parallel_loop3A_322, %parallel_loop3A_323] {strides = array<i32>} : memref<32x512xf32, #tpu.memory_space<vmem>>, vector<16xf32>,
                %parallel_loop3A_325 = arith.constant 16 : i32
                %parallel_loop3A_326 = arith.muli %scan3A_211, %parallel_loop3A_325 : i32
                %parallel_loop3A_327 = arith.constant 12 : i32
                %parallel_loop3A_328 = arith.addi %parallel_loop3A_326, %parallel_loop3A_327 : i32
                %parallel_loop3A_329 = arith.index_cast %parallel_loop3A_328 : i32 to index
                %parallel_loop3A_330 = arith.index_cast %parallel_loop3A_240 : i32 to index
                %parallel_loop3A_331 = tpu.vector_load %arg5[%parallel_loop3A_329, %parallel_loop3A_330] {strides = array<i32>} : memref<32x512xf32, #tpu.memory_space<vmem>>, vector<16xf32>,
                %parallel_loop3A_332 = arith.constant 16 : i32
                %parallel_loop3A_333 = arith.muli %scan3A_211, %parallel_loop3A_332 : i32
                %parallel_loop3A_334 = arith.constant 13 : i32
                %parallel_loop3A_335 = arith.addi %parallel_loop3A_333, %parallel_loop3A_334 : i32
                %parallel_loop3A_336 = arith.index_cast %parallel_loop3A_335 : i32 to index
                %parallel_loop3A_337 = arith.index_cast %parallel_loop3A_240 : i32 to index
                %parallel_loop3A_338 = tpu.vector_load %arg5[%parallel_loop3A_336, %parallel_loop3A_337] {strides = array<i32>} : memref<32x512xf32, #tpu.memory_space<vmem>>, vector<16xf32>,
                %parallel_loop3A_339 = arith.constant 16 : i32
                %parallel_loop3A_340 = arith.muli %scan3A_211, %parallel_loop3A_339 : i32
                %parallel_loop3A_341 = arith.constant 14 : i32
                %parallel_loop3A_342 = arith.addi %parallel_loop3A_340, %parallel_loop3A_341 : i32
                %parallel_loop3A_343 = arith.index_cast %parallel_loop3A_342 : i32 to index
                %parallel_loop3A_344 = arith.index_cast %parallel_loop3A_240 : i32 to index
                %parallel_loop3A_345 = tpu.vector_load %arg5[%parallel_loop3A_343, %parallel_loop3A_344] {strides = array<i32>} : memref<32x512xf32, #tpu.memory_space<vmem>>, vector<16xf32>,
                %parallel_loop3A_346 = arith.constant 16 : i32
                %parallel_loop3A_347 = arith.muli %scan3A_211, %parallel_loop3A_346 : i32
                %parallel_loop3A_348 = arith.constant 15 : i32
                %parallel_loop3A_349 = arith.addi %parallel_loop3A_347, %parallel_loop3A_348 : i32
                %parallel_loop3A_350 = arith.index_cast %parallel_loop3A_349 : i32 to index
                %parallel_loop3A_351 = arith.index_cast %parallel_loop3A_240 : i32 to index
                %parallel_loop3A_352 = tpu.vector_load %arg5[%parallel_loop3A_350, %parallel_loop3A_351] {strides = array<i32>} : memref<32x512xf32, #tpu.memory_space<vmem>>, vector<16xf32>,
                %parallel_loop3A_353 = arith.addf %parallel_loop3A_247, %parallel_loop3A_254 : vector<16xf32>
                %parallel_loop3A_354 = arith.addf %parallel_loop3A_261, %parallel_loop3A_268 : vector<16xf32>
                %parallel_loop3A_355 = arith.addf %parallel_loop3A_275, %parallel_loop3A_282 : vector<16xf32>
                %parallel_loop3A_356 = arith.addf %parallel_loop3A_289, %parallel_loop3A_296 : vector<16xf32>
                %parallel_loop3A_357 = arith.addf %parallel_loop3A_303, %parallel_loop3A_310 : vector<16xf32>
                %parallel_loop3A_358 = arith.addf %parallel_loop3A_317, %parallel_loop3A_324 : vector<16xf32>
                %parallel_loop3A_359 = arith.addf %parallel_loop3A_331, %parallel_loop3A_338 : vector<16xf32>
                %parallel_loop3A_360 = arith.addf %parallel_loop3A_345, %parallel_loop3A_352 : vector<16xf32>
                %parallel_loop3A_361 = arith.addf %parallel_loop3A_353, %parallel_loop3A_354 : vector<16xf32>
                %parallel_loop3A_362 = arith.addf %parallel_loop3A_355, %parallel_loop3A_356 : vector<16xf32>
                %parallel_loop3A_363 = arith.addf %parallel_loop3A_357, %parallel_loop3A_358 : vector<16xf32>
                %parallel_loop3A_364 = arith.addf %parallel_loop3A_359, %parallel_loop3A_360 : vector<16xf32>
                %parallel_loop3A_365 = arith.addf %parallel_loop3A_361, %parallel_loop3A_362 : vector<16xf32>
                %parallel_loop3A_366 = arith.addf %parallel_loop3A_363, %parallel_loop3A_364 : vector<16xf32>
                %parallel_loop3A_367 = arith.addf %parallel_loop3A_365, %parallel_loop3A_366 : vector<16xf32>
                %parallel_loop3A_368 = vector.broadcast %parallel_loop3A_240 : i32 to vector<16xi32>
                %parallel_loop3A_369 = arith.addi %add3A_237, %parallel_loop3A_368 : vector<16xi32>
                tpu.vector_store_idx %arg9[%parallel_loop3A_369], %parallel_loop3A_367 {add = true} : memref<65536xf32, #tpu.memory_space<vmem>>[vector<16xi32>], vector<16xf32>,
              } {sc.loop_unroll_factor = 4 : i64, sc.parallel_access}
            } else {
            }
            %ne3A_228 = arith.cmpi ne, %squeeze3A_222, %squeeze3A_224 : i32
            %convert_element_type3A_229 = arith.extui %ne3A_228 : i1 to i32
            %cond3A_230 = arith.constant 0 : i32
            %cond3A_231 = arith.cmpi ne, %convert_element_type3A_229, %cond3A_230 : i32
            scf.if %cond3A_231 {
              %mul3A_232 = arith.constant 16 : i32
              %mul3A_233 = arith.muli %scan3A_211, %mul3A_232 : i32
              %add3A_234 = arith.constant 0 : i32
              %add3A_235 = arith.addi %mul3A_233, %add3A_234 : i32
              %broadcast_in_dim3A = vector.broadcast %add3A_235 : i32 to vector<16xi32>
              %gather3A = tpu.vector_load_idx %arg7[%broadcast_in_dim3A] : memref<32xi32, #tpu.memory_space<vmem>>[vector<16xi32>], vector<16xi32>,
              %mul3A_236 = arith.constant 512 : i32
              %mul3A_237 = vector.broadcast %mul3A_236 : i32 to vector<16xi32>
              %mul3A_238 = arith.muli %gather3A, %mul3A_237 : vector<16xi32>
              %add3A_239 = arith.addi %mul3A_238, %iota3A : vector<16xi32>
              %parallel_loop3A = arith.constant 0 : i32
              %parallel_loop3A_240 = arith.constant 512 : i32
              %parallel_loop3A_241 = arith.constant 16 : i32
              scf.for %parallel_loop3A_437 = %parallel_loop3A to %parallel_loop3A_240 step %parallel_loop3A_241  : i32 {
                %parallel_loop3A_438 = arith.constant 16 : i32
                %parallel_loop3A_439 = arith.muli %scan3A_211, %parallel_loop3A_438 : i32
                %parallel_loop3A_440 = arith.constant 0 : i32
                %parallel_loop3A_441 = arith.addi %parallel_loop3A_439, %parallel_loop3A_440 : i32
                %parallel_loop3A_442 = arith.index_cast %parallel_loop3A_441 : i32 to index
                %parallel_loop3A_443 = arith.index_cast %parallel_loop3A_437 : i32 to index
                %parallel_loop3A_444 = tpu.vector_load %arg5[%parallel_loop3A_442, %parallel_loop3A_443] {strides = array<i32>} : memref<32x512xf32, #tpu.memory_space<vmem>>, vector<16xf32>,
                %parallel_loop3A_445 = vector.broadcast %parallel_loop3A_437 : i32 to vector<16xi32>
                %parallel_loop3A_446 = arith.addi %add3A_239, %parallel_loop3A_445 : vector<16xi32>
                tpu.vector_store_idx %arg9[%parallel_loop3A_446], %parallel_loop3A_444 {add = true} : memref<65536xf32, #tpu.memory_space<vmem>>[vector<16xi32>], vector<16xf32>,
              } {sc.loop_unroll_factor = 8 : i64, sc.parallel_access}
              %mul3A_242 = arith.constant 16 : i32
              %mul3A_243 = arith.muli %scan3A_211, %mul3A_242 : i32
              %add3A_244 = arith.constant 1 : i32
              %add3A_245 = arith.addi %mul3A_243, %add3A_244 : i32
              %broadcast_in_dim3A_246 = vector.broadcast %add3A_245 : i32 to vector<16xi32>
              %gather3A_247 = tpu.vector_load_idx %arg7[%broadcast_in_dim3A_246] : memref<32xi32, #tpu.memory_space<vmem>>[vector<16xi32>], vector<16xi32>,
              %mul3A_248 = arith.constant 512 : i32
              %mul3A_249 = vector.broadcast %mul3A_248 : i32 to vector<16xi32>
              %mul3A_250 = arith.muli %gather3A_247, %mul3A_249 : vector<16xi32>
              %add3A_251 = arith.addi %mul3A_250, %iota3A : vector<16xi32>
              %parallel_loop3A_252 = arith.constant 0 : i32
              %parallel_loop3A_253 = arith.constant 512 : i32
              %parallel_loop3A_254 = arith.constant 16 : i32
              scf.for %parallel_loop3A_437 = %parallel_loop3A_252 to %parallel_loop3A_253 step %parallel_loop3A_254  : i32 {
                %parallel_loop3A_438 = arith.constant 16 : i32
                %parallel_loop3A_439 = arith.muli %scan3A_211, %parallel_loop3A_438 : i32
                %parallel_loop3A_440 = arith.constant 1 : i32
                %parallel_loop3A_441 = arith.addi %parallel_loop3A_439, %parallel_loop3A_440 : i32
                %parallel_loop3A_442 = arith.index_cast %parallel_loop3A_441 : i32 to index
                %parallel_loop3A_443 = arith.index_cast %parallel_loop3A_437 : i32 to index
                %parallel_loop3A_444 = tpu.vector_load %arg5[%parallel_loop3A_442, %parallel_loop3A_443] {strides = array<i32>} : memref<32x512xf32, #tpu.memory_space<vmem>>, vector<16xf32>,
                %parallel_loop3A_445 = vector.broadcast %parallel_loop3A_437 : i32 to vector<16xi32>
                %parallel_loop3A_446 = arith.addi %add3A_251, %parallel_loop3A_445 : vector<16xi32>
                tpu.vector_store_idx %arg9[%parallel_loop3A_446], %parallel_loop3A_444 {add = true} : memref<65536xf32, #tpu.memory_space<vmem>>[vector<16xi32>], vector<16xf32>,
              } {sc.loop_unroll_factor = 8 : i64, sc.parallel_access}
              %mul3A_255 = arith.constant 16 : i32
              %mul3A_256 = arith.muli %scan3A_211, %mul3A_255 : i32
              %add3A_257 = arith.constant 2 : i32
              %add3A_258 = arith.addi %mul3A_256, %add3A_257 : i32
              %broadcast_in_dim3A_259 = vector.broadcast %add3A_258 : i32 to vector<16xi32>
              %gather3A_260 = tpu.vector_load_idx %arg7[%broadcast_in_dim3A_259] : memref<32xi32, #tpu.memory_space<vmem>>[vector<16xi32>], vector<16xi32>,
              %mul3A_261 = arith.constant 512 : i32
              %mul3A_262 = vector.broadcast %mul3A_261 : i32 to vector<16xi32>
              %mul3A_263 = arith.muli %gather3A_260, %mul3A_262 : vector<16xi32>
              %add3A_264 = arith.addi %mul3A_263, %iota3A : vector<16xi32>
              %parallel_loop3A_265 = arith.constant 0 : i32
              %parallel_loop3A_266 = arith.constant 512 : i32
              %parallel_loop3A_267 = arith.constant 16 : i32
              scf.for %parallel_loop3A_437 = %parallel_loop3A_265 to %parallel_loop3A_266 step %parallel_loop3A_267  : i32 {
                %parallel_loop3A_438 = arith.constant 16 : i32
                %parallel_loop3A_439 = arith.muli %scan3A_211, %parallel_loop3A_438 : i32
                %parallel_loop3A_440 = arith.constant 2 : i32
                %parallel_loop3A_441 = arith.addi %parallel_loop3A_439, %parallel_loop3A_440 : i32
                %parallel_loop3A_442 = arith.index_cast %parallel_loop3A_441 : i32 to index
                %parallel_loop3A_443 = arith.index_cast %parallel_loop3A_437 : i32 to index
                %parallel_loop3A_444 = tpu.vector_load %arg5[%parallel_loop3A_442, %parallel_loop3A_443] {strides = array<i32>} : memref<32x512xf32, #tpu.memory_space<vmem>>, vector<16xf32>,
                %parallel_loop3A_445 = vector.broadcast %parallel_loop3A_437 : i32 to vector<16xi32>
                %parallel_loop3A_446 = arith.addi %add3A_264, %parallel_loop3A_445 : vector<16xi32>
                tpu.vector_store_idx %arg9[%parallel_loop3A_446], %parallel_loop3A_444 {add = true} : memref<65536xf32, #tpu.memory_space<vmem>>[vector<16xi32>], vector<16xf32>,
              } {sc.loop_unroll_factor = 8 : i64, sc.parallel_access}
              %mul3A_268 = arith.constant 16 : i32
              %mul3A_269 = arith.muli %scan3A_211, %mul3A_268 : i32
              %add3A_270 = arith.constant 3 : i32
              %add3A_271 = arith.addi %mul3A_269, %add3A_270 : i32
              %broadcast_in_dim3A_272 = vector.broadcast %add3A_271 : i32 to vector<16xi32>
              %gather3A_273 = tpu.vector_load_idx %arg7[%broadcast_in_dim3A_272] : memref<32xi32, #tpu.memory_space<vmem>>[vector<16xi32>], vector<16xi32>,
              %mul3A_274 = arith.constant 512 : i32
              %mul3A_275 = vector.broadcast %mul3A_274 : i32 to vector<16xi32>
              %mul3A_276 = arith.muli %gather3A_273, %mul3A_275 : vector<16xi32>
              %add3A_277 = arith.addi %mul3A_276, %iota3A : vector<16xi32>
              %parallel_loop3A_278 = arith.constant 0 : i32
              %parallel_loop3A_279 = arith.constant 512 : i32
              %parallel_loop3A_280 = arith.constant 16 : i32
              scf.for %parallel_loop3A_437 = %parallel_loop3A_278 to %parallel_loop3A_279 step %parallel_loop3A_280  : i32 {
                %parallel_loop3A_438 = arith.constant 16 : i32
                %parallel_loop3A_439 = arith.muli %scan3A_211, %parallel_loop3A_438 : i32
                %parallel_loop3A_440 = arith.constant 3 : i32
                %parallel_loop3A_441 = arith.addi %parallel_loop3A_439, %parallel_loop3A_440 : i32
                %parallel_loop3A_442 = arith.index_cast %parallel_loop3A_441 : i32 to index
                %parallel_loop3A_443 = arith.index_cast %parallel_loop3A_437 : i32 to index
                %parallel_loop3A_444 = tpu.vector_load %arg5[%parallel_loop3A_442, %parallel_loop3A_443] {strides = array<i32>} : memref<32x512xf32, #tpu.memory_space<vmem>>, vector<16xf32>,
                %parallel_loop3A_445 = vector.broadcast %parallel_loop3A_437 : i32 to vector<16xi32>
                %parallel_loop3A_446 = arith.addi %add3A_277, %parallel_loop3A_445 : vector<16xi32>
                tpu.vector_store_idx %arg9[%parallel_loop3A_446], %parallel_loop3A_444 {add = true} : memref<65536xf32, #tpu.memory_space<vmem>>[vector<16xi32>], vector<16xf32>,
              } {sc.loop_unroll_factor = 8 : i64, sc.parallel_access}
              %mul3A_281 = arith.constant 16 : i32
              %mul3A_282 = arith.muli %scan3A_211, %mul3A_281 : i32
              %add3A_283 = arith.constant 4 : i32
              %add3A_284 = arith.addi %mul3A_282, %add3A_283 : i32
              %broadcast_in_dim3A_285 = vector.broadcast %add3A_284 : i32 to vector<16xi32>
              %gather3A_286 = tpu.vector_load_idx %arg7[%broadcast_in_dim3A_285] : memref<32xi32, #tpu.memory_space<vmem>>[vector<16xi32>], vector<16xi32>,
              %mul3A_287 = arith.constant 512 : i32
              %mul3A_288 = vector.broadcast %mul3A_287 : i32 to vector<16xi32>
              %mul3A_289 = arith.muli %gather3A_286, %mul3A_288 : vector<16xi32>
              %add3A_290 = arith.addi %mul3A_289, %iota3A : vector<16xi32>
              %parallel_loop3A_291 = arith.constant 0 : i32
              %parallel_loop3A_292 = arith.constant 512 : i32
              %parallel_loop3A_293 = arith.constant 16 : i32
              scf.for %parallel_loop3A_437 = %parallel_loop3A_291 to %parallel_loop3A_292 step %parallel_loop3A_293  : i32 {
                %parallel_loop3A_438 = arith.constant 16 : i32
                %parallel_loop3A_439 = arith.muli %scan3A_211, %parallel_loop3A_438 : i32
                %parallel_loop3A_440 = arith.constant 4 : i32
                %parallel_loop3A_441 = arith.addi %parallel_loop3A_439, %parallel_loop3A_440 : i32
                %parallel_loop3A_442 = arith.index_cast %parallel_loop3A_441 : i32 to index
                %parallel_loop3A_443 = arith.index_cast %parallel_loop3A_437 : i32 to index
                %parallel_loop3A_444 = tpu.vector_load %arg5[%parallel_loop3A_442, %parallel_loop3A_443] {strides = array<i32>} : memref<32x512xf32, #tpu.memory_space<vmem>>, vector<16xf32>,
                %parallel_loop3A_445 = vector.broadcast %parallel_loop3A_437 : i32 to vector<16xi32>
                %parallel_loop3A_446 = arith.addi %add3A_290, %parallel_loop3A_445 : vector<16xi32>
                tpu.vector_store_idx %arg9[%parallel_loop3A_446], %parallel_loop3A_444 {add = true} : memref<65536xf32, #tpu.memory_space<vmem>>[vector<16xi32>], vector<16xf32>,
              } {sc.loop_unroll_factor = 8 : i64, sc.parallel_access}
              %mul3A_294 = arith.constant 16 : i32
              %mul3A_295 = arith.muli %scan3A_211, %mul3A_294 : i32
              %add3A_296 = arith.constant 5 : i32
              %add3A_297 = arith.addi %mul3A_295, %add3A_296 : i32
              %broadcast_in_dim3A_298 = vector.broadcast %add3A_297 : i32 to vector<16xi32>
              %gather3A_299 = tpu.vector_load_idx %arg7[%broadcast_in_dim3A_298] : memref<32xi32, #tpu.memory_space<vmem>>[vector<16xi32>], vector<16xi32>,
              %mul3A_300 = arith.constant 512 : i32
              %mul3A_301 = vector.broadcast %mul3A_300 : i32 to vector<16xi32>
              %mul3A_302 = arith.muli %gather3A_299, %mul3A_301 : vector<16xi32>
              %add3A_303 = arith.addi %mul3A_302, %iota3A : vector<16xi32>
              %parallel_loop3A_304 = arith.constant 0 : i32
              %parallel_loop3A_305 = arith.constant 512 : i32
              %parallel_loop3A_306 = arith.constant 16 : i32
              scf.for %parallel_loop3A_437 = %parallel_loop3A_304 to %parallel_loop3A_305 step %parallel_loop3A_306  : i32 {
                %parallel_loop3A_438 = arith.constant 16 : i32
                %parallel_loop3A_439 = arith.muli %scan3A_211, %parallel_loop3A_438 : i32
                %parallel_loop3A_440 = arith.constant 5 : i32
                %parallel_loop3A_441 = arith.addi %parallel_loop3A_439, %parallel_loop3A_440 : i32
                %parallel_loop3A_442 = arith.index_cast %parallel_loop3A_441 : i32 to index
                %parallel_loop3A_443 = arith.index_cast %parallel_loop3A_437 : i32 to index
                %parallel_loop3A_444 = tpu.vector_load %arg5[%parallel_loop3A_442, %parallel_loop3A_443] {strides = array<i32>} : memref<32x512xf32, #tpu.memory_space<vmem>>, vector<16xf32>,
                %parallel_loop3A_445 = vector.broadcast %parallel_loop3A_437 : i32 to vector<16xi32>
                %parallel_loop3A_446 = arith.addi %add3A_303, %parallel_loop3A_445 : vector<16xi32>
                tpu.vector_store_idx %arg9[%parallel_loop3A_446], %parallel_loop3A_444 {add = true} : memref<65536xf32, #tpu.memory_space<vmem>>[vector<16xi32>], vector<16xf32>,
              } {sc.loop_unroll_factor = 8 : i64, sc.parallel_access}
              %mul3A_307 = arith.constant 16 : i32
              %mul3A_308 = arith.muli %scan3A_211, %mul3A_307 : i32
              %add3A_309 = arith.constant 6 : i32
              %add3A_310 = arith.addi %mul3A_308, %add3A_309 : i32
              %broadcast_in_dim3A_311 = vector.broadcast %add3A_310 : i32 to vector<16xi32>
              %gather3A_312 = tpu.vector_load_idx %arg7[%broadcast_in_dim3A_311] : memref<32xi32, #tpu.memory_space<vmem>>[vector<16xi32>], vector<16xi32>,
              %mul3A_313 = arith.constant 512 : i32
              %mul3A_314 = vector.broadcast %mul3A_313 : i32 to vector<16xi32>
              %mul3A_315 = arith.muli %gather3A_312, %mul3A_314 : vector<16xi32>
              %add3A_316 = arith.addi %mul3A_315, %iota3A : vector<16xi32>
              %parallel_loop3A_317 = arith.constant 0 : i32
              %parallel_loop3A_318 = arith.constant 512 : i32
              %parallel_loop3A_319 = arith.constant 16 : i32
              scf.for %parallel_loop3A_437 = %parallel_loop3A_317 to %parallel_loop3A_318 step %parallel_loop3A_319  : i32 {
                %parallel_loop3A_438 = arith.constant 16 : i32
                %parallel_loop3A_439 = arith.muli %scan3A_211, %parallel_loop3A_438 : i32
                %parallel_loop3A_440 = arith.constant 6 : i32
                %parallel_loop3A_441 = arith.addi %parallel_loop3A_439, %parallel_loop3A_440 : i32
                %parallel_loop3A_442 = arith.index_cast %parallel_loop3A_441 : i32 to index
                %parallel_loop3A_443 = arith.index_cast %parallel_loop3A_437 : i32 to index
                %parallel_loop3A_444 = tpu.vector_load %arg5[%parallel_loop3A_442, %parallel_loop3A_443] {strides = array<i32>} : memref<32x512xf32, #tpu.memory_space<vmem>>, vector<16xf32>,
                %parallel_loop3A_445 = vector.broadcast %parallel_loop3A_437 : i32 to vector<16xi32>
                %parallel_loop3A_446 = arith.addi %add3A_316, %parallel_loop3A_445 : vector<16xi32>
                tpu.vector_store_idx %arg9[%parallel_loop3A_446], %parallel_loop3A_444 {add = true} : memref<65536xf32, #tpu.memory_space<vmem>>[vector<16xi32>], vector<16xf32>,
              } {sc.loop_unroll_factor = 8 : i64, sc.parallel_access}
              %mul3A_320 = arith.constant 16 : i32
              %mul3A_321 = arith.muli %scan3A_211, %mul3A_320 : i32
              %add3A_322 = arith.constant 7 : i32
              %add3A_323 = arith.addi %mul3A_321, %add3A_322 : i32
              %broadcast_in_dim3A_324 = vector.broadcast %add3A_323 : i32 to vector<16xi32>
              %gather3A_325 = tpu.vector_load_idx %arg7[%broadcast_in_dim3A_324] : memref<32xi32, #tpu.memory_space<vmem>>[vector<16xi32>], vector<16xi32>,
              %mul3A_326 = arith.constant 512 : i32
              %mul3A_327 = vector.broadcast %mul3A_326 : i32 to vector<16xi32>
              %mul3A_328 = arith.muli %gather3A_325, %mul3A_327 : vector<16xi32>
              %add3A_329 = arith.addi %mul3A_328, %iota3A : vector<16xi32>
              %parallel_loop3A_330 = arith.constant 0 : i32
              %parallel_loop3A_331 = arith.constant 512 : i32
              %parallel_loop3A_332 = arith.constant 16 : i32
              scf.for %parallel_loop3A_437 = %parallel_loop3A_330 to %parallel_loop3A_331 step %parallel_loop3A_332  : i32 {
                %parallel_loop3A_438 = arith.constant 16 : i32
                %parallel_loop3A_439 = arith.muli %scan3A_211, %parallel_loop3A_438 : i32
                %parallel_loop3A_440 = arith.constant 7 : i32
                %parallel_loop3A_441 = arith.addi %parallel_loop3A_439, %parallel_loop3A_440 : i32
                %parallel_loop3A_442 = arith.index_cast %parallel_loop3A_441 : i32 to index
                %parallel_loop3A_443 = arith.index_cast %parallel_loop3A_437 : i32 to index
                %parallel_loop3A_444 = tpu.vector_load %arg5[%parallel_loop3A_442, %parallel_loop3A_443] {strides = array<i32>} : memref<32x512xf32, #tpu.memory_space<vmem>>, vector<16xf32>,
                %parallel_loop3A_445 = vector.broadcast %parallel_loop3A_437 : i32 to vector<16xi32>
                %parallel_loop3A_446 = arith.addi %add3A_329, %parallel_loop3A_445 : vector<16xi32>
                tpu.vector_store_idx %arg9[%parallel_loop3A_446], %parallel_loop3A_444 {add = true} : memref<65536xf32, #tpu.memory_space<vmem>>[vector<16xi32>], vector<16xf32>,
              } {sc.loop_unroll_factor = 8 : i64, sc.parallel_access}
              %mul3A_333 = arith.constant 16 : i32
              %mul3A_334 = arith.muli %scan3A_211, %mul3A_333 : i32
              %add3A_335 = arith.constant 8 : i32
              %add3A_336 = arith.addi %mul3A_334, %add3A_335 : i32
              %broadcast_in_dim3A_337 = vector.broadcast %add3A_336 : i32 to vector<16xi32>
              %gather3A_338 = tpu.vector_load_idx %arg7[%broadcast_in_dim3A_337] : memref<32xi32, #tpu.memory_space<vmem>>[vector<16xi32>], vector<16xi32>,
              %mul3A_339 = arith.constant 512 : i32
              %mul3A_340 = vector.broadcast %mul3A_339 : i32 to vector<16xi32>
              %mul3A_341 = arith.muli %gather3A_338, %mul3A_340 : vector<16xi32>
              %add3A_342 = arith.addi %mul3A_341, %iota3A : vector<16xi32>
              %parallel_loop3A_343 = arith.constant 0 : i32
              %parallel_loop3A_344 = arith.constant 512 : i32
              %parallel_loop3A_345 = arith.constant 16 : i32
              scf.for %parallel_loop3A_437 = %parallel_loop3A_343 to %parallel_loop3A_344 step %parallel_loop3A_345  : i32 {
                %parallel_loop3A_438 = arith.constant 16 : i32
                %parallel_loop3A_439 = arith.muli %scan3A_211, %parallel_loop3A_438 : i32
                %parallel_loop3A_440 = arith.constant 8 : i32
                %parallel_loop3A_441 = arith.addi %parallel_loop3A_439, %parallel_loop3A_440 : i32
                %parallel_loop3A_442 = arith.index_cast %parallel_loop3A_441 : i32 to index
                %parallel_loop3A_443 = arith.index_cast %parallel_loop3A_437 : i32 to index
                %parallel_loop3A_444 = tpu.vector_load %arg5[%parallel_loop3A_442, %parallel_loop3A_443] {strides = array<i32>} : memref<32x512xf32, #tpu.memory_space<vmem>>, vector<16xf32>,
                %parallel_loop3A_445 = vector.broadcast %parallel_loop3A_437 : i32 to vector<16xi32>
                %parallel_loop3A_446 = arith.addi %add3A_342, %parallel_loop3A_445 : vector<16xi32>
                tpu.vector_store_idx %arg9[%parallel_loop3A_446], %parallel_loop3A_444 {add = true} : memref<65536xf32, #tpu.memory_space<vmem>>[vector<16xi32>], vector<16xf32>,
              } {sc.loop_unroll_factor = 8 : i64, sc.parallel_access}
              %mul3A_346 = arith.constant 16 : i32
              %mul3A_347 = arith.muli %scan3A_211, %mul3A_346 : i32
              %add3A_348 = arith.constant 9 : i32
              %add3A_349 = arith.addi %mul3A_347, %add3A_348 : i32
              %broadcast_in_dim3A_350 = vector.broadcast %add3A_349 : i32 to vector<16xi32>
              %gather3A_351 = tpu.vector_load_idx %arg7[%broadcast_in_dim3A_350] : memref<32xi32, #tpu.memory_space<vmem>>[vector<16xi32>], vector<16xi32>,
              %mul3A_352 = arith.constant 512 : i32
              %mul3A_353 = vector.broadcast %mul3A_352 : i32 to vector<16xi32>
              %mul3A_354 = arith.muli %gather3A_351, %mul3A_353 : vector<16xi32>
              %add3A_355 = arith.addi %mul3A_354, %iota3A : vector<16xi32>
              %parallel_loop3A_356 = arith.constant 0 : i32
              %parallel_loop3A_357 = arith.constant 512 : i32
              %parallel_loop3A_358 = arith.constant 16 : i32
              scf.for %parallel_loop3A_437 = %parallel_loop3A_356 to %parallel_loop3A_357 step %parallel_loop3A_358  : i32 {
                %parallel_loop3A_438 = arith.constant 16 : i32
                %parallel_loop3A_439 = arith.muli %scan3A_211, %parallel_loop3A_438 : i32
                %parallel_loop3A_440 = arith.constant 9 : i32
                %parallel_loop3A_441 = arith.addi %parallel_loop3A_439, %parallel_loop3A_440 : i32
                %parallel_loop3A_442 = arith.index_cast %parallel_loop3A_441 : i32 to index
                %parallel_loop3A_443 = arith.index_cast %parallel_loop3A_437 : i32 to index
                %parallel_loop3A_444 = tpu.vector_load %arg5[%parallel_loop3A_442, %parallel_loop3A_443] {strides = array<i32>} : memref<32x512xf32, #tpu.memory_space<vmem>>, vector<16xf32>,
                %parallel_loop3A_445 = vector.broadcast %parallel_loop3A_437 : i32 to vector<16xi32>
                %parallel_loop3A_446 = arith.addi %add3A_355, %parallel_loop3A_445 : vector<16xi32>
                tpu.vector_store_idx %arg9[%parallel_loop3A_446], %parallel_loop3A_444 {add = true} : memref<65536xf32, #tpu.memory_space<vmem>>[vector<16xi32>], vector<16xf32>,
              } {sc.loop_unroll_factor = 8 : i64, sc.parallel_access}
              %mul3A_359 = arith.constant 16 : i32
              %mul3A_360 = arith.muli %scan3A_211, %mul3A_359 : i32
              %add3A_361 = arith.constant 10 : i32
              %add3A_362 = arith.addi %mul3A_360, %add3A_361 : i32
              %broadcast_in_dim3A_363 = vector.broadcast %add3A_362 : i32 to vector<16xi32>
              %gather3A_364 = tpu.vector_load_idx %arg7[%broadcast_in_dim3A_363] : memref<32xi32, #tpu.memory_space<vmem>>[vector<16xi32>], vector<16xi32>,
              %mul3A_365 = arith.constant 512 : i32
              %mul3A_366 = vector.broadcast %mul3A_365 : i32 to vector<16xi32>
              %mul3A_367 = arith.muli %gather3A_364, %mul3A_366 : vector<16xi32>
              %add3A_368 = arith.addi %mul3A_367, %iota3A : vector<16xi32>
              %parallel_loop3A_369 = arith.constant 0 : i32
              %parallel_loop3A_370 = arith.constant 512 : i32
              %parallel_loop3A_371 = arith.constant 16 : i32
              scf.for %parallel_loop3A_437 = %parallel_loop3A_369 to %parallel_loop3A_370 step %parallel_loop3A_371  : i32 {
                %parallel_loop3A_438 = arith.constant 16 : i32
                %parallel_loop3A_439 = arith.muli %scan3A_211, %parallel_loop3A_438 : i32
                %parallel_loop3A_440 = arith.constant 10 : i32
                %parallel_loop3A_441 = arith.addi %parallel_loop3A_439, %parallel_loop3A_440 : i32
                %parallel_loop3A_442 = arith.index_cast %parallel_loop3A_441 : i32 to index
                %parallel_loop3A_443 = arith.index_cast %parallel_loop3A_437 : i32 to index
                %parallel_loop3A_444 = tpu.vector_load %arg5[%parallel_loop3A_442, %parallel_loop3A_443] {strides = array<i32>} : memref<32x512xf32, #tpu.memory_space<vmem>>, vector<16xf32>,
                %parallel_loop3A_445 = vector.broadcast %parallel_loop3A_437 : i32 to vector<16xi32>
                %parallel_loop3A_446 = arith.addi %add3A_368, %parallel_loop3A_445 : vector<16xi32>
                tpu.vector_store_idx %arg9[%parallel_loop3A_446], %parallel_loop3A_444 {add = true} : memref<65536xf32, #tpu.memory_space<vmem>>[vector<16xi32>], vector<16xf32>,
              } {sc.loop_unroll_factor = 8 : i64, sc.parallel_access}
              %mul3A_372 = arith.constant 16 : i32
              %mul3A_373 = arith.muli %scan3A_211, %mul3A_372 : i32
              %add3A_374 = arith.constant 11 : i32
              %add3A_375 = arith.addi %mul3A_373, %add3A_374 : i32
              %broadcast_in_dim3A_376 = vector.broadcast %add3A_375 : i32 to vector<16xi32>
              %gather3A_377 = tpu.vector_load_idx %arg7[%broadcast_in_dim3A_376] : memref<32xi32, #tpu.memory_space<vmem>>[vector<16xi32>], vector<16xi32>,
              %mul3A_378 = arith.constant 512 : i32
              %mul3A_379 = vector.broadcast %mul3A_378 : i32 to vector<16xi32>
              %mul3A_380 = arith.muli %gather3A_377, %mul3A_379 : vector<16xi32>
              %add3A_381 = arith.addi %mul3A_380, %iota3A : vector<16xi32>
              %parallel_loop3A_382 = arith.constant 0 : i32
              %parallel_loop3A_383 = arith.constant 512 : i32
              %parallel_loop3A_384 = arith.constant 16 : i32
              scf.for %parallel_loop3A_437 = %parallel_loop3A_382 to %parallel_loop3A_383 step %parallel_loop3A_384  : i32 {
                %parallel_loop3A_438 = arith.constant 16 : i32
                %parallel_loop3A_439 = arith.muli %scan3A_211, %parallel_loop3A_438 : i32
                %parallel_loop3A_440 = arith.constant 11 : i32
                %parallel_loop3A_441 = arith.addi %parallel_loop3A_439, %parallel_loop3A_440 : i32
                %parallel_loop3A_442 = arith.index_cast %parallel_loop3A_441 : i32 to index
                %parallel_loop3A_443 = arith.index_cast %parallel_loop3A_437 : i32 to index
                %parallel_loop3A_444 = tpu.vector_load %arg5[%parallel_loop3A_442, %parallel_loop3A_443] {strides = array<i32>} : memref<32x512xf32, #tpu.memory_space<vmem>>, vector<16xf32>,
                %parallel_loop3A_445 = vector.broadcast %parallel_loop3A_437 : i32 to vector<16xi32>
                %parallel_loop3A_446 = arith.addi %add3A_381, %parallel_loop3A_445 : vector<16xi32>
                tpu.vector_store_idx %arg9[%parallel_loop3A_446], %parallel_loop3A_444 {add = true} : memref<65536xf32, #tpu.memory_space<vmem>>[vector<16xi32>], vector<16xf32>,
              } {sc.loop_unroll_factor = 8 : i64, sc.parallel_access}
              %mul3A_385 = arith.constant 16 : i32
              %mul3A_386 = arith.muli %scan3A_211, %mul3A_385 : i32
              %add3A_387 = arith.constant 12 : i32
              %add3A_388 = arith.addi %mul3A_386, %add3A_387 : i32
              %broadcast_in_dim3A_389 = vector.broadcast %add3A_388 : i32 to vector<16xi32>
              %gather3A_390 = tpu.vector_load_idx %arg7[%broadcast_in_dim3A_389] : memref<32xi32, #tpu.memory_space<vmem>>[vector<16xi32>], vector<16xi32>,
              %mul3A_391 = arith.constant 512 : i32
              %mul3A_392 = vector.broadcast %mul3A_391 : i32 to vector<16xi32>
              %mul3A_393 = arith.muli %gather3A_390, %mul3A_392 : vector<16xi32>
              %add3A_394 = arith.addi %mul3A_393, %iota3A : vector<16xi32>
              %parallel_loop3A_395 = arith.constant 0 : i32
              %parallel_loop3A_396 = arith.constant 512 : i32
              %parallel_loop3A_397 = arith.constant 16 : i32
              scf.for %parallel_loop3A_437 = %parallel_loop3A_395 to %parallel_loop3A_396 step %parallel_loop3A_397  : i32 {
                %parallel_loop3A_438 = arith.constant 16 : i32
                %parallel_loop3A_439 = arith.muli %scan3A_211, %parallel_loop3A_438 : i32
                %parallel_loop3A_440 = arith.constant 12 : i32
                %parallel_loop3A_441 = arith.addi %parallel_loop3A_439, %parallel_loop3A_440 : i32
                %parallel_loop3A_442 = arith.index_cast %parallel_loop3A_441 : i32 to index
                %parallel_loop3A_443 = arith.index_cast %parallel_loop3A_437 : i32 to index
                %parallel_loop3A_444 = tpu.vector_load %arg5[%parallel_loop3A_442, %parallel_loop3A_443] {strides = array<i32>} : memref<32x512xf32, #tpu.memory_space<vmem>>, vector<16xf32>,
                %parallel_loop3A_445 = vector.broadcast %parallel_loop3A_437 : i32 to vector<16xi32>
                %parallel_loop3A_446 = arith.addi %add3A_394, %parallel_loop3A_445 : vector<16xi32>
                tpu.vector_store_idx %arg9[%parallel_loop3A_446], %parallel_loop3A_444 {add = true} : memref<65536xf32, #tpu.memory_space<vmem>>[vector<16xi32>], vector<16xf32>,
              } {sc.loop_unroll_factor = 8 : i64, sc.parallel_access}
              %mul3A_398 = arith.constant 16 : i32
              %mul3A_399 = arith.muli %scan3A_211, %mul3A_398 : i32
              %add3A_400 = arith.constant 13 : i32
              %add3A_401 = arith.addi %mul3A_399, %add3A_400 : i32
              %broadcast_in_dim3A_402 = vector.broadcast %add3A_401 : i32 to vector<16xi32>
              %gather3A_403 = tpu.vector_load_idx %arg7[%broadcast_in_dim3A_402] : memref<32xi32, #tpu.memory_space<vmem>>[vector<16xi32>], vector<16xi32>,
              %mul3A_404 = arith.constant 512 : i32
              %mul3A_405 = vector.broadcast %mul3A_404 : i32 to vector<16xi32>
              %mul3A_406 = arith.muli %gather3A_403, %mul3A_405 : vector<16xi32>
              %add3A_407 = arith.addi %mul3A_406, %iota3A : vector<16xi32>
              %parallel_loop3A_408 = arith.constant 0 : i32
              %parallel_loop3A_409 = arith.constant 512 : i32
              %parallel_loop3A_410 = arith.constant 16 : i32
              scf.for %parallel_loop3A_437 = %parallel_loop3A_408 to %parallel_loop3A_409 step %parallel_loop3A_410  : i32 {
                %parallel_loop3A_438 = arith.constant 16 : i32
                %parallel_loop3A_439 = arith.muli %scan3A_211, %parallel_loop3A_438 : i32
                %parallel_loop3A_440 = arith.constant 13 : i32
                %parallel_loop3A_441 = arith.addi %parallel_loop3A_439, %parallel_loop3A_440 : i32
                %parallel_loop3A_442 = arith.index_cast %parallel_loop3A_441 : i32 to index
                %parallel_loop3A_443 = arith.index_cast %parallel_loop3A_437 : i32 to index
                %parallel_loop3A_444 = tpu.vector_load %arg5[%parallel_loop3A_442, %parallel_loop3A_443] {strides = array<i32>} : memref<32x512xf32, #tpu.memory_space<vmem>>, vector<16xf32>,
                %parallel_loop3A_445 = vector.broadcast %parallel_loop3A_437 : i32 to vector<16xi32>
                %parallel_loop3A_446 = arith.addi %add3A_407, %parallel_loop3A_445 : vector<16xi32>
                tpu.vector_store_idx %arg9[%parallel_loop3A_446], %parallel_loop3A_444 {add = true} : memref<65536xf32, #tpu.memory_space<vmem>>[vector<16xi32>], vector<16xf32>,
              } {sc.loop_unroll_factor = 8 : i64, sc.parallel_access}
              %mul3A_411 = arith.constant 16 : i32
              %mul3A_412 = arith.muli %scan3A_211, %mul3A_411 : i32
              %add3A_413 = arith.constant 14 : i32
              %add3A_414 = arith.addi %mul3A_412, %add3A_413 : i32
              %broadcast_in_dim3A_415 = vector.broadcast %add3A_414 : i32 to vector<16xi32>
              %gather3A_416 = tpu.vector_load_idx %arg7[%broadcast_in_dim3A_415] : memref<32xi32, #tpu.memory_space<vmem>>[vector<16xi32>], vector<16xi32>,
              %mul3A_417 = arith.constant 512 : i32
              %mul3A_418 = vector.broadcast %mul3A_417 : i32 to vector<16xi32>
              %mul3A_419 = arith.muli %gather3A_416, %mul3A_418 : vector<16xi32>
              %add3A_420 = arith.addi %mul3A_419, %iota3A : vector<16xi32>
              %parallel_loop3A_421 = arith.constant 0 : i32
              %parallel_loop3A_422 = arith.constant 512 : i32
              %parallel_loop3A_423 = arith.constant 16 : i32
              scf.for %parallel_loop3A_437 = %parallel_loop3A_421 to %parallel_loop3A_422 step %parallel_loop3A_423  : i32 {
                %parallel_loop3A_438 = arith.constant 16 : i32
                %parallel_loop3A_439 = arith.muli %scan3A_211, %parallel_loop3A_438 : i32
                %parallel_loop3A_440 = arith.constant 14 : i32
                %parallel_loop3A_441 = arith.addi %parallel_loop3A_439, %parallel_loop3A_440 : i32
                %parallel_loop3A_442 = arith.index_cast %parallel_loop3A_441 : i32 to index
                %parallel_loop3A_443 = arith.index_cast %parallel_loop3A_437 : i32 to index
                %parallel_loop3A_444 = tpu.vector_load %arg5[%parallel_loop3A_442, %parallel_loop3A_443] {strides = array<i32>} : memref<32x512xf32, #tpu.memory_space<vmem>>, vector<16xf32>,
                %parallel_loop3A_445 = vector.broadcast %parallel_loop3A_437 : i32 to vector<16xi32>
                %parallel_loop3A_446 = arith.addi %add3A_420, %parallel_loop3A_445 : vector<16xi32>
                tpu.vector_store_idx %arg9[%parallel_loop3A_446], %parallel_loop3A_444 {add = true} : memref<65536xf32, #tpu.memory_space<vmem>>[vector<16xi32>], vector<16xf32>,
              } {sc.loop_unroll_factor = 8 : i64, sc.parallel_access}
              %mul3A_424 = arith.constant 16 : i32
              %mul3A_425 = arith.muli %scan3A_211, %mul3A_424 : i32
              %add3A_426 = arith.constant 15 : i32
              %add3A_427 = arith.addi %mul3A_425, %add3A_426 : i32
              %broadcast_in_dim3A_428 = vector.broadcast %add3A_427 : i32 to vector<16xi32>
              %gather3A_429 = tpu.vector_load_idx %arg7[%broadcast_in_dim3A_428] : memref<32xi32, #tpu.memory_space<vmem>>[vector<16xi32>], vector<16xi32>,
              %mul3A_430 = arith.constant 512 : i32
              %mul3A_431 = vector.broadcast %mul3A_430 : i32 to vector<16xi32>
              %mul3A_432 = arith.muli %gather3A_429, %mul3A_431 : vector<16xi32>
              %add3A_433 = arith.addi %mul3A_432, %iota3A : vector<16xi32>
              %parallel_loop3A_434 = arith.constant 0 : i32
              %parallel_loop3A_435 = arith.constant 512 : i32
              %parallel_loop3A_436 = arith.constant 16 : i32
              scf.for %parallel_loop3A_437 = %parallel_loop3A_434 to %parallel_loop3A_435 step %parallel_loop3A_436  : i32 {
                %parallel_loop3A_438 = arith.constant 16 : i32
                %parallel_loop3A_439 = arith.muli %scan3A_211, %parallel_loop3A_438 : i32
                %parallel_loop3A_440 = arith.constant 15 : i32
                %parallel_loop3A_441 = arith.addi %parallel_loop3A_439, %parallel_loop3A_440 : i32
                %parallel_loop3A_442 = arith.index_cast %parallel_loop3A_441 : i32 to index
                %parallel_loop3A_443 = arith.index_cast %parallel_loop3A_437 : i32 to index
                %parallel_loop3A_444 = tpu.vector_load %arg5[%parallel_loop3A_442, %parallel_loop3A_443] {strides = array<i32>} : memref<32x512xf32, #tpu.memory_space<vmem>>, vector<16xf32>,
                %parallel_loop3A_445 = vector.broadcast %parallel_loop3A_437 : i32 to vector<16xi32>
                %parallel_loop3A_446 = arith.addi %add3A_433, %parallel_loop3A_445 : vector<16xi32>
                tpu.vector_store_idx %arg9[%parallel_loop3A_446], %parallel_loop3A_444 {add = true} : memref<65536xf32, #tpu.memory_space<vmem>>[vector<16xi32>], vector<16xf32>,
              } {sc.loop_unroll_factor = 8 : i64, sc.parallel_access}
            } else {
            }
          } else {
          }
        }
        %scan3A_210 = arith.constant 2 : i32
      } else {
      }
      %mul3A_150 = arith.constant 2 : i32
      %mul3A_151 = arith.muli %mul3A_150, %scan3A_102 : i32
      %add3A_152 = arith.constant 1 : i32
      %add3A_153 = arith.addi %mul3A_151, %add3A_152 : i32
      %mul3A_154 = arith.constant 32 : i32
      %mul3A_155 = arith.muli %add3A_153, %mul3A_154 : i32
      %add3A_156 = arith.addi %add3A, %mul3A_155 : i32
      %min3A_157 = arith.constant 374 : i32
      %min3A_158 = arith.minsi %add3A_156, %min3A_157 : i32
      %mul3A_159 = arith.constant 32 : i32
      %mul3A_160 = arith.muli %min3A_158, %mul3A_159 : i32
      %min3A_161 = arith.constant 11968 : i32
      %min3A_162 = arith.minsi %mul3A_160, %min3A_161 : i32
      %dma_wait3A_163 = arith.constant 0 : i32
      %dma_wait3A_164 = tpu.memref_slice %arg2[%min3A_162, %dma_wait3A_163] : memref<50000x512xf32, #tpu.memory_space<hbm>> -> memref<32x512xf32, #tpu.memory_space<hbm>>
      %dma_wait3A_165 = arith.constant 0 : i32
      %dma_wait3A_166 = tpu.memref_slice %arg2[%min3A_162, %dma_wait3A_165] : memref<50000x512xf32, #tpu.memory_space<hbm>> -> memref<32x512xf32, #tpu.memory_space<hbm>>
      tpu.wait_dma2 semaphore(%arg15 : memref<!tpu.dma_semaphore, #tpu.memory_space<semaphore_mem>>) src(%dma_wait3A_166 : memref<32x512xf32, #tpu.memory_space<hbm>>) dst(%arg6 : memref<32x512xf32, #tpu.memory_space<vmem>>)
      %dma_wait3A_167 = tpu.memref_slice %arg3[%min3A_162] : memref<50000xi32, #tpu.memory_space<hbm>> -> memref<32xi32, #tpu.memory_space<hbm>>
      %dma_wait3A_168 = tpu.memref_slice %arg3[%min3A_162] : memref<50000xi32, #tpu.memory_space<hbm>> -> memref<32xi32, #tpu.memory_space<hbm>>
      tpu.wait_dma2 semaphore(%arg17 : memref<!tpu.dma_semaphore, #tpu.memory_space<semaphore_mem>>) src(%dma_wait3A_168 : memref<32xi32, #tpu.memory_space<hbm>>) dst(%arg8 : memref<32xi32, #tpu.memory_space<vmem>>)
      %add3A_169 = arith.constant 1 : i32
      %add3A_170 = arith.addi %add3A_153, %add3A_169 : i32
      %mul3A_171 = arith.constant 32 : i32
      %mul3A_172 = arith.muli %add3A_170, %mul3A_171 : i32
      %add3A_173 = arith.addi %add3A, %mul3A_172 : i32
      %min3A_174 = arith.constant 374 : i32
      %min3A_175 = arith.minsi %add3A_173, %min3A_174 : i32
      %mul3A_176 = arith.constant 32 : i32
      %mul3A_177 = arith.muli %min3A_175, %mul3A_176 : i32
      %min3A_178 = arith.constant 11968 : i32
      %min3A_179 = arith.minsi %mul3A_177, %min3A_178 : i32
      %dma_start3A_180 = arith.constant 0 : i32
      %dma_start3A_181 = tpu.memref_slice %arg2[%min3A_179, %dma_start3A_180] : memref<50000x512xf32, #tpu.memory_space<hbm>> -> memref<32x512xf32, #tpu.memory_space<hbm>>
      %dma_start3A_182 = arith.constant 0 : i32
      %dma_start3A_183 = tpu.memref_slice %arg2[%min3A_179, %dma_start3A_182] : memref<50000x512xf32, #tpu.memory_space<hbm>> -> memref<32x512xf32, #tpu.memory_space<hbm>>
      tpu.enqueue_dma source(%dma_start3A_183 : memref<32x512xf32, #tpu.memory_space<hbm>>) target(%arg5 : memref<32x512xf32, #tpu.memory_space<vmem>>) target_semaphore(%arg14 : memref<!tpu.dma_semaphore, #tpu.memory_space<semaphore_mem>>)
      %dma_start3A_184 = tpu.memref_slice %arg3[%min3A_179] : memref<50000xi32, #tpu.memory_space<hbm>> -> memref<32xi32, #tpu.memory_space<hbm>>
      %dma_start3A_185 = tpu.memref_slice %arg3[%min3A_179] : memref<50000xi32, #tpu.memory_space<hbm>> -> memref<32xi32, #tpu.memory_space<hbm>>
      tpu.enqueue_dma source(%dma_start3A_185 : memref<32xi32, #tpu.memory_space<hbm>>) target(%arg7 : memref<32xi32, #tpu.memory_space<vmem>>) target_semaphore(%arg16 : memref<!tpu.dma_semaphore, #tpu.memory_space<semaphore_mem>>)
      %mul3A_186 = arith.constant 32 : i32
      %mul3A_187 = arith.muli %add3A_153, %mul3A_186 : i32
      %add3A_188 = arith.addi %add3A, %mul3A_187 : i32
      %min3A_189 = arith.constant 374 : i32
      %min3A_190 = arith.minsi %add3A_188, %min3A_189 : i32
      %mul3A_191 = arith.constant 32 : i32
      %mul3A_192 = arith.muli %min3A_190, %mul3A_191 : i32
      %min3A_193 = arith.constant 11968 : i32
      %min3A_194 = arith.minsi %mul3A_192, %min3A_193 : i32
      %lt3A_195 = arith.constant 375 : i32
      %lt3A_196 = arith.cmpi slt, %add3A_188, %lt3A_195 : i32
      %convert_element_type3A_197 = arith.extui %lt3A_196 : i1 to i32
      %cond3A_198 = arith.constant 0 : i32
      %cond3A_199 = arith.cmpi ne, %convert_element_type3A_197, %cond3A_198 : i32
      scf.if %cond3A_199 {
        %min3A_200 = arith.constant 374 : i32
        %min3A_201 = arith.minsi %add3A_188, %min3A_200 : i32
        %mul3A_202 = arith.constant 32 : i32
        %mul3A_203 = arith.muli %min3A_201, %mul3A_202 : i32
        %sub3A_204 = arith.subi %mul3A_203, %min3A_194 : i32
        %scan3A_205 = arith.constant 0 : i32
        %scan3A_206 = arith.constant 0 : i32
        %scan3A_207 = arith.constant 2 : i32
        %scan3A_208 = arith.addi %scan3A_206, %scan3A_207 : i32
        %scan3A_209 = arith.constant 1 : i32
        scf.for %scan3A_211 = %scan3A_206 to %scan3A_208 step %scan3A_209  : i32 {
          %mul3A_212 = arith.constant 16 : i32
          %mul3A_213 = arith.muli %scan3A_211, %mul3A_212 : i32
          %ge3A = arith.cmpi sge, %mul3A_213, %sub3A_204 : i32
          %convert_element_type3A_214 = arith.extui %ge3A : i1 to i32
          %cond3A_215 = arith.constant 0 : i32
          %cond3A_216 = arith.cmpi ne, %convert_element_type3A_214, %cond3A_215 : i32
          scf.if %cond3A_216 {
            %mul3A_217 = arith.constant 16 : i32
            %mul3A_218 = arith.muli %scan3A_211, %mul3A_217 : i32
            %get3A_219 = arith.index_cast %mul3A_218 : i32 to index
            %get3A_220 = tpu.vector_load %arg8[%get3A_219] {strides = array<i32>} : memref<32xi32, #tpu.memory_space<vmem>>, vector<16xi32>,
            %slice3A_221 = vector.extract_strided_slice %get3A_220 {offsets = [0], sizes = [1], strides = [1]} : vector<16xi32> to vector<1xi32>
            %squeeze3A_222 = vector.extract %slice3A_221[0] : i32 from vector<1xi32>
            %slice3A_223 = vector.extract_strided_slice %get3A_220 {offsets = [15], sizes = [1], strides = [1]} : vector<16xi32> to vector<1xi32>
            %squeeze3A_224 = vector.extract %slice3A_223[0] : i32 from vector<1xi32>
            %eq3A = arith.cmpi eq, %squeeze3A_222, %squeeze3A_224 : i32
            %convert_element_type3A_225 = arith.extui %eq3A : i1 to i32
            %cond3A_226 = arith.constant 0 : i32
            %cond3A_227 = arith.cmpi ne, %convert_element_type3A_225, %cond3A_226 : i32
            scf.if %cond3A_227 {
              %mul3A_232 = arith.constant 16 : i32
              %mul3A_233 = arith.muli %scan3A_211, %mul3A_232 : i32
              %broadcast_in_dim3A = vector.broadcast %mul3A_233 : i32 to vector<16xi32>
              %gather3A = tpu.vector_load_idx %arg8[%broadcast_in_dim3A] : memref<32xi32, #tpu.memory_space<vmem>>[vector<16xi32>], vector<16xi32>,
              %mul3A_234 = arith.constant 512 : i32
              %mul3A_235 = vector.broadcast %mul3A_234 : i32 to vector<16xi32>
              %mul3A_236 = arith.muli %gather3A, %mul3A_235 : vector<16xi32>
              %add3A_237 = arith.addi %mul3A_236, %iota3A : vector<16xi32>
              %parallel_loop3A = arith.constant 0 : i32
              %parallel_loop3A_238 = arith.constant 512 : i32
              %parallel_loop3A_239 = arith.constant 16 : i32
              scf.for %parallel_loop3A_240 = %parallel_loop3A to %parallel_loop3A_238 step %parallel_loop3A_239  : i32 {
                %parallel_loop3A_241 = arith.constant 16 : i32
                %parallel_loop3A_242 = arith.muli %scan3A_211, %parallel_loop3A_241 : i32
                %parallel_loop3A_243 = arith.constant 0 : i32
                %parallel_loop3A_244 = arith.addi %parallel_loop3A_242, %parallel_loop3A_243 : i32
                %parallel_loop3A_245 = arith.index_cast %parallel_loop3A_244 : i32 to index
                %parallel_loop3A_246 = arith.index_cast %parallel_loop3A_240 : i32 to index
                %parallel_loop3A_247 = tpu.vector_load %arg6[%parallel_loop3A_245, %parallel_loop3A_246] {strides = array<i32>} : memref<32x512xf32, #tpu.memory_space<vmem>>, vector<16xf32>,
                %parallel_loop3A_248 = arith.constant 16 : i32
                %parallel_loop3A_249 = arith.muli %scan3A_211, %parallel_loop3A_248 : i32
                %parallel_loop3A_250 = arith.constant 1 : i32
                %parallel_loop3A_251 = arith.addi %parallel_loop3A_249, %parallel_loop3A_250 : i32
                %parallel_loop3A_252 = arith.index_cast %parallel_loop3A_251 : i32 to index
                %parallel_loop3A_253 = arith.index_cast %parallel_loop3A_240 : i32 to index
                %parallel_loop3A_254 = tpu.vector_load %arg6[%parallel_loop3A_252, %parallel_loop3A_253] {strides = array<i32>} : memref<32x512xf32, #tpu.memory_space<vmem>>, vector<16xf32>,
                %parallel_loop3A_255 = arith.constant 16 : i32
                %parallel_loop3A_256 = arith.muli %scan3A_211, %parallel_loop3A_255 : i32
                %parallel_loop3A_257 = arith.constant 2 : i32
                %parallel_loop3A_258 = arith.addi %parallel_loop3A_256, %parallel_loop3A_257 : i32
                %parallel_loop3A_259 = arith.index_cast %parallel_loop3A_258 : i32 to index
                %parallel_loop3A_260 = arith.index_cast %parallel_loop3A_240 : i32 to index
                %parallel_loop3A_261 = tpu.vector_load %arg6[%parallel_loop3A_259, %parallel_loop3A_260] {strides = array<i32>} : memref<32x512xf32, #tpu.memory_space<vmem>>, vector<16xf32>,
                %parallel_loop3A_262 = arith.constant 16 : i32
                %parallel_loop3A_263 = arith.muli %scan3A_211, %parallel_loop3A_262 : i32
                %parallel_loop3A_264 = arith.constant 3 : i32
                %parallel_loop3A_265 = arith.addi %parallel_loop3A_263, %parallel_loop3A_264 : i32
                %parallel_loop3A_266 = arith.index_cast %parallel_loop3A_265 : i32 to index
                %parallel_loop3A_267 = arith.index_cast %parallel_loop3A_240 : i32 to index
                %parallel_loop3A_268 = tpu.vector_load %arg6[%parallel_loop3A_266, %parallel_loop3A_267] {strides = array<i32>} : memref<32x512xf32, #tpu.memory_space<vmem>>, vector<16xf32>,
                %parallel_loop3A_269 = arith.constant 16 : i32
                %parallel_loop3A_270 = arith.muli %scan3A_211, %parallel_loop3A_269 : i32
                %parallel_loop3A_271 = arith.constant 4 : i32
                %parallel_loop3A_272 = arith.addi %parallel_loop3A_270, %parallel_loop3A_271 : i32
                %parallel_loop3A_273 = arith.index_cast %parallel_loop3A_272 : i32 to index
                %parallel_loop3A_274 = arith.index_cast %parallel_loop3A_240 : i32 to index
                %parallel_loop3A_275 = tpu.vector_load %arg6[%parallel_loop3A_273, %parallel_loop3A_274] {strides = array<i32>} : memref<32x512xf32, #tpu.memory_space<vmem>>, vector<16xf32>,
                %parallel_loop3A_276 = arith.constant 16 : i32
                %parallel_loop3A_277 = arith.muli %scan3A_211, %parallel_loop3A_276 : i32
                %parallel_loop3A_278 = arith.constant 5 : i32
                %parallel_loop3A_279 = arith.addi %parallel_loop3A_277, %parallel_loop3A_278 : i32
                %parallel_loop3A_280 = arith.index_cast %parallel_loop3A_279 : i32 to index
                %parallel_loop3A_281 = arith.index_cast %parallel_loop3A_240 : i32 to index
                %parallel_loop3A_282 = tpu.vector_load %arg6[%parallel_loop3A_280, %parallel_loop3A_281] {strides = array<i32>} : memref<32x512xf32, #tpu.memory_space<vmem>>, vector<16xf32>,
                %parallel_loop3A_283 = arith.constant 16 : i32
                %parallel_loop3A_284 = arith.muli %scan3A_211, %parallel_loop3A_283 : i32
                %parallel_loop3A_285 = arith.constant 6 : i32
                %parallel_loop3A_286 = arith.addi %parallel_loop3A_284, %parallel_loop3A_285 : i32
                %parallel_loop3A_287 = arith.index_cast %parallel_loop3A_286 : i32 to index
                %parallel_loop3A_288 = arith.index_cast %parallel_loop3A_240 : i32 to index
                %parallel_loop3A_289 = tpu.vector_load %arg6[%parallel_loop3A_287, %parallel_loop3A_288] {strides = array<i32>} : memref<32x512xf32, #tpu.memory_space<vmem>>, vector<16xf32>,
                %parallel_loop3A_290 = arith.constant 16 : i32
                %parallel_loop3A_291 = arith.muli %scan3A_211, %parallel_loop3A_290 : i32
                %parallel_loop3A_292 = arith.constant 7 : i32
                %parallel_loop3A_293 = arith.addi %parallel_loop3A_291, %parallel_loop3A_292 : i32
                %parallel_loop3A_294 = arith.index_cast %parallel_loop3A_293 : i32 to index
                %parallel_loop3A_295 = arith.index_cast %parallel_loop3A_240 : i32 to index
                %parallel_loop3A_296 = tpu.vector_load %arg6[%parallel_loop3A_294, %parallel_loop3A_295] {strides = array<i32>} : memref<32x512xf32, #tpu.memory_space<vmem>>, vector<16xf32>,
                %parallel_loop3A_297 = arith.constant 16 : i32
                %parallel_loop3A_298 = arith.muli %scan3A_211, %parallel_loop3A_297 : i32
                %parallel_loop3A_299 = arith.constant 8 : i32
                %parallel_loop3A_300 = arith.addi %parallel_loop3A_298, %parallel_loop3A_299 : i32
                %parallel_loop3A_301 = arith.index_cast %parallel_loop3A_300 : i32 to index
                %parallel_loop3A_302 = arith.index_cast %parallel_loop3A_240 : i32 to index
                %parallel_loop3A_303 = tpu.vector_load %arg6[%parallel_loop3A_301, %parallel_loop3A_302] {strides = array<i32>} : memref<32x512xf32, #tpu.memory_space<vmem>>, vector<16xf32>,
                %parallel_loop3A_304 = arith.constant 16 : i32
                %parallel_loop3A_305 = arith.muli %scan3A_211, %parallel_loop3A_304 : i32
                %parallel_loop3A_306 = arith.constant 9 : i32
                %parallel_loop3A_307 = arith.addi %parallel_loop3A_305, %parallel_loop3A_306 : i32
                %parallel_loop3A_308 = arith.index_cast %parallel_loop3A_307 : i32 to index
                %parallel_loop3A_309 = arith.index_cast %parallel_loop3A_240 : i32 to index
                %parallel_loop3A_310 = tpu.vector_load %arg6[%parallel_loop3A_308, %parallel_loop3A_309] {strides = array<i32>} : memref<32x512xf32, #tpu.memory_space<vmem>>, vector<16xf32>,
                %parallel_loop3A_311 = arith.constant 16 : i32
                %parallel_loop3A_312 = arith.muli %scan3A_211, %parallel_loop3A_311 : i32
                %parallel_loop3A_313 = arith.constant 10 : i32
                %parallel_loop3A_314 = arith.addi %parallel_loop3A_312, %parallel_loop3A_313 : i32
                %parallel_loop3A_315 = arith.index_cast %parallel_loop3A_314 : i32 to index
                %parallel_loop3A_316 = arith.index_cast %parallel_loop3A_240 : i32 to index
                %parallel_loop3A_317 = tpu.vector_load %arg6[%parallel_loop3A_315, %parallel_loop3A_316] {strides = array<i32>} : memref<32x512xf32, #tpu.memory_space<vmem>>, vector<16xf32>,
                %parallel_loop3A_318 = arith.constant 16 : i32
                %parallel_loop3A_319 = arith.muli %scan3A_211, %parallel_loop3A_318 : i32
                %parallel_loop3A_320 = arith.constant 11 : i32
                %parallel_loop3A_321 = arith.addi %parallel_loop3A_319, %parallel_loop3A_320 : i32
                %parallel_loop3A_322 = arith.index_cast %parallel_loop3A_321 : i32 to index
                %parallel_loop3A_323 = arith.index_cast %parallel_loop3A_240 : i32 to index
                %parallel_loop3A_324 = tpu.vector_load %arg6[%parallel_loop3A_322, %parallel_loop3A_323] {strides = array<i32>} : memref<32x512xf32, #tpu.memory_space<vmem>>, vector<16xf32>,
                %parallel_loop3A_325 = arith.constant 16 : i32
                %parallel_loop3A_326 = arith.muli %scan3A_211, %parallel_loop3A_325 : i32
                %parallel_loop3A_327 = arith.constant 12 : i32
                %parallel_loop3A_328 = arith.addi %parallel_loop3A_326, %parallel_loop3A_327 : i32
                %parallel_loop3A_329 = arith.index_cast %parallel_loop3A_328 : i32 to index
                %parallel_loop3A_330 = arith.index_cast %parallel_loop3A_240 : i32 to index
                %parallel_loop3A_331 = tpu.vector_load %arg6[%parallel_loop3A_329, %parallel_loop3A_330] {strides = array<i32>} : memref<32x512xf32, #tpu.memory_space<vmem>>, vector<16xf32>,
                %parallel_loop3A_332 = arith.constant 16 : i32
                %parallel_loop3A_333 = arith.muli %scan3A_211, %parallel_loop3A_332 : i32
                %parallel_loop3A_334 = arith.constant 13 : i32
                %parallel_loop3A_335 = arith.addi %parallel_loop3A_333, %parallel_loop3A_334 : i32
                %parallel_loop3A_336 = arith.index_cast %parallel_loop3A_335 : i32 to index
                %parallel_loop3A_337 = arith.index_cast %parallel_loop3A_240 : i32 to index
                %parallel_loop3A_338 = tpu.vector_load %arg6[%parallel_loop3A_336, %parallel_loop3A_337] {strides = array<i32>} : memref<32x512xf32, #tpu.memory_space<vmem>>, vector<16xf32>,
                %parallel_loop3A_339 = arith.constant 16 : i32
                %parallel_loop3A_340 = arith.muli %scan3A_211, %parallel_loop3A_339 : i32
                %parallel_loop3A_341 = arith.constant 14 : i32
                %parallel_loop3A_342 = arith.addi %parallel_loop3A_340, %parallel_loop3A_341 : i32
                %parallel_loop3A_343 = arith.index_cast %parallel_loop3A_342 : i32 to index
                %parallel_loop3A_344 = arith.index_cast %parallel_loop3A_240 : i32 to index
                %parallel_loop3A_345 = tpu.vector_load %arg6[%parallel_loop3A_343, %parallel_loop3A_344] {strides = array<i32>} : memref<32x512xf32, #tpu.memory_space<vmem>>, vector<16xf32>,
                %parallel_loop3A_346 = arith.constant 16 : i32
                %parallel_loop3A_347 = arith.muli %scan3A_211, %parallel_loop3A_346 : i32
                %parallel_loop3A_348 = arith.constant 15 : i32
                %parallel_loop3A_349 = arith.addi %parallel_loop3A_347, %parallel_loop3A_348 : i32
                %parallel_loop3A_350 = arith.index_cast %parallel_loop3A_349 : i32 to index
                %parallel_loop3A_351 = arith.index_cast %parallel_loop3A_240 : i32 to index
                %parallel_loop3A_352 = tpu.vector_load %arg6[%parallel_loop3A_350, %parallel_loop3A_351] {strides = array<i32>} : memref<32x512xf32, #tpu.memory_space<vmem>>, vector<16xf32>,
                %parallel_loop3A_353 = arith.addf %parallel_loop3A_247, %parallel_loop3A_254 : vector<16xf32>
                %parallel_loop3A_354 = arith.addf %parallel_loop3A_261, %parallel_loop3A_268 : vector<16xf32>
                %parallel_loop3A_355 = arith.addf %parallel_loop3A_275, %parallel_loop3A_282 : vector<16xf32>
                %parallel_loop3A_356 = arith.addf %parallel_loop3A_289, %parallel_loop3A_296 : vector<16xf32>
                %parallel_loop3A_357 = arith.addf %parallel_loop3A_303, %parallel_loop3A_310 : vector<16xf32>
                %parallel_loop3A_358 = arith.addf %parallel_loop3A_317, %parallel_loop3A_324 : vector<16xf32>
                %parallel_loop3A_359 = arith.addf %parallel_loop3A_331, %parallel_loop3A_338 : vector<16xf32>
                %parallel_loop3A_360 = arith.addf %parallel_loop3A_345, %parallel_loop3A_352 : vector<16xf32>
                %parallel_loop3A_361 = arith.addf %parallel_loop3A_353, %parallel_loop3A_354 : vector<16xf32>
                %parallel_loop3A_362 = arith.addf %parallel_loop3A_355, %parallel_loop3A_356 : vector<16xf32>
                %parallel_loop3A_363 = arith.addf %parallel_loop3A_357, %parallel_loop3A_358 : vector<16xf32>
                %parallel_loop3A_364 = arith.addf %parallel_loop3A_359, %parallel_loop3A_360 : vector<16xf32>
                %parallel_loop3A_365 = arith.addf %parallel_loop3A_361, %parallel_loop3A_362 : vector<16xf32>
                %parallel_loop3A_366 = arith.addf %parallel_loop3A_363, %parallel_loop3A_364 : vector<16xf32>
                %parallel_loop3A_367 = arith.addf %parallel_loop3A_365, %parallel_loop3A_366 : vector<16xf32>
                %parallel_loop3A_368 = vector.broadcast %parallel_loop3A_240 : i32 to vector<16xi32>
                %parallel_loop3A_369 = arith.addi %add3A_237, %parallel_loop3A_368 : vector<16xi32>
                tpu.vector_store_idx %arg9[%parallel_loop3A_369], %parallel_loop3A_367 {add = true} : memref<65536xf32, #tpu.memory_space<vmem>>[vector<16xi32>], vector<16xf32>,
              } {sc.loop_unroll_factor = 4 : i64, sc.parallel_access}
            } else {
            }
            %ne3A_228 = arith.cmpi ne, %squeeze3A_222, %squeeze3A_224 : i32
            %convert_element_type3A_229 = arith.extui %ne3A_228 : i1 to i32
            %cond3A_230 = arith.constant 0 : i32
            %cond3A_231 = arith.cmpi ne, %convert_element_type3A_229, %cond3A_230 : i32
            scf.if %cond3A_231 {
              %mul3A_232 = arith.constant 16 : i32
              %mul3A_233 = arith.muli %scan3A_211, %mul3A_232 : i32
              %add3A_234 = arith.constant 0 : i32
              %add3A_235 = arith.addi %mul3A_233, %add3A_234 : i32
              %broadcast_in_dim3A = vector.broadcast %add3A_235 : i32 to vector<16xi32>
              %gather3A = tpu.vector_load_idx %arg8[%broadcast_in_dim3A] : memref<32xi32, #tpu.memory_space<vmem>>[vector<16xi32>], vector<16xi32>,
              %mul3A_236 = arith.constant 512 : i32
              %mul3A_237 = vector.broadcast %mul3A_236 : i32 to vector<16xi32>
              %mul3A_238 = arith.muli %gather3A, %mul3A_237 : vector<16xi32>
              %add3A_239 = arith.addi %mul3A_238, %iota3A : vector<16xi32>
              %parallel_loop3A = arith.constant 0 : i32
              %parallel_loop3A_240 = arith.constant 512 : i32
              %parallel_loop3A_241 = arith.constant 16 : i32
              scf.for %parallel_loop3A_437 = %parallel_loop3A to %parallel_loop3A_240 step %parallel_loop3A_241  : i32 {
                %parallel_loop3A_438 = arith.constant 16 : i32
                %parallel_loop3A_439 = arith.muli %scan3A_211, %parallel_loop3A_438 : i32
                %parallel_loop3A_440 = arith.constant 0 : i32
                %parallel_loop3A_441 = arith.addi %parallel_loop3A_439, %parallel_loop3A_440 : i32
                %parallel_loop3A_442 = arith.index_cast %parallel_loop3A_441 : i32 to index
                %parallel_loop3A_443 = arith.index_cast %parallel_loop3A_437 : i32 to index
                %parallel_loop3A_444 = tpu.vector_load %arg6[%parallel_loop3A_442, %parallel_loop3A_443] {strides = array<i32>} : memref<32x512xf32, #tpu.memory_space<vmem>>, vector<16xf32>,
                %parallel_loop3A_445 = vector.broadcast %parallel_loop3A_437 : i32 to vector<16xi32>
                %parallel_loop3A_446 = arith.addi %add3A_239, %parallel_loop3A_445 : vector<16xi32>
                tpu.vector_store_idx %arg9[%parallel_loop3A_446], %parallel_loop3A_444 {add = true} : memref<65536xf32, #tpu.memory_space<vmem>>[vector<16xi32>], vector<16xf32>,
              } {sc.loop_unroll_factor = 8 : i64, sc.parallel_access}
              %mul3A_242 = arith.constant 16 : i32
              %mul3A_243 = arith.muli %scan3A_211, %mul3A_242 : i32
              %add3A_244 = arith.constant 1 : i32
              %add3A_245 = arith.addi %mul3A_243, %add3A_244 : i32
              %broadcast_in_dim3A_246 = vector.broadcast %add3A_245 : i32 to vector<16xi32>
              %gather3A_247 = tpu.vector_load_idx %arg8[%broadcast_in_dim3A_246] : memref<32xi32, #tpu.memory_space<vmem>>[vector<16xi32>], vector<16xi32>,
              %mul3A_248 = arith.constant 512 : i32
              %mul3A_249 = vector.broadcast %mul3A_248 : i32 to vector<16xi32>
              %mul3A_250 = arith.muli %gather3A_247, %mul3A_249 : vector<16xi32>
              %add3A_251 = arith.addi %mul3A_250, %iota3A : vector<16xi32>
              %parallel_loop3A_252 = arith.constant 0 : i32
              %parallel_loop3A_253 = arith.constant 512 : i32
              %parallel_loop3A_254 = arith.constant 16 : i32
              scf.for %parallel_loop3A_437 = %parallel_loop3A_252 to %parallel_loop3A_253 step %parallel_loop3A_254  : i32 {
                %parallel_loop3A_438 = arith.constant 16 : i32
                %parallel_loop3A_439 = arith.muli %scan3A_211, %parallel_loop3A_438 : i32
                %parallel_loop3A_440 = arith.constant 1 : i32
                %parallel_loop3A_441 = arith.addi %parallel_loop3A_439, %parallel_loop3A_440 : i32
                %parallel_loop3A_442 = arith.index_cast %parallel_loop3A_441 : i32 to index
                %parallel_loop3A_443 = arith.index_cast %parallel_loop3A_437 : i32 to index
                %parallel_loop3A_444 = tpu.vector_load %arg6[%parallel_loop3A_442, %parallel_loop3A_443] {strides = array<i32>} : memref<32x512xf32, #tpu.memory_space<vmem>>, vector<16xf32>,
                %parallel_loop3A_445 = vector.broadcast %parallel_loop3A_437 : i32 to vector<16xi32>
                %parallel_loop3A_446 = arith.addi %add3A_251, %parallel_loop3A_445 : vector<16xi32>
                tpu.vector_store_idx %arg9[%parallel_loop3A_446], %parallel_loop3A_444 {add = true} : memref<65536xf32, #tpu.memory_space<vmem>>[vector<16xi32>], vector<16xf32>,
              } {sc.loop_unroll_factor = 8 : i64, sc.parallel_access}
              %mul3A_255 = arith.constant 16 : i32
              %mul3A_256 = arith.muli %scan3A_211, %mul3A_255 : i32
              %add3A_257 = arith.constant 2 : i32
              %add3A_258 = arith.addi %mul3A_256, %add3A_257 : i32
              %broadcast_in_dim3A_259 = vector.broadcast %add3A_258 : i32 to vector<16xi32>
              %gather3A_260 = tpu.vector_load_idx %arg8[%broadcast_in_dim3A_259] : memref<32xi32, #tpu.memory_space<vmem>>[vector<16xi32>], vector<16xi32>,
              %mul3A_261 = arith.constant 512 : i32
              %mul3A_262 = vector.broadcast %mul3A_261 : i32 to vector<16xi32>
              %mul3A_263 = arith.muli %gather3A_260, %mul3A_262 : vector<16xi32>
              %add3A_264 = arith.addi %mul3A_263, %iota3A : vector<16xi32>
              %parallel_loop3A_265 = arith.constant 0 : i32
              %parallel_loop3A_266 = arith.constant 512 : i32
              %parallel_loop3A_267 = arith.constant 16 : i32
              scf.for %parallel_loop3A_437 = %parallel_loop3A_265 to %parallel_loop3A_266 step %parallel_loop3A_267  : i32 {
                %parallel_loop3A_438 = arith.constant 16 : i32
                %parallel_loop3A_439 = arith.muli %scan3A_211, %parallel_loop3A_438 : i32
                %parallel_loop3A_440 = arith.constant 2 : i32
                %parallel_loop3A_441 = arith.addi %parallel_loop3A_439, %parallel_loop3A_440 : i32
                %parallel_loop3A_442 = arith.index_cast %parallel_loop3A_441 : i32 to index
                %parallel_loop3A_443 = arith.index_cast %parallel_loop3A_437 : i32 to index
                %parallel_loop3A_444 = tpu.vector_load %arg6[%parallel_loop3A_442, %parallel_loop3A_443] {strides = array<i32>} : memref<32x512xf32, #tpu.memory_space<vmem>>, vector<16xf32>,
                %parallel_loop3A_445 = vector.broadcast %parallel_loop3A_437 : i32 to vector<16xi32>
                %parallel_loop3A_446 = arith.addi %add3A_264, %parallel_loop3A_445 : vector<16xi32>
                tpu.vector_store_idx %arg9[%parallel_loop3A_446], %parallel_loop3A_444 {add = true} : memref<65536xf32, #tpu.memory_space<vmem>>[vector<16xi32>], vector<16xf32>,
              } {sc.loop_unroll_factor = 8 : i64, sc.parallel_access}
              %mul3A_268 = arith.constant 16 : i32
              %mul3A_269 = arith.muli %scan3A_211, %mul3A_268 : i32
              %add3A_270 = arith.constant 3 : i32
              %add3A_271 = arith.addi %mul3A_269, %add3A_270 : i32
              %broadcast_in_dim3A_272 = vector.broadcast %add3A_271 : i32 to vector<16xi32>
              %gather3A_273 = tpu.vector_load_idx %arg8[%broadcast_in_dim3A_272] : memref<32xi32, #tpu.memory_space<vmem>>[vector<16xi32>], vector<16xi32>,
              %mul3A_274 = arith.constant 512 : i32
              %mul3A_275 = vector.broadcast %mul3A_274 : i32 to vector<16xi32>
              %mul3A_276 = arith.muli %gather3A_273, %mul3A_275 : vector<16xi32>
              %add3A_277 = arith.addi %mul3A_276, %iota3A : vector<16xi32>
              %parallel_loop3A_278 = arith.constant 0 : i32
              %parallel_loop3A_279 = arith.constant 512 : i32
              %parallel_loop3A_280 = arith.constant 16 : i32
              scf.for %parallel_loop3A_437 = %parallel_loop3A_278 to %parallel_loop3A_279 step %parallel_loop3A_280  : i32 {
                %parallel_loop3A_438 = arith.constant 16 : i32
                %parallel_loop3A_439 = arith.muli %scan3A_211, %parallel_loop3A_438 : i32
                %parallel_loop3A_440 = arith.constant 3 : i32
                %parallel_loop3A_441 = arith.addi %parallel_loop3A_439, %parallel_loop3A_440 : i32
                %parallel_loop3A_442 = arith.index_cast %parallel_loop3A_441 : i32 to index
                %parallel_loop3A_443 = arith.index_cast %parallel_loop3A_437 : i32 to index
                %parallel_loop3A_444 = tpu.vector_load %arg6[%parallel_loop3A_442, %parallel_loop3A_443] {strides = array<i32>} : memref<32x512xf32, #tpu.memory_space<vmem>>, vector<16xf32>,
                %parallel_loop3A_445 = vector.broadcast %parallel_loop3A_437 : i32 to vector<16xi32>
                %parallel_loop3A_446 = arith.addi %add3A_277, %parallel_loop3A_445 : vector<16xi32>
                tpu.vector_store_idx %arg9[%parallel_loop3A_446], %parallel_loop3A_444 {add = true} : memref<65536xf32, #tpu.memory_space<vmem>>[vector<16xi32>], vector<16xf32>,
              } {sc.loop_unroll_factor = 8 : i64, sc.parallel_access}
              %mul3A_281 = arith.constant 16 : i32
              %mul3A_282 = arith.muli %scan3A_211, %mul3A_281 : i32
              %add3A_283 = arith.constant 4 : i32
              %add3A_284 = arith.addi %mul3A_282, %add3A_283 : i32
              %broadcast_in_dim3A_285 = vector.broadcast %add3A_284 : i32 to vector<16xi32>
              %gather3A_286 = tpu.vector_load_idx %arg8[%broadcast_in_dim3A_285] : memref<32xi32, #tpu.memory_space<vmem>>[vector<16xi32>], vector<16xi32>,
              %mul3A_287 = arith.constant 512 : i32
              %mul3A_288 = vector.broadcast %mul3A_287 : i32 to vector<16xi32>
              %mul3A_289 = arith.muli %gather3A_286, %mul3A_288 : vector<16xi32>
              %add3A_290 = arith.addi %mul3A_289, %iota3A : vector<16xi32>
              %parallel_loop3A_291 = arith.constant 0 : i32
              %parallel_loop3A_292 = arith.constant 512 : i32
              %parallel_loop3A_293 = arith.constant 16 : i32
              scf.for %parallel_loop3A_437 = %parallel_loop3A_291 to %parallel_loop3A_292 step %parallel_loop3A_293  : i32 {
                %parallel_loop3A_438 = arith.constant 16 : i32
                %parallel_loop3A_439 = arith.muli %scan3A_211, %parallel_loop3A_438 : i32
                %parallel_loop3A_440 = arith.constant 4 : i32
                %parallel_loop3A_441 = arith.addi %parallel_loop3A_439, %parallel_loop3A_440 : i32
                %parallel_loop3A_442 = arith.index_cast %parallel_loop3A_441 : i32 to index
                %parallel_loop3A_443 = arith.index_cast %parallel_loop3A_437 : i32 to index
                %parallel_loop3A_444 = tpu.vector_load %arg6[%parallel_loop3A_442, %parallel_loop3A_443] {strides = array<i32>} : memref<32x512xf32, #tpu.memory_space<vmem>>, vector<16xf32>,
                %parallel_loop3A_445 = vector.broadcast %parallel_loop3A_437 : i32 to vector<16xi32>
                %parallel_loop3A_446 = arith.addi %add3A_290, %parallel_loop3A_445 : vector<16xi32>
                tpu.vector_store_idx %arg9[%parallel_loop3A_446], %parallel_loop3A_444 {add = true} : memref<65536xf32, #tpu.memory_space<vmem>>[vector<16xi32>], vector<16xf32>,
              } {sc.loop_unroll_factor = 8 : i64, sc.parallel_access}
              %mul3A_294 = arith.constant 16 : i32
              %mul3A_295 = arith.muli %scan3A_211, %mul3A_294 : i32
              %add3A_296 = arith.constant 5 : i32
              %add3A_297 = arith.addi %mul3A_295, %add3A_296 : i32
              %broadcast_in_dim3A_298 = vector.broadcast %add3A_297 : i32 to vector<16xi32>
              %gather3A_299 = tpu.vector_load_idx %arg8[%broadcast_in_dim3A_298] : memref<32xi32, #tpu.memory_space<vmem>>[vector<16xi32>], vector<16xi32>,
              %mul3A_300 = arith.constant 512 : i32
              %mul3A_301 = vector.broadcast %mul3A_300 : i32 to vector<16xi32>
              %mul3A_302 = arith.muli %gather3A_299, %mul3A_301 : vector<16xi32>
              %add3A_303 = arith.addi %mul3A_302, %iota3A : vector<16xi32>
              %parallel_loop3A_304 = arith.constant 0 : i32
              %parallel_loop3A_305 = arith.constant 512 : i32
              %parallel_loop3A_306 = arith.constant 16 : i32
              scf.for %parallel_loop3A_437 = %parallel_loop3A_304 to %parallel_loop3A_305 step %parallel_loop3A_306  : i32 {
                %parallel_loop3A_438 = arith.constant 16 : i32
                %parallel_loop3A_439 = arith.muli %scan3A_211, %parallel_loop3A_438 : i32
                %parallel_loop3A_440 = arith.constant 5 : i32
                %parallel_loop3A_441 = arith.addi %parallel_loop3A_439, %parallel_loop3A_440 : i32
                %parallel_loop3A_442 = arith.index_cast %parallel_loop3A_441 : i32 to index
                %parallel_loop3A_443 = arith.index_cast %parallel_loop3A_437 : i32 to index
                %parallel_loop3A_444 = tpu.vector_load %arg6[%parallel_loop3A_442, %parallel_loop3A_443] {strides = array<i32>} : memref<32x512xf32, #tpu.memory_space<vmem>>, vector<16xf32>,
                %parallel_loop3A_445 = vector.broadcast %parallel_loop3A_437 : i32 to vector<16xi32>
                %parallel_loop3A_446 = arith.addi %add3A_303, %parallel_loop3A_445 : vector<16xi32>
                tpu.vector_store_idx %arg9[%parallel_loop3A_446], %parallel_loop3A_444 {add = true} : memref<65536xf32, #tpu.memory_space<vmem>>[vector<16xi32>], vector<16xf32>,
              } {sc.loop_unroll_factor = 8 : i64, sc.parallel_access}
              %mul3A_307 = arith.constant 16 : i32
              %mul3A_308 = arith.muli %scan3A_211, %mul3A_307 : i32
              %add3A_309 = arith.constant 6 : i32
              %add3A_310 = arith.addi %mul3A_308, %add3A_309 : i32
              %broadcast_in_dim3A_311 = vector.broadcast %add3A_310 : i32 to vector<16xi32>
              %gather3A_312 = tpu.vector_load_idx %arg8[%broadcast_in_dim3A_311] : memref<32xi32, #tpu.memory_space<vmem>>[vector<16xi32>], vector<16xi32>,
              %mul3A_313 = arith.constant 512 : i32
              %mul3A_314 = vector.broadcast %mul3A_313 : i32 to vector<16xi32>
              %mul3A_315 = arith.muli %gather3A_312, %mul3A_314 : vector<16xi32>
              %add3A_316 = arith.addi %mul3A_315, %iota3A : vector<16xi32>
              %parallel_loop3A_317 = arith.constant 0 : i32
              %parallel_loop3A_318 = arith.constant 512 : i32
              %parallel_loop3A_319 = arith.constant 16 : i32
              scf.for %parallel_loop3A_437 = %parallel_loop3A_317 to %parallel_loop3A_318 step %parallel_loop3A_319  : i32 {
                %parallel_loop3A_438 = arith.constant 16 : i32
                %parallel_loop3A_439 = arith.muli %scan3A_211, %parallel_loop3A_438 : i32
                %parallel_loop3A_440 = arith.constant 6 : i32
                %parallel_loop3A_441 = arith.addi %parallel_loop3A_439, %parallel_loop3A_440 : i32
                %parallel_loop3A_442 = arith.index_cast %parallel_loop3A_441 : i32 to index
                %parallel_loop3A_443 = arith.index_cast %parallel_loop3A_437 : i32 to index
                %parallel_loop3A_444 = tpu.vector_load %arg6[%parallel_loop3A_442, %parallel_loop3A_443] {strides = array<i32>} : memref<32x512xf32, #tpu.memory_space<vmem>>, vector<16xf32>,
                %parallel_loop3A_445 = vector.broadcast %parallel_loop3A_437 : i32 to vector<16xi32>
                %parallel_loop3A_446 = arith.addi %add3A_316, %parallel_loop3A_445 : vector<16xi32>
                tpu.vector_store_idx %arg9[%parallel_loop3A_446], %parallel_loop3A_444 {add = true} : memref<65536xf32, #tpu.memory_space<vmem>>[vector<16xi32>], vector<16xf32>,
              } {sc.loop_unroll_factor = 8 : i64, sc.parallel_access}
              %mul3A_320 = arith.constant 16 : i32
              %mul3A_321 = arith.muli %scan3A_211, %mul3A_320 : i32
              %add3A_322 = arith.constant 7 : i32
              %add3A_323 = arith.addi %mul3A_321, %add3A_322 : i32
              %broadcast_in_dim3A_324 = vector.broadcast %add3A_323 : i32 to vector<16xi32>
              %gather3A_325 = tpu.vector_load_idx %arg8[%broadcast_in_dim3A_324] : memref<32xi32, #tpu.memory_space<vmem>>[vector<16xi32>], vector<16xi32>,
              %mul3A_326 = arith.constant 512 : i32
              %mul3A_327 = vector.broadcast %mul3A_326 : i32 to vector<16xi32>
              %mul3A_328 = arith.muli %gather3A_325, %mul3A_327 : vector<16xi32>
              %add3A_329 = arith.addi %mul3A_328, %iota3A : vector<16xi32>
              %parallel_loop3A_330 = arith.constant 0 : i32
              %parallel_loop3A_331 = arith.constant 512 : i32
              %parallel_loop3A_332 = arith.constant 16 : i32
              scf.for %parallel_loop3A_437 = %parallel_loop3A_330 to %parallel_loop3A_331 step %parallel_loop3A_332  : i32 {
                %parallel_loop3A_438 = arith.constant 16 : i32
                %parallel_loop3A_439 = arith.muli %scan3A_211, %parallel_loop3A_438 : i32
                %parallel_loop3A_440 = arith.constant 7 : i32
                %parallel_loop3A_441 = arith.addi %parallel_loop3A_439, %parallel_loop3A_440 : i32
                %parallel_loop3A_442 = arith.index_cast %parallel_loop3A_441 : i32 to index
                %parallel_loop3A_443 = arith.index_cast %parallel_loop3A_437 : i32 to index
                %parallel_loop3A_444 = tpu.vector_load %arg6[%parallel_loop3A_442, %parallel_loop3A_443] {strides = array<i32>} : memref<32x512xf32, #tpu.memory_space<vmem>>, vector<16xf32>,
                %parallel_loop3A_445 = vector.broadcast %parallel_loop3A_437 : i32 to vector<16xi32>
                %parallel_loop3A_446 = arith.addi %add3A_329, %parallel_loop3A_445 : vector<16xi32>
                tpu.vector_store_idx %arg9[%parallel_loop3A_446], %parallel_loop3A_444 {add = true} : memref<65536xf32, #tpu.memory_space<vmem>>[vector<16xi32>], vector<16xf32>,
              } {sc.loop_unroll_factor = 8 : i64, sc.parallel_access}
              %mul3A_333 = arith.constant 16 : i32
              %mul3A_334 = arith.muli %scan3A_211, %mul3A_333 : i32
              %add3A_335 = arith.constant 8 : i32
              %add3A_336 = arith.addi %mul3A_334, %add3A_335 : i32
              %broadcast_in_dim3A_337 = vector.broadcast %add3A_336 : i32 to vector<16xi32>
              %gather3A_338 = tpu.vector_load_idx %arg8[%broadcast_in_dim3A_337] : memref<32xi32, #tpu.memory_space<vmem>>[vector<16xi32>], vector<16xi32>,
              %mul3A_339 = arith.constant 512 : i32
              %mul3A_340 = vector.broadcast %mul3A_339 : i32 to vector<16xi32>
              %mul3A_341 = arith.muli %gather3A_338, %mul3A_340 : vector<16xi32>
              %add3A_342 = arith.addi %mul3A_341, %iota3A : vector<16xi32>
              %parallel_loop3A_343 = arith.constant 0 : i32
              %parallel_loop3A_344 = arith.constant 512 : i32
              %parallel_loop3A_345 = arith.constant 16 : i32
              scf.for %parallel_loop3A_437 = %parallel_loop3A_343 to %parallel_loop3A_344 step %parallel_loop3A_345  : i32 {
                %parallel_loop3A_438 = arith.constant 16 : i32
                %parallel_loop3A_439 = arith.muli %scan3A_211, %parallel_loop3A_438 : i32
                %parallel_loop3A_440 = arith.constant 8 : i32
                %parallel_loop3A_441 = arith.addi %parallel_loop3A_439, %parallel_loop3A_440 : i32
                %parallel_loop3A_442 = arith.index_cast %parallel_loop3A_441 : i32 to index
                %parallel_loop3A_443 = arith.index_cast %parallel_loop3A_437 : i32 to index
                %parallel_loop3A_444 = tpu.vector_load %arg6[%parallel_loop3A_442, %parallel_loop3A_443] {strides = array<i32>} : memref<32x512xf32, #tpu.memory_space<vmem>>, vector<16xf32>,
                %parallel_loop3A_445 = vector.broadcast %parallel_loop3A_437 : i32 to vector<16xi32>
                %parallel_loop3A_446 = arith.addi %add3A_342, %parallel_loop3A_445 : vector<16xi32>
                tpu.vector_store_idx %arg9[%parallel_loop3A_446], %parallel_loop3A_444 {add = true} : memref<65536xf32, #tpu.memory_space<vmem>>[vector<16xi32>], vector<16xf32>,
              } {sc.loop_unroll_factor = 8 : i64, sc.parallel_access}
              %mul3A_346 = arith.constant 16 : i32
              %mul3A_347 = arith.muli %scan3A_211, %mul3A_346 : i32
              %add3A_348 = arith.constant 9 : i32
              %add3A_349 = arith.addi %mul3A_347, %add3A_348 : i32
              %broadcast_in_dim3A_350 = vector.broadcast %add3A_349 : i32 to vector<16xi32>
              %gather3A_351 = tpu.vector_load_idx %arg8[%broadcast_in_dim3A_350] : memref<32xi32, #tpu.memory_space<vmem>>[vector<16xi32>], vector<16xi32>,
              %mul3A_352 = arith.constant 512 : i32
              %mul3A_353 = vector.broadcast %mul3A_352 : i32 to vector<16xi32>
              %mul3A_354 = arith.muli %gather3A_351, %mul3A_353 : vector<16xi32>
              %add3A_355 = arith.addi %mul3A_354, %iota3A : vector<16xi32>
              %parallel_loop3A_356 = arith.constant 0 : i32
              %parallel_loop3A_357 = arith.constant 512 : i32
              %parallel_loop3A_358 = arith.constant 16 : i32
              scf.for %parallel_loop3A_437 = %parallel_loop3A_356 to %parallel_loop3A_357 step %parallel_loop3A_358  : i32 {
                %parallel_loop3A_438 = arith.constant 16 : i32
                %parallel_loop3A_439 = arith.muli %scan3A_211, %parallel_loop3A_438 : i32
                %parallel_loop3A_440 = arith.constant 9 : i32
                %parallel_loop3A_441 = arith.addi %parallel_loop3A_439, %parallel_loop3A_440 : i32
                %parallel_loop3A_442 = arith.index_cast %parallel_loop3A_441 : i32 to index
                %parallel_loop3A_443 = arith.index_cast %parallel_loop3A_437 : i32 to index
                %parallel_loop3A_444 = tpu.vector_load %arg6[%parallel_loop3A_442, %parallel_loop3A_443] {strides = array<i32>} : memref<32x512xf32, #tpu.memory_space<vmem>>, vector<16xf32>,
                %parallel_loop3A_445 = vector.broadcast %parallel_loop3A_437 : i32 to vector<16xi32>
                %parallel_loop3A_446 = arith.addi %add3A_355, %parallel_loop3A_445 : vector<16xi32>
                tpu.vector_store_idx %arg9[%parallel_loop3A_446], %parallel_loop3A_444 {add = true} : memref<65536xf32, #tpu.memory_space<vmem>>[vector<16xi32>], vector<16xf32>,
              } {sc.loop_unroll_factor = 8 : i64, sc.parallel_access}
              %mul3A_359 = arith.constant 16 : i32
              %mul3A_360 = arith.muli %scan3A_211, %mul3A_359 : i32
              %add3A_361 = arith.constant 10 : i32
              %add3A_362 = arith.addi %mul3A_360, %add3A_361 : i32
              %broadcast_in_dim3A_363 = vector.broadcast %add3A_362 : i32 to vector<16xi32>
              %gather3A_364 = tpu.vector_load_idx %arg8[%broadcast_in_dim3A_363] : memref<32xi32, #tpu.memory_space<vmem>>[vector<16xi32>], vector<16xi32>,
              %mul3A_365 = arith.constant 512 : i32
              %mul3A_366 = vector.broadcast %mul3A_365 : i32 to vector<16xi32>
              %mul3A_367 = arith.muli %gather3A_364, %mul3A_366 : vector<16xi32>
              %add3A_368 = arith.addi %mul3A_367, %iota3A : vector<16xi32>
              %parallel_loop3A_369 = arith.constant 0 : i32
              %parallel_loop3A_370 = arith.constant 512 : i32
              %parallel_loop3A_371 = arith.constant 16 : i32
              scf.for %parallel_loop3A_437 = %parallel_loop3A_369 to %parallel_loop3A_370 step %parallel_loop3A_371  : i32 {
                %parallel_loop3A_438 = arith.constant 16 : i32
                %parallel_loop3A_439 = arith.muli %scan3A_211, %parallel_loop3A_438 : i32
                %parallel_loop3A_440 = arith.constant 10 : i32
                %parallel_loop3A_441 = arith.addi %parallel_loop3A_439, %parallel_loop3A_440 : i32
                %parallel_loop3A_442 = arith.index_cast %parallel_loop3A_441 : i32 to index
                %parallel_loop3A_443 = arith.index_cast %parallel_loop3A_437 : i32 to index
                %parallel_loop3A_444 = tpu.vector_load %arg6[%parallel_loop3A_442, %parallel_loop3A_443] {strides = array<i32>} : memref<32x512xf32, #tpu.memory_space<vmem>>, vector<16xf32>,
                %parallel_loop3A_445 = vector.broadcast %parallel_loop3A_437 : i32 to vector<16xi32>
                %parallel_loop3A_446 = arith.addi %add3A_368, %parallel_loop3A_445 : vector<16xi32>
                tpu.vector_store_idx %arg9[%parallel_loop3A_446], %parallel_loop3A_444 {add = true} : memref<65536xf32, #tpu.memory_space<vmem>>[vector<16xi32>], vector<16xf32>,
              } {sc.loop_unroll_factor = 8 : i64, sc.parallel_access}
              %mul3A_372 = arith.constant 16 : i32
              %mul3A_373 = arith.muli %scan3A_211, %mul3A_372 : i32
              %add3A_374 = arith.constant 11 : i32
              %add3A_375 = arith.addi %mul3A_373, %add3A_374 : i32
              %broadcast_in_dim3A_376 = vector.broadcast %add3A_375 : i32 to vector<16xi32>
              %gather3A_377 = tpu.vector_load_idx %arg8[%broadcast_in_dim3A_376] : memref<32xi32, #tpu.memory_space<vmem>>[vector<16xi32>], vector<16xi32>,
              %mul3A_378 = arith.constant 512 : i32
              %mul3A_379 = vector.broadcast %mul3A_378 : i32 to vector<16xi32>
              %mul3A_380 = arith.muli %gather3A_377, %mul3A_379 : vector<16xi32>
              %add3A_381 = arith.addi %mul3A_380, %iota3A : vector<16xi32>
              %parallel_loop3A_382 = arith.constant 0 : i32
              %parallel_loop3A_383 = arith.constant 512 : i32
              %parallel_loop3A_384 = arith.constant 16 : i32
              scf.for %parallel_loop3A_437 = %parallel_loop3A_382 to %parallel_loop3A_383 step %parallel_loop3A_384  : i32 {
                %parallel_loop3A_438 = arith.constant 16 : i32
                %parallel_loop3A_439 = arith.muli %scan3A_211, %parallel_loop3A_438 : i32
                %parallel_loop3A_440 = arith.constant 11 : i32
                %parallel_loop3A_441 = arith.addi %parallel_loop3A_439, %parallel_loop3A_440 : i32
                %parallel_loop3A_442 = arith.index_cast %parallel_loop3A_441 : i32 to index
                %parallel_loop3A_443 = arith.index_cast %parallel_loop3A_437 : i32 to index
                %parallel_loop3A_444 = tpu.vector_load %arg6[%parallel_loop3A_442, %parallel_loop3A_443] {strides = array<i32>} : memref<32x512xf32, #tpu.memory_space<vmem>>, vector<16xf32>,
                %parallel_loop3A_445 = vector.broadcast %parallel_loop3A_437 : i32 to vector<16xi32>
                %parallel_loop3A_446 = arith.addi %add3A_381, %parallel_loop3A_445 : vector<16xi32>
                tpu.vector_store_idx %arg9[%parallel_loop3A_446], %parallel_loop3A_444 {add = true} : memref<65536xf32, #tpu.memory_space<vmem>>[vector<16xi32>], vector<16xf32>,
              } {sc.loop_unroll_factor = 8 : i64, sc.parallel_access}
              %mul3A_385 = arith.constant 16 : i32
              %mul3A_386 = arith.muli %scan3A_211, %mul3A_385 : i32
              %add3A_387 = arith.constant 12 : i32
              %add3A_388 = arith.addi %mul3A_386, %add3A_387 : i32
              %broadcast_in_dim3A_389 = vector.broadcast %add3A_388 : i32 to vector<16xi32>
              %gather3A_390 = tpu.vector_load_idx %arg8[%broadcast_in_dim3A_389] : memref<32xi32, #tpu.memory_space<vmem>>[vector<16xi32>], vector<16xi32>,
              %mul3A_391 = arith.constant 512 : i32
              %mul3A_392 = vector.broadcast %mul3A_391 : i32 to vector<16xi32>
              %mul3A_393 = arith.muli %gather3A_390, %mul3A_392 : vector<16xi32>
              %add3A_394 = arith.addi %mul3A_393, %iota3A : vector<16xi32>
              %parallel_loop3A_395 = arith.constant 0 : i32
              %parallel_loop3A_396 = arith.constant 512 : i32
              %parallel_loop3A_397 = arith.constant 16 : i32
              scf.for %parallel_loop3A_437 = %parallel_loop3A_395 to %parallel_loop3A_396 step %parallel_loop3A_397  : i32 {
                %parallel_loop3A_438 = arith.constant 16 : i32
                %parallel_loop3A_439 = arith.muli %scan3A_211, %parallel_loop3A_438 : i32
                %parallel_loop3A_440 = arith.constant 12 : i32
                %parallel_loop3A_441 = arith.addi %parallel_loop3A_439, %parallel_loop3A_440 : i32
                %parallel_loop3A_442 = arith.index_cast %parallel_loop3A_441 : i32 to index
                %parallel_loop3A_443 = arith.index_cast %parallel_loop3A_437 : i32 to index
                %parallel_loop3A_444 = tpu.vector_load %arg6[%parallel_loop3A_442, %parallel_loop3A_443] {strides = array<i32>} : memref<32x512xf32, #tpu.memory_space<vmem>>, vector<16xf32>,
                %parallel_loop3A_445 = vector.broadcast %parallel_loop3A_437 : i32 to vector<16xi32>
                %parallel_loop3A_446 = arith.addi %add3A_394, %parallel_loop3A_445 : vector<16xi32>
                tpu.vector_store_idx %arg9[%parallel_loop3A_446], %parallel_loop3A_444 {add = true} : memref<65536xf32, #tpu.memory_space<vmem>>[vector<16xi32>], vector<16xf32>,
              } {sc.loop_unroll_factor = 8 : i64, sc.parallel_access}
              %mul3A_398 = arith.constant 16 : i32
              %mul3A_399 = arith.muli %scan3A_211, %mul3A_398 : i32
              %add3A_400 = arith.constant 13 : i32
              %add3A_401 = arith.addi %mul3A_399, %add3A_400 : i32
              %broadcast_in_dim3A_402 = vector.broadcast %add3A_401 : i32 to vector<16xi32>
              %gather3A_403 = tpu.vector_load_idx %arg8[%broadcast_in_dim3A_402] : memref<32xi32, #tpu.memory_space<vmem>>[vector<16xi32>], vector<16xi32>,
              %mul3A_404 = arith.constant 512 : i32
              %mul3A_405 = vector.broadcast %mul3A_404 : i32 to vector<16xi32>
              %mul3A_406 = arith.muli %gather3A_403, %mul3A_405 : vector<16xi32>
              %add3A_407 = arith.addi %mul3A_406, %iota3A : vector<16xi32>
              %parallel_loop3A_408 = arith.constant 0 : i32
              %parallel_loop3A_409 = arith.constant 512 : i32
              %parallel_loop3A_410 = arith.constant 16 : i32
              scf.for %parallel_loop3A_437 = %parallel_loop3A_408 to %parallel_loop3A_409 step %parallel_loop3A_410  : i32 {
                %parallel_loop3A_438 = arith.constant 16 : i32
                %parallel_loop3A_439 = arith.muli %scan3A_211, %parallel_loop3A_438 : i32
                %parallel_loop3A_440 = arith.constant 13 : i32
                %parallel_loop3A_441 = arith.addi %parallel_loop3A_439, %parallel_loop3A_440 : i32
                %parallel_loop3A_442 = arith.index_cast %parallel_loop3A_441 : i32 to index
                %parallel_loop3A_443 = arith.index_cast %parallel_loop3A_437 : i32 to index
                %parallel_loop3A_444 = tpu.vector_load %arg6[%parallel_loop3A_442, %parallel_loop3A_443] {strides = array<i32>} : memref<32x512xf32, #tpu.memory_space<vmem>>, vector<16xf32>,
                %parallel_loop3A_445 = vector.broadcast %parallel_loop3A_437 : i32 to vector<16xi32>
                %parallel_loop3A_446 = arith.addi %add3A_407, %parallel_loop3A_445 : vector<16xi32>
                tpu.vector_store_idx %arg9[%parallel_loop3A_446], %parallel_loop3A_444 {add = true} : memref<65536xf32, #tpu.memory_space<vmem>>[vector<16xi32>], vector<16xf32>,
              } {sc.loop_unroll_factor = 8 : i64, sc.parallel_access}
              %mul3A_411 = arith.constant 16 : i32
              %mul3A_412 = arith.muli %scan3A_211, %mul3A_411 : i32
              %add3A_413 = arith.constant 14 : i32
              %add3A_414 = arith.addi %mul3A_412, %add3A_413 : i32
              %broadcast_in_dim3A_415 = vector.broadcast %add3A_414 : i32 to vector<16xi32>
              %gather3A_416 = tpu.vector_load_idx %arg8[%broadcast_in_dim3A_415] : memref<32xi32, #tpu.memory_space<vmem>>[vector<16xi32>], vector<16xi32>,
              %mul3A_417 = arith.constant 512 : i32
              %mul3A_418 = vector.broadcast %mul3A_417 : i32 to vector<16xi32>
              %mul3A_419 = arith.muli %gather3A_416, %mul3A_418 : vector<16xi32>
              %add3A_420 = arith.addi %mul3A_419, %iota3A : vector<16xi32>
              %parallel_loop3A_421 = arith.constant 0 : i32
              %parallel_loop3A_422 = arith.constant 512 : i32
              %parallel_loop3A_423 = arith.constant 16 : i32
              scf.for %parallel_loop3A_437 = %parallel_loop3A_421 to %parallel_loop3A_422 step %parallel_loop3A_423  : i32 {
                %parallel_loop3A_438 = arith.constant 16 : i32
                %parallel_loop3A_439 = arith.muli %scan3A_211, %parallel_loop3A_438 : i32
                %parallel_loop3A_440 = arith.constant 14 : i32
                %parallel_loop3A_441 = arith.addi %parallel_loop3A_439, %parallel_loop3A_440 : i32
                %parallel_loop3A_442 = arith.index_cast %parallel_loop3A_441 : i32 to index
                %parallel_loop3A_443 = arith.index_cast %parallel_loop3A_437 : i32 to index
                %parallel_loop3A_444 = tpu.vector_load %arg6[%parallel_loop3A_442, %parallel_loop3A_443] {strides = array<i32>} : memref<32x512xf32, #tpu.memory_space<vmem>>, vector<16xf32>,
                %parallel_loop3A_445 = vector.broadcast %parallel_loop3A_437 : i32 to vector<16xi32>
                %parallel_loop3A_446 = arith.addi %add3A_420, %parallel_loop3A_445 : vector<16xi32>
                tpu.vector_store_idx %arg9[%parallel_loop3A_446], %parallel_loop3A_444 {add = true} : memref<65536xf32, #tpu.memory_space<vmem>>[vector<16xi32>], vector<16xf32>,
              } {sc.loop_unroll_factor = 8 : i64, sc.parallel_access}
              %mul3A_424 = arith.constant 16 : i32
              %mul3A_425 = arith.muli %scan3A_211, %mul3A_424 : i32
              %add3A_426 = arith.constant 15 : i32
              %add3A_427 = arith.addi %mul3A_425, %add3A_426 : i32
              %broadcast_in_dim3A_428 = vector.broadcast %add3A_427 : i32 to vector<16xi32>
              %gather3A_429 = tpu.vector_load_idx %arg8[%broadcast_in_dim3A_428] : memref<32xi32, #tpu.memory_space<vmem>>[vector<16xi32>], vector<16xi32>,
              %mul3A_430 = arith.constant 512 : i32
              %mul3A_431 = vector.broadcast %mul3A_430 : i32 to vector<16xi32>
              %mul3A_432 = arith.muli %gather3A_429, %mul3A_431 : vector<16xi32>
              %add3A_433 = arith.addi %mul3A_432, %iota3A : vector<16xi32>
              %parallel_loop3A_434 = arith.constant 0 : i32
              %parallel_loop3A_435 = arith.constant 512 : i32
              %parallel_loop3A_436 = arith.constant 16 : i32
              scf.for %parallel_loop3A_437 = %parallel_loop3A_434 to %parallel_loop3A_435 step %parallel_loop3A_436  : i32 {
                %parallel_loop3A_438 = arith.constant 16 : i32
                %parallel_loop3A_439 = arith.muli %scan3A_211, %parallel_loop3A_438 : i32
                %parallel_loop3A_440 = arith.constant 15 : i32
                %parallel_loop3A_441 = arith.addi %parallel_loop3A_439, %parallel_loop3A_440 : i32
                %parallel_loop3A_442 = arith.index_cast %parallel_loop3A_441 : i32 to index
                %parallel_loop3A_443 = arith.index_cast %parallel_loop3A_437 : i32 to index
                %parallel_loop3A_444 = tpu.vector_load %arg6[%parallel_loop3A_442, %parallel_loop3A_443] {strides = array<i32>} : memref<32x512xf32, #tpu.memory_space<vmem>>, vector<16xf32>,
                %parallel_loop3A_445 = vector.broadcast %parallel_loop3A_437 : i32 to vector<16xi32>
                %parallel_loop3A_446 = arith.addi %add3A_433, %parallel_loop3A_445 : vector<16xi32>
                tpu.vector_store_idx %arg9[%parallel_loop3A_446], %parallel_loop3A_444 {add = true} : memref<65536xf32, #tpu.memory_space<vmem>>[vector<16xi32>], vector<16xf32>,
              } {sc.loop_unroll_factor = 8 : i64, sc.parallel_access}
            } else {
            }
          } else {
          }
        }
        %scan3A_210 = arith.constant 2 : i32
      } else {
      }
    }
    %scan3A_82 = arith.constant 7 : i32
    %add3A_83 = arith.constant 448 : i32
    %add3A_84 = arith.addi %add3A, %add3A_83 : i32
    %min3A_85 = arith.constant 374 : i32
    %min3A_86 = arith.minsi %add3A_84, %min3A_85 : i32
    %mul3A_87 = arith.constant 32 : i32
    %mul3A_88 = arith.muli %min3A_86, %mul3A_87 : i32
    %min3A_89 = arith.constant 11968 : i32
    %min3A_90 = arith.minsi %mul3A_88, %min3A_89 : i32
    %dma_wait3A = arith.constant 0 : i32
    %dma_wait3A_91 = tpu.memref_slice %arg2[%min3A_90, %dma_wait3A] : memref<50000x512xf32, #tpu.memory_space<hbm>> -> memref<32x512xf32, #tpu.memory_space<hbm>>
    %dma_wait3A_92 = arith.constant 0 : i32
    %dma_wait3A_93 = tpu.memref_slice %arg2[%min3A_90, %dma_wait3A_92] : memref<50000x512xf32, #tpu.memory_space<hbm>> -> memref<32x512xf32, #tpu.memory_space<hbm>>
    tpu.wait_dma2 semaphore(%arg14 : memref<!tpu.dma_semaphore, #tpu.memory_space<semaphore_mem>>) src(%dma_wait3A_93 : memref<32x512xf32, #tpu.memory_space<hbm>>) dst(%arg5 : memref<32x512xf32, #tpu.memory_space<vmem>>)
    %dma_wait3A_94 = tpu.memref_slice %arg3[%min3A_90] : memref<50000xi32, #tpu.memory_space<hbm>> -> memref<32xi32, #tpu.memory_space<hbm>>
    %dma_wait3A_95 = tpu.memref_slice %arg3[%min3A_90] : memref<50000xi32, #tpu.memory_space<hbm>> -> memref<32xi32, #tpu.memory_space<hbm>>
    tpu.wait_dma2 semaphore(%arg16 : memref<!tpu.dma_semaphore, #tpu.memory_space<semaphore_mem>>) src(%dma_wait3A_95 : memref<32xi32, #tpu.memory_space<hbm>>) dst(%arg7 : memref<32xi32, #tpu.memory_space<vmem>>)
    %scan3A_96 = arith.constant 0 : i32
    %scan3A_97 = arith.constant 0 : i32
    %scan3A_98 = arith.constant 8 : i32
    %scan3A_99 = arith.addi %scan3A_97, %scan3A_98 : i32
    %scan3A_100 = arith.constant 1 : i32
    scf.for %scan3A_102 = %scan3A_97 to %scan3A_99 step %scan3A_100  : i32 {
      %ge3A = arith.cmpi sge, %scan3A_102, %select_n3A : i32
      %le3A = arith.cmpi sle, %scan3A_102, %select_n3A_45 : i32
      %and3A_103 = arith.andi %ge3A, %le3A : i1
      %convert_element_type3A = arith.extui %and3A_103 : i1 to i32
      %cond3A = arith.constant 0 : i32
      %cond3A_104 = arith.cmpi ne, %convert_element_type3A, %cond3A : i32
      scf.if %cond3A_104 {
        %mul3A_113 = arith.constant 16 : i32
        %mul3A_114 = arith.muli %scan3A_102, %mul3A_113 : i32
        %mul3A_115 = arith.constant 512 : i32
        %mul3A_116 = arith.muli %mul3A_114, %mul3A_115 : i32
        "tpu.region"() ({
          %run_scoped3A = tpu.sem_alloc : memref<!tpu.dma_semaphore, #tpu.memory_space<semaphore_mem>>
          %dma_start3A_117 = tpu.memref_slice %arg9[%mul3A_116] : memref<65536xf32, #tpu.memory_space<vmem>> -> memref<8192xf32, #tpu.memory_space<vmem>>
          %dma_start3A_118 = arith.constant 0 : i32
          %dma_start3A_119 = tpu.memref_slice %arg13[%arg1, %dma_start3A_118] : memref<16x8192xf32, #tpu.memory_space<vmem_shared>> -> memref<1x8192xf32, #tpu.memory_space<vmem_shared>>
          %dma_start3A_120 = tpu.memref_squeeze %dma_start3A_119 : memref<1x8192xf32, #tpu.memory_space<vmem_shared>> -> memref<8192xf32, #tpu.memory_space<vmem_shared>>
          %dma_start3A_121 = arith.constant 0 : i32
          %dma_start3A_122 = tpu.memref_slice %arg13[%arg1, %dma_start3A_121] : memref<16x8192xf32, #tpu.memory_space<vmem_shared>> -> memref<1x8192xf32, #tpu.memory_space<vmem_shared>>
          %dma_start3A_123 = tpu.memref_squeeze %dma_start3A_122 : memref<1x8192xf32, #tpu.memory_space<vmem_shared>> -> memref<8192xf32, #tpu.memory_space<vmem_shared>>
          %dma_start3A_124 = tpu.memref_slice %arg9[%mul3A_116] : memref<65536xf32, #tpu.memory_space<vmem>> -> memref<8192xf32, #tpu.memory_space<vmem>>
          tpu.enqueue_dma source(%dma_start3A_124 : memref<8192xf32, #tpu.memory_space<vmem>>) target(%dma_start3A_123 : memref<8192xf32, #tpu.memory_space<vmem_shared>>) target_semaphore(%run_scoped3A : memref<!tpu.dma_semaphore, #tpu.memory_space<semaphore_mem>>)
          %dma_wait3A_125 = tpu.memref_slice %arg9[%mul3A_116] : memref<65536xf32, #tpu.memory_space<vmem>> -> memref<8192xf32, #tpu.memory_space<vmem>>
          %dma_wait3A_126 = arith.constant 0 : i32
          %dma_wait3A_127 = tpu.memref_slice %arg13[%arg1, %dma_wait3A_126] : memref<16x8192xf32, #tpu.memory_space<vmem_shared>> -> memref<1x8192xf32, #tpu.memory_space<vmem_shared>>
          %dma_wait3A_128 = tpu.memref_squeeze %dma_wait3A_127 : memref<1x8192xf32, #tpu.memory_space<vmem_shared>> -> memref<8192xf32, #tpu.memory_space<vmem_shared>>
          %dma_wait3A_129 = arith.constant 0 : i32
          %dma_wait3A_130 = tpu.memref_slice %arg13[%arg1, %dma_wait3A_129] : memref<16x8192xf32, #tpu.memory_space<vmem_shared>> -> memref<1x8192xf32, #tpu.memory_space<vmem_shared>>
          %dma_wait3A_131 = tpu.memref_squeeze %dma_wait3A_130 : memref<1x8192xf32, #tpu.memory_space<vmem_shared>> -> memref<8192xf32, #tpu.memory_space<vmem_shared>>
          %dma_wait3A_132 = tpu.memref_slice %arg9[%mul3A_116] : memref<65536xf32, #tpu.memory_space<vmem>> -> memref<8192xf32, #tpu.memory_space<vmem>>
          tpu.wait_dma2 semaphore(%run_scoped3A : memref<!tpu.dma_semaphore, #tpu.memory_space<semaphore_mem>>) src(%dma_wait3A_132 : memref<8192xf32, #tpu.memory_space<vmem>>) dst(%dma_wait3A_131 : memref<8192xf32, #tpu.memory_space<vmem_shared>>)
          tpu.yield
        }) : () -> ()
      } else {
      }
      %barrier3A = arith.constant 0 : index
      tpu.barrier barrier_id(%barrier3A)
      %convert_element_type3A_105 = arith.extui %and3A_103 : i1 to i32
      %cond3A_106 = arith.constant 0 : i32
      %cond3A_107 = arith.cmpi ne, %convert_element_type3A_105, %cond3A_106 : i32
      scf.if %cond3A_107 {
        %mul3A_113 = arith.constant 512 : i32
        %mul3A_114 = arith.muli %arg1, %mul3A_113 : i32
        "tpu.region"() ({
          %run_scoped3A = tpu.sem_alloc : memref<!tpu.dma_semaphore, #tpu.memory_space<semaphore_mem>>
          %dma_start3A_127 = arith.constant 0 : i32
          %dma_start3A_128 = tpu.memref_slice %arg13[%dma_start3A_127, %mul3A_114] : memref<16x8192xf32, #tpu.memory_space<vmem_shared>> -> memref<16x512xf32, #tpu.memory_space<vmem_shared>>
          %dma_start3A_129 = arith.constant 0 : i32
          %dma_start3A_130 = tpu.memref_slice %arg13[%dma_start3A_129, %mul3A_114] : memref<16x8192xf32, #tpu.memory_space<vmem_shared>> -> memref<16x512xf32, #tpu.memory_space<vmem_shared>>
          tpu.enqueue_dma source(%dma_start3A_130 : memref<16x512xf32, #tpu.memory_space<vmem_shared>>) target(%arg10 : memref<16x512xf32, #tpu.memory_space<vmem>>) target_semaphore(%run_scoped3A : memref<!tpu.dma_semaphore, #tpu.memory_space<semaphore_mem>>)
          %dma_wait3A_131 = arith.constant 0 : i32
          %dma_wait3A_132 = tpu.memref_slice %arg13[%dma_wait3A_131, %mul3A_114] : memref<16x8192xf32, #tpu.memory_space<vmem_shared>> -> memref<16x512xf32, #tpu.memory_space<vmem_shared>>
          %dma_wait3A_133 = arith.constant 0 : i32
          %dma_wait3A_134 = tpu.memref_slice %arg13[%dma_wait3A_133, %mul3A_114] : memref<16x8192xf32, #tpu.memory_space<vmem_shared>> -> memref<16x512xf32, #tpu.memory_space<vmem_shared>>
          tpu.wait_dma2 semaphore(%run_scoped3A : memref<!tpu.dma_semaphore, #tpu.memory_space<semaphore_mem>>) src(%dma_wait3A_134 : memref<16x512xf32, #tpu.memory_space<vmem_shared>>) dst(%arg10 : memref<16x512xf32, #tpu.memory_space<vmem>>)
          tpu.yield
        }) : () -> ()
        %scan3A_115 = arith.constant 0 : i32
        %scan3A_116 = arith.constant 0 : i32
        %scan3A_117 = arith.constant 32 : i32
        %scan3A_118 = arith.addi %scan3A_116, %scan3A_117 : i32
        %scan3A_119 = arith.constant 1 : i32
        scf.for %scan3A_127 = %scan3A_116 to %scan3A_118 step %scan3A_119  : i32 {
          %mul3A_128 = arith.constant 16 : i32
          %mul3A_129 = arith.muli %scan3A_127, %mul3A_128 : i32
          %get3A_130 = arith.constant 0 : i32
          %get3A_131 = arith.index_cast %get3A_130 : i32 to index
          %get3A_132 = arith.index_cast %mul3A_129 : i32 to index
          %get3A_133 = tpu.vector_load %arg10[%get3A_131, %get3A_132] {strides = array<i32>} : memref<16x512xf32, #tpu.memory_space<vmem>>, vector<16xf32>,
          %get3A_134 = arith.constant 1 : i32
          %get3A_135 = arith.index_cast %get3A_134 : i32 to index
          %get3A_136 = arith.index_cast %mul3A_129 : i32 to index
          %get3A_137 = tpu.vector_load %arg10[%get3A_135, %get3A_136] {strides = array<i32>} : memref<16x512xf32, #tpu.memory_space<vmem>>, vector<16xf32>,
          %get3A_138 = arith.constant 2 : i32
          %get3A_139 = arith.index_cast %get3A_138 : i32 to index
          %get3A_140 = arith.index_cast %mul3A_129 : i32 to index
          %get3A_141 = tpu.vector_load %arg10[%get3A_139, %get3A_140] {strides = array<i32>} : memref<16x512xf32, #tpu.memory_space<vmem>>, vector<16xf32>,
          %get3A_142 = arith.constant 3 : i32
          %get3A_143 = arith.index_cast %get3A_142 : i32 to index
          %get3A_144 = arith.index_cast %mul3A_129 : i32 to index
          %get3A_145 = tpu.vector_load %arg10[%get3A_143, %get3A_144] {strides = array<i32>} : memref<16x512xf32, #tpu.memory_space<vmem>>, vector<16xf32>,
          %get3A_146 = arith.constant 4 : i32
          %get3A_147 = arith.index_cast %get3A_146 : i32 to index
          %get3A_148 = arith.index_cast %mul3A_129 : i32 to index
          %get3A_149 = tpu.vector_load %arg10[%get3A_147, %get3A_148] {strides = array<i32>} : memref<16x512xf32, #tpu.memory_space<vmem>>, vector<16xf32>,
          %get3A_150 = arith.constant 5 : i32
          %get3A_151 = arith.index_cast %get3A_150 : i32 to index
          %get3A_152 = arith.index_cast %mul3A_129 : i32 to index
          %get3A_153 = tpu.vector_load %arg10[%get3A_151, %get3A_152] {strides = array<i32>} : memref<16x512xf32, #tpu.memory_space<vmem>>, vector<16xf32>,
          %get3A_154 = arith.constant 6 : i32
          %get3A_155 = arith.index_cast %get3A_154 : i32 to index
          %get3A_156 = arith.index_cast %mul3A_129 : i32 to index
          %get3A_157 = tpu.vector_load %arg10[%get3A_155, %get3A_156] {strides = array<i32>} : memref<16x512xf32, #tpu.memory_space<vmem>>, vector<16xf32>,
          %get3A_158 = arith.constant 7 : i32
          %get3A_159 = arith.index_cast %get3A_158 : i32 to index
          %get3A_160 = arith.index_cast %mul3A_129 : i32 to index
          %get3A_161 = tpu.vector_load %arg10[%get3A_159, %get3A_160] {strides = array<i32>} : memref<16x512xf32, #tpu.memory_space<vmem>>, vector<16xf32>,
          %get3A_162 = arith.constant 8 : i32
          %get3A_163 = arith.index_cast %get3A_162 : i32 to index
          %get3A_164 = arith.index_cast %mul3A_129 : i32 to index
          %get3A_165 = tpu.vector_load %arg10[%get3A_163, %get3A_164] {strides = array<i32>} : memref<16x512xf32, #tpu.memory_space<vmem>>, vector<16xf32>,
          %get3A_166 = arith.constant 9 : i32
          %get3A_167 = arith.index_cast %get3A_166 : i32 to index
          %get3A_168 = arith.index_cast %mul3A_129 : i32 to index
          %get3A_169 = tpu.vector_load %arg10[%get3A_167, %get3A_168] {strides = array<i32>} : memref<16x512xf32, #tpu.memory_space<vmem>>, vector<16xf32>,
          %get3A_170 = arith.constant 10 : i32
          %get3A_171 = arith.index_cast %get3A_170 : i32 to index
          %get3A_172 = arith.index_cast %mul3A_129 : i32 to index
          %get3A_173 = tpu.vector_load %arg10[%get3A_171, %get3A_172] {strides = array<i32>} : memref<16x512xf32, #tpu.memory_space<vmem>>, vector<16xf32>,
          %get3A_174 = arith.constant 11 : i32
          %get3A_175 = arith.index_cast %get3A_174 : i32 to index
          %get3A_176 = arith.index_cast %mul3A_129 : i32 to index
          %get3A_177 = tpu.vector_load %arg10[%get3A_175, %get3A_176] {strides = array<i32>} : memref<16x512xf32, #tpu.memory_space<vmem>>, vector<16xf32>,
          %get3A_178 = arith.constant 12 : i32
          %get3A_179 = arith.index_cast %get3A_178 : i32 to index
          %get3A_180 = arith.index_cast %mul3A_129 : i32 to index
          %get3A_181 = tpu.vector_load %arg10[%get3A_179, %get3A_180] {strides = array<i32>} : memref<16x512xf32, #tpu.memory_space<vmem>>, vector<16xf32>,
          %get3A_182 = arith.constant 13 : i32
          %get3A_183 = arith.index_cast %get3A_182 : i32 to index
          %get3A_184 = arith.index_cast %mul3A_129 : i32 to index
          %get3A_185 = tpu.vector_load %arg10[%get3A_183, %get3A_184] {strides = array<i32>} : memref<16x512xf32, #tpu.memory_space<vmem>>, vector<16xf32>,
          %get3A_186 = arith.constant 14 : i32
          %get3A_187 = arith.index_cast %get3A_186 : i32 to index
          %get3A_188 = arith.index_cast %mul3A_129 : i32 to index
          %get3A_189 = tpu.vector_load %arg10[%get3A_187, %get3A_188] {strides = array<i32>} : memref<16x512xf32, #tpu.memory_space<vmem>>, vector<16xf32>,
          %get3A_190 = arith.constant 15 : i32
          %get3A_191 = arith.index_cast %get3A_190 : i32 to index
          %get3A_192 = arith.index_cast %mul3A_129 : i32 to index
          %get3A_193 = tpu.vector_load %arg10[%get3A_191, %get3A_192] {strides = array<i32>} : memref<16x512xf32, #tpu.memory_space<vmem>>, vector<16xf32>,
          %add3A_194 = arith.addf %get3A_133, %get3A_137 : vector<16xf32>
          %add3A_195 = arith.addf %get3A_141, %get3A_145 : vector<16xf32>
          %add3A_196 = arith.addf %get3A_149, %get3A_153 : vector<16xf32>
          %add3A_197 = arith.addf %get3A_157, %get3A_161 : vector<16xf32>
          %add3A_198 = arith.addf %get3A_165, %get3A_169 : vector<16xf32>
          %add3A_199 = arith.addf %get3A_173, %get3A_177 : vector<16xf32>
          %add3A_200 = arith.addf %get3A_181, %get3A_185 : vector<16xf32>
          %add3A_201 = arith.addf %get3A_189, %get3A_193 : vector<16xf32>
          %add3A_202 = arith.addf %add3A_194, %add3A_195 : vector<16xf32>
          %add3A_203 = arith.addf %add3A_196, %add3A_197 : vector<16xf32>
          %add3A_204 = arith.addf %add3A_198, %add3A_199 : vector<16xf32>
          %add3A_205 = arith.addf %add3A_200, %add3A_201 : vector<16xf32>
          %add3A_206 = arith.addf %add3A_202, %add3A_203 : vector<16xf32>
          %add3A_207 = arith.addf %add3A_204, %add3A_205 : vector<16xf32>
          %add3A_208 = arith.addf %add3A_206, %add3A_207 : vector<16xf32>
          %swap3A = arith.index_cast %mul3A_129 : i32 to index
          %swap3A_209 = tpu.vector_load %arg11[%swap3A] {strides = array<i32>} : memref<512xf32, #tpu.memory_space<vmem>>, vector<16xf32>,
          tpu.vector_store %arg11[%swap3A], %add3A_208 {strides = array<i32>} : memref<512xf32, #tpu.memory_space<vmem>>, vector<16xf32>,
        }
        %scan3A_120 = arith.constant 32 : i32
        %mul3A_121 = arith.constant 128 : i32
        %mul3A_122 = arith.muli %arg0, %mul3A_121 : i32
        %mul3A_123 = arith.constant 16 : i32
        %mul3A_124 = arith.muli %scan3A_102, %mul3A_123 : i32
        %add3A_125 = arith.addi %mul3A_122, %mul3A_124 : i32
        %add3A_126 = arith.addi %add3A_125, %arg1 : i32
        "tpu.region"() ({
          %run_scoped3A = tpu.sem_alloc : memref<!tpu.dma_semaphore, #tpu.memory_space<semaphore_mem>>
          %dma_start3A_127 = arith.constant 0 : i32
          %dma_start3A_128 = tpu.memref_slice %arg4[%add3A_126, %dma_start3A_127] : memref<256x512xf32, #tpu.memory_space<hbm>> -> memref<1x512xf32, #tpu.memory_space<hbm>>
          %dma_start3A_129 = tpu.memref_squeeze %dma_start3A_128 : memref<1x512xf32, #tpu.memory_space<hbm>> -> memref<512xf32, #tpu.memory_space<hbm>>
          %dma_start3A_130 = arith.constant 0 : i32
          %dma_start3A_131 = tpu.memref_slice %arg4[%add3A_126, %dma_start3A_130] : memref<256x512xf32, #tpu.memory_space<hbm>> -> memref<1x512xf32, #tpu.memory_space<hbm>>
          %dma_start3A_132 = tpu.memref_squeeze %dma_start3A_131 : memref<1x512xf32, #tpu.memory_space<hbm>> -> memref<512xf32, #tpu.memory_space<hbm>>
          tpu.enqueue_dma source(%arg11 : memref<512xf32, #tpu.memory_space<vmem>>) target(%dma_start3A_132 : memref<512xf32, #tpu.memory_space<hbm>>) target_semaphore(%run_scoped3A : memref<!tpu.dma_semaphore, #tpu.memory_space<semaphore_mem>>)
          %dma_wait3A_133 = arith.constant 0 : i32
          %dma_wait3A_134 = tpu.memref_slice %arg4[%add3A_126, %dma_wait3A_133] : memref<256x512xf32, #tpu.memory_space<hbm>> -> memref<1x512xf32, #tpu.memory_space<hbm>>
          %dma_wait3A_135 = tpu.memref_squeeze %dma_wait3A_134 : memref<1x512xf32, #tpu.memory_space<hbm>> -> memref<512xf32, #tpu.memory_space<hbm>>
          %dma_wait3A_136 = arith.constant 0 : i32
          %dma_wait3A_137 = tpu.memref_slice %arg4[%add3A_126, %dma_wait3A_136] : memref<256x512xf32, #tpu.memory_space<hbm>> -> memref<1x512xf32, #tpu.memory_space<hbm>>
          %dma_wait3A_138 = tpu.memref_squeeze %dma_wait3A_137 : memref<1x512xf32, #tpu.memory_space<hbm>> -> memref<512xf32, #tpu.memory_space<hbm>>
          tpu.wait_dma2 semaphore(%run_scoped3A : memref<!tpu.dma_semaphore, #tpu.memory_space<semaphore_mem>>) src(%arg11 : memref<512xf32, #tpu.memory_space<vmem>>) dst(%dma_wait3A_138 : memref<512xf32, #tpu.memory_space<hbm>>)
          tpu.yield
        }) : () -> ()
      } else {
      }
      %not3A = arith.constant true
      %not3A_108 = arith.xori %and3A_103, %not3A : i1
      %convert_element_type3A_109 = arith.extui %not3A_108 : i1 to i32
      %cond3A_110 = arith.constant 0 : i32
      %cond3A_111 = arith.cmpi ne, %convert_element_type3A_109, %cond3A_110 : i32
      scf.if %cond3A_111 {
        %mul3A_113 = arith.constant 128 : i32
        %mul3A_114 = arith.muli %arg0, %mul3A_113 : i32
        %mul3A_115 = arith.constant 16 : i32
        %mul3A_116 = arith.muli %scan3A_102, %mul3A_115 : i32
        %add3A_117 = arith.addi %mul3A_114, %mul3A_116 : i32
        %add3A_118 = arith.addi %add3A_117, %arg1 : i32
        "tpu.region"() ({
          %run_scoped3A = tpu.sem_alloc : memref<!tpu.dma_semaphore, #tpu.memory_space<semaphore_mem>>
          %dma_start3A_119 = arith.constant 0 : i32
          %dma_start3A_120 = tpu.memref_slice %arg4[%add3A_118, %dma_start3A_119] : memref<256x512xf32, #tpu.memory_space<hbm>> -> memref<1x512xf32, #tpu.memory_space<hbm>>
          %dma_start3A_121 = tpu.memref_squeeze %dma_start3A_120 : memref<1x512xf32, #tpu.memory_space<hbm>> -> memref<512xf32, #tpu.memory_space<hbm>>
          %dma_start3A_122 = arith.constant 0 : i32
          %dma_start3A_123 = tpu.memref_slice %arg4[%add3A_118, %dma_start3A_122] : memref<256x512xf32, #tpu.memory_space<hbm>> -> memref<1x512xf32, #tpu.memory_space<hbm>>
          %dma_start3A_124 = tpu.memref_squeeze %dma_start3A_123 : memref<1x512xf32, #tpu.memory_space<hbm>> -> memref<512xf32, #tpu.memory_space<hbm>>
          tpu.enqueue_dma source(%arg12 : memref<512xf32, #tpu.memory_space<vmem>>) target(%dma_start3A_124 : memref<512xf32, #tpu.memory_space<hbm>>) target_semaphore(%run_scoped3A : memref<!tpu.dma_semaphore, #tpu.memory_space<semaphore_mem>>)
          %dma_wait3A_125 = arith.constant 0 : i32
          %dma_wait3A_126 = tpu.memref_slice %arg4[%add3A_118, %dma_wait3A_125] : memref<256x512xf32, #tpu.memory_space<hbm>> -> memref<1x512xf32, #tpu.memory_space<hbm>>
          %dma_wait3A_127 = tpu.memref_squeeze %dma_wait3A_126 : memref<1x512xf32, #tpu.memory_space<hbm>> -> memref<512xf32, #tpu.memory_space<hbm>>
          %dma_wait3A_128 = arith.constant 0 : i32
          %dma_wait3A_129 = tpu.memref_slice %arg4[%add3A_118, %dma_wait3A_128] : memref<256x512xf32, #tpu.memory_space<hbm>> -> memref<1x512xf32, #tpu.memory_space<hbm>>
          %dma_wait3A_130 = tpu.memref_squeeze %dma_wait3A_129 : memref<1x512xf32, #tpu.memory_space<hbm>> -> memref<512xf32, #tpu.memory_space<hbm>>
          tpu.wait_dma2 semaphore(%run_scoped3A : memref<!tpu.dma_semaphore, #tpu.memory_space<semaphore_mem>>) src(%arg12 : memref<512xf32, #tpu.memory_space<vmem>>) dst(%dma_wait3A_130 : memref<512xf32, #tpu.memory_space<hbm>>)
          tpu.yield
        }) : () -> ()
      } else {
      }
      %barrier3A_112 = arith.constant 0 : index
      tpu.barrier barrier_id(%barrier3A_112)
    }
    %scan3A_101 = arith.constant 8 : i32
    return
  }
}

module attributes {stable_mosaic.version = 14 : i64} {
  func.func @_pool_tc_body(%arg0: i32, %arg1: memref<1x1x2000xi32, #tpu.memory_space<vmem>>, %arg2: memref<2000x512xf32, #tpu.memory_space<vmem>>, %arg3: memref<128x512xf32, #tpu.memory_space<vmem>>) attributes {dimension_semantics = [#tpu.dimension_semantics<arbitrary>], iteration_bounds = array<i64: 19>, scalar_prefetch = 0 : i64, scratch_operands = 0 : i64, tpu.core_type = #tpu.core_type<tc>, window_params = [{transform_indices = @transform_0, window_bounds = array<i64: 1, 1, 2000>}, {transform_indices = @transform_1, window_bounds = array<i64: 2000, 512>}, {pipeline_mode = #tpu.pipeline_mode<synchronous>, transform_indices = @transform_2, window_bounds = array<i64: 128, 512>}]} {
    %get3A = arith.constant 0 : index
    %get3A_0 = arith.constant 0 : index
    %get3A_1 = arith.constant 0 : index
    %get3A_2 = vector.load %arg1[%get3A, %get3A_0, %get3A_1] : memref<1x1x2000xi32, #tpu.memory_space<vmem>>, vector<1x1x2000xi32>
    %get3A_3 = vector.shape_cast %get3A_2 : vector<1x1x2000xi32> to vector<2000xi32>
    %iota3A = tpu.iota {dimensions = array<i32: 0>} : vector<128x2000xi32>
    %broadcast_in_dim3A = vector.shape_cast %get3A_3 : vector<2000xi32> to vector<1x2000xi32>
    %eq3A = vector.broadcast %broadcast_in_dim3A : vector<1x2000xi32> to vector<128x2000xi32>
    %eq3A_4 = arith.cmpi eq, %iota3A, %eq3A : vector<128x2000xi32>
    %jit3A = arith.constant 1.000000e+00 : f32
    %jit3A_5 = arith.constant 0.000000e+00 : f32
    %broadcast_in_dim3A_6 = vector.broadcast %jit3A : f32 to vector<128x2000xf32>
    %broadcast_in_dim3A_7 = vector.broadcast %jit3A_5 : f32 to vector<128x2000xf32>
    %select_n3A = arith.select %eq3A_4, %broadcast_in_dim3A_6, %broadcast_in_dim3A_7 : vector<128x2000xi1>, vector<128x2000xf32>
    %get3A_8 = arith.constant 0 : index
    %get3A_9 = arith.constant 0 : index
    %get3A_10 = vector.load %arg2[%get3A_8, %get3A_9] : memref<2000x512xf32, #tpu.memory_space<vmem>>, vector<2000x512xf32>
    %dot_general3A = arith.constant dense<0.000000e+00> : vector<128x512xf32>
    %dot_general3A_11 = tpu.matmul %select_n3A, %get3A_10, %dot_general3A {dimension_numbers = #tpu.dot_dimension_numbers<[1], [0], [0], [1], [0, 0, 1, 1], [], []>, transpose_lhs_hint = false} : vector<128x2000xf32>, vector<2000x512xf32>, vector<128x512xf32> -> vector<128x512xf32>
    %eq3A_12 = arith.constant 0 : i32
    %eq3A_13 = arith.cmpi eq, %arg0, %eq3A_12 : i32
    %convert_element_type3A = arith.extui %eq3A_13 : i1 to i32
    %cond3A = arith.constant 0 : i32
    %cond3A_14 = arith.cmpi ne, %convert_element_type3A, %cond3A : i32
    scf.if %cond3A_14 {
      %swap3A = arith.constant 0 : index
      %swap3A_19 = arith.constant 0 : index
      %swap3A_20 = vector.load %arg3[%swap3A, %swap3A_19] : memref<128x512xf32, #tpu.memory_space<vmem>>, vector<128x512xf32>
      tpu.vector_store %arg3[%swap3A, %swap3A_19], %dot_general3A_11 {strides = array<i32>} : memref<128x512xf32, #tpu.memory_space<vmem>>, vector<128x512xf32>,
    } else {
    }
    %ne3A = arith.constant 0 : i32
    %ne3A_15 = arith.cmpi ne, %arg0, %ne3A : i32
    %convert_element_type3A_16 = arith.extui %ne3A_15 : i1 to i32
    %cond3A_17 = arith.constant 0 : i32
    %cond3A_18 = arith.cmpi ne, %convert_element_type3A_16, %cond3A_17 : i32
    scf.if %cond3A_18 {
      %get3A_19 = arith.constant 0 : index
      %get3A_20 = arith.constant 0 : index
      %get3A_21 = vector.load %arg3[%get3A_19, %get3A_20] : memref<128x512xf32, #tpu.memory_space<vmem>>, vector<128x512xf32>
      %add3A = arith.addf %get3A_21, %dot_general3A_11 : vector<128x512xf32>
      %swap3A = arith.constant 0 : index
      %swap3A_22 = arith.constant 0 : index
      %swap3A_23 = vector.load %arg3[%swap3A, %swap3A_22] : memref<128x512xf32, #tpu.memory_space<vmem>>, vector<128x512xf32>
      tpu.vector_store %arg3[%swap3A, %swap3A_22], %add3A {strides = array<i32>} : memref<128x512xf32, #tpu.memory_space<vmem>>, vector<128x512xf32>,
    } else {
    }
    return
  }
  func.func @transform_0(%arg0: i32) -> (i32, i32, i32) {
    %add3A = arith.constant 6 : i32
    %add3A_0 = arith.addi %arg0, %add3A : i32
    %c0_i32 = arith.constant 0 : i32
    %c0_i32_1 = arith.constant 0 : i32
    %c0_i32_2 = arith.constant 0 : i32
    return %add3A_0, %c0_i32, %c0_i32_1 : i32, i32, i32
  }
  func.func @transform_1(%arg0: i32) -> (i32, i32) {
    %add3A = arith.constant 6 : i32
    %add3A_0 = arith.addi %arg0, %add3A : i32
    %c0_i32 = arith.constant 0 : i32
    %c0_i32_1 = arith.constant 0 : i32
    return %add3A_0, %c0_i32 : i32, i32
  }
  func.func @transform_2(%arg0: i32) -> (i32, i32) {
    %c0_i32 = arith.constant 0 : i32
    %c0_i32_0 = arith.constant 0 : i32
    %c0_i32_1 = arith.constant 0 : i32
    return %c0_i32, %c0_i32_0 : i32, i32
  }
}

module attributes {stable_mosaic.version = 14 : i64} {
  func.func @_proj_body(%arg0: memref<2x128x512xf32, #tpu.memory_space<vmem>>, %arg1: memref<128x512xf32, #tpu.memory_space<vmem>>, %arg2: memref<512x512xf32, #tpu.memory_space<vmem>>, %arg3: memref<1x512xf32, #tpu.memory_space<vmem>>, %arg4: memref<128x512xf32, #tpu.memory_space<vmem>>) attributes {dimension_semantics = [], scalar_prefetch = 0 : i64, scratch_operands = 0 : i64, tpu.core_type = #tpu.core_type<tc>} {
    %get3A = arith.constant 0 : index
    %get3A_0 = arith.constant 0 : index
    %get3A_1 = arith.constant 0 : index
    %get3A_2 = vector.load %arg0[%get3A, %get3A_0, %get3A_1] : memref<2x128x512xf32, #tpu.memory_space<vmem>>, vector<1x128x512xf32>
    %get3A_3 = vector.shape_cast %get3A_2 : vector<1x128x512xf32> to vector<128x512xf32>
    %get3A_4 = arith.constant 1 : index
    %get3A_5 = arith.constant 0 : index
    %get3A_6 = arith.constant 0 : index
    %get3A_7 = vector.load %arg0[%get3A_4, %get3A_5, %get3A_6] : memref<2x128x512xf32, #tpu.memory_space<vmem>>, vector<1x128x512xf32>
    %get3A_8 = vector.shape_cast %get3A_7 : vector<1x128x512xf32> to vector<128x512xf32>
    %add3A = arith.addf %get3A_3, %get3A_8 : vector<128x512xf32>
    %get3A_9 = arith.constant 0 : index
    %get3A_10 = arith.constant 0 : index
    %get3A_11 = vector.load %arg1[%get3A_9, %get3A_10] : memref<128x512xf32, #tpu.memory_space<vmem>>, vector<128x512xf32>
    %add3A_12 = arith.addf %add3A, %get3A_11 : vector<128x512xf32>
    %get3A_13 = arith.constant 0 : index
    %get3A_14 = arith.constant 0 : index
    %get3A_15 = vector.load %arg2[%get3A_13, %get3A_14] : memref<512x512xf32, #tpu.memory_space<vmem>>, vector<512x512xf32>
    %dot_general3A = arith.constant dense<0.000000e+00> : vector<128x512xf32>
    %dot_general3A_16 = tpu.matmul %add3A_12, %get3A_15, %dot_general3A {dimension_numbers = #tpu.dot_dimension_numbers<[1], [1], [0], [0], [0, 0, 1, 0], [], []>, transpose_lhs_hint = false} : vector<128x512xf32>, vector<512x512xf32>, vector<128x512xf32> -> vector<128x512xf32>
    %get3A_17 = arith.constant 0 : index
    %get3A_18 = arith.constant 0 : index
    %get3A_19 = vector.load %arg3[%get3A_17, %get3A_18] : memref<1x512xf32, #tpu.memory_space<vmem>>, vector<1x512xf32>
    %add3A_20 = vector.broadcast %get3A_19 : vector<1x512xf32> to vector<128x512xf32>
    %add3A_21 = arith.addf %dot_general3A_16, %add3A_20 : vector<128x512xf32>
    %swap3A = arith.constant 0 : index
    %swap3A_22 = arith.constant 0 : index
    %swap3A_23 = vector.load %arg4[%swap3A, %swap3A_22] : memref<128x512xf32, #tpu.memory_space<vmem>>, vector<128x512xf32>
    tpu.vector_store %arg4[%swap3A, %swap3A_22], %add3A_21 {strides = array<i32>} : memref<128x512xf32, #tpu.memory_space<vmem>>, vector<128x512xf32>,
    return
  }
}

</mosaic_0001>

<sc_bundles>
// kernel: kernel.5.cloned.1.call-start
scs
__scs_entry_jumppad:
0x0: {  	(pc) =	sbr.rel $0x88, $3  }
0x1: {  	(tag) =	ssettag $0x0;
	lr =	simm.s32 $0x1  }
0x2: {  	[smem:$0x3F9D] =	sst lr;
	_ =	strace $0xD0000000  }
0x3: {  	_ = 	snop  }
0x4: {  	_ = 	snop  }
0x5: {  	_ = 	snop  }
0x6: {  	_ = 	snop  }
0x7: {  	_ = 	snop  }
__scs_overlays_trampoline_lowered:
0x8: {  	[smem:$0x3FAC] =	sst s0  }
0x9: {  	[smem:$0x3FAD] =	sst s1  }
0xa: {  	[smem:$0x3FAE] =	sst s2  }
0xb: {  	[smem:$0x3FAF] =	sst s3  }
0xc: {  	[smem:$0x3FB0] =	sst s4  }
0xd: {  	[smem:$0x3FB1] =	sst s5  }
0xe: {  	[smem:$0x3FB2] =	sst s6  }
0xf: {  	[smem:$0x3FB3] =	sst s7  }
0x10: {  	[smem:$0x3FB4] =	sst s8  }
0x11: {  	[smem:$0x3FB5] =	sst s9;
	s0 =	simm.s32 @!p0 $0x0  }
0x12: {  	s1 =	sld [smem:$0x3F9B];
	s0 =	simm.s32 @p0 $0x1  }
0x13: {  	[smem:$0x3FB6] =	sst s0;
	s0 =	simm.s32 @!p1 $0x0  }
0x14: {  	s2 =	sld [smem:$0x3F9A];
	s0 =	simm.s32 @p1 $0x1  }
0x15: {  	[smem:$0x3FB7] =	sst s0;
	s0 =	simm.s32 @!p2 $0x0  }
0x16: {  	s3 =	sld [smem:$0x3FDB];
	s0 =	simm.s32 @p2 $0x1  }
0x17: {  	s4 =	simm.s32 $0x1BF5;
	[smem:$0x3FB9] =	sst s0  }
0x18: {  	s0 =	sld [smem:$0x3F9C];
	_ =	swait.ge [sflag:s4], $0x0  }
0x19: {  	s7 =	sld [smem:$0x3F9D]  }
0x1a: {  	s8 =	sadd.s32 $0xFFFFE003, lr  }
0x1b: {  	s9 =	sadd.s32 $0xFFFFFEF7, lr;
	s5 =	simm.s32 $0xFFFFFFFF;
	p2 =	slt.u32 s8, $0xFFFFF086  }
0x1c: {  	p1 =	slt.u32 s9, $0xF7A;
	s5 =	simm.s32 @!p2 $0x0  }
0x1d: {  	s5 =	simm.s32 @p1 $0x1;
	p0 =	seq.s32 s7, s2  }
0x1e: {  	s7 =	smul.u32 @!p0 $0xF7A, s2;
	p2 =	seq.s32 @!p0 s5, $0x0  }
0x1f: {  	s9 =	smul.u32 $0xF7A, s1;
	s8 =	simm.s32 @!p0 $0x1BF5;
	p2 =	por !p2, p0  }
0x20: {  	[sflag:s8] =	ssyncset.s32 @!p0 $0xFFFFF086;
	s6 =	sadd.s32 @!p0 s3, s7;
	s7 =	simm.s32 @!p0 $0x108  }
0x21: {  	s3 =	sadd.s32 s3, s9;
	s6 =	sadd.s32 @!p0 $0x88, s6;
	s7 =	simm.s32 @p2 $0x1082  }
0x22: {  	[simem:s7], [sflag:s8] =	dma.local @!p0 [hbm:s6], $0xF7A  }
0x23: {  	s9 =	sor.u32 $0xD0000000, s2;
	s6 =	simm.s32 $0x108;
	_ =	swait.ge @!p0 [sflag:s8], $0x0  }
0x24: {  	s3 =	sadd.s32 $0x88, s3;
	s6 =	simm.s32 @!p1 $0x1082;
	[sflag:s4] =	ssyncset.s32 $0xFFFFF086  }
0x25: {  	[simem:s6], [sflag:s4] =	dma.local [hbm:s3], $0xF7A  }
0x26: {  	[smem:$0x3F9D] =	sst s1;
	(tag) =	ssettag s2;
	_ =	strace s9  }
0x27: {  	s1 =	sld [smem:$0x3FAD]  }
0x28: {  	s2 =	sld [smem:$0x3FAE]  }
0x29: {  	s4 =	sld [smem:$0x3FB0]  }
0x2a: {  	p0 =	seq.s32 s5, $0x0;
	s5 =	sld [smem:$0x3FB1]  }
0x2b: {  	s6 =	sld [smem:$0x3FB2]  }
0x2c: {  	s7 =	sld [smem:$0x3FB3]  }
0x2d: {  	s3 =	simm.s32 $0x108;
	s8 =	sld [smem:$0x3FB4]  }
0x2e: {  	s3 =	simm.s32 @!p0 $0x1082;
	s9 =	sld [smem:$0x3FB5]  }
0x2f: {  	lr =	sadd.s32 s0, s3;
	s0 =	sld [smem:$0x3FAC]  }
0x30: {  	s3 =	sld [smem:$0x3FAF]  }
0x31: {  	[smem:$0x3FB8] =	sst s10  }
0x32: {  	s10 =	sld [smem:$0x3FB6];
	_ =	sdelay $0x3  }
0x33: {  	p0 =	seq.s32 s10, $0x1;
	s10 =	sld [smem:$0x3FB8];
	_ =	sdelay $0x3  }
0x34: {  	[smem:$0x3FB8] =	sst s10  }
0x35: {  	s10 =	sld [smem:$0x3FB7];
	_ =	sdelay $0x3  }
0x36: {  	p1 =	seq.s32 s10, $0x1;
	s10 =	sld [smem:$0x3FB8];
	_ =	sdelay $0x3  }
0x37: {  	[smem:$0x3FB8] =	sst s10  }
0x38: {  	s10 =	sld [smem:$0x3FB9]  }
0x39: {  	_ = 	snop;
	(pc) =	sbr.ind lr, $3  }
0x3a: {  	_ = 	snop  }
0x3b: {  	_ = 	snop  }
0x3c: {  	p2 =	seq.s32 s10, $0x1;
	s10 =	sld [smem:$0x3FB8]  }
0x3d: {  	_ =	shalt  }
0x3e: {  	_ =	shalt  }
0x3f: {  	_ =	shalt  }
0x40: {  	_ =	shalt  }
0x41: {  	_ =	shalt  }
0x42: {  	_ =	shalt  }
0x43: {  	_ =	shalt  }
0x44: {  	_ =	shalt  }
0x45: {  	_ =	shalt  }
0x46: {  	_ =	shalt  }
0x47: {  	_ =	shalt  }
0x48: {  	_ =	shalt  }
0x49: {  	_ =	shalt  }
0x4a: {  	_ =	shalt  }
0x4b: {  	_ =	shalt  }
0x4c: {  	_ =	shalt  }
0x4d: {  	_ =	shalt  }
0x4e: {  	_ =	shalt  }
0x4f: {  	_ =	shalt  }
0x50: {  	_ =	shalt  }
0x51: {  	_ =	shalt  }
0x52: {  	_ =	shalt  }
0x53: {  	_ =	shalt  }
0x54: {  	_ =	shalt  }
0x55: {  	_ =	shalt  }
0x56: {  	_ =	shalt  }
0x57: {  	_ =	shalt  }
0x58: {  	_ =	shalt  }
0x59: {  	_ =	shalt  }
0x5a: {  	_ =	shalt  }
0x5b: {  	_ =	shalt  }
0x5c: {  	_ =	shalt  }
0x5d: {  	_ =	shalt  }
0x5e: {  	_ =	shalt  }
0x5f: {  	_ =	shalt  }
0x60: {  	_ =	shalt  }
0x61: {  	_ =	shalt  }
0x62: {  	_ =	shalt  }
0x63: {  	_ =	shalt  }
0x64: {  	_ =	shalt  }
0x65: {  	_ =	shalt  }
0x66: {  	_ =	shalt  }
0x67: {  	_ =	shalt  }
0x68: {  	_ =	shalt  }
0x69: {  	_ =	shalt  }
0x6a: {  	_ =	shalt  }
0x6b: {  	_ =	shalt  }
0x6c: {  	_ =	shalt  }
0x6d: {  	_ =	shalt  }
0x6e: {  	_ =	shalt  }
0x6f: {  	_ =	shalt  }
0x70: {  	_ =	shalt  }
0x71: {  	_ =	shalt  }
0x72: {  	_ =	shalt  }
0x73: {  	_ =	shalt  }
0x74: {  	_ =	shalt  }
0x75: {  	_ =	shalt  }
0x76: {  	_ =	shalt  }
0x77: {  	_ =	shalt  }
0x78: {  	_ =	shalt  }
0x79: {  	_ =	shalt  }
0x7a: {  	_ =	shalt  }
0x7b: {  	_ =	shalt  }
0x7c: {  	_ =	shalt  }
0x7d: {  	_ =	shalt  }
0x7e: {  	_ =	shalt  }
0x7f: {  	_ =	shalt  }
0x80: {  	_ =	shalt  }
0x81: {  	_ =	shalt  }
0x82: {  	_ =	shalt  }
0x83: {  	_ =	shalt  }
0x84: {  	_ =	shalt  }
0x85: {  	_ =	shalt  }
0x86: {  	_ =	shalt  }
0x87: {  	_ =	shalt  }
.Lfunc_end0:
.L_simem_size_0:
called_computation_lowered:
.L_overlay_start_0:
0x88: {  	s2 =	sld [smem:$0x3FD9]  }
0x89: {  	s3 =	sld [smem:$0x3FFE];
	_ =	sdelay $0x1  }
0x8a: {  	s1 =	srdreg.scid  }
0x8b: {  	s0 =	sand.u32 $0x1, s1  }
0x8c: {  	s17 =	sshll.u32 s0, $0xA;
	s2 =	sadd.s32 s3, s2  }
0x8d: {  	s2 =	sadd.s32 s2, s17  }
0x8e: {  	[smem:$0x3FC4] =	sst s2  }
0x8f: {  	_ = 	snop  }
0x90: {  	s2 =	sld [smem:$0x3FC9]  }
0x91: {  	s18 =	sld [smem:$0x3FC8];
	(tm) =	ssettm $0x1  }
0x92: {  	s4 =	sld [smem:$0x3FFB];
	_ =	sdelay $0x3  }
0x93: {  	_ =	strace s4  }
0x94: {  	s4 =	sld [smem:$0x3FFC];
	_ =	sdelay $0x3  }
0x95: {  	_ =	strace s4  }
0x96: {  	s4 =	sld [smem:$0x3FFD];
	_ =	sdelay $0x3  }
0x97: {  	_ =	strace s4  }
0x98: {  	_ =	strace $0x8FFFFFFF  }
0x99: {  	s19 =	sld [smem:$0x3FDB];
	_ =	sdelay $0x1  }
0x9a: {  	s5 =	simm.s32 $_scs_section_size  }
0x9b: {  	s6 =	simm.s32 $_size__tile_overlayer_lowered;
	s7 =	simm.s32 $_tile_overlayer_lowered  }
0x9c: {  	s22 =	simm.s32 $0x1BFF;
	s21 =	sshll.u32 s7, $0x1;
	s4 =	sadd.s32 s5, s19  }
0x9d: {  	s8 =	simm.s32 $0x0;
	s20 =	sshll.u32 s6, $0x1;
	s6 =	sadd.s32 s21, s4  }
0x9e: {  	[timem:s8], [sflag:s22] =	dma.local [hbm:s6], s20  }
0x9f: {  	_ =	swait.ge [sflag:s22], s20  }
0xa0: {  	s5 =	ssub.s32 $0x0, s20;
	[sflag:s22] =	ssyncset.done $0x0  }
0xa1: {  	[sflag:s22] =	ssyncadd.s32 s5;
	_ =	sdelay $0x1  }
0xa2: {  	s23 =	simm.s32 $0x1B8B  }
0xa3: {  	_ =	swait.ge [sflag:s23], $0x1  }
0xa4: {  	[sflag:s23] =	ssyncset.done $0x0  }
0xa5: {  	s25 =	simm.s32 $0x1B8E;
	s24 =	sld [smem:$0x3FFE];
	[sflag:s23] =	ssyncadd.s32 $0xFFFFFFFF  }
0xa6: {  	s26 =	simm.s32 $execute0_lowered;
	[smem:$0x3FD2] =	sst s25  }
0xa7: {  	s6 =	sshll.u32 s26, $0x1;
	_ =	strace $0x80000046;
	[dreg:$0x1] =	wrdreg $0xFFFFFFFF  }
0xa8: {  	s28 =	simm.s32 $_size_execute0_lowered;
	s4 =	sadd.s32 s4, s6;
	[dreg:$0x0] =	wrdreg $0x0  }
0xa9: {  	s6 =	sshll.u32 s28, $0x1;
	[dreg:$0x2] =	wrdreg s4  }
0xaa: {  	[dreg:$0x3] =	wrdreg s6  }
0xab: {  	[dreg:$0x4] =	wrdreg $0xC0  }
0xac: {  	_ =	task [dreg:s8], $0x5FFFF  }
0xad: {  	[dreg:$0x1] =	wrdreg $0xFFFFFFFF  }
0xae: {  	[dreg:$0x0] =	wrdreg $0x60  }
0xaf: {  	[dreg:$0x2] =	wrdreg s2  }
0xb0: {  	[dreg:$0x3] =	wrdreg s18  }
0xb1: {  	[dreg:$0x4] =	wrdreg s24  }
0xb2: {  	[dreg:$0x5] =	wrdreg $0x1A5000  }
0xb3: {  	[dreg:$0x6] =	wrdreg $0x9  }
0xb4: {  	_ =	task.clear_ibuf [dreg:s8], $0x7FFFF;
	_ =	strace $0x90000046  }
0xb5: {  	s29 =	simm.s32 $0x9;
	_ =	strace $0x80000048  }
0xb6: {  	_ =	swait.ge [sflag:s29], $0x1  }
0xb7: {  	[sflag:s29] =	ssyncadd.s32 $0xFFFFFFFF  }
0xb8: {  	_ =	strace $0x90000048  }
0xb9: {  	_ =	sfence  }
0xba: {  	s30 =	sld [smem:$0x0];
	_ =	sdelay $0x2  }
0xbb: {  	s31 =	sshll.u32 s1, $0xD;
	s1 =	sshrl.u32 s1, $0x2  }
0xbc: {  	s3 =	sand.u32 $0x4000, s31;
	s1 =	sadd.s32 s1, s30  }
0xbd: {  	s0 =	sor.u32 s3, s0;
	s1 =	sshll.u32 s1, $0x11  }
0xbe: {  	s0 =	sor.u32 s1, s0  }
0xbf: {  	s0 =	sadd.s32 $0x8F2B, s0  }
0xc0: {  	[sflag:s0] =	ssyncadd.remote.s32 $0x1  }
0xc1: {  	_ =	sfence.sel $0xFFFF  }
0xc2: {  	[dreg:$0x0] =	wrdreg $0xFFFFFFFF;
	(pc) =	sbr.abs _section_cstart, $3  }
0xc3: {  	[dreg:$0x1] =	wrdreg $0xFFFFFFFF  }
0xc4: {  	_ =	task.clear_ibuf [dreg:s8], $0x2FFFF;
	_ =	strace $0x9FFFFFFF  }
0xc5: {  	(tm) =	ssettm $0x7FFFFFFF  }
tec
execute0_lowered:
.L_overlay_start_1:
0x0: {  	(tag) =	ssettag $0x1  }
0x1: {  	s1 =	rddreg [dreg:$0x0]  }
0x2: {  	s2 =	rddreg [dreg:$0x1]  }
0x3: {  	s0 =	rddreg [dreg:$0x2]  }
0x4: {  	s3 =	rddreg [dreg:$0x3]  }
0x5: {  	s4 =	simm.s32 $0x0;
	s16 =	srdreg.scid;
	s9 =	stileid.u32  }
0x6: {  	[smem:$0x7FF] =	sst s4;
	s4 =	sand.u32 $0x1, s16;
	s5 =	sshll.u32 s9, $0x4  }
0x7: {  	s19 =	sadd.s32 $0x5DA, s2;
	s15 =	smov.u32 s1;
	s23 =	sshll.u32 s9, $0xD  }
0x8: {  	s10 =	sshll.u32 s9, $0x7;
	s11 =	sshll.u32 s9, $0xC;
	s30 =	sshll.u32 s9, $0x6  }
0x9: {  	s16 =	simm.s32 $0x8000;
	_ =	strace $0x80000047;
	s6 =	ssub.s32 $0x2, s4  }
0xa: {  	s7 =	sshll.u32 s4, $0x4;
	s5 =	sand.u32 $0x70, s5;
	[dreg:$0x5] =	wrdreg s19  }
0xb: {  	s10 =	sand.u32 $0x380, s10;
	s26 =	sadd.s32 s11, s3;
	s29 =	sshll.u32 s4, $0xD  }
0xc: {  	s19 =	simm.s32 $0x1;
	s8 =	sshrl.u32 s6, $0x1;
	s7 =	sor.u32 s9, s7  }
0xd: {  	s0 =	sadd.s32 s5, s0;
	[dreg:$0xb] =	wrdreg s26;
	s17 =	ssub.s32 s6, s8  }
0xe: {  	s18 =	sshll.u32 s7, $0xB;
	s20 =	sshll.u32 s7, $0x2;
	s22 =	ssub.s32 $0x177, s7  }
0xf: {  	s24 =	sor.u32 $0x40, s7;
	s6 =	sand.u32 $0x10000, s23;
	[dreg:$0x8] =	wrdreg s22  }
0x10: {  	s0 =	sadd.s32 $0xC00, s0;
	s31 =	sor.u32 $0x20, s7;
	[dreg:$0x9] =	wrdreg s24  }
0x11: {  	s23 =	simm.s32 $0x8100;
	s1 =	sadd.s32 s1, s18;
	[dreg:$0xc] =	wrdreg s0  }
0x12: {  	s21 =	sadd.s32 s2, s20;
	s6 =	sadd.s32 s6, s3;
	[dreg:$0xe] =	wrdreg s31  }
.Ltmp0:
0x13: {  	s28 =	smax.u32 s17, $0x1;
	[dreg:$0x6] =	wrdreg s1;
	(pc) =	sbr.rel .LBB2_1-.Ltmp0, $4  }
0x14: {  	s0 =	sor.u32 s30, s29;
	s17 =	simm.s32 $0x5;
	[dreg:$0x7] =	wrdreg s21  }
0x15: {  	s20 =	simm.s32 $0x3;
	s22 =	simm.s32 $0x8080;
	[dreg:$0xd] =	wrdreg s28  }
0x16: {  	s24 =	simm.s32 $0x2;
	s25 =	sadd.s32 s10, s6;
	[dreg:$0xf] =	wrdreg s0  }
0x17: {  	v0 =	vimm.f32 $0.0e+00;
	v1 =	vlaneseq.u32;
	s1 =	simm.s32 $0x0;
	[dreg:$0xa] =	wrdreg s25;
	s25 =	simm.s32 $0x4  }
.LBB2_100:
0x18: {  	s1 =	rddreg [dreg:$0x10]  }
0x19: {  	s0 =	rddreg [dreg:$0xd];
	s1 =	sadd.s32 $0x1, s1  }
0x1a: {  	p0 =	sne.s32 s1, s0  }
.Ltmp1:
0x1b: {  	_ = 	snop;
	(pc) =	sbr.rel @!p0 .LBB2_101-.Ltmp1, $1  }
0x1c: {  	_ =	sdelay $0x3  }
.LBB2_1:
0x1d: {  	[dreg:$0x10] =	wrdreg s1;
	s0 =	simm.s32 $0x0  }
0x1e: {  	[tilespmem:s16], [sflag:$0x5] =	stream.linear.gather [hbm4b:s2+s0], $0x10, $0x38;
	[tilespmem:$0x1C500] =	vst v63  }
0x1f: {  	_ =	swait.ge [sflag:s17], $0x10  }
0x20: {  	[sflag:s17] =	ssyncset.done $0x0  }
0x21: {  	s3 =	simm.s32 $0x8010;
	s18 =	rddreg [dreg:$0x5];
	[sflag:s17] =	ssyncadd.s32 $0xFFFFFFF0  }
0x22: {  	[tilespmem:s3], [sflag:$0x5] =	stream.linear.gather [hbm4b:s18+s0], $0x10, $0x38;
	[tilespmem:$0x1C500] =	vst v63  }
0x23: {  	_ =	swait.ge [sflag:s17], $0x10  }
0x24: {  	[sflag:s17] =	ssyncset.done $0x0  }
0x25: {  	[sflag:s17] =	ssyncadd.s32 $0xFFFFFFF0  }
0x26: {  	v2 =	vld [tilespmem:$0x8000]  }
0x27: {  	v3 =	vld [tilespmem:$0x8010];
	_ =	sdelay $0x3  }
0x28: {  	[tilespmem:$0x1A300] =	vst v0;
	(v2sf) =	vpush v2, $0x0  }
0x29: {  	[tilespmem:$0x1A310] =	vst v0;
	(v2sf) =	vpush v3, $0xF  }
0x2a: {  	[tilespmem:$0x1A320] =	vst v0  }
0x2b: {  	[tilespmem:$0x1A330] =	vst v0  }
0x2c: {  	[tilespmem:$0x1A340] =	vst v0  }
0x2d: {  	[tilespmem:$0x1A350] =	vst v0  }
0x2e: {  	[tilespmem:$0x1A360] =	vst v0  }
0x2f: {  	[tilespmem:$0x1A370] =	vst v0  }
0x30: {  	[tilespmem:$0x1A380] =	vst v0  }
0x31: {  	[tilespmem:$0x1A390] =	vst v0  }
0x32: {  	[tilespmem:$0x1A3A0] =	vst v0  }
0x33: {  	[tilespmem:$0x1A3B0] =	vst v0  }
0x34: {  	[tilespmem:$0x1A3C0] =	vst v0  }
0x35: {  	[tilespmem:$0x1A3D0] =	vst v0  }
0x36: {  	[tilespmem:$0x1A3E0] =	vst v0  }
0x37: {  	[tilespmem:$0x1A3F0] =	vst v0;
	s21 =	spop (v2sf)  }
0x38: {  	[tilespmem:$0x1A400] =	vst v0;
	s26 =	spop (v2sf);
	s4 =	sshra.s32 s21, $0x1F;
	s5 =	sand.u32 $0xF, s21  }
0x39: {  	[tilespmem:$0x1A410] =	vst v0;
	p0 =	slt.s32 s21, $0x1;
	p1 =	sne.s32 s5, $0x0;
	s28 =	sand.u32 $0xF, s26  }
0x3a: {  	[tilespmem:$0x1A420] =	vst v0;
	p6 =	slt.s32 s26, $0x1;
	s4 =	sshrl.u32 s4, $0x1C;
	s29 =	sshra.s32 s26, $0x1F  }
0x3b: {  	[tilespmem:$0x1A430] =	vst v0;
	s5 =	simm.s32 $0x1;
	p0 =	por !p0, !p1;
	p2 =	sne.s32 s28, $0x0  }
0x3c: {  	[tilespmem:$0x1A440] =	vst v0;
	s0 =	sadd.s32 s4, s21;
	s30 =	sshrl.u32 s29, $0x1C;
	p1 =	por !p6, !p2  }
0x3d: {  	[tilespmem:$0x1A450] =	vst v0;
	s4 =	simm.s32 $0x1;
	s3 =	sadd.s32 s30, s26;
	p1 =	por !p1, !p1  }
0x3e: {  	[tilespmem:$0x1A460] =	vst v0;
	p0 =	por !p0, !p0;
	s3 =	sshra.s32 s3, $0x4;
	s4 =	simm.s32 @!p1 $0x0  }
0x3f: {  	[tilespmem:$0x1A470] =	vst v0;
	s0 =	sshra.s32 s0, $0x4;
	s5 =	simm.s32 @!p0 $0x0;
	s3 =	ssub.s32 s3, s4  }
0x40: {  	[tilespmem:$0x1A480] =	vst v0;
	s18 =	ssub.s32 s0, s5;
	s4 =	sshll.u32 s3, $0x4  }
0x41: {  	[tilespmem:$0x1A490] =	vst v0;
	s5 =	sshll.u32 s18, $0x4;
	s31 =	sadd.s32 $0x10, s4  }
0x42: {  	[tilespmem:$0x1A4A0] =	vst v0;
	p0 =	sge.s32 s5, s31  }
.Ltmp2:
0x43: {  	[tilespmem:$0x1A4B0] =	vst v0;
	(pc) =	sbr.rel @p0 .LBB2_5-.Ltmp2, $4  }
0x44: {  	[tilespmem:$0x1A4C0] =	vst v0  }
0x45: {  	[tilespmem:$0x1A4D0] =	vst v0  }
0x46: {  	[tilespmem:$0x1A4E0] =	vst v0  }
0x47: {  	[tilespmem:$0x1A4F0] =	vst v0  }
0x48: {  	s0 =	sshll.u32 s18, $0xF  }
0x49: {  	s0 =	sshra.s32 s0, $0x2  }
0x4a: {  	s0 =	sadd.s32 $0x8200, s0  }
0x4b: {  	[tilespmem:s0+$0xFFFFFF00] =	vst v0  }
0x4c: {  	[tilespmem:s0+$0xF0] =	vst v0  }
0x4d: {  	[tilespmem:s0+$0xE0] =	vst v0  }
0x4e: {  	[tilespmem:s0+$0xD0] =	vst v0  }
0x4f: {  	[tilespmem:s0+$0xC0] =	vst v0  }
0x50: {  	[tilespmem:s0+$0xB0] =	vst v0  }
0x51: {  	[tilespmem:s0+$0xA0] =	vst v0  }
0x52: {  	[tilespmem:s0+$0x90] =	vst v0  }
0x53: {  	[tilespmem:s0+$0x80] =	vst v0  }
0x54: {  	[tilespmem:s0+$0x70] =	vst v0  }
0x55: {  	[tilespmem:s0+$0x60] =	vst v0  }
0x56: {  	[tilespmem:s0+$0x50] =	vst v0  }
0x57: {  	[tilespmem:s0+$0x40] =	vst v0  }
0x58: {  	[tilespmem:s0+$0x30] =	vst v0  }
0x59: {  	[tilespmem:s0+$0x20] =	vst v0  }
0x5a: {  	[tilespmem:s0+$0x10] =	vst v0  }
0x5b: {  	[tilespmem:s0+$0x0] =	vst v0  }
0x5c: {  	[tilespmem:s0+$0xFFFFFFF0] =	vst v0  }
0x5d: {  	[tilespmem:s0+$0xFFFFFFE0] =	vst v0  }
0x5e: {  	[tilespmem:s0+$0xFFFFFFD0] =	vst v0  }
0x5f: {  	[tilespmem:s0+$0xFFFFFFC0] =	vst v0  }
0x60: {  	[tilespmem:s0+$0xFFFFFFB0] =	vst v0  }
0x61: {  	[tilespmem:s0+$0xFFFFFFA0] =	vst v0  }
0x62: {  	s4 =	ssub.s32 s4, s5;
	[tilespmem:s0+$0xFFFFFF90] =	vst v0  }
0x63: {  	s4 =	sadd.s32 $0x10, s4;
	[tilespmem:s0+$0xFFFFFF80] =	vst v0  }
0x64: {  	p0 =	sne.s32 s4, $0x1;
	[tilespmem:s0+$0xFFFFFF70] =	vst v0  }
.Ltmp3:
0x65: {  	[tilespmem:s0+$0xFFFFFF60] =	vst v0;
	(pc) =	sbr.rel @!p0 .LBB2_4-.Ltmp3, $4  }
0x66: {  	[tilespmem:s0+$0xFFFFFF50] =	vst v0  }
0x67: {  	[tilespmem:s0+$0xFFFFFF40] =	vst v0  }
0x68: {  	[tilespmem:s0+$0xFFFFFF30] =	vst v0  }
0x69: {  	s4 =	sadd.s32 $0xFFFFFFFF, s4;
	[tilespmem:s0+$0xFFFFFF20] =	vst v0  }
.LBB2_3:
0x6a: {  	p0 =	sne.s32 s4, $0x1;
	s4 =	sadd.s32 $0xFFFFFFFF, s4;
	[tilespmem:s0+$0xFFFFFF10] =	vst v0;
	s0 =	sadd.s32 $0x200, s0  }
0x6b: {  	[tilespmem:s0+$0xFFFFFF00] =	vst v0  }
0x6c: {  	[tilespmem:s0+$0xF0] =	vst v0  }
0x6d: {  	[tilespmem:s0+$0xE0] =	vst v0  }
0x6e: {  	[tilespmem:s0+$0xD0] =	vst v0  }
0x6f: {  	[tilespmem:s0+$0xC0] =	vst v0  }
0x70: {  	[tilespmem:s0+$0xB0] =	vst v0  }
0x71: {  	[tilespmem:s0+$0xA0] =	vst v0  }
0x72: {  	[tilespmem:s0+$0x90] =	vst v0  }
0x73: {  	[tilespmem:s0+$0x80] =	vst v0  }
0x74: {  	[tilespmem:s0+$0x70] =	vst v0  }
0x75: {  	[tilespmem:s0+$0x60] =	vst v0  }
0x76: {  	[tilespmem:s0+$0x50] =	vst v0  }
0x77: {  	[tilespmem:s0+$0x40] =	vst v0  }
0x78: {  	[tilespmem:s0+$0x30] =	vst v0  }
0x79: {  	[tilespmem:s0+$0x20] =	vst v0  }
0x7a: {  	[tilespmem:s0+$0x10] =	vst v0  }
0x7b: {  	[tilespmem:s0+$0x0] =	vst v0  }
0x7c: {  	[tilespmem:s0+$0xFFFFFFF0] =	vst v0  }
0x7d: {  	[tilespmem:s0+$0xFFFFFFE0] =	vst v0  }
0x7e: {  	[tilespmem:s0+$0xFFFFFFD0] =	vst v0  }
0x7f: {  	[tilespmem:s0+$0xFFFFFFC0] =	vst v0  }
0x80: {  	[tilespmem:s0+$0xFFFFFFB0] =	vst v0  }
0x81: {  	[tilespmem:s0+$0xFFFFFFA0] =	vst v0  }
0x82: {  	[tilespmem:s0+$0xFFFFFF90] =	vst v0  }
0x83: {  	[tilespmem:s0+$0xFFFFFF80] =	vst v0  }
0x84: {  	[tilespmem:s0+$0xFFFFFF70] =	vst v0  }
.Ltmp4:
0x85: {  	[tilespmem:s0+$0xFFFFFF60] =	vst v0;
	(pc) =	sbr.rel @p0 .LBB2_3-.Ltmp4, $4  }
0x86: {  	[tilespmem:s0+$0xFFFFFF50] =	vst v0  }
0x87: {  	[tilespmem:s0+$0xFFFFFF40] =	vst v0  }
0x88: {  	[tilespmem:s0+$0xFFFFFF30] =	vst v0  }
0x89: {  	[tilespmem:s0+$0xFFFFFF20] =	vst v0  }
.LBB2_4:
0x8a: {  	[tilespmem:s0+$0xFFFFFF10] =	vst v0  }
.LBB2_5:
.Ltmp5:
0x8b: {  	(pc) =	sbr.rel .LBB2_6-.Ltmp5, $4  }
0x8c: {  	s4 =	simm.s32 $0x0;
	s0 =	rddreg [dreg:$0x6]  }
0x8d: {  	[tilespmem:s4], [sflag:$0x1] =	stream.linear.gather [hbm4b:s0+s4], $0x4000, $0x38;
	[tilespmem:$0x1C500] =	vst v63  }
0x8e: {  	s31 =	rddreg [dreg:$0x7];
	s5 =	simm.s32 $0x0  }
0x8f: {  	[tilespmem:s16], [sflag:$0x3] =	stream.linear.gather [hbm4b:s31+s4], $0x20, $0x38;
	[tilespmem:$0x1C500] =	vst v63  }
.LBB2_92:
0x90: {  	s5 =	sadd.s32 $0x1, s5  }
0x91: {  	p0 =	sne.s32 s5, $0x7  }
.Ltmp6:
0x92: {  	_ = 	snop;
	(pc) =	sbr.rel @!p0 .LBB2_93-.Ltmp6, $1  }
0x93: {  	_ =	sdelay $0x3  }
.LBB2_6:
0x94: {  	_ =	swait.ge [sflag:s19], $0x4000  }
0x95: {  	[sflag:s19] =	ssyncset.done $0x0  }
0x96: {  	s7 =	sshll.u32 s5, $0x6;
	s0 =	rddreg [dreg:$0xe];
	[sflag:s19] =	ssyncadd.s32 $0xFFFFC000  }
0x97: {  	s1 =	simm.s32 $0x4000;
	s6 =	sor.u32 s0, s7;
	_ =	swait.ge [sflag:s20], $0x20  }
0x98: {  	s0 =	smin.u32 s6, $0x176;
	[sflag:s20] =	ssyncset.done $0x0;
	s31 =	rddreg [dreg:$0x8]  }
0x99: {  	s10 =	sshll.u32 s0, $0xB;
	s0 =	sshll.u32 s0, $0x2;
	p0 =	sge.u32 s7, s31  }
.Ltmp7:
0x9a: {  	[sflag:s20] =	ssyncadd.s32 $0xFFFFFFE0;
	s10 =	sadd.s32 s15, s10;
	(pc) =	sbr.rel @!p0 .LBB2_7-.Ltmp7, $4  }
0x9b: {  	[tilespmem:s1], [sflag:$0x2] =	stream.linear.gather [hbm4b:s10+s4], $0x4000, $0x38;
	[tilespmem:$0x1C500] =	vst v63  }
0x9c: {  	s0 =	sadd.s32 s2, s0  }
0x9d: {  	[tilespmem:s22], [sflag:$0x4] =	stream.linear.gather [hbm4b:s0+s4], $0x20, $0x38;
	[tilespmem:$0x1C500] =	vst v63  }
0x9e: {  	p1 =	por $0x1, $0x1;
	s0 =	simm.s32 $0x0  }
.LBB2_49:
0x9f: {  	_ =	swait.ge [sflag:s24], $0x4000  }
0xa0: {  	[sflag:s24] =	ssyncset.done $0x0  }
0xa1: {  	[sflag:s24] =	ssyncadd.s32 $0xFFFFC000  }
0xa2: {  	_ =	swait.ge [sflag:s25], $0x20  }
0xa3: {  	s0 =	rddreg [dreg:$0x9]  }
0xa4: {  	[sflag:s25] =	ssyncset.done $0x0;
	s0 =	sadd.s32 s0, s7  }
0xa5: {  	p0 =	sgt.u32 s6, $0x176;
	[sflag:s25] =	ssyncadd.s32 $0xFFFFFFE0;
	s0 =	smin.u32 s0, $0x176  }
.Ltmp8:
0xa6: {  	s1 =	sshll.u32 s0, $0xB;
	s30 =	sshll.u32 s0, $0x2;
	(pc) =	sbr.rel @p0 .LBB2_92-.Ltmp8, $4  }
.Ltmp9:
0xa7: {  	s0 =	simm.s32 $0x0;
	s1 =	sadd.s32 s15, s1;
	(pc) =	sbr.rel @!p0 .LBB2_50-.Ltmp9, $4  }
0xa8: {  	[tilespmem:s0], [sflag:$0x1] =	stream.linear.gather [hbm4b:s1+s0], $0x4000, $0x38;
	[tilespmem:$0x1C500] =	vst v63  }
0xa9: {  	p1 =	por $0x1, $0x1;
	s31 =	sadd.s32 s2, s30  }
0xaa: {  	[tilespmem:s16], [sflag:$0x3] =	stream.linear.gather [hbm4b:s31+s0], $0x20, $0x38;
	[tilespmem:$0x1C500] =	vst v63  }
0xab: {  	_ = 	snop  }
.LBB2_42:
0xac: {  	_ = 	snop  }
.LBB2_47:
0xad: {  	_ =	sdelay $0x1  }
0xae: {  	v7 =	vadd.f32 v12, v8  }
0xaf: {  	v60 =	vadd.f32 v14, v9;
	v61 =	vadd.f32 v15, v10;
	_ =	sdelay $0x1  }
0xb0: {  	v7 =	vadd.f32 v7, v16;
	v8 =	vadd.f32 v61, v60;
	_ =	sdelay $0x1  }
0xb1: {  	v62 =	vadd.f32 v17, v13;
	v7 =	vadd.f32 v8, v7  }
0xb2: {  	[tilespmem:v6+s23+$0x0] =	vst.idx.add.f32.msk $0xffff, v11  }
0xb3: {  	[tilespmem:v4+s23+$0x0] =	vst.idx.add.f32.msk $0xffff, v18;
	v63 =	vadd.f32 v7, v62  }
0xb4: {  	[tilespmem:v2+s23+$0x0] =	vst.idx.add.f32.msk @p1 $0xffff, v5  }
0xb5: {  	[tilespmem:v3+s23+$0x0] =	vst.idx.add.f32.msk $0xffff, v63  }
.LBB2_48:
.Ltmp10:
0xb6: {  	(pc) =	sbr.rel @!p0 .LBB2_49-.Ltmp10, $2  }
0xb7: {  	_ =	sdelay $0x2  }
0xb8: {  	s0 =	simm.s32 $0x1;
	p1 =	por $0x0, $0x0  }
.LBB2_7:
0xb9: {  	s13 =	sshll.u32 s0, $0x4  }
0xba: {  	v2 =	vld [tilespmem:s13+$0x8000];
	_ =	sdelay $0x4  }
0xbb: {  	(v2sf) =	vpush v2, $0x0  }
0xbc: {  	(v2sf) =	vpush v2, $0xF;
	_ =	sdelay $0x7  }
0xbd: {  	v2 =	vmov s13  }
0xbe: {  	v2 =	vbroadcast v2, $0x0;
	_ =	sdelay $0x4  }
0xbf: {  	s10 =	spop (v2sf)  }
0xc0: {  	v2 =	vld.idx.msk [tilespmem:v2+s16+$0x0], $0xffff;
	s11 =	spop (v2sf)  }
0xc1: {  	p2 =	seq.s32 s10, s11  }
.Ltmp11:
0xc2: {  	_ = 	snop;
	(pc) =	sbr.rel @!p2 .LBB2_8-.Ltmp11, $3  }
0xc3: {  	_ =	sdelay $0x1  }
0xc4: {  	s31 =	sshll.u32 s0, $0xF;
	v2 =	vshll.u32 v2, $0x9  }
0xc5: {  	p0 =	por p1, p1;
	s0 =	sshra.s32 s31, $0x2;
	v2 =	vor.u32 v1, v2  }
0xc6: {  	s10 =	simm.s32 $0x0  }
0xc7: {  	s26 =	simm.s32 $0x30;
	s10 =	sand.u32 $0xC00, s10  }
0xc8: {  	s28 =	sand.u32 $0x70, s26;
	s21 =	sadd.s32 s10, s0  }
0xc9: {  	s29 =	sadd.s32 s28, s21  }
0xca: {  	v3 =	vld [tilespmem:s29+$0x0]  }
0xcb: {  	v4 =	vld [tilespmem:s29+$0x80]  }
0xcc: {  	v5 =	vld [tilespmem:s29+$0x100]  }
0xcd: {  	v6 =	vld [tilespmem:s29+$0x180]  }
0xce: {  	v7 =	vld [tilespmem:s29+$0x200]  }
0xcf: {  	s13 =	sadd.s32 $0x1000, s0;
	v8 =	vld [tilespmem:s29+$0x280]  }
0xd0: {  	s11 =	sadd.s32 s10, s13;
	v9 =	vld [tilespmem:s29+$0x300]  }
0xd1: {  	s28 =	sadd.s32 s28, s11;
	v10 =	vld [tilespmem:s29+$0x380]  }
0xd2: {  	v11 =	vld [tilespmem:s28+$0x0]  }
0xd3: {  	v12 =	vld [tilespmem:s28+$0x80]  }
0xd4: {  	v13 =	vld [tilespmem:s28+$0x100]  }
0xd5: {  	v14 =	vld [tilespmem:s28+$0x180]  }
0xd6: {  	v15 =	vld [tilespmem:s28+$0x200]  }
0xd7: {  	s1 =	simm.s32 $0x10;
	v16 =	vld [tilespmem:s28+$0x280]  }
0xd8: {  	s8 =	sand.u32 $0x50, s1;
	v17 =	vld [tilespmem:s28+$0x300]  }
0xd9: {  	s9 =	sadd.s32 s8, s21;
	v18 =	vld [tilespmem:s28+$0x380]  }
0xda: {  	v21 =	vld [tilespmem:s9+$0x100]  }
0xdb: {  	v22 =	vld [tilespmem:s9+$0x180]  }
0xdc: {  	v23 =	vld [tilespmem:s9+$0x200]  }
0xdd: {  	v24 =	vld [tilespmem:s9+$0x280]  }
0xde: {  	v25 =	vld [tilespmem:s9+$0x300]  }
0xdf: {  	s12 =	sadd.s32 s8, s11;
	v26 =	vld [tilespmem:s9+$0x380]  }
0xe0: {  	v27 =	vld [tilespmem:s12+$0x0]  }
0xe1: {  	v28 =	vld [tilespmem:s12+$0x80]  }
0xe2: {  	s10 =	simm.s32 $0x0;
	v29 =	vld [tilespmem:s12+$0x100]  }
0xe3: {  	s14 =	sand.u32 $0x40, s10;
	v30 =	vld [tilespmem:s12+$0x180]  }
0xe4: {  	s30 =	sadd.s32 s14, s21;
	v31 =	vld [tilespmem:s12+$0x200]  }
0xe5: {  	v19 =	vld [tilespmem:s30+$0x0]  }
0xe6: {  	v20 =	vld [tilespmem:s30+$0x80]  }
0xe7: {  	v3 =	vadd.f32 v4, v3;
	v4 =	vadd.f32 v6, v5;
	v5 =	vld [tilespmem:s30+$0x100]  }
0xe8: {  	v6 =	vadd.f32 v8, v7;
	v8 =	vld [tilespmem:s30+$0x180]  }
0xe9: {  	v7 =	vadd.f32 v10, v9;
	v9 =	vadd.f32 v12, v11;
	v11 =	vld [tilespmem:s30+$0x200]  }
0xea: {  	s31 =	sadd.s32 s14, s11;
	v10 =	vadd.f32 v14, v13;
	v14 =	vld [tilespmem:s30+$0x280]  }
0xeb: {  	v12 =	vadd.f32 v16, v15;
	v15 =	vld [tilespmem:s31+$0x300]  }
0xec: {  	v16 =	vld [tilespmem:s31+$0x380]  }
0xed: {  	v13 =	vadd.f32 v18, v17;
	v17 =	vld [tilespmem:s9+$0x0]  }
0xee: {  	v18 =	vld [tilespmem:s9+$0x80]  }
0xef: {  	v3 =	vadd.f32 v4, v3;
	v4 =	vadd.f32 v7, v6;
	v6 =	vld [tilespmem:s30+$0x300]  }
0xf0: {  	v7 =	vadd.f32 v10, v9;
	v9 =	vadd.f32 v13, v12;
	v10 =	vld [tilespmem:s30+$0x380]  }
0xf1: {  	v13 =	vld [tilespmem:s31+$0x0]  }
0xf2: {  	v12 =	vor.u32 s26, v2;
	v3 =	vadd.f32 v4, v3;
	v4 =	vadd.f32 v9, v7;
	v7 =	vld [tilespmem:s31+$0x80]  }
0xf3: {  	v9 =	vld [tilespmem:s31+$0x100]  }
0xf4: {  	v5 =	vadd.f32 v8, v5;
	v8 =	vld [tilespmem:s12+$0x280]  }
0xf5: {  	v3 =	vadd.f32 v4, v3;
	v4 =	vld [tilespmem:s31+$0x180]  }
0xf6: {  	v6 =	vadd.f32 v10, v6;
	v10 =	vld [tilespmem:s12+$0x300]  }
0xf7: {  	[tilespmem:v12+s23+$0x0] =	vst.idx.add.f32.msk $0xffff, v3  }
0xf8: {  	s14 =	simm.s32 $0x20;
	v3 =	vld [tilespmem:s31+$0x200]  }
0xf9: {  	v19 =	vadd.f32 v20, v19;
	v11 =	vadd.f32 v14, v11;
	v12 =	vld [tilespmem:s31+$0x280];
	s31 =	sand.u32 $0x60, s14  }
0xfa: {  	v20 =	vadd.f32 v30, v29;
	s21 =	sadd.s32 s31, s21;
	v7 =	vadd.f32 v7, v13;
	v13 =	vld [tilespmem:s12+$0x380]  }
0xfb: {  	v6 =	vadd.f32 v6, v11;
	v11 =	vadd.f32 v16, v15;
	v15 =	vld [tilespmem:s21+$0x200]  }
0xfc: {  	v14 =	vadd.f32 v22, v21;
	v5 =	vadd.f32 v5, v19;
	v16 =	vld [tilespmem:s21+$0x280]  }
0xfd: {  	v19 =	vadd.f32 v28, v27;
	v62 =	vld [tilespmem:s21+$0x380];
	v4 =	vadd.f32 v4, v9  }
0xfe: {  	v8 =	vadd.f32 v8, v31;
	v9 =	vld [tilespmem:s21+$0x0];
	v3 =	vadd.f32 v12, v3  }
0xff: {  	s11 =	sadd.s32 s31, s11;
	v5 =	vadd.f32 v6, v5;
	v12 =	vld [tilespmem:s21+$0x80];
	v4 =	vadd.f32 v4, v7  }
0x100: {  	v63 =	vld [tilespmem:s11+$0x0];
	v10 =	vadd.f32 v13, v10;
	v3 =	vadd.f32 v11, v3  }
0x101: {  	v11 =	vadd.f32 v18, v17;
	v17 =	vadd.f32 v26, v25;
	v18 =	vld [tilespmem:s21+$0x300]  }
0x102: {  	v6 =	vld [tilespmem:s21+$0x100];
	v10 =	vadd.f32 v10, v8;
	v3 =	vadd.f32 v3, v4  }
0x103: {  	v7 =	vld [tilespmem:s21+$0x180];
	v4 =	vadd.f32 v24, v23;
	v14 =	vadd.f32 v14, v11  }
0x104: {  	v8 =	vld [tilespmem:s11+$0x100];
	v13 =	vadd.f32 v12, v9;
	v11 =	vadd.f32 v3, v5  }
0x105: {  	v12 =	vld [tilespmem:s11+$0x180];
	v3 =	vadd.f32 v17, v4;
	v4 =	vadd.f32 v20, v19  }
0x106: {  	p2 =	por $0x1, $0x1;
	v15 =	vadd.f32 v16, v15;
	v5 =	vld [tilespmem:s11+$0x80];
	v17 =	vadd.f32 v62, v18  }
.Ltmp12:
0x107: {  	v9 =	vld [tilespmem:s11+$0x200];
	v3 =	vadd.f32 v3, v14;
	v10 =	vadd.f32 v10, v4;
	(pc) =	sbr.rel @!p2 .LBB2_42-.Ltmp12, $4  }
0x108: {  	v7 =	vadd.f32 v7, v6;
	v14 =	vld [tilespmem:s11+$0x280]  }
0x109: {  	v17 =	vadd.f32 v17, v15;
	v15 =	vld [tilespmem:s11+$0x380];
	v18 =	vadd.f32 v10, v3;
	v3 =	vor.u32 s14, v2  }
0x10a: {  	v6 =	vor.u32 s10, v2;
	v10 =	vld [tilespmem:s11+$0x300]  }
0x10b: {  	p1 =	por $0x0, $0x0;
	s10 =	simm.s32 $0x200;
	v13 =	vadd.f32 v7, v13;
	v4 =	vor.u32 s1, v2;
	v16 =	vadd.f32 v5, v63  }
0x10c: {  	_ =	sdelay $0x2  }
0x10d: {  	s10 =	sand.u32 $0xC00, s10;
	s29 =	simm.s32 $0x70  }
0x10e: {  	[tilespmem:v6+s23+$0x0] =	vst.idx.add.f32.msk $0xffff, v11;
	s21 =	sadd.s32 s10, s0;
	s26 =	sand.u32 $0x70, s29  }
0x10f: {  	[tilespmem:v4+s23+$0x0] =	vst.idx.add.f32.msk $0xffff, v18;
	s28 =	sadd.s32 s26, s21  }
0x110: {  	v4 =	vld [tilespmem:s28+$0x0]  }
0x111: {  	v5 =	vld [tilespmem:s28+$0x80]  }
0x112: {  	v6 =	vld [tilespmem:s28+$0x100]  }
0x113: {  	v7 =	vld [tilespmem:s28+$0x180]  }
0x114: {  	v11 =	vld [tilespmem:s28+$0x200]  }
0x115: {  	v18 =	vld [tilespmem:s28+$0x280]  }
0x116: {  	s11 =	sadd.s32 s10, s13;
	v19 =	vld [tilespmem:s28+$0x300]  }
0x117: {  	s26 =	sadd.s32 s26, s11;
	v20 =	vld [tilespmem:s28+$0x380]  }
0x118: {  	v21 =	vld [tilespmem:s26+$0x0]  }
0x119: {  	v22 =	vld [tilespmem:s26+$0x80]  }
0x11a: {  	v23 =	vld [tilespmem:s26+$0x100]  }
0x11b: {  	v24 =	vld [tilespmem:s26+$0x180]  }
0x11c: {  	v25 =	vld [tilespmem:s26+$0x200]  }
0x11d: {  	s10 =	simm.s32 $0x40;
	v26 =	vld [tilespmem:s26+$0x280]  }
0x11e: {  	s31 =	sand.u32 $0x40, s10;
	v27 =	vld [tilespmem:s26+$0x300]  }
0x11f: {  	s30 =	sadd.s32 s31, s21;
	v28 =	vld [tilespmem:s26+$0x380]  }
0x120: {  	v29 =	vld [tilespmem:s30+$0x0]  }
0x121: {  	v30 =	vld [tilespmem:s30+$0x80]  }
0x122: {  	v47 =	vld [tilespmem:s30+$0x200]  }
0x123: {  	s1 =	sadd.s32 s31, s11;
	v50 =	vld [tilespmem:s30+$0x280]  }
0x124: {  	v52 =	vld [tilespmem:s1+$0x0]  }
0x125: {  	v53 =	vld [tilespmem:s1+$0x280];
	v4 =	vadd.f32 v5, v4;
	v5 =	vadd.f32 v7, v6  }
0x126: {  	v54 =	vld [tilespmem:s1+$0x300];
	v7 =	vadd.f32 v18, v11;
	v11 =	vadd.f32 v20, v19  }
0x127: {  	v55 =	vld [tilespmem:s1+$0x380];
	v19 =	vadd.f32 v22, v21;
	v20 =	vadd.f32 v24, v23  }
0x128: {  	v6 =	vld [tilespmem:s30+$0x100];
	v48 =	vadd.f32 v26, v25;
	v49 =	vadd.f32 v28, v27  }
0x129: {  	v18 =	vld [tilespmem:s30+$0x180];
	v4 =	vadd.f32 v5, v4;
	v5 =	vadd.f32 v11, v7  }
0x12a: {  	v7 =	vld [tilespmem:s30+$0x300];
	v11 =	vadd.f32 v20, v19;
	v19 =	vadd.f32 v49, v48  }
0x12b: {  	v20 =	vld [tilespmem:s30+$0x380];
	s30 =	simm.s32 $0x50  }
0x12c: {  	s8 =	sand.u32 $0x50, s30;
	v4 =	vadd.f32 v5, v4;
	v5 =	vadd.f32 v19, v11;
	v11 =	vld [tilespmem:s1+$0x80]  }
0x12d: {  	v19 =	vld [tilespmem:s1+$0x100];
	s31 =	sadd.s32 s8, s21  }
0x12e: {  	v56 =	vld [tilespmem:s31+$0x0]  }
0x12f: {  	v57 =	vld [tilespmem:s31+$0x80]  }
0x130: {  	v31 =	vld [tilespmem:s31+$0x100]  }
0x131: {  	v32 =	vld [tilespmem:s31+$0x180]  }
0x132: {  	v33 =	vld [tilespmem:s31+$0x200]  }
0x133: {  	v34 =	vld [tilespmem:s31+$0x280]  }
0x134: {  	v35 =	vld [tilespmem:s31+$0x300]  }
0x135: {  	v8 =	vadd.f32 v12, v8;
	s9 =	sadd.s32 s8, s11;
	v12 =	vld [tilespmem:s31+$0x380]  }
0x136: {  	v9 =	vadd.f32 v14, v9;
	v10 =	vadd.f32 v15, v10;
	v14 =	vld [tilespmem:s9+$0x0]  }
0x137: {  	v15 =	vld [tilespmem:s9+$0x80]  }
0x138: {  	v8 =	vadd.f32 v8, v16;
	v9 =	vadd.f32 v10, v9;
	v10 =	vld [tilespmem:s9+$0x100]  }
0x139: {  	s12 =	simm.s32 $0x60;
	v51 =	vor.u32 s29, v2;
	v16 =	vld [tilespmem:s9+$0x180]  }
0x13a: {  	s14 =	sand.u32 $0x60, s12;
	v8 =	vadd.f32 v9, v8;
	v9 =	vld [tilespmem:s9+$0x200]  }
0x13b: {  	s21 =	sadd.s32 s14, s21;
	v6 =	vadd.f32 v18, v6;
	v18 =	vld [tilespmem:s9+$0x280]  }
0x13c: {  	v58 =	vld [tilespmem:s21+$0x0];
	v4 =	vadd.f32 v5, v4  }
0x13d: {  	v5 =	vld [tilespmem:s1+$0x180]  }
0x13e: {  	v13 =	vadd.f32 v17, v13;
	v17 =	vadd.f32 v30, v29;
	[tilespmem:v51+s23+$0x0] =	vst.idx.add.f32.msk $0xffff, v4  }
0x13f: {  	v21 =	vadd.f32 v50, v47;
	v7 =	vadd.f32 v20, v7;
	v4 =	vld [tilespmem:s1+$0x200]  }
0x140: {  	v59 =	vadd.f32 v55, v54;
	v60 =	vld [tilespmem:s21+$0x80];
	v6 =	vadd.f32 v6, v17  }
0x141: {  	v20 =	vld [tilespmem:s9+$0x300];
	v11 =	vadd.f32 v11, v52;
	v7 =	vadd.f32 v7, v21  }
0x142: {  	v17 =	vld [tilespmem:s9+$0x380];
	v12 =	vadd.f32 v12, v35;
	v14 =	vadd.f32 v15, v14  }
0x143: {  	v61 =	vld [tilespmem:s21+$0x200];
	v10 =	vadd.f32 v16, v10;
	v9 =	vadd.f32 v18, v9  }
0x144: {  	v62 =	vld [tilespmem:s21+$0x280];
	v19 =	vadd.f32 v5, v19;
	v4 =	vadd.f32 v53, v4  }
0x145: {  	v63 =	vld [tilespmem:s21+$0x300];
	v5 =	vadd.f32 v8, v13;
	v6 =	vadd.f32 v7, v6  }
0x146: {  	v7 =	vld [tilespmem:s21+$0x100];
	v8 =	vadd.f32 v19, v11;
	v4 =	vadd.f32 v59, v4  }
0x147: {  	v13 =	vld [tilespmem:s21+$0x180];
	v16 =	vadd.f32 v17, v20;
	v11 =	vadd.f32 v57, v56  }
0x148: {  	s11 =	sadd.s32 s14, s11;
	v15 =	vld [tilespmem:s21+$0x380];
	v19 =	vadd.f32 v32, v31;
	v4 =	vadd.f32 v4, v8  }
0x149: {  	v17 =	vld [tilespmem:s11+$0x0];
	v9 =	vadd.f32 v16, v9;
	v8 =	vadd.f32 v34, v33  }
0x14a: {  	v20 =	vld [tilespmem:s11+$0x80];
	v19 =	vadd.f32 v19, v11;
	v11 =	vadd.f32 v4, v6  }
0x14b: {  	v4 =	vadd.f32 v12, v8;
	v6 =	vadd.f32 v10, v14;
	v8 =	vld [tilespmem:s11+$0x100]  }
0x14c: {  	p2 =	por $0x1, $0x1;
	v16 =	vadd.f32 v60, v58;
	v7 =	vadd.f32 v13, v7;
	v12 =	vld [tilespmem:s11+$0x180]  }
.Ltmp13:
0x14d: {  	v14 =	vld [tilespmem:s11+$0x280];
	v10 =	vadd.f32 v4, v19;
	v18 =	vadd.f32 v9, v6;
	v6 =	vor.u32 s10, v2;
	(pc) =	sbr.rel @!p2 .LBB2_44-.Ltmp13, $4  }
0x14e: {  	v15 =	vadd.f32 v15, v63;
	v9 =	vld [tilespmem:s11+$0x200];
	v4 =	vor.u32 s30, v2;
	v19 =	vadd.f32 v62, v61  }
0x14f: {  	v13 =	vadd.f32 v7, v16;
	v18 =	vadd.f32 v18, v10;
	v10 =	vld [tilespmem:s11+$0x300]  }
0x150: {  	v16 =	vadd.f32 v20, v17;
	v17 =	vadd.f32 v15, v19;
	v15 =	vld [tilespmem:s11+$0x380]  }
0x151: {  	p1 =	por $0x1, $0x1;
	v7 =	vor.u32 s12, v2;
	s30 =	simm.s32 $0x400  }
.LBB2_45:
0x152: {  	s10 =	sand.u32 $0xC00, s30;
	[tilespmem:v6+s23+$0x0] =	vst.idx.add.f32.msk $0xffff, v11;
	v6 =	vadd.f32 v12, v8;
	v8 =	vadd.f32 v17, v13;
	s29 =	sadd.s32 $0x40, s29  }
0x153: {  	s21 =	sadd.s32 s10, s0;
	s11 =	sadd.s32 $0xFFFFFFE0, s29;
	s1 =	sand.u32 $0x70, s29;
	[tilespmem:v4+s23+$0x0] =	vst.idx.add.f32.msk $0xffff, v18  }
0x154: {  	s26 =	sadd.s32 $0xFFFFFFD0, s29;
	s28 =	sadd.s32 $0xFFFFFFF0, s29;
	v4 =	vor.u32 s11, v2;
	s8 =	sadd.s32 s1, s21;
	v9 =	vadd.f32 v14, v9;
	v11 =	vadd.f32 v6, v16;
	[tilespmem:v3+s23+$0x0] =	vst.idx.add.f32.msk $0xffff, v5  }
0x155: {  	s9 =	sand.u32 $0x40, s26;
	v6 =	vor.u32 s26, v2;
	s12 =	sand.u32 $0x50, s11;
	s14 =	sand.u32 $0x60, s28;
	v3 =	vmov v7;
	v7 =	vor.u32 s28, v2;
	v12 =	vld [tilespmem:s8+$0x0]  }
0x156: {  	s28 =	sadd.s32 s9, s21;
	s11 =	sadd.s32 s12, s21;
	s31 =	sadd.s32 s14, s21;
	v13 =	vld [tilespmem:s8+$0x80];
	v5 =	vadd.f32 v15, v10  }
0x157: {  	p2 =	slt.u32 s26, $0x1C0;
	v10 =	vld [tilespmem:s8+$0x100]  }
0x158: {  	v14 =	vld [tilespmem:s8+$0x180];
	v5 =	vadd.f32 v5, v9  }
0x159: {  	v9 =	vld [tilespmem:s8+$0x200]  }
0x15a: {  	v15 =	vld [tilespmem:s8+$0x280];
	v5 =	vadd.f32 v5, v11  }
0x15b: {  	s21 =	sadd.s32 s10, s13;
	v11 =	vld [tilespmem:s8+$0x300]  }
0x15c: {  	s26 =	sadd.s32 s9, s21;
	s10 =	sadd.s32 s12, s21;
	s1 =	sadd.s32 s1, s21;
	v16 =	vld [tilespmem:s8+$0x380];
	v5 =	vadd.f32 v5, v8  }
0x15d: {  	s21 =	sadd.s32 s14, s21;
	v8 =	vld [tilespmem:s1+$0x0]  }
0x15e: {  	v17 =	vld [tilespmem:s1+$0x80]  }
0x15f: {  	v18 =	vld [tilespmem:s1+$0x100]  }
0x160: {  	v19 =	vld [tilespmem:s1+$0x180]  }
0x161: {  	v20 =	vld [tilespmem:s1+$0x200]  }
0x162: {  	v21 =	vld [tilespmem:s1+$0x280]  }
0x163: {  	v22 =	vld [tilespmem:s1+$0x300]  }
0x164: {  	v23 =	vld [tilespmem:s1+$0x380]  }
0x165: {  	v24 =	vld [tilespmem:s28+$0x0]  }
0x166: {  	v12 =	vadd.f32 v13, v12;
	v10 =	vadd.f32 v14, v10;
	v25 =	vld [tilespmem:s28+$0x80]  }
0x167: {  	v9 =	vadd.f32 v15, v9;
	v11 =	vadd.f32 v16, v11;
	v13 =	vld [tilespmem:s28+$0x100]  }
0x168: {  	v8 =	vadd.f32 v17, v8;
	v15 =	vadd.f32 v19, v18;
	v14 =	vld [tilespmem:s28+$0x180]  }
0x169: {  	v17 =	vadd.f32 v21, v20;
	v16 =	vld [tilespmem:s28+$0x200];
	v18 =	vadd.f32 v23, v22  }
0x16a: {  	v10 =	vadd.f32 v10, v12;
	v9 =	vadd.f32 v11, v9;
	v19 =	vld [tilespmem:s28+$0x280]  }
0x16b: {  	v8 =	vadd.f32 v15, v8;
	v11 =	vld [tilespmem:s28+$0x300];
	v12 =	vadd.f32 v18, v17  }
0x16c: {  	v17 =	vadd.f32 v25, v24;
	v18 =	vor.u32 s29, v2;
	v15 =	vld [tilespmem:s28+$0x380]  }
0x16d: {  	v9 =	vadd.f32 v9, v10;
	v20 =	vld [tilespmem:s26+$0x0];
	v8 =	vadd.f32 v12, v8  }
0x16e: {  	v12 =	vadd.f32 v14, v13;
	v10 =	vld [tilespmem:s26+$0x80]  }
0x16f: {  	v13 =	vld [tilespmem:s26+$0x100];
	v14 =	vadd.f32 v19, v16;
	v8 =	vadd.f32 v8, v9  }
0x170: {  	v12 =	vadd.f32 v12, v17;
	v9 =	vld [tilespmem:s26+$0x180]  }
0x171: {  	v11 =	vadd.f32 v15, v11;
	[tilespmem:v18+s23+$0x0] =	vst.idx.add.f32.msk $0xffff, v8  }
0x172: {  	v8 =	vld [tilespmem:s26+$0x200]  }
0x173: {  	v15 =	vld [tilespmem:s26+$0x280];
	v10 =	vadd.f32 v10, v20;
	v11 =	vadd.f32 v11, v14  }
0x174: {  	v14 =	vld [tilespmem:s26+$0x300]  }
0x175: {  	v16 =	vld [tilespmem:s26+$0x380];
	v9 =	vadd.f32 v9, v13;
	v11 =	vadd.f32 v11, v12  }
0x176: {  	v12 =	vld [tilespmem:s11+$0x0]  }
0x177: {  	v9 =	vadd.f32 v9, v10;
	v10 =	vld [tilespmem:s11+$0x80]  }
0x178: {  	v8 =	vadd.f32 v15, v8;
	v13 =	vld [tilespmem:s11+$0x100]  }
0x179: {  	v15 =	vld [tilespmem:s11+$0x180]  }
0x17a: {  	v14 =	vadd.f32 v16, v14;
	v16 =	vld [tilespmem:s11+$0x200]  }
0x17b: {  	v17 =	vld [tilespmem:s11+$0x280]  }
0x17c: {  	v8 =	vadd.f32 v14, v8;
	v14 =	vld [tilespmem:s11+$0x300];
	v10 =	vadd.f32 v10, v12  }
0x17d: {  	v12 =	vld [tilespmem:s11+$0x380]  }
0x17e: {  	v8 =	vadd.f32 v8, v9;
	v9 =	vld [tilespmem:s10+$0x0];
	v13 =	vadd.f32 v15, v13  }
0x17f: {  	v15 =	vld [tilespmem:s10+$0x80]  }
0x180: {  	v18 =	vld [tilespmem:s10+$0x100];
	v16 =	vadd.f32 v17, v16;
	v10 =	vadd.f32 v13, v10  }
0x181: {  	v11 =	vadd.f32 v8, v11;
	v8 =	vld [tilespmem:s10+$0x180]  }
0x182: {  	v13 =	vld [tilespmem:s10+$0x200];
	v12 =	vadd.f32 v12, v14  }
0x183: {  	v14 =	vld [tilespmem:s10+$0x280]  }
0x184: {  	v17 =	vld [tilespmem:s10+$0x300];
	v9 =	vadd.f32 v15, v9;
	v12 =	vadd.f32 v12, v16  }
0x185: {  	v15 =	vld [tilespmem:s10+$0x380]  }
0x186: {  	v8 =	vadd.f32 v8, v18;
	v10 =	vadd.f32 v12, v10;
	v12 =	vld [tilespmem:s31+$0x0]  }
0x187: {  	v16 =	vld [tilespmem:s31+$0x80]  }
0x188: {  	v13 =	vadd.f32 v14, v13;
	v8 =	vadd.f32 v8, v9;
	v9 =	vld [tilespmem:s31+$0x100]  }
0x189: {  	v14 =	vld [tilespmem:s31+$0x180]  }
0x18a: {  	v15 =	vadd.f32 v15, v17;
	v17 =	vld [tilespmem:s31+$0x200]  }
0x18b: {  	v18 =	vld [tilespmem:s31+$0x280]  }
0x18c: {  	v13 =	vadd.f32 v15, v13;
	v15 =	vld [tilespmem:s31+$0x300];
	v12 =	vadd.f32 v16, v12  }
0x18d: {  	v16 =	vld [tilespmem:s31+$0x380]  }
0x18e: {  	v19 =	vadd.f32 v13, v8;
	v20 =	vld [tilespmem:s21+$0x0];
	v9 =	vadd.f32 v14, v9  }
0x18f: {  	v21 =	vld [tilespmem:s21+$0x80]  }
0x190: {  	v8 =	vld [tilespmem:s21+$0x100];
	v17 =	vadd.f32 v18, v17;
	v13 =	vadd.f32 v9, v12  }
.Ltmp14:
0x191: {  	v18 =	vadd.f32 v19, v10;
	v12 =	vld [tilespmem:s21+$0x180];
	(pc) =	sbr.rel @p2 .LBB2_45-.Ltmp14, $4  }
0x192: {  	v9 =	vld [tilespmem:s21+$0x200];
	v15 =	vadd.f32 v16, v15  }
0x193: {  	v14 =	vld [tilespmem:s21+$0x280]  }
0x194: {  	v10 =	vld [tilespmem:s21+$0x300];
	v16 =	vadd.f32 v21, v20;
	v17 =	vadd.f32 v15, v17  }
0x195: {  	s30 =	sadd.s32 $0x200, s30;
	v15 =	vld [tilespmem:s21+$0x380]  }
.Ltmp15:
0x196: {  	(pc) =	sbr.rel .LBB2_47-.Ltmp15, $2  }
0x197: {  	_ =	sdelay $0x2  }
0x198: {  	v2 =	vmov v3;
	v3 =	vmov v7  }
.LBB2_8:
0x199: {  	s11 =	sadd.s32 $0x40, s0  }
0x19a: {  	s10 =	simm.s32 $0x0;
	s26 =	simm.s32 $0x70;
	s21 =	simm.s32 $0x80  }
.LBB2_9:
0x19b: {  	p1 =	slt.u32 s21, $0x180;
	v3 =	vld [tilespmem:s11+$0x30];
	v4 =	vor.u32 s26, v2  }
0x19c: {  	v5 =	vld [tilespmem:s11+$0xFFFFFFD0]  }
0x19d: {  	v6 =	vld [tilespmem:s11+$0xFFFFFFE0]  }
0x19e: {  	s1 =	sadd.s32 $0x10, s10;
	v7 =	vld [tilespmem:s11+$0xFFFFFFF0]  }
0x19f: {  	v8 =	vor.u32 s1, v2;
	s1 =	sadd.s32 $0x20, s10;
	v9 =	vld [tilespmem:s11+$0x0]  }
0x1a0: {  	v10 =	vor.u32 s1, v2;
	s1 =	sadd.s32 $0x30, s10;
	[tilespmem:v4+s23+$0x0] =	vst.idx.add.f32.msk $0xffff, v3  }
0x1a1: {  	v3 =	vor.u32 s1, v2;
	s1 =	sadd.s32 $0x40, s10;
	v4 =	vld [tilespmem:s11+$0x10]  }
0x1a2: {  	v11 =	vor.u32 s1, v2;
	s1 =	sadd.s32 $0x50, s10;
	v12 =	vld [tilespmem:s11+$0x20]  }
0x1a3: {  	v14 =	vor.u32 s1, v2;
	s1 =	sadd.s32 $0x60, s10;
	v13 =	vld [tilespmem:s11+$0xFFFFFFC0]  }
0x1a4: {  	[tilespmem:v8+s23+$0x0] =	vst.idx.add.f32.msk $0xffff, v5;
	v5 =	vor.u32 s1, v2  }
0x1a5: {  	v8 =	vor.u32 s10, v2;
	s10 =	smov.u32 s21;
	[tilespmem:v10+s23+$0x0] =	vst.idx.add.f32.msk $0xffff, v6  }
.Ltmp16:
0x1a6: {  	[tilespmem:v3+s23+$0x0] =	vst.idx.add.f32.msk $0xffff, v7;
	(pc) =	sbr.rel @p1 .LBB2_9-.Ltmp16, $4  }
0x1a7: {  	[tilespmem:v11+s23+$0x0] =	vst.idx.add.f32.msk $0xffff, v9  }
0x1a8: {  	[tilespmem:v14+s23+$0x0] =	vst.idx.add.f32.msk $0xffff, v4  }
0x1a9: {  	[tilespmem:v5+s23+$0x0] =	vst.idx.add.f32.msk $0xffff, v12  }
0x1aa: {  	s11 =	sadd.s32 $0x400, s11;
	s21 =	sadd.s32 $0x80, s21;
	s26 =	sadd.s32 $0x70, s10;
	[tilespmem:v8+s23+$0x0] =	vst.idx.add.f32.msk $0xffff, v13  }
0x1ab: {  	v3 =	vld [tilespmem:s11+$0x30]  }
0x1ac: {  	v5 =	vld [tilespmem:s11+$0xFFFFFFD0]  }
0x1ad: {  	v6 =	vld [tilespmem:s11+$0xFFFFFFE0]  }
0x1ae: {  	v4 =	vor.u32 s26, v2;
	s1 =	sadd.s32 $0x10, s10;
	v7 =	vld [tilespmem:s11+$0xFFFFFFF0]  }
0x1af: {  	s26 =	sadd.s32 $0x20, s10;
	v9 =	vld [tilespmem:s11+$0x0];
	v8 =	vor.u32 s1, v2  }
0x1b0: {  	s29 =	sadd.s32 $0x40, s10;
	v61 =	vld [tilespmem:s11+$0x10];
	v10 =	vor.u32 s26, v2  }
0x1b1: {  	s30 =	sadd.s32 $0x50, s10;
	v12 =	vld [tilespmem:s11+$0x20];
	v11 =	vor.u32 s29, v2  }
0x1b2: {  	s8 =	sor.u32 $0x1, s13;
	s31 =	sadd.s32 $0x60, s10;
	v63 =	vld [tilespmem:s11+$0xFFFFFFC0];
	v13 =	vor.u32 s30, v2  }
0x1b3: {  	s28 =	sadd.s32 $0x30, s10;
	v62 =	vmov s8;
	v14 =	vor.u32 s31, v2;
	[tilespmem:v4+s23+$0x0] =	vst.idx.add.f32.msk $0xffff, v3  }
0x1b4: {  	v3 =	vor.u32 s28, v2;
	[tilespmem:v8+s23+$0x0] =	vst.idx.add.f32.msk $0xffff, v5;
	v5 =	vand.u32 $0xFFFFFFF1, v62  }
0x1b5: {  	v2 =	vor.u32 s10, v2;
	[tilespmem:v10+s23+$0x0] =	vst.idx.add.f32.msk $0xffff, v6;
	v5 =	vbroadcast v5, $0x0  }
0x1b6: {  	[tilespmem:v11+s23+$0x0] =	vst.idx.add.f32.msk $0xffff, v9  }
0x1b7: {  	[tilespmem:v13+s23+$0x0] =	vst.idx.add.f32.msk $0xffff, v61  }
0x1b8: {  	[tilespmem:v14+s23+$0x0] =	vst.idx.add.f32.msk $0xffff, v12  }
0x1b9: {  	[tilespmem:v3+s23+$0x0] =	vst.idx.add.f32.msk $0xffff, v7  }
0x1ba: {  	[tilespmem:v2+s23+$0x0] =	vst.idx.add.f32.msk $0xffff, v63  }
0x1bb: {  	v2 =	vld.idx.msk [tilespmem:v5+s16+$0x0], $0xffff;
	_ =	sdelay $0x4  }
0x1bc: {  	s11 =	simm.s32 $0x0;
	v2 =	vshll.u32 v2, $0x9  }
0x1bd: {  	s21 =	simm.s32 $0x80;
	s26 =	simm.s32 $0x70;
	s10 =	sadd.s32 $0xF0, s0;
	v2 =	vor.u32 v1, v2  }
.LBB2_11:
0x1be: {  	p1 =	slt.u32 s21, $0x180;
	v3 =	vld [tilespmem:s10+$0x0];
	v4 =	vor.u32 s26, v2  }
0x1bf: {  	v5 =	vld [tilespmem:s10+$0xFFFFFFA0]  }
0x1c0: {  	v6 =	vld [tilespmem:s10+$0xFFFFFFB0]  }
0x1c1: {  	s1 =	sadd.s32 $0x10, s11;
	v7 =	vld [tilespmem:s10+$0xFFFFFFC0]  }
0x1c2: {  	v8 =	vor.u32 s1, v2;
	s1 =	sadd.s32 $0x20, s11;
	v9 =	vld [tilespmem:s10+$0xFFFFFFD0]  }
0x1c3: {  	v10 =	vor.u32 s1, v2;
	s1 =	sadd.s32 $0x30, s11;
	[tilespmem:v4+s23+$0x0] =	vst.idx.add.f32.msk $0xffff, v3  }
0x1c4: {  	v3 =	vor.u32 s1, v2;
	s1 =	sadd.s32 $0x40, s11;
	v4 =	vld [tilespmem:s10+$0xFFFFFFE0]  }
0x1c5: {  	v11 =	vor.u32 s1, v2;
	s1 =	sadd.s32 $0x50, s11;
	v12 =	vld [tilespmem:s10+$0xFFFFFFF0]  }
0x1c6: {  	v14 =	vor.u32 s1, v2;
	s1 =	sadd.s32 $0x60, s11;
	v13 =	vld [tilespmem:s10+$0xFFFFFF90]  }
0x1c7: {  	[tilespmem:v8+s23+$0x0] =	vst.idx.add.f32.msk $0xffff, v5;
	v5 =	vor.u32 s1, v2  }
0x1c8: {  	v8 =	vor.u32 s11, v2;
	s11 =	smov.u32 s21;
	[tilespmem:v10+s23+$0x0] =	vst.idx.add.f32.msk $0xffff, v6  }
.Ltmp17:
0x1c9: {  	[tilespmem:v3+s23+$0x0] =	vst.idx.add.f32.msk $0xffff, v7;
	(pc) =	sbr.rel @p1 .LBB2_11-.Ltmp17, $4  }
0x1ca: {  	[tilespmem:v11+s23+$0x0] =	vst.idx.add.f32.msk $0xffff, v9  }
0x1cb: {  	[tilespmem:v14+s23+$0x0] =	vst.idx.add.f32.msk $0xffff, v4  }
0x1cc: {  	[tilespmem:v5+s23+$0x0] =	vst.idx.add.f32.msk $0xffff, v12  }
0x1cd: {  	s10 =	sadd.s32 $0x400, s10;
	s21 =	sadd.s32 $0x80, s21;
	s26 =	sadd.s32 $0x70, s11;
	[tilespmem:v8+s23+$0x0] =	vst.idx.add.f32.msk $0xffff, v13  }
0x1ce: {  	v3 =	vld [tilespmem:s10+$0x0]  }
0x1cf: {  	v5 =	vld [tilespmem:s10+$0xFFFFFFA0]  }
0x1d0: {  	v6 =	vld [tilespmem:s10+$0xFFFFFFB0]  }
0x1d1: {  	v4 =	vor.u32 s26, v2;
	s1 =	sadd.s32 $0x10, s11;
	v7 =	vld [tilespmem:s10+$0xFFFFFFC0]  }
0x1d2: {  	s26 =	sadd.s32 $0x20, s11;
	v9 =	vld [tilespmem:s10+$0xFFFFFFD0];
	v8 =	vor.u32 s1, v2  }
0x1d3: {  	s29 =	sadd.s32 $0x40, s11;
	v61 =	vld [tilespmem:s10+$0xFFFFFFE0];
	v10 =	vor.u32 s26, v2  }
0x1d4: {  	s30 =	sadd.s32 $0x50, s11;
	v12 =	vld [tilespmem:s10+$0xFFFFFFF0];
	v11 =	vor.u32 s29, v2  }
0x1d5: {  	s8 =	sor.u32 $0x2, s13;
	s31 =	sadd.s32 $0x60, s11;
	v63 =	vld [tilespmem:s10+$0xFFFFFF90];
	v13 =	vor.u32 s30, v2  }
0x1d6: {  	s28 =	sadd.s32 $0x30, s11;
	v62 =	vmov s8;
	v14 =	vor.u32 s31, v2;
	[tilespmem:v4+s23+$0x0] =	vst.idx.add.f32.msk $0xffff, v3  }
0x1d7: {  	v3 =	vor.u32 s28, v2;
	[tilespmem:v8+s23+$0x0] =	vst.idx.add.f32.msk $0xffff, v5;
	v5 =	vand.u32 $0xFFFFFFF2, v62  }
0x1d8: {  	v2 =	vor.u32 s11, v2;
	[tilespmem:v10+s23+$0x0] =	vst.idx.add.f32.msk $0xffff, v6;
	v5 =	vbroadcast v5, $0x0  }
0x1d9: {  	[tilespmem:v11+s23+$0x0] =	vst.idx.add.f32.msk $0xffff, v9  }
0x1da: {  	[tilespmem:v13+s23+$0x0] =	vst.idx.add.f32.msk $0xffff, v61  }
0x1db: {  	[tilespmem:v14+s23+$0x0] =	vst.idx.add.f32.msk $0xffff, v12  }
0x1dc: {  	[tilespmem:v3+s23+$0x0] =	vst.idx.add.f32.msk $0xffff, v7  }
0x1dd: {  	[tilespmem:v2+s23+$0x0] =	vst.idx.add.f32.msk $0xffff, v63  }
0x1de: {  	v2 =	vld.idx.msk [tilespmem:v5+s16+$0x0], $0xffff;
	_ =	sdelay $0x4  }
0x1df: {  	s10 =	sadd.s32 $0x170, s0;
	v2 =	vshll.u32 v2, $0x9  }
0x1e0: {  	s21 =	simm.s32 $0x80;
	s26 =	simm.s32 $0x70;
	s11 =	simm.s32 $0x0;
	v2 =	vor.u32 v1, v2  }
.LBB2_13:
0x1e1: {  	p1 =	slt.u32 s21, $0x180;
	v3 =	vld [tilespmem:s10+$0x0];
	v4 =	vor.u32 s26, v2  }
0x1e2: {  	v5 =	vld [tilespmem:s10+$0xFFFFFFA0]  }
0x1e3: {  	v6 =	vld [tilespmem:s10+$0xFFFFFFB0]  }
0x1e4: {  	s1 =	sadd.s32 $0x10, s11;
	v7 =	vld [tilespmem:s10+$0xFFFFFFC0]  }
0x1e5: {  	v8 =	vor.u32 s1, v2;
	s1 =	sadd.s32 $0x20, s11;
	v9 =	vld [tilespmem:s10+$0xFFFFFFD0]  }
0x1e6: {  	v10 =	vor.u32 s1, v2;
	s1 =	sadd.s32 $0x30, s11;
	[tilespmem:v4+s23+$0x0] =	vst.idx.add.f32.msk $0xffff, v3  }
0x1e7: {  	v3 =	vor.u32 s1, v2;
	s1 =	sadd.s32 $0x40, s11;
	v4 =	vld [tilespmem:s10+$0xFFFFFFE0]  }
0x1e8: {  	v11 =	vor.u32 s1, v2;
	s1 =	sadd.s32 $0x50, s11;
	v12 =	vld [tilespmem:s10+$0xFFFFFFF0]  }
0x1e9: {  	v14 =	vor.u32 s1, v2;
	s1 =	sadd.s32 $0x60, s11;
	v13 =	vld [tilespmem:s10+$0xFFFFFF90]  }
0x1ea: {  	[tilespmem:v8+s23+$0x0] =	vst.idx.add.f32.msk $0xffff, v5;
	v5 =	vor.u32 s1, v2  }
0x1eb: {  	v8 =	vor.u32 s11, v2;
	s11 =	smov.u32 s21;
	[tilespmem:v10+s23+$0x0] =	vst.idx.add.f32.msk $0xffff, v6  }
.Ltmp18:
0x1ec: {  	[tilespmem:v3+s23+$0x0] =	vst.idx.add.f32.msk $0xffff, v7;
	(pc) =	sbr.rel @p1 .LBB2_13-.Ltmp18, $4  }
0x1ed: {  	[tilespmem:v11+s23+$0x0] =	vst.idx.add.f32.msk $0xffff, v9  }
0x1ee: {  	[tilespmem:v14+s23+$0x0] =	vst.idx.add.f32.msk $0xffff, v4  }
0x1ef: {  	[tilespmem:v5+s23+$0x0] =	vst.idx.add.f32.msk $0xffff, v12  }
0x1f0: {  	s10 =	sadd.s32 $0x400, s10;
	s21 =	sadd.s32 $0x80, s21;
	s26 =	sadd.s32 $0x70, s11;
	[tilespmem:v8+s23+$0x0] =	vst.idx.add.f32.msk $0xffff, v13  }
0x1f1: {  	v3 =	vld [tilespmem:s10+$0x0]  }
0x1f2: {  	v5 =	vld [tilespmem:s10+$0xFFFFFFA0]  }
0x1f3: {  	v6 =	vld [tilespmem:s10+$0xFFFFFFB0]  }
0x1f4: {  	v4 =	vor.u32 s26, v2;
	s1 =	sadd.s32 $0x10, s11;
	v7 =	vld [tilespmem:s10+$0xFFFFFFC0]  }
0x1f5: {  	s26 =	sadd.s32 $0x20, s11;
	v9 =	vld [tilespmem:s10+$0xFFFFFFD0];
	v8 =	vor.u32 s1, v2  }
0x1f6: {  	s29 =	sadd.s32 $0x40, s11;
	v61 =	vld [tilespmem:s10+$0xFFFFFFE0];
	v10 =	vor.u32 s26, v2  }
0x1f7: {  	s30 =	sadd.s32 $0x50, s11;
	v12 =	vld [tilespmem:s10+$0xFFFFFFF0];
	v11 =	vor.u32 s29, v2  }
0x1f8: {  	s8 =	sor.u32 $0x3, s13;
	s31 =	sadd.s32 $0x60, s11;
	v63 =	vld [tilespmem:s10+$0xFFFFFF90];
	v13 =	vor.u32 s30, v2  }
0x1f9: {  	s28 =	sadd.s32 $0x30, s11;
	v62 =	vmov s8;
	v14 =	vor.u32 s31, v2;
	[tilespmem:v4+s23+$0x0] =	vst.idx.add.f32.msk $0xffff, v3  }
0x1fa: {  	v3 =	vor.u32 s28, v2;
	[tilespmem:v8+s23+$0x0] =	vst.idx.add.f32.msk $0xffff, v5;
	v5 =	vand.u32 $0xFFFFFFF3, v62  }
0x1fb: {  	v2 =	vor.u32 s11, v2;
	[tilespmem:v10+s23+$0x0] =	vst.idx.add.f32.msk $0xffff, v6;
	v5 =	vbroadcast v5, $0x0  }
0x1fc: {  	[tilespmem:v11+s23+$0x0] =	vst.idx.add.f32.msk $0xffff, v9  }
0x1fd: {  	[tilespmem:v13+s23+$0x0] =	vst.idx.add.f32.msk $0xffff, v61  }
0x1fe: {  	[tilespmem:v14+s23+$0x0] =	vst.idx.add.f32.msk $0xffff, v12  }
0x1ff: {  	[tilespmem:v3+s23+$0x0] =	vst.idx.add.f32.msk $0xffff, v7  }
0x200: {  	[tilespmem:v2+s23+$0x0] =	vst.idx.add.f32.msk $0xffff, v63  }
0x201: {  	v2 =	vld.idx.msk [tilespmem:v5+s16+$0x0], $0xffff;
	_ =	sdelay $0x4  }
0x202: {  	s10 =	sadd.s32 $0x1F0, s0;
	v2 =	vshll.u32 v2, $0x9  }
0x203: {  	s21 =	simm.s32 $0x80;
	s26 =	simm.s32 $0x70;
	s11 =	simm.s32 $0x0;
	v2 =	vor.u32 v1, v2  }
.LBB2_15:
0x204: {  	p1 =	slt.u32 s21, $0x180;
	v3 =	vld [tilespmem:s10+$0x0];
	v4 =	vor.u32 s26, v2  }
0x205: {  	v5 =	vld [tilespmem:s10+$0xFFFFFFA0]  }
0x206: {  	v6 =	vld [tilespmem:s10+$0xFFFFFFB0]  }
0x207: {  	s1 =	sadd.s32 $0x10, s11;
	v7 =	vld [tilespmem:s10+$0xFFFFFFC0]  }
0x208: {  	v8 =	vor.u32 s1, v2;
	s1 =	sadd.s32 $0x20, s11;
	v9 =	vld [tilespmem:s10+$0xFFFFFFD0]  }
0x209: {  	v10 =	vor.u32 s1, v2;
	s1 =	sadd.s32 $0x30, s11;
	[tilespmem:v4+s23+$0x0] =	vst.idx.add.f32.msk $0xffff, v3  }
0x20a: {  	v3 =	vor.u32 s1, v2;
	s1 =	sadd.s32 $0x40, s11;
	v4 =	vld [tilespmem:s10+$0xFFFFFFE0]  }
0x20b: {  	v11 =	vor.u32 s1, v2;
	s1 =	sadd.s32 $0x50, s11;
	v12 =	vld [tilespmem:s10+$0xFFFFFFF0]  }
0x20c: {  	v14 =	vor.u32 s1, v2;
	s1 =	sadd.s32 $0x60, s11;
	v13 =	vld [tilespmem:s10+$0xFFFFFF90]  }
0x20d: {  	[tilespmem:v8+s23+$0x0] =	vst.idx.add.f32.msk $0xffff, v5;
	v5 =	vor.u32 s1, v2  }
0x20e: {  	v8 =	vor.u32 s11, v2;
	s11 =	smov.u32 s21;
	[tilespmem:v10+s23+$0x0] =	vst.idx.add.f32.msk $0xffff, v6  }
.Ltmp19:
0x20f: {  	[tilespmem:v3+s23+$0x0] =	vst.idx.add.f32.msk $0xffff, v7;
	(pc) =	sbr.rel @p1 .LBB2_15-.Ltmp19, $4  }
0x210: {  	[tilespmem:v11+s23+$0x0] =	vst.idx.add.f32.msk $0xffff, v9  }
0x211: {  	[tilespmem:v14+s23+$0x0] =	vst.idx.add.f32.msk $0xffff, v4  }
0x212: {  	[tilespmem:v5+s23+$0x0] =	vst.idx.add.f32.msk $0xffff, v12  }
0x213: {  	s10 =	sadd.s32 $0x400, s10;
	s21 =	sadd.s32 $0x80, s21;
	s26 =	sadd.s32 $0x70, s11;
	[tilespmem:v8+s23+$0x0] =	vst.idx.add.f32.msk $0xffff, v13  }
0x214: {  	v3 =	vld [tilespmem:s10+$0x0]  }
0x215: {  	v5 =	vld [tilespmem:s10+$0xFFFFFFA0]  }
0x216: {  	v6 =	vld [tilespmem:s10+$0xFFFFFFB0]  }
0x217: {  	v4 =	vor.u32 s26, v2;
	s1 =	sadd.s32 $0x10, s11;
	v7 =	vld [tilespmem:s10+$0xFFFFFFC0]  }
0x218: {  	s26 =	sadd.s32 $0x20, s11;
	v9 =	vld [tilespmem:s10+$0xFFFFFFD0];
	v8 =	vor.u32 s1, v2  }
0x219: {  	s29 =	sadd.s32 $0x40, s11;
	v61 =	vld [tilespmem:s10+$0xFFFFFFE0];
	v10 =	vor.u32 s26, v2  }
0x21a: {  	s30 =	sadd.s32 $0x50, s11;
	v12 =	vld [tilespmem:s10+$0xFFFFFFF0];
	v11 =	vor.u32 s29, v2  }
0x21b: {  	s8 =	sor.u32 $0x4, s13;
	s31 =	sadd.s32 $0x60, s11;
	v63 =	vld [tilespmem:s10+$0xFFFFFF90];
	v13 =	vor.u32 s30, v2  }
0x21c: {  	s28 =	sadd.s32 $0x30, s11;
	v62 =	vmov s8;
	v14 =	vor.u32 s31, v2;
	[tilespmem:v4+s23+$0x0] =	vst.idx.add.f32.msk $0xffff, v3  }
0x21d: {  	v3 =	vor.u32 s28, v2;
	[tilespmem:v8+s23+$0x0] =	vst.idx.add.f32.msk $0xffff, v5;
	v5 =	vand.u32 $0xFFFFFFF4, v62  }
0x21e: {  	v2 =	vor.u32 s11, v2;
	[tilespmem:v10+s23+$0x0] =	vst.idx.add.f32.msk $0xffff, v6;
	v5 =	vbroadcast v5, $0x0  }
0x21f: {  	[tilespmem:v11+s23+$0x0] =	vst.idx.add.f32.msk $0xffff, v9  }
0x220: {  	[tilespmem:v13+s23+$0x0] =	vst.idx.add.f32.msk $0xffff, v61  }
0x221: {  	[tilespmem:v14+s23+$0x0] =	vst.idx.add.f32.msk $0xffff, v12  }
0x222: {  	[tilespmem:v3+s23+$0x0] =	vst.idx.add.f32.msk $0xffff, v7  }
0x223: {  	[tilespmem:v2+s23+$0x0] =	vst.idx.add.f32.msk $0xffff, v63  }
0x224: {  	v2 =	vld.idx.msk [tilespmem:v5+s16+$0x0], $0xffff;
	_ =	sdelay $0x4  }
0x225: {  	s10 =	sadd.s32 $0x270, s0;
	v2 =	vshll.u32 v2, $0x9  }
0x226: {  	s21 =	simm.s32 $0x80;
	s26 =	simm.s32 $0x70;
	s11 =	simm.s32 $0x0;
	v2 =	vor.u32 v1, v2  }
.LBB2_17:
0x227: {  	p1 =	slt.u32 s21, $0x180;
	v3 =	vld [tilespmem:s10+$0x0];
	v4 =	vor.u32 s26, v2  }
0x228: {  	v5 =	vld [tilespmem:s10+$0xFFFFFFA0]  }
0x229: {  	v6 =	vld [tilespmem:s10+$0xFFFFFFB0]  }
0x22a: {  	s1 =	sadd.s32 $0x10, s11;
	v7 =	vld [tilespmem:s10+$0xFFFFFFC0]  }
0x22b: {  	v8 =	vor.u32 s1, v2;
	s1 =	sadd.s32 $0x20, s11;
	v9 =	vld [tilespmem:s10+$0xFFFFFFD0]  }
0x22c: {  	v10 =	vor.u32 s1, v2;
	s1 =	sadd.s32 $0x30, s11;
	[tilespmem:v4+s23+$0x0] =	vst.idx.add.f32.msk $0xffff, v3  }
0x22d: {  	v3 =	vor.u32 s1, v2;
	s1 =	sadd.s32 $0x40, s11;
	v4 =	vld [tilespmem:s10+$0xFFFFFFE0]  }
0x22e: {  	v11 =	vor.u32 s1, v2;
	s1 =	sadd.s32 $0x50, s11;
	v12 =	vld [tilespmem:s10+$0xFFFFFFF0]  }
0x22f: {  	v14 =	vor.u32 s1, v2;
	s1 =	sadd.s32 $0x60, s11;
	v13 =	vld [tilespmem:s10+$0xFFFFFF90]  }
0x230: {  	[tilespmem:v8+s23+$0x0] =	vst.idx.add.f32.msk $0xffff, v5;
	v5 =	vor.u32 s1, v2  }
0x231: {  	v8 =	vor.u32 s11, v2;
	s11 =	smov.u32 s21;
	[tilespmem:v10+s23+$0x0] =	vst.idx.add.f32.msk $0xffff, v6  }
.Ltmp20:
0x232: {  	[tilespmem:v3+s23+$0x0] =	vst.idx.add.f32.msk $0xffff, v7;
	(pc) =	sbr.rel @p1 .LBB2_17-.Ltmp20, $4  }
0x233: {  	[tilespmem:v11+s23+$0x0] =	vst.idx.add.f32.msk $0xffff, v9  }
0x234: {  	[tilespmem:v14+s23+$0x0] =	vst.idx.add.f32.msk $0xffff, v4  }
0x235: {  	[tilespmem:v5+s23+$0x0] =	vst.idx.add.f32.msk $0xffff, v12  }
0x236: {  	s10 =	sadd.s32 $0x400, s10;
	s21 =	sadd.s32 $0x80, s21;
	s26 =	sadd.s32 $0x70, s11;
	[tilespmem:v8+s23+$0x0] =	vst.idx.add.f32.msk $0xffff, v13  }
0x237: {  	v3 =	vld [tilespmem:s10+$0x0]  }
0x238: {  	v5 =	vld [tilespmem:s10+$0xFFFFFFA0]  }
0x239: {  	v6 =	vld [tilespmem:s10+$0xFFFFFFB0]  }
0x23a: {  	v4 =	vor.u32 s26, v2;
	s1 =	sadd.s32 $0x10, s11;
	v7 =	vld [tilespmem:s10+$0xFFFFFFC0]  }
0x23b: {  	s26 =	sadd.s32 $0x20, s11;
	v9 =	vld [tilespmem:s10+$0xFFFFFFD0];
	v8 =	vor.u32 s1, v2  }
0x23c: {  	s29 =	sadd.s32 $0x40, s11;
	v61 =	vld [tilespmem:s10+$0xFFFFFFE0];
	v10 =	vor.u32 s26, v2  }
0x23d: {  	s30 =	sadd.s32 $0x50, s11;
	v12 =	vld [tilespmem:s10+$0xFFFFFFF0];
	v11 =	vor.u32 s29, v2  }
0x23e: {  	s8 =	sor.u32 $0x5, s13;
	s31 =	sadd.s32 $0x60, s11;
	v63 =	vld [tilespmem:s10+$0xFFFFFF90];
	v13 =	vor.u32 s30, v2  }
0x23f: {  	s28 =	sadd.s32 $0x30, s11;
	v62 =	vmov s8;
	v14 =	vor.u32 s31, v2;
	[tilespmem:v4+s23+$0x0] =	vst.idx.add.f32.msk $0xffff, v3  }
0x240: {  	v3 =	vor.u32 s28, v2;
	[tilespmem:v8+s23+$0x0] =	vst.idx.add.f32.msk $0xffff, v5;
	v5 =	vand.u32 $0xFFFFFFF5, v62  }
0x241: {  	v2 =	vor.u32 s11, v2;
	[tilespmem:v10+s23+$0x0] =	vst.idx.add.f32.msk $0xffff, v6;
	v5 =	vbroadcast v5, $0x0  }
0x242: {  	[tilespmem:v11+s23+$0x0] =	vst.idx.add.f32.msk $0xffff, v9  }
0x243: {  	[tilespmem:v13+s23+$0x0] =	vst.idx.add.f32.msk $0xffff, v61  }
0x244: {  	[tilespmem:v14+s23+$0x0] =	vst.idx.add.f32.msk $0xffff, v12  }
0x245: {  	[tilespmem:v3+s23+$0x0] =	vst.idx.add.f32.msk $0xffff, v7  }
0x246: {  	[tilespmem:v2+s23+$0x0] =	vst.idx.add.f32.msk $0xffff, v63  }
0x247: {  	v2 =	vld.idx.msk [tilespmem:v5+s16+$0x0], $0xffff;
	_ =	sdelay $0x4  }
0x248: {  	s10 =	sadd.s32 $0x2F0, s0;
	v2 =	vshll.u32 v2, $0x9  }
0x249: {  	s21 =	simm.s32 $0x80;
	s26 =	simm.s32 $0x70;
	s11 =	simm.s32 $0x0;
	v2 =	vor.u32 v1, v2  }
.LBB2_19:
0x24a: {  	p1 =	slt.u32 s21, $0x180;
	v3 =	vld [tilespmem:s10+$0x0];
	v4 =	vor.u32 s26, v2  }
0x24b: {  	v5 =	vld [tilespmem:s10+$0xFFFFFFA0]  }
0x24c: {  	v6 =	vld [tilespmem:s10+$0xFFFFFFB0]  }
0x24d: {  	s1 =	sadd.s32 $0x10, s11;
	v7 =	vld [tilespmem:s10+$0xFFFFFFC0]  }
0x24e: {  	v8 =	vor.u32 s1, v2;
	s1 =	sadd.s32 $0x20, s11;
	v9 =	vld [tilespmem:s10+$0xFFFFFFD0]  }
0x24f: {  	v10 =	vor.u32 s1, v2;
	s1 =	sadd.s32 $0x30, s11;
	[tilespmem:v4+s23+$0x0] =	vst.idx.add.f32.msk $0xffff, v3  }
0x250: {  	v3 =	vor.u32 s1, v2;
	s1 =	sadd.s32 $0x40, s11;
	v4 =	vld [tilespmem:s10+$0xFFFFFFE0]  }
0x251: {  	v11 =	vor.u32 s1, v2;
	s1 =	sadd.s32 $0x50, s11;
	v12 =	vld [tilespmem:s10+$0xFFFFFFF0]  }
0x252: {  	v14 =	vor.u32 s1, v2;
	s1 =	sadd.s32 $0x60, s11;
	v13 =	vld [tilespmem:s10+$0xFFFFFF90]  }
0x253: {  	[tilespmem:v8+s23+$0x0] =	vst.idx.add.f32.msk $0xffff, v5;
	v5 =	vor.u32 s1, v2  }
0x254: {  	v8 =	vor.u32 s11, v2;
	s11 =	smov.u32 s21;
	[tilespmem:v10+s23+$0x0] =	vst.idx.add.f32.msk $0xffff, v6  }
.Ltmp21:
0x255: {  	[tilespmem:v3+s23+$0x0] =	vst.idx.add.f32.msk $0xffff, v7;
	(pc) =	sbr.rel @p1 .LBB2_19-.Ltmp21, $4  }
0x256: {  	[tilespmem:v11+s23+$0x0] =	vst.idx.add.f32.msk $0xffff, v9  }
0x257: {  	[tilespmem:v14+s23+$0x0] =	vst.idx.add.f32.msk $0xffff, v4  }
0x258: {  	[tilespmem:v5+s23+$0x0] =	vst.idx.add.f32.msk $0xffff, v12  }
0x259: {  	s10 =	sadd.s32 $0x400, s10;
	s21 =	sadd.s32 $0x80, s21;
	s26 =	sadd.s32 $0x70, s11;
	[tilespmem:v8+s23+$0x0] =	vst.idx.add.f32.msk $0xffff, v13  }
0x25a: {  	v3 =	vld [tilespmem:s10+$0x0]  }
0x25b: {  	v5 =	vld [tilespmem:s10+$0xFFFFFFA0]  }
0x25c: {  	v6 =	vld [tilespmem:s10+$0xFFFFFFB0]  }
0x25d: {  	v4 =	vor.u32 s26, v2;
	s1 =	sadd.s32 $0x10, s11;
	v7 =	vld [tilespmem:s10+$0xFFFFFFC0]  }
0x25e: {  	s26 =	sadd.s32 $0x20, s11;
	v9 =	vld [tilespmem:s10+$0xFFFFFFD0];
	v8 =	vor.u32 s1, v2  }
0x25f: {  	s29 =	sadd.s32 $0x40, s11;
	v61 =	vld [tilespmem:s10+$0xFFFFFFE0];
	v10 =	vor.u32 s26, v2  }
0x260: {  	s30 =	sadd.s32 $0x50, s11;
	v12 =	vld [tilespmem:s10+$0xFFFFFFF0];
	v11 =	vor.u32 s29, v2  }
0x261: {  	s8 =	sor.u32 $0x6, s13;
	s31 =	sadd.s32 $0x60, s11;
	v63 =	vld [tilespmem:s10+$0xFFFFFF90];
	v13 =	vor.u32 s30, v2  }
0x262: {  	s28 =	sadd.s32 $0x30, s11;
	v62 =	vmov s8;
	v14 =	vor.u32 s31, v2;
	[tilespmem:v4+s23+$0x0] =	vst.idx.add.f32.msk $0xffff, v3  }
0x263: {  	v3 =	vor.u32 s28, v2;
	[tilespmem:v8+s23+$0x0] =	vst.idx.add.f32.msk $0xffff, v5;
	v5 =	vand.u32 $0xFFFFFFF6, v62  }
0x264: {  	v2 =	vor.u32 s11, v2;
	[tilespmem:v10+s23+$0x0] =	vst.idx.add.f32.msk $0xffff, v6;
	v5 =	vbroadcast v5, $0x0  }
0x265: {  	[tilespmem:v11+s23+$0x0] =	vst.idx.add.f32.msk $0xffff, v9  }
0x266: {  	[tilespmem:v13+s23+$0x0] =	vst.idx.add.f32.msk $0xffff, v61  }
0x267: {  	[tilespmem:v14+s23+$0x0] =	vst.idx.add.f32.msk $0xffff, v12  }
0x268: {  	[tilespmem:v3+s23+$0x0] =	vst.idx.add.f32.msk $0xffff, v7  }
0x269: {  	[tilespmem:v2+s23+$0x0] =	vst.idx.add.f32.msk $0xffff, v63  }
0x26a: {  	v2 =	vld.idx.msk [tilespmem:v5+s16+$0x0], $0xffff;
	_ =	sdelay $0x4  }
0x26b: {  	s10 =	sadd.s32 $0x370, s0;
	v2 =	vshll.u32 v2, $0x9  }
0x26c: {  	s21 =	simm.s32 $0x80;
	s26 =	simm.s32 $0x70;
	s11 =	simm.s32 $0x0;
	v2 =	vor.u32 v1, v2  }
.LBB2_21:
0x26d: {  	p1 =	slt.u32 s21, $0x180;
	v3 =	vld [tilespmem:s10+$0x0];
	v4 =	vor.u32 s26, v2  }
0x26e: {  	v5 =	vld [tilespmem:s10+$0xFFFFFFA0]  }
0x26f: {  	v6 =	vld [tilespmem:s10+$0xFFFFFFB0]  }
0x270: {  	s1 =	sadd.s32 $0x10, s11;
	v7 =	vld [tilespmem:s10+$0xFFFFFFC0]  }
0x271: {  	v8 =	vor.u32 s1, v2;
	s1 =	sadd.s32 $0x20, s11;
	v9 =	vld [tilespmem:s10+$0xFFFFFFD0]  }
0x272: {  	v10 =	vor.u32 s1, v2;
	s1 =	sadd.s32 $0x30, s11;
	[tilespmem:v4+s23+$0x0] =	vst.idx.add.f32.msk $0xffff, v3  }
0x273: {  	v3 =	vor.u32 s1, v2;
	s1 =	sadd.s32 $0x40, s11;
	v4 =	vld [tilespmem:s10+$0xFFFFFFE0]  }
0x274: {  	v11 =	vor.u32 s1, v2;
	s1 =	sadd.s32 $0x50, s11;
	v12 =	vld [tilespmem:s10+$0xFFFFFFF0]  }
0x275: {  	v14 =	vor.u32 s1, v2;
	s1 =	sadd.s32 $0x60, s11;
	v13 =	vld [tilespmem:s10+$0xFFFFFF90]  }
0x276: {  	[tilespmem:v8+s23+$0x0] =	vst.idx.add.f32.msk $0xffff, v5;
	v5 =	vor.u32 s1, v2  }
0x277: {  	v8 =	vor.u32 s11, v2;
	s11 =	smov.u32 s21;
	[tilespmem:v10+s23+$0x0] =	vst.idx.add.f32.msk $0xffff, v6  }
.Ltmp22:
0x278: {  	[tilespmem:v3+s23+$0x0] =	vst.idx.add.f32.msk $0xffff, v7;
	(pc) =	sbr.rel @p1 .LBB2_21-.Ltmp22, $4  }
0x279: {  	[tilespmem:v11+s23+$0x0] =	vst.idx.add.f32.msk $0xffff, v9  }
0x27a: {  	[tilespmem:v14+s23+$0x0] =	vst.idx.add.f32.msk $0xffff, v4  }
0x27b: {  	[tilespmem:v5+s23+$0x0] =	vst.idx.add.f32.msk $0xffff, v12  }
0x27c: {  	s10 =	sadd.s32 $0x400, s10;
	s21 =	sadd.s32 $0x80, s21;
	s26 =	sadd.s32 $0x70, s11;
	[tilespmem:v8+s23+$0x0] =	vst.idx.add.f32.msk $0xffff, v13  }
0x27d: {  	v3 =	vld [tilespmem:s10+$0x0]  }
0x27e: {  	v5 =	vld [tilespmem:s10+$0xFFFFFFA0]  }
0x27f: {  	v6 =	vld [tilespmem:s10+$0xFFFFFFB0]  }
0x280: {  	v4 =	vor.u32 s26, v2;
	s1 =	sadd.s32 $0x10, s11;
	v7 =	vld [tilespmem:s10+$0xFFFFFFC0]  }
0x281: {  	s26 =	sadd.s32 $0x20, s11;
	v9 =	vld [tilespmem:s10+$0xFFFFFFD0];
	v8 =	vor.u32 s1, v2  }
0x282: {  	s29 =	sadd.s32 $0x40, s11;
	v61 =	vld [tilespmem:s10+$0xFFFFFFE0];
	v10 =	vor.u32 s26, v2  }
0x283: {  	s30 =	sadd.s32 $0x50, s11;
	v12 =	vld [tilespmem:s10+$0xFFFFFFF0];
	v11 =	vor.u32 s29, v2  }
0x284: {  	s8 =	sor.u32 $0x7, s13;
	s31 =	sadd.s32 $0x60, s11;
	v63 =	vld [tilespmem:s10+$0xFFFFFF90];
	v13 =	vor.u32 s30, v2  }
0x285: {  	s28 =	sadd.s32 $0x30, s11;
	v62 =	vmov s8;
	v14 =	vor.u32 s31, v2;
	[tilespmem:v4+s23+$0x0] =	vst.idx.add.f32.msk $0xffff, v3  }
0x286: {  	v3 =	vor.u32 s28, v2;
	[tilespmem:v8+s23+$0x0] =	vst.idx.add.f32.msk $0xffff, v5;
	v5 =	vand.u32 $0xFFFFFFF7, v62  }
0x287: {  	v2 =	vor.u32 s11, v2;
	[tilespmem:v10+s23+$0x0] =	vst.idx.add.f32.msk $0xffff, v6;
	v5 =	vbroadcast v5, $0x0  }
0x288: {  	[tilespmem:v11+s23+$0x0] =	vst.idx.add.f32.msk $0xffff, v9  }
0x289: {  	[tilespmem:v13+s23+$0x0] =	vst.idx.add.f32.msk $0xffff, v61  }
0x28a: {  	[tilespmem:v14+s23+$0x0] =	vst.idx.add.f32.msk $0xffff, v12  }
0x28b: {  	[tilespmem:v3+s23+$0x0] =	vst.idx.add.f32.msk $0xffff, v7  }
0x28c: {  	[tilespmem:v2+s23+$0x0] =	vst.idx.add.f32.msk $0xffff, v63  }
0x28d: {  	v2 =	vld.idx.msk [tilespmem:v5+s16+$0x0], $0xffff;
	_ =	sdelay $0x4  }
0x28e: {  	s10 =	sadd.s32 $0x3F0, s0;
	v2 =	vshll.u32 v2, $0x9  }
0x28f: {  	s21 =	simm.s32 $0x80;
	s26 =	simm.s32 $0x70;
	s11 =	simm.s32 $0x0;
	v2 =	vor.u32 v1, v2  }
.LBB2_23:
0x290: {  	p1 =	slt.u32 s21, $0x180;
	v3 =	vld [tilespmem:s10+$0x0];
	v4 =	vor.u32 s26, v2  }
0x291: {  	v5 =	vld [tilespmem:s10+$0xFFFFFFA0]  }
0x292: {  	v6 =	vld [tilespmem:s10+$0xFFFFFFB0]  }
0x293: {  	s1 =	sadd.s32 $0x10, s11;
	v7 =	vld [tilespmem:s10+$0xFFFFFFC0]  }
0x294: {  	v8 =	vor.u32 s1, v2;
	s1 =	sadd.s32 $0x20, s11;
	v9 =	vld [tilespmem:s10+$0xFFFFFFD0]  }
0x295: {  	v10 =	vor.u32 s1, v2;
	s1 =	sadd.s32 $0x30, s11;
	[tilespmem:v4+s23+$0x0] =	vst.idx.add.f32.msk $0xffff, v3  }
0x296: {  	v3 =	vor.u32 s1, v2;
	s1 =	sadd.s32 $0x40, s11;
	v4 =	vld [tilespmem:s10+$0xFFFFFFE0]  }
0x297: {  	v11 =	vor.u32 s1, v2;
	s1 =	sadd.s32 $0x50, s11;
	v12 =	vld [tilespmem:s10+$0xFFFFFFF0]  }
0x298: {  	v14 =	vor.u32 s1, v2;
	s1 =	sadd.s32 $0x60, s11;
	v13 =	vld [tilespmem:s10+$0xFFFFFF90]  }
0x299: {  	[tilespmem:v8+s23+$0x0] =	vst.idx.add.f32.msk $0xffff, v5;
	v5 =	vor.u32 s1, v2  }
0x29a: {  	v8 =	vor.u32 s11, v2;
	s11 =	smov.u32 s21;
	[tilespmem:v10+s23+$0x0] =	vst.idx.add.f32.msk $0xffff, v6  }
.Ltmp23:
0x29b: {  	[tilespmem:v3+s23+$0x0] =	vst.idx.add.f32.msk $0xffff, v7;
	(pc) =	sbr.rel @p1 .LBB2_23-.Ltmp23, $4  }
0x29c: {  	[tilespmem:v11+s23+$0x0] =	vst.idx.add.f32.msk $0xffff, v9  }
0x29d: {  	[tilespmem:v14+s23+$0x0] =	vst.idx.add.f32.msk $0xffff, v4  }
0x29e: {  	[tilespmem:v5+s23+$0x0] =	vst.idx.add.f32.msk $0xffff, v12  }
0x29f: {  	s10 =	sadd.s32 $0x400, s10;
	s21 =	sadd.s32 $0x80, s21;
	s26 =	sadd.s32 $0x70, s11;
	[tilespmem:v8+s23+$0x0] =	vst.idx.add.f32.msk $0xffff, v13  }
0x2a0: {  	v3 =	vld [tilespmem:s10+$0x0]  }
0x2a1: {  	v5 =	vld [tilespmem:s10+$0xFFFFFFA0]  }
0x2a2: {  	v6 =	vld [tilespmem:s10+$0xFFFFFFB0]  }
0x2a3: {  	v4 =	vor.u32 s26, v2;
	s1 =	sadd.s32 $0x10, s11;
	v7 =	vld [tilespmem:s10+$0xFFFFFFC0]  }
0x2a4: {  	s26 =	sadd.s32 $0x20, s11;
	v9 =	vld [tilespmem:s10+$0xFFFFFFD0];
	v8 =	vor.u32 s1, v2  }
0x2a5: {  	s29 =	sadd.s32 $0x40, s11;
	v60 =	vld [tilespmem:s10+$0xFFFFFFE0];
	v10 =	vor.u32 s26, v2  }
0x2a6: {  	s30 =	sadd.s32 $0x50, s11;
	v12 =	vld [tilespmem:s10+$0xFFFFFFF0];
	v11 =	vor.u32 s29, v2  }
0x2a7: {  	s8 =	sor.u32 $0x8, s13;
	s31 =	sadd.s32 $0x60, s11;
	v61 =	vld [tilespmem:s10+$0xFFFFFF90];
	v13 =	vor.u32 s30, v2  }
0x2a8: {  	s28 =	sadd.s32 $0x30, s11;
	v14 =	vmov s8;
	v62 =	vor.u32 s31, v2;
	[tilespmem:v4+s23+$0x0] =	vst.idx.add.f32.msk $0xffff, v3  }
0x2a9: {  	v14 =	vand.u32 $0xFFFFFFF8, v14;
	v3 =	vor.u32 s28, v2;
	[tilespmem:v8+s23+$0x0] =	vst.idx.add.f32.msk $0xffff, v5  }
0x2aa: {  	v63 =	vbroadcast v14, $0x0;
	v2 =	vor.u32 s11, v2;
	[tilespmem:v10+s23+$0x0] =	vst.idx.add.f32.msk $0xffff, v6  }
0x2ab: {  	[tilespmem:v11+s23+$0x0] =	vst.idx.add.f32.msk $0xffff, v9  }
0x2ac: {  	[tilespmem:v13+s23+$0x0] =	vst.idx.add.f32.msk $0xffff, v60  }
0x2ad: {  	[tilespmem:v62+s23+$0x0] =	vst.idx.add.f32.msk $0xffff, v12  }
0x2ae: {  	[tilespmem:v3+s23+$0x0] =	vst.idx.add.f32.msk $0xffff, v7  }
0x2af: {  	[tilespmem:v2+s23+$0x0] =	vst.idx.add.f32.msk $0xffff, v61  }
0x2b0: {  	v2 =	vld.idx.msk [tilespmem:v63+s16+$0x0], $0xffff;
	_ =	sdelay $0x4  }
0x2b1: {  	s0 =	sadd.s32 $0x1070, s0;
	v2 =	vshll.u32 v2, $0x9  }
0x2b2: {  	s10 =	simm.s32 $0x0;
	s21 =	simm.s32 $0x70;
	s11 =	simm.s32 $0x80;
	v2 =	vor.u32 v1, v2  }
.LBB2_25:
0x2b3: {  	p1 =	slt.u32 s11, $0x180;
	v3 =	vld [tilespmem:s0+$0x0];
	v4 =	vor.u32 s21, v2  }
0x2b4: {  	v5 =	vld [tilespmem:s0+$0xFFFFFFA0]  }
0x2b5: {  	v6 =	vld [tilespmem:s0+$0xFFFFFFB0]  }
0x2b6: {  	s1 =	sadd.s32 $0x10, s10;
	v7 =	vld [tilespmem:s0+$0xFFFFFFC0]  }
0x2b7: {  	v8 =	vor.u32 s1, v2;
	s1 =	sadd.s32 $0x20, s10;
	v9 =	vld [tilespmem:s0+$0xFFFFFFD0]  }
0x2b8: {  	v10 =	vor.u32 s1, v2;
	s1 =	sadd.s32 $0x30, s10;
	[tilespmem:v4+s23+$0x0] =	vst.idx.add.f32.msk $0xffff, v3  }
0x2b9: {  	v3 =	vor.u32 s1, v2;
	s1 =	sadd.s32 $0x40, s10;
	v4 =	vld [tilespmem:s0+$0xFFFFFFE0]  }
0x2ba: {  	v11 =	vor.u32 s1, v2;
	s1 =	sadd.s32 $0x50, s10;
	v12 =	vld [tilespmem:s0+$0xFFFFFFF0]  }
0x2bb: {  	v14 =	vor.u32 s1, v2;
	s1 =	sadd.s32 $0x60, s10;
	v13 =	vld [tilespmem:s0+$0xFFFFFF90]  }
0x2bc: {  	[tilespmem:v8+s23+$0x0] =	vst.idx.add.f32.msk $0xffff, v5;
	v5 =	vor.u32 s1, v2  }
0x2bd: {  	v8 =	vor.u32 s10, v2;
	s10 =	smov.u32 s11;
	[tilespmem:v10+s23+$0x0] =	vst.idx.add.f32.msk $0xffff, v6  }
.Ltmp24:
0x2be: {  	[tilespmem:v3+s23+$0x0] =	vst.idx.add.f32.msk $0xffff, v7;
	(pc) =	sbr.rel @p1 .LBB2_25-.Ltmp24, $4  }
0x2bf: {  	[tilespmem:v11+s23+$0x0] =	vst.idx.add.f32.msk $0xffff, v9  }
0x2c0: {  	[tilespmem:v14+s23+$0x0] =	vst.idx.add.f32.msk $0xffff, v4  }
0x2c1: {  	[tilespmem:v5+s23+$0x0] =	vst.idx.add.f32.msk $0xffff, v12  }
0x2c2: {  	s0 =	sadd.s32 $0x400, s0;
	s11 =	sadd.s32 $0x80, s11;
	s21 =	sadd.s32 $0x70, s10;
	[tilespmem:v8+s23+$0x0] =	vst.idx.add.f32.msk $0xffff, v13  }
0x2c3: {  	v3 =	vld [tilespmem:s0+$0x0]  }
0x2c4: {  	v5 =	vld [tilespmem:s0+$0xFFFFFFA0]  }
0x2c5: {  	v6 =	vld [tilespmem:s0+$0xFFFFFFB0]  }
0x2c6: {  	v4 =	vor.u32 s21, v2;
	s1 =	sadd.s32 $0x10, s10;
	v7 =	vld [tilespmem:s0+$0xFFFFFFC0]  }
0x2c7: {  	s21 =	sadd.s32 $0x20, s10;
	v9 =	vld [tilespmem:s0+$0xFFFFFFD0];
	v8 =	vor.u32 s1, v2  }
0x2c8: {  	s28 =	sadd.s32 $0x40, s10;
	v61 =	vld [tilespmem:s0+$0xFFFFFFE0];
	v10 =	vor.u32 s21, v2  }
0x2c9: {  	s29 =	sadd.s32 $0x50, s10;
	v12 =	vld [tilespmem:s0+$0xFFFFFFF0];
	v11 =	vor.u32 s28, v2  }
0x2ca: {  	s8 =	sor.u32 $0x9, s13;
	s30 =	sadd.s32 $0x60, s10;
	v63 =	vld [tilespmem:s0+$0xFFFFFF90];
	v13 =	vor.u32 s29, v2  }
0x2cb: {  	s26 =	sadd.s32 $0x30, s10;
	v62 =	vmov s8;
	v14 =	vor.u32 s30, v2;
	[tilespmem:v4+s23+$0x0] =	vst.idx.add.f32.msk $0xffff, v3  }
0x2cc: {  	v3 =	vor.u32 s26, v2;
	[tilespmem:v8+s23+$0x0] =	vst.idx.add.f32.msk $0xffff, v5;
	v5 =	vand.u32 $0xFFFFFFF9, v62  }
0x2cd: {  	v2 =	vor.u32 s10, v2;
	[tilespmem:v10+s23+$0x0] =	vst.idx.add.f32.msk $0xffff, v6;
	v5 =	vbroadcast v5, $0x0  }
0x2ce: {  	[tilespmem:v11+s23+$0x0] =	vst.idx.add.f32.msk $0xffff, v9  }
0x2cf: {  	[tilespmem:v13+s23+$0x0] =	vst.idx.add.f32.msk $0xffff, v61  }
0x2d0: {  	[tilespmem:v14+s23+$0x0] =	vst.idx.add.f32.msk $0xffff, v12  }
0x2d1: {  	[tilespmem:v3+s23+$0x0] =	vst.idx.add.f32.msk $0xffff, v7  }
0x2d2: {  	[tilespmem:v2+s23+$0x0] =	vst.idx.add.f32.msk $0xffff, v63  }
0x2d3: {  	v2 =	vld.idx.msk [tilespmem:v5+s16+$0x0], $0xffff;
	_ =	sdelay $0x2  }
0x2d4: {  	s31 =	sshll.u32 s8, $0xB  }
0x2d5: {  	s0 =	sshra.s32 s31, $0x2  }
0x2d6: {  	s11 =	simm.s32 $0x80;
	s0 =	sand.u32 $0xFFFFF000, s0;
	v2 =	vshll.u32 v2, $0x9  }
0x2d7: {  	s21 =	simm.s32 $0x70;
	s0 =	sor.u32 $0xF0, s0;
	s10 =	simm.s32 $0x0;
	v2 =	vor.u32 v1, v2  }
.LBB2_27:
0x2d8: {  	p1 =	slt.u32 s11, $0x180;
	v3 =	vld [tilespmem:s0+$0x0];
	v4 =	vor.u32 s21, v2  }
0x2d9: {  	v5 =	vld [tilespmem:s0+$0xFFFFFFA0]  }
0x2da: {  	v6 =	vld [tilespmem:s0+$0xFFFFFFB0]  }
0x2db: {  	s1 =	sadd.s32 $0x10, s10;
	v7 =	vld [tilespmem:s0+$0xFFFFFFC0]  }
0x2dc: {  	v8 =	vor.u32 s1, v2;
	s1 =	sadd.s32 $0x20, s10;
	v9 =	vld [tilespmem:s0+$0xFFFFFFD0]  }
0x2dd: {  	v10 =	vor.u32 s1, v2;
	s1 =	sadd.s32 $0x30, s10;
	[tilespmem:v4+s23+$0x0] =	vst.idx.add.f32.msk $0xffff, v3  }
0x2de: {  	v3 =	vor.u32 s1, v2;
	s1 =	sadd.s32 $0x40, s10;
	v4 =	vld [tilespmem:s0+$0xFFFFFFE0]  }
0x2df: {  	v11 =	vor.u32 s1, v2;
	s1 =	sadd.s32 $0x50, s10;
	v12 =	vld [tilespmem:s0+$0xFFFFFFF0]  }
0x2e0: {  	v14 =	vor.u32 s1, v2;
	s1 =	sadd.s32 $0x60, s10;
	v13 =	vld [tilespmem:s0+$0xFFFFFF90]  }
0x2e1: {  	[tilespmem:v8+s23+$0x0] =	vst.idx.add.f32.msk $0xffff, v5;
	v5 =	vor.u32 s1, v2  }
0x2e2: {  	v8 =	vor.u32 s10, v2;
	s10 =	smov.u32 s11;
	[tilespmem:v10+s23+$0x0] =	vst.idx.add.f32.msk $0xffff, v6  }
.Ltmp25:
0x2e3: {  	[tilespmem:v3+s23+$0x0] =	vst.idx.add.f32.msk $0xffff, v7;
	(pc) =	sbr.rel @p1 .LBB2_27-.Ltmp25, $4  }
0x2e4: {  	[tilespmem:v11+s23+$0x0] =	vst.idx.add.f32.msk $0xffff, v9  }
0x2e5: {  	[tilespmem:v14+s23+$0x0] =	vst.idx.add.f32.msk $0xffff, v4  }
0x2e6: {  	[tilespmem:v5+s23+$0x0] =	vst.idx.add.f32.msk $0xffff, v12  }
0x2e7: {  	s0 =	sadd.s32 $0x400, s0;
	s11 =	sadd.s32 $0x80, s11;
	s21 =	sadd.s32 $0x70, s10;
	[tilespmem:v8+s23+$0x0] =	vst.idx.add.f32.msk $0xffff, v13  }
0x2e8: {  	v3 =	vld [tilespmem:s0+$0x0]  }
0x2e9: {  	v5 =	vld [tilespmem:s0+$0xFFFFFFA0]  }
0x2ea: {  	v6 =	vld [tilespmem:s0+$0xFFFFFFB0]  }
0x2eb: {  	v4 =	vor.u32 s21, v2;
	s1 =	sadd.s32 $0x10, s10;
	v7 =	vld [tilespmem:s0+$0xFFFFFFC0]  }
0x2ec: {  	s21 =	sadd.s32 $0x20, s10;
	v9 =	vld [tilespmem:s0+$0xFFFFFFD0];
	v8 =	vor.u32 s1, v2  }
0x2ed: {  	s28 =	sadd.s32 $0x40, s10;
	v61 =	vld [tilespmem:s0+$0xFFFFFFE0];
	v10 =	vor.u32 s21, v2  }
0x2ee: {  	s29 =	sadd.s32 $0x50, s10;
	v12 =	vld [tilespmem:s0+$0xFFFFFFF0];
	v11 =	vor.u32 s28, v2  }
0x2ef: {  	s8 =	sor.u32 $0xA, s13;
	s30 =	sadd.s32 $0x60, s10;
	v63 =	vld [tilespmem:s0+$0xFFFFFF90];
	v13 =	vor.u32 s29, v2  }
0x2f0: {  	s26 =	sadd.s32 $0x30, s10;
	v62 =	vmov s8;
	v14 =	vor.u32 s30, v2;
	[tilespmem:v4+s23+$0x0] =	vst.idx.add.f32.msk $0xffff, v3  }
0x2f1: {  	v3 =	vor.u32 s26, v2;
	[tilespmem:v8+s23+$0x0] =	vst.idx.add.f32.msk $0xffff, v5;
	v5 =	vand.u32 $0xFFFFFFFA, v62  }
0x2f2: {  	v2 =	vor.u32 s10, v2;
	[tilespmem:v10+s23+$0x0] =	vst.idx.add.f32.msk $0xffff, v6;
	v5 =	vbroadcast v5, $0x0  }
0x2f3: {  	[tilespmem:v11+s23+$0x0] =	vst.idx.add.f32.msk $0xffff, v9  }
0x2f4: {  	[tilespmem:v13+s23+$0x0] =	vst.idx.add.f32.msk $0xffff, v61  }
0x2f5: {  	[tilespmem:v14+s23+$0x0] =	vst.idx.add.f32.msk $0xffff, v12  }
0x2f6: {  	[tilespmem:v3+s23+$0x0] =	vst.idx.add.f32.msk $0xffff, v7  }
0x2f7: {  	[tilespmem:v2+s23+$0x0] =	vst.idx.add.f32.msk $0xffff, v63  }
0x2f8: {  	v2 =	vld.idx.msk [tilespmem:v5+s16+$0x0], $0xffff;
	_ =	sdelay $0x2  }
0x2f9: {  	s31 =	sshll.u32 s8, $0xB  }
0x2fa: {  	s0 =	sshra.s32 s31, $0x2  }
0x2fb: {  	s11 =	simm.s32 $0x80;
	s0 =	sand.u32 $0xFFFFF000, s0;
	v2 =	vshll.u32 v2, $0x9  }
0x2fc: {  	s21 =	simm.s32 $0x70;
	s0 =	sor.u32 $0x170, s0;
	s10 =	simm.s32 $0x0;
	v2 =	vor.u32 v1, v2  }
.LBB2_29:
0x2fd: {  	p1 =	slt.u32 s11, $0x180;
	v3 =	vld [tilespmem:s0+$0x0];
	v4 =	vor.u32 s21, v2  }
0x2fe: {  	v5 =	vld [tilespmem:s0+$0xFFFFFFA0]  }
0x2ff: {  	v6 =	vld [tilespmem:s0+$0xFFFFFFB0]  }
0x300: {  	s1 =	sadd.s32 $0x10, s10;
	v7 =	vld [tilespmem:s0+$0xFFFFFFC0]  }
0x301: {  	v8 =	vor.u32 s1, v2;
	s1 =	sadd.s32 $0x20, s10;
	v9 =	vld [tilespmem:s0+$0xFFFFFFD0]  }
0x302: {  	v10 =	vor.u32 s1, v2;
	s1 =	sadd.s32 $0x30, s10;
	[tilespmem:v4+s23+$0x0] =	vst.idx.add.f32.msk $0xffff, v3  }
0x303: {  	v3 =	vor.u32 s1, v2;
	s1 =	sadd.s32 $0x40, s10;
	v4 =	vld [tilespmem:s0+$0xFFFFFFE0]  }
0x304: {  	v11 =	vor.u32 s1, v2;
	s1 =	sadd.s32 $0x50, s10;
	v12 =	vld [tilespmem:s0+$0xFFFFFFF0]  }
0x305: {  	v14 =	vor.u32 s1, v2;
	s1 =	sadd.s32 $0x60, s10;
	v13 =	vld [tilespmem:s0+$0xFFFFFF90]  }
0x306: {  	[tilespmem:v8+s23+$0x0] =	vst.idx.add.f32.msk $0xffff, v5;
	v5 =	vor.u32 s1, v2  }
0x307: {  	v8 =	vor.u32 s10, v2;
	s10 =	smov.u32 s11;
	[tilespmem:v10+s23+$0x0] =	vst.idx.add.f32.msk $0xffff, v6  }
.Ltmp26:
0x308: {  	[tilespmem:v3+s23+$0x0] =	vst.idx.add.f32.msk $0xffff, v7;
	(pc) =	sbr.rel @p1 .LBB2_29-.Ltmp26, $4  }
0x309: {  	[tilespmem:v11+s23+$0x0] =	vst.idx.add.f32.msk $0xffff, v9  }
0x30a: {  	[tilespmem:v14+s23+$0x0] =	vst.idx.add.f32.msk $0xffff, v4  }
0x30b: {  	[tilespmem:v5+s23+$0x0] =	vst.idx.add.f32.msk $0xffff, v12  }
0x30c: {  	s0 =	sadd.s32 $0x400, s0;
	s11 =	sadd.s32 $0x80, s11;
	s21 =	sadd.s32 $0x70, s10;
	[tilespmem:v8+s23+$0x0] =	vst.idx.add.f32.msk $0xffff, v13  }
0x30d: {  	v3 =	vld [tilespmem:s0+$0x0]  }
0x30e: {  	v5 =	vld [tilespmem:s0+$0xFFFFFFA0]  }
0x30f: {  	v6 =	vld [tilespmem:s0+$0xFFFFFFB0]  }
0x310: {  	v4 =	vor.u32 s21, v2;
	s1 =	sadd.s32 $0x10, s10;
	v7 =	vld [tilespmem:s0+$0xFFFFFFC0]  }
0x311: {  	s21 =	sadd.s32 $0x20, s10;
	v9 =	vld [tilespmem:s0+$0xFFFFFFD0];
	v8 =	vor.u32 s1, v2  }
0x312: {  	s28 =	sadd.s32 $0x40, s10;
	v61 =	vld [tilespmem:s0+$0xFFFFFFE0];
	v10 =	vor.u32 s21, v2  }
0x313: {  	s29 =	sadd.s32 $0x50, s10;
	v12 =	vld [tilespmem:s0+$0xFFFFFFF0];
	v11 =	vor.u32 s28, v2  }
0x314: {  	s8 =	sor.u32 $0xB, s13;
	s30 =	sadd.s32 $0x60, s10;
	v63 =	vld [tilespmem:s0+$0xFFFFFF90];
	v13 =	vor.u32 s29, v2  }
0x315: {  	s26 =	sadd.s32 $0x30, s10;
	v62 =	vmov s8;
	v14 =	vor.u32 s30, v2;
	[tilespmem:v4+s23+$0x0] =	vst.idx.add.f32.msk $0xffff, v3  }
0x316: {  	v3 =	vor.u32 s26, v2;
	[tilespmem:v8+s23+$0x0] =	vst.idx.add.f32.msk $0xffff, v5;
	v5 =	vand.u32 $0xFFFFFFFB, v62  }
0x317: {  	v2 =	vor.u32 s10, v2;
	[tilespmem:v10+s23+$0x0] =	vst.idx.add.f32.msk $0xffff, v6;
	v5 =	vbroadcast v5, $0x0  }
0x318: {  	[tilespmem:v11+s23+$0x0] =	vst.idx.add.f32.msk $0xffff, v9  }
0x319: {  	[tilespmem:v13+s23+$0x0] =	vst.idx.add.f32.msk $0xffff, v61  }
0x31a: {  	[tilespmem:v14+s23+$0x0] =	vst.idx.add.f32.msk $0xffff, v12  }
0x31b: {  	[tilespmem:v3+s23+$0x0] =	vst.idx.add.f32.msk $0xffff, v7  }
0x31c: {  	[tilespmem:v2+s23+$0x0] =	vst.idx.add.f32.msk $0xffff, v63  }
0x31d: {  	v2 =	vld.idx.msk [tilespmem:v5+s16+$0x0], $0xffff;
	_ =	sdelay $0x2  }
0x31e: {  	s31 =	sshll.u32 s8, $0xB  }
0x31f: {  	s0 =	sshra.s32 s31, $0x2  }
0x320: {  	s11 =	simm.s32 $0x80;
	s0 =	sand.u32 $0xFFFFF000, s0;
	v2 =	vshll.u32 v2, $0x9  }
0x321: {  	s21 =	simm.s32 $0x70;
	s0 =	sor.u32 $0x1F0, s0;
	s10 =	simm.s32 $0x0;
	v2 =	vor.u32 v1, v2  }
.LBB2_31:
0x322: {  	p1 =	slt.u32 s11, $0x180;
	v3 =	vld [tilespmem:s0+$0x0];
	v4 =	vor.u32 s21, v2  }
0x323: {  	v5 =	vld [tilespmem:s0+$0xFFFFFFA0]  }
0x324: {  	v6 =	vld [tilespmem:s0+$0xFFFFFFB0]  }
0x325: {  	s1 =	sadd.s32 $0x10, s10;
	v7 =	vld [tilespmem:s0+$0xFFFFFFC0]  }
0x326: {  	v8 =	vor.u32 s1, v2;
	s1 =	sadd.s32 $0x20, s10;
	v9 =	vld [tilespmem:s0+$0xFFFFFFD0]  }
0x327: {  	v10 =	vor.u32 s1, v2;
	s1 =	sadd.s32 $0x30, s10;
	[tilespmem:v4+s23+$0x0] =	vst.idx.add.f32.msk $0xffff, v3  }
0x328: {  	v3 =	vor.u32 s1, v2;
	s1 =	sadd.s32 $0x40, s10;
	v4 =	vld [tilespmem:s0+$0xFFFFFFE0]  }
0x329: {  	v11 =	vor.u32 s1, v2;
	s1 =	sadd.s32 $0x50, s10;
	v12 =	vld [tilespmem:s0+$0xFFFFFFF0]  }
0x32a: {  	v14 =	vor.u32 s1, v2;
	s1 =	sadd.s32 $0x60, s10;
	v13 =	vld [tilespmem:s0+$0xFFFFFF90]  }
0x32b: {  	[tilespmem:v8+s23+$0x0] =	vst.idx.add.f32.msk $0xffff, v5;
	v5 =	vor.u32 s1, v2  }
0x32c: {  	v8 =	vor.u32 s10, v2;
	s10 =	smov.u32 s11;
	[tilespmem:v10+s23+$0x0] =	vst.idx.add.f32.msk $0xffff, v6  }
.Ltmp27:
0x32d: {  	[tilespmem:v3+s23+$0x0] =	vst.idx.add.f32.msk $0xffff, v7;
	(pc) =	sbr.rel @p1 .LBB2_31-.Ltmp27, $4  }
0x32e: {  	[tilespmem:v11+s23+$0x0] =	vst.idx.add.f32.msk $0xffff, v9  }
0x32f: {  	[tilespmem:v14+s23+$0x0] =	vst.idx.add.f32.msk $0xffff, v4  }
0x330: {  	[tilespmem:v5+s23+$0x0] =	vst.idx.add.f32.msk $0xffff, v12  }
0x331: {  	s0 =	sadd.s32 $0x400, s0;
	s11 =	sadd.s32 $0x80, s11;
	s21 =	sadd.s32 $0x70, s10;
	[tilespmem:v8+s23+$0x0] =	vst.idx.add.f32.msk $0xffff, v13  }
0x332: {  	v3 =	vld [tilespmem:s0+$0x0]  }
0x333: {  	v5 =	vld [tilespmem:s0+$0xFFFFFFA0]  }
0x334: {  	v6 =	vld [tilespmem:s0+$0xFFFFFFB0]  }
0x335: {  	v4 =	vor.u32 s21, v2;
	s1 =	sadd.s32 $0x10, s10;
	v7 =	vld [tilespmem:s0+$0xFFFFFFC0]  }
0x336: {  	s21 =	sadd.s32 $0x20, s10;
	v9 =	vld [tilespmem:s0+$0xFFFFFFD0];
	v8 =	vor.u32 s1, v2  }
0x337: {  	s28 =	sadd.s32 $0x40, s10;
	v61 =	vld [tilespmem:s0+$0xFFFFFFE0];
	v10 =	vor.u32 s21, v2  }
0x338: {  	s29 =	sadd.s32 $0x50, s10;
	v12 =	vld [tilespmem:s0+$0xFFFFFFF0];
	v11 =	vor.u32 s28, v2  }
0x339: {  	s8 =	sor.u32 $0xC, s13;
	s30 =	sadd.s32 $0x60, s10;
	v63 =	vld [tilespmem:s0+$0xFFFFFF90];
	v13 =	vor.u32 s29, v2  }
0x33a: {  	s26 =	sadd.s32 $0x30, s10;
	v62 =	vmov s8;
	v14 =	vor.u32 s30, v2;
	[tilespmem:v4+s23+$0x0] =	vst.idx.add.f32.msk $0xffff, v3  }
0x33b: {  	v3 =	vor.u32 s26, v2;
	[tilespmem:v8+s23+$0x0] =	vst.idx.add.f32.msk $0xffff, v5;
	v5 =	vand.u32 $0xFFFFFFFC, v62  }
0x33c: {  	v2 =	vor.u32 s10, v2;
	[tilespmem:v10+s23+$0x0] =	vst.idx.add.f32.msk $0xffff, v6;
	v5 =	vbroadcast v5, $0x0  }
0x33d: {  	[tilespmem:v11+s23+$0x0] =	vst.idx.add.f32.msk $0xffff, v9  }
0x33e: {  	[tilespmem:v13+s23+$0x0] =	vst.idx.add.f32.msk $0xffff, v61  }
0x33f: {  	[tilespmem:v14+s23+$0x0] =	vst.idx.add.f32.msk $0xffff, v12  }
0x340: {  	[tilespmem:v3+s23+$0x0] =	vst.idx.add.f32.msk $0xffff, v7  }
0x341: {  	[tilespmem:v2+s23+$0x0] =	vst.idx.add.f32.msk $0xffff, v63  }
0x342: {  	v2 =	vld.idx.msk [tilespmem:v5+s16+$0x0], $0xffff;
	_ =	sdelay $0x2  }
0x343: {  	s31 =	sshll.u32 s8, $0xB  }
0x344: {  	s0 =	sshra.s32 s31, $0x2  }
0x345: {  	s11 =	simm.s32 $0x80;
	s0 =	sand.u32 $0xFFFFF000, s0;
	v2 =	vshll.u32 v2, $0x9  }
0x346: {  	s21 =	simm.s32 $0x70;
	s0 =	sor.u32 $0x270, s0;
	s10 =	simm.s32 $0x0;
	v2 =	vor.u32 v1, v2  }
.LBB2_33:
0x347: {  	p1 =	slt.u32 s11, $0x180;
	v3 =	vld [tilespmem:s0+$0x0];
	v4 =	vor.u32 s21, v2  }
0x348: {  	v5 =	vld [tilespmem:s0+$0xFFFFFFA0]  }
0x349: {  	v6 =	vld [tilespmem:s0+$0xFFFFFFB0]  }
0x34a: {  	s1 =	sadd.s32 $0x10, s10;
	v7 =	vld [tilespmem:s0+$0xFFFFFFC0]  }
0x34b: {  	v8 =	vor.u32 s1, v2;
	s1 =	sadd.s32 $0x20, s10;
	v9 =	vld [tilespmem:s0+$0xFFFFFFD0]  }
0x34c: {  	v10 =	vor.u32 s1, v2;
	s1 =	sadd.s32 $0x30, s10;
	[tilespmem:v4+s23+$0x0] =	vst.idx.add.f32.msk $0xffff, v3  }
0x34d: {  	v3 =	vor.u32 s1, v2;
	s1 =	sadd.s32 $0x40, s10;
	v4 =	vld [tilespmem:s0+$0xFFFFFFE0]  }
0x34e: {  	v11 =	vor.u32 s1, v2;
	s1 =	sadd.s32 $0x50, s10;
	v12 =	vld [tilespmem:s0+$0xFFFFFFF0]  }
0x34f: {  	v14 =	vor.u32 s1, v2;
	s1 =	sadd.s32 $0x60, s10;
	v13 =	vld [tilespmem:s0+$0xFFFFFF90]  }
0x350: {  	[tilespmem:v8+s23+$0x0] =	vst.idx.add.f32.msk $0xffff, v5;
	v5 =	vor.u32 s1, v2  }
0x351: {  	v8 =	vor.u32 s10, v2;
	s10 =	smov.u32 s11;
	[tilespmem:v10+s23+$0x0] =	vst.idx.add.f32.msk $0xffff, v6  }
.Ltmp28:
0x352: {  	[tilespmem:v3+s23+$0x0] =	vst.idx.add.f32.msk $0xffff, v7;
	(pc) =	sbr.rel @p1 .LBB2_33-.Ltmp28, $4  }
0x353: {  	[tilespmem:v11+s23+$0x0] =	vst.idx.add.f32.msk $0xffff, v9  }
0x354: {  	[tilespmem:v14+s23+$0x0] =	vst.idx.add.f32.msk $0xffff, v4  }
0x355: {  	[tilespmem:v5+s23+$0x0] =	vst.idx.add.f32.msk $0xffff, v12  }
0x356: {  	s0 =	sadd.s32 $0x400, s0;
	s11 =	sadd.s32 $0x80, s11;
	s21 =	sadd.s32 $0x70, s10;
	[tilespmem:v8+s23+$0x0] =	vst.idx.add.f32.msk $0xffff, v13  }
0x357: {  	v3 =	vld [tilespmem:s0+$0x0]  }
0x358: {  	v5 =	vld [tilespmem:s0+$0xFFFFFFA0]  }
0x359: {  	v6 =	vld [tilespmem:s0+$0xFFFFFFB0]  }
0x35a: {  	v4 =	vor.u32 s21, v2;
	s1 =	sadd.s32 $0x10, s10;
	v7 =	vld [tilespmem:s0+$0xFFFFFFC0]  }
0x35b: {  	s21 =	sadd.s32 $0x20, s10;
	v9 =	vld [tilespmem:s0+$0xFFFFFFD0];
	v8 =	vor.u32 s1, v2  }
0x35c: {  	s28 =	sadd.s32 $0x40, s10;
	v61 =	vld [tilespmem:s0+$0xFFFFFFE0];
	v10 =	vor.u32 s21, v2  }
0x35d: {  	s29 =	sadd.s32 $0x50, s10;
	v12 =	vld [tilespmem:s0+$0xFFFFFFF0];
	v11 =	vor.u32 s28, v2  }
0x35e: {  	s8 =	sor.u32 $0xD, s13;
	s30 =	sadd.s32 $0x60, s10;
	v63 =	vld [tilespmem:s0+$0xFFFFFF90];
	v13 =	vor.u32 s29, v2  }
0x35f: {  	s26 =	sadd.s32 $0x30, s10;
	v62 =	vmov s8;
	v14 =	vor.u32 s30, v2;
	[tilespmem:v4+s23+$0x0] =	vst.idx.add.f32.msk $0xffff, v3  }
0x360: {  	v3 =	vor.u32 s26, v2;
	[tilespmem:v8+s23+$0x0] =	vst.idx.add.f32.msk $0xffff, v5;
	v5 =	vand.u32 $0xFFFFFFFD, v62  }
0x361: {  	v2 =	vor.u32 s10, v2;
	[tilespmem:v10+s23+$0x0] =	vst.idx.add.f32.msk $0xffff, v6;
	v5 =	vbroadcast v5, $0x0  }
0x362: {  	[tilespmem:v11+s23+$0x0] =	vst.idx.add.f32.msk $0xffff, v9  }
0x363: {  	[tilespmem:v13+s23+$0x0] =	vst.idx.add.f32.msk $0xffff, v61  }
0x364: {  	[tilespmem:v14+s23+$0x0] =	vst.idx.add.f32.msk $0xffff, v12  }
0x365: {  	[tilespmem:v3+s23+$0x0] =	vst.idx.add.f32.msk $0xffff, v7  }
0x366: {  	[tilespmem:v2+s23+$0x0] =	vst.idx.add.f32.msk $0xffff, v63  }
0x367: {  	v2 =	vld.idx.msk [tilespmem:v5+s16+$0x0], $0xffff;
	_ =	sdelay $0x2  }
0x368: {  	s31 =	sshll.u32 s8, $0xB  }
0x369: {  	s0 =	sshra.s32 s31, $0x2  }
0x36a: {  	s11 =	simm.s32 $0x80;
	s0 =	sand.u32 $0xFFFFF000, s0;
	v2 =	vshll.u32 v2, $0x9  }
0x36b: {  	s21 =	simm.s32 $0x70;
	s0 =	sor.u32 $0x2F0, s0;
	s10 =	simm.s32 $0x0;
	v2 =	vor.u32 v1, v2  }
.LBB2_35:
0x36c: {  	p1 =	slt.u32 s11, $0x180;
	v3 =	vld [tilespmem:s0+$0x0];
	v4 =	vor.u32 s21, v2  }
0x36d: {  	v5 =	vld [tilespmem:s0+$0xFFFFFFA0]  }
0x36e: {  	v6 =	vld [tilespmem:s0+$0xFFFFFFB0]  }
0x36f: {  	s1 =	sadd.s32 $0x10, s10;
	v7 =	vld [tilespmem:s0+$0xFFFFFFC0]  }
0x370: {  	v8 =	vor.u32 s1, v2;
	s1 =	sadd.s32 $0x20, s10;
	v9 =	vld [tilespmem:s0+$0xFFFFFFD0]  }
0x371: {  	v10 =	vor.u32 s1, v2;
	s1 =	sadd.s32 $0x30, s10;
	[tilespmem:v4+s23+$0x0] =	vst.idx.add.f32.msk $0xffff, v3  }
0x372: {  	v3 =	vor.u32 s1, v2;
	s1 =	sadd.s32 $0x40, s10;
	v4 =	vld [tilespmem:s0+$0xFFFFFFE0]  }
0x373: {  	v11 =	vor.u32 s1, v2;
	s1 =	sadd.s32 $0x50, s10;
	v12 =	vld [tilespmem:s0+$0xFFFFFFF0]  }
0x374: {  	v14 =	vor.u32 s1, v2;
	s1 =	sadd.s32 $0x60, s10;
	v13 =	vld [tilespmem:s0+$0xFFFFFF90]  }
0x375: {  	[tilespmem:v8+s23+$0x0] =	vst.idx.add.f32.msk $0xffff, v5;
	v5 =	vor.u32 s1, v2  }
0x376: {  	v8 =	vor.u32 s10, v2;
	s10 =	smov.u32 s11;
	[tilespmem:v10+s23+$0x0] =	vst.idx.add.f32.msk $0xffff, v6  }
.Ltmp29:
0x377: {  	[tilespmem:v3+s23+$0x0] =	vst.idx.add.f32.msk $0xffff, v7;
	(pc) =	sbr.rel @p1 .LBB2_35-.Ltmp29, $4  }
0x378: {  	[tilespmem:v11+s23+$0x0] =	vst.idx.add.f32.msk $0xffff, v9  }
0x379: {  	[tilespmem:v14+s23+$0x0] =	vst.idx.add.f32.msk $0xffff, v4  }
0x37a: {  	[tilespmem:v5+s23+$0x0] =	vst.idx.add.f32.msk $0xffff, v12  }
0x37b: {  	s0 =	sadd.s32 $0x400, s0;
	s11 =	sadd.s32 $0x80, s11;
	s21 =	sadd.s32 $0x70, s10;
	[tilespmem:v8+s23+$0x0] =	vst.idx.add.f32.msk $0xffff, v13  }
0x37c: {  	v3 =	vld [tilespmem:s0+$0x0]  }
0x37d: {  	v5 =	vld [tilespmem:s0+$0xFFFFFFA0]  }
0x37e: {  	v6 =	vld [tilespmem:s0+$0xFFFFFFB0]  }
0x37f: {  	v4 =	vor.u32 s21, v2;
	s1 =	sadd.s32 $0x10, s10;
	v7 =	vld [tilespmem:s0+$0xFFFFFFC0]  }
0x380: {  	s21 =	sadd.s32 $0x20, s10;
	v9 =	vld [tilespmem:s0+$0xFFFFFFD0];
	v8 =	vor.u32 s1, v2  }
0x381: {  	s28 =	sadd.s32 $0x40, s10;
	v61 =	vld [tilespmem:s0+$0xFFFFFFE0];
	v10 =	vor.u32 s21, v2  }
0x382: {  	s29 =	sadd.s32 $0x50, s10;
	v12 =	vld [tilespmem:s0+$0xFFFFFFF0];
	v11 =	vor.u32 s28, v2  }
0x383: {  	s8 =	sor.u32 $0xE, s13;
	s30 =	sadd.s32 $0x60, s10;
	v63 =	vld [tilespmem:s0+$0xFFFFFF90];
	v13 =	vor.u32 s29, v2  }
0x384: {  	s26 =	sadd.s32 $0x30, s10;
	v62 =	vmov s8;
	v14 =	vor.u32 s30, v2;
	[tilespmem:v4+s23+$0x0] =	vst.idx.add.f32.msk $0xffff, v3  }
0x385: {  	v3 =	vor.u32 s26, v2;
	[tilespmem:v8+s23+$0x0] =	vst.idx.add.f32.msk $0xffff, v5;
	v5 =	vand.u32 $0xFFFFFFFE, v62  }
0x386: {  	v2 =	vor.u32 s10, v2;
	[tilespmem:v10+s23+$0x0] =	vst.idx.add.f32.msk $0xffff, v6;
	v5 =	vbroadcast v5, $0x0  }
0x387: {  	[tilespmem:v11+s23+$0x0] =	vst.idx.add.f32.msk $0xffff, v9  }
0x388: {  	[tilespmem:v13+s23+$0x0] =	vst.idx.add.f32.msk $0xffff, v61  }
0x389: {  	[tilespmem:v14+s23+$0x0] =	vst.idx.add.f32.msk $0xffff, v12  }
0x38a: {  	[tilespmem:v3+s23+$0x0] =	vst.idx.add.f32.msk $0xffff, v7  }
0x38b: {  	[tilespmem:v2+s23+$0x0] =	vst.idx.add.f32.msk $0xffff, v63  }
0x38c: {  	v2 =	vld.idx.msk [tilespmem:v5+s16+$0x0], $0xffff;
	_ =	sdelay $0x2  }
0x38d: {  	s31 =	sshll.u32 s8, $0xB  }
0x38e: {  	s0 =	sshra.s32 s31, $0x2  }
0x38f: {  	s11 =	simm.s32 $0x80;
	s0 =	sand.u32 $0xFFFFF000, s0;
	v2 =	vshll.u32 v2, $0x9  }
0x390: {  	s21 =	simm.s32 $0x70;
	s10 =	sor.u32 $0x370, s0;
	s0 =	simm.s32 $0x0;
	v2 =	vor.u32 v1, v2  }
.LBB2_37:
0x391: {  	p1 =	slt.u32 s11, $0x180;
	v3 =	vld [tilespmem:s10+$0x0];
	v4 =	vor.u32 s21, v2  }
0x392: {  	v5 =	vld [tilespmem:s10+$0xFFFFFFA0]  }
0x393: {  	v6 =	vld [tilespmem:s10+$0xFFFFFFB0]  }
0x394: {  	s1 =	sadd.s32 $0x10, s0;
	v7 =	vld [tilespmem:s10+$0xFFFFFFC0]  }
0x395: {  	v8 =	vor.u32 s1, v2;
	s1 =	sadd.s32 $0x20, s0;
	v9 =	vld [tilespmem:s10+$0xFFFFFFD0]  }
0x396: {  	v10 =	vor.u32 s1, v2;
	s1 =	sadd.s32 $0x30, s0;
	[tilespmem:v4+s23+$0x0] =	vst.idx.add.f32.msk $0xffff, v3  }
0x397: {  	v3 =	vor.u32 s1, v2;
	s1 =	sadd.s32 $0x40, s0;
	v4 =	vld [tilespmem:s10+$0xFFFFFFE0]  }
0x398: {  	v11 =	vor.u32 s1, v2;
	s1 =	sadd.s32 $0x50, s0;
	v12 =	vld [tilespmem:s10+$0xFFFFFFF0]  }
0x399: {  	v14 =	vor.u32 s1, v2;
	s1 =	sadd.s32 $0x60, s0;
	v13 =	vld [tilespmem:s10+$0xFFFFFF90]  }
0x39a: {  	[tilespmem:v8+s23+$0x0] =	vst.idx.add.f32.msk $0xffff, v5;
	v5 =	vor.u32 s1, v2  }
0x39b: {  	v8 =	vor.u32 s0, v2;
	s0 =	smov.u32 s11;
	[tilespmem:v10+s23+$0x0] =	vst.idx.add.f32.msk $0xffff, v6  }
.Ltmp30:
0x39c: {  	[tilespmem:v3+s23+$0x0] =	vst.idx.add.f32.msk $0xffff, v7;
	(pc) =	sbr.rel @p1 .LBB2_37-.Ltmp30, $4  }
0x39d: {  	[tilespmem:v11+s23+$0x0] =	vst.idx.add.f32.msk $0xffff, v9  }
0x39e: {  	[tilespmem:v14+s23+$0x0] =	vst.idx.add.f32.msk $0xffff, v4  }
0x39f: {  	[tilespmem:v5+s23+$0x0] =	vst.idx.add.f32.msk $0xffff, v12  }
0x3a0: {  	s10 =	sadd.s32 $0x400, s10;
	s11 =	sadd.s32 $0x80, s11;
	s21 =	sadd.s32 $0x70, s0;
	[tilespmem:v8+s23+$0x0] =	vst.idx.add.f32.msk $0xffff, v13  }
0x3a1: {  	v3 =	vld [tilespmem:s10+$0x0]  }
0x3a2: {  	v4 =	vor.u32 s21, v2;
	v5 =	vld [tilespmem:s10+$0xFFFFFFA0]  }
0x3a3: {  	v6 =	vld [tilespmem:s10+$0xFFFFFFB0]  }
0x3a4: {  	s1 =	sadd.s32 $0x10, s0;
	v7 =	vld [tilespmem:s10+$0xFFFFFFC0]  }
0x3a5: {  	s21 =	sadd.s32 $0x20, s0;
	v9 =	vld [tilespmem:s10+$0xFFFFFFD0];
	v8 =	vor.u32 s1, v2  }
0x3a6: {  	s26 =	sadd.s32 $0x30, s0;
	v62 =	vld [tilespmem:s10+$0xFFFFFFE0];
	v10 =	vor.u32 s21, v2  }
0x3a7: {  	s28 =	sadd.s32 $0x40, s0;
	[tilespmem:v4+s23+$0x0] =	vst.idx.add.f32.msk $0xffff, v3;
	v3 =	vor.u32 s26, v2  }
0x3a8: {  	s29 =	sadd.s32 $0x50, s0;
	v12 =	vld [tilespmem:s10+$0xFFFFFFF0];
	v11 =	vor.u32 s28, v2  }
0x3a9: {  	v13 =	vld [tilespmem:s10+$0xFFFFFF90];
	s30 =	sadd.s32 $0x60, s0;
	v14 =	vor.u32 s29, v2  }
0x3aa: {  	v63 =	vor.u32 s30, v2;
	[tilespmem:v8+s23+$0x0] =	vst.idx.add.f32.msk $0xffff, v5  }
0x3ab: {  	s31 =	sor.u32 $0xF, s13;
	v2 =	vor.u32 s0, v2;
	[tilespmem:v10+s23+$0x0] =	vst.idx.add.f32.msk $0xffff, v6  }
0x3ac: {  	[tilespmem:v3+s23+$0x0] =	vst.idx.add.f32.msk $0xffff, v7;
	v3 =	vmov s31  }
0x3ad: {  	[tilespmem:v11+s23+$0x0] =	vst.idx.add.f32.msk $0xffff, v9  }
0x3ae: {  	[tilespmem:v14+s23+$0x0] =	vst.idx.add.f32.msk $0xffff, v62  }
0x3af: {  	[tilespmem:v63+s23+$0x0] =	vst.idx.add.f32.msk $0xffff, v12  }
0x3b0: {  	[tilespmem:v2+s23+$0x0] =	vst.idx.add.f32.msk $0xffff, v13  }
0x3b1: {  	v2 =	vld.idx.msk [tilespmem:v3+s16+$0x0], $0xffff;
	_ =	sdelay $0x2  }
0x3b2: {  	s0 =	sshll.u32 s31, $0xB  }
0x3b3: {  	s0 =	sshra.s32 s0, $0x2  }
0x3b4: {  	s13 =	simm.s32 $0x70;
	s0 =	sand.u32 $0xFFFFF000, s0;
	v2 =	vshll.u32 v2, $0x9  }
0x3b5: {  	s11 =	simm.s32 $0x80;
	s10 =	sor.u32 $0x3F0, s0;
	s0 =	simm.s32 $0x0;
	v2 =	vor.u32 v1, v2  }
.LBB2_39:
0x3b6: {  	p1 =	slt.u32 s11, $0x180;
	v3 =	vld [tilespmem:s10+$0x0];
	v4 =	vor.u32 s13, v2  }
0x3b7: {  	v5 =	vld [tilespmem:s10+$0xFFFFFFA0]  }
0x3b8: {  	v6 =	vld [tilespmem:s10+$0xFFFFFFB0]  }
0x3b9: {  	s1 =	sadd.s32 $0x10, s0;
	v7 =	vld [tilespmem:s10+$0xFFFFFFC0]  }
0x3ba: {  	v8 =	vor.u32 s1, v2;
	s1 =	sadd.s32 $0x20, s0;
	v9 =	vld [tilespmem:s10+$0xFFFFFFD0]  }
0x3bb: {  	v10 =	vor.u32 s1, v2;
	s1 =	sadd.s32 $0x30, s0;
	[tilespmem:v4+s23+$0x0] =	vst.idx.add.f32.msk $0xffff, v3  }
0x3bc: {  	v3 =	vor.u32 s1, v2;
	s1 =	sadd.s32 $0x40, s0;
	v4 =	vld [tilespmem:s10+$0xFFFFFFE0]  }
0x3bd: {  	v11 =	vor.u32 s1, v2;
	s1 =	sadd.s32 $0x50, s0;
	v12 =	vld [tilespmem:s10+$0xFFFFFFF0]  }
0x3be: {  	v14 =	vor.u32 s1, v2;
	s1 =	sadd.s32 $0x60, s0;
	v13 =	vld [tilespmem:s10+$0xFFFFFF90]  }
0x3bf: {  	[tilespmem:v8+s23+$0x0] =	vst.idx.add.f32.msk $0xffff, v5;
	v5 =	vor.u32 s1, v2  }
0x3c0: {  	v8 =	vor.u32 s0, v2;
	s0 =	smov.u32 s11;
	[tilespmem:v10+s23+$0x0] =	vst.idx.add.f32.msk $0xffff, v6  }
.Ltmp31:
0x3c1: {  	[tilespmem:v3+s23+$0x0] =	vst.idx.add.f32.msk $0xffff, v7;
	(pc) =	sbr.rel @p1 .LBB2_39-.Ltmp31, $4  }
0x3c2: {  	[tilespmem:v11+s23+$0x0] =	vst.idx.add.f32.msk $0xffff, v9  }
0x3c3: {  	[tilespmem:v14+s23+$0x0] =	vst.idx.add.f32.msk $0xffff, v4  }
0x3c4: {  	[tilespmem:v5+s23+$0x0] =	vst.idx.add.f32.msk $0xffff, v12  }
0x3c5: {  	s10 =	sadd.s32 $0x400, s10;
	s11 =	sadd.s32 $0x80, s11;
	s13 =	sadd.s32 $0x70, s0;
	[tilespmem:v8+s23+$0x0] =	vst.idx.add.f32.msk $0xffff, v13  }
0x3c6: {  	v3 =	vld [tilespmem:s10+$0x0]  }
0x3c7: {  	v5 =	vld [tilespmem:s10+$0xFFFFFFA0]  }
0x3c8: {  	v6 =	vld [tilespmem:s10+$0xFFFFFFB0]  }
0x3c9: {  	v4 =	vor.u32 s13, v2;
	s1 =	sadd.s32 $0x10, s0;
	v7 =	vld [tilespmem:s10+$0xFFFFFFC0]  }
0x3ca: {  	s26 =	sadd.s32 $0x20, s0;
	v9 =	vld [tilespmem:s10+$0xFFFFFFD0];
	v8 =	vor.u32 s1, v2  }
0x3cb: {  	s29 =	sadd.s32 $0x40, s0;
	v62 =	vld [tilespmem:s10+$0xFFFFFFE0];
	v10 =	vor.u32 s26, v2  }
0x3cc: {  	s30 =	sadd.s32 $0x50, s0;
	v12 =	vld [tilespmem:s10+$0xFFFFFFF0];
	v11 =	vor.u32 s29, v2  }
0x3cd: {  	v13 =	vld [tilespmem:s10+$0xFFFFFF90];
	s31 =	sadd.s32 $0x60, s0;
	v14 =	vor.u32 s30, v2  }
0x3ce: {  	s28 =	sadd.s32 $0x30, s0;
	v63 =	vor.u32 s31, v2;
	[tilespmem:v4+s23+$0x0] =	vst.idx.add.f32.msk $0xffff, v3  }
0x3cf: {  	v3 =	vor.u32 s28, v2;
	[tilespmem:v8+s23+$0x0] =	vst.idx.add.f32.msk $0xffff, v5  }
0x3d0: {  	v2 =	vor.u32 s0, v2;
	[tilespmem:v10+s23+$0x0] =	vst.idx.add.f32.msk $0xffff, v6  }
.Ltmp32:
0x3d1: {  	[tilespmem:v11+s23+$0x0] =	vst.idx.add.f32.msk $0xffff, v9;
	(pc) =	sbr.rel .LBB2_48-.Ltmp32, $4  }
0x3d2: {  	[tilespmem:v14+s23+$0x0] =	vst.idx.add.f32.msk $0xffff, v62  }
0x3d3: {  	[tilespmem:v63+s23+$0x0] =	vst.idx.add.f32.msk $0xffff, v12  }
0x3d4: {  	[tilespmem:v3+s23+$0x0] =	vst.idx.add.f32.msk $0xffff, v7  }
0x3d5: {  	[tilespmem:v2+s23+$0x0] =	vst.idx.add.f32.msk $0xffff, v13  }
.LBB2_44:
.Ltmp33:
0x3d6: {  	(pc) =	sbr.rel .LBB2_47-.Ltmp33, $2  }
0x3d7: {  	_ =	sdelay $0x2  }
0x3d8: {  	v2 =	vmov v3;
	v3 =	vmov v7  }
.LBB2_85:
0x3d9: {  	_ = 	snop  }
.LBB2_90:
0x3da: {  	_ =	sdelay $0x1  }
0x3db: {  	v7 =	vadd.f32 v12, v8  }
0x3dc: {  	v60 =	vadd.f32 v14, v9;
	v61 =	vadd.f32 v15, v10;
	_ =	sdelay $0x1  }
0x3dd: {  	v7 =	vadd.f32 v7, v16;
	v8 =	vadd.f32 v61, v60;
	_ =	sdelay $0x1  }
0x3de: {  	v62 =	vadd.f32 v17, v13;
	v7 =	vadd.f32 v8, v7  }
0x3df: {  	[tilespmem:v6+s23+$0x0] =	vst.idx.add.f32.msk $0xffff, v11  }
0x3e0: {  	[tilespmem:v4+s23+$0x0] =	vst.idx.add.f32.msk $0xffff, v18;
	v63 =	vadd.f32 v7, v62  }
0x3e1: {  	[tilespmem:v2+s23+$0x0] =	vst.idx.add.f32.msk @p1 $0xffff, v5  }
0x3e2: {  	[tilespmem:v3+s23+$0x0] =	vst.idx.add.f32.msk $0xffff, v63  }
.LBB2_91:
.Ltmp34:
0x3e3: {  	(pc) =	sbr.rel @!p0 .LBB2_92-.Ltmp34, $2  }
0x3e4: {  	_ =	sdelay $0x2  }
0x3e5: {  	s0 =	simm.s32 $0x1;
	p1 =	por $0x0, $0x0  }
.LBB2_50:
0x3e6: {  	s6 =	sshll.u32 s0, $0x4  }
0x3e7: {  	v2 =	vld [tilespmem:s6+$0x8080];
	_ =	sdelay $0x4  }
0x3e8: {  	(v2sf) =	vpush v2, $0x0  }
0x3e9: {  	(v2sf) =	vpush v2, $0xF;
	_ =	sdelay $0x7  }
0x3ea: {  	v2 =	vmov s6  }
0x3eb: {  	v2 =	vbroadcast v2, $0x0;
	_ =	sdelay $0x4  }
0x3ec: {  	s1 =	spop (v2sf)  }
0x3ed: {  	v2 =	vld.idx.msk [tilespmem:v2+s22+$0x0], $0xffff;
	s7 =	spop (v2sf)  }
0x3ee: {  	p2 =	seq.s32 s1, s7  }
.Ltmp35:
0x3ef: {  	_ = 	snop;
	(pc) =	sbr.rel @!p2 .LBB2_51-.Ltmp35, $3  }
0x3f0: {  	_ =	sdelay $0x1  }
0x3f1: {  	s31 =	sshll.u32 s0, $0xF;
	v2 =	vshll.u32 v2, $0x9  }
0x3f2: {  	p0 =	por p1, p1;
	s0 =	sshra.s32 s31, $0x2;
	v2 =	vor.u32 v1, v2  }
0x3f3: {  	s1 =	simm.s32 $0x0  }
0x3f4: {  	s6 =	sadd.s32 $0x4000, s0;
	s8 =	simm.s32 $0x30;
	s1 =	sand.u32 $0xC00, s1  }
0x3f5: {  	s7 =	sand.u32 $0x70, s8;
	s11 =	sadd.s32 s1, s6  }
0x3f6: {  	s9 =	sadd.s32 s7, s11  }
0x3f7: {  	v3 =	vld [tilespmem:s9+$0x0]  }
0x3f8: {  	v4 =	vld [tilespmem:s9+$0x80]  }
0x3f9: {  	v5 =	vld [tilespmem:s9+$0x100]  }
0x3fa: {  	v6 =	vld [tilespmem:s9+$0x180]  }
0x3fb: {  	v7 =	vld [tilespmem:s9+$0x200]  }
0x3fc: {  	s0 =	sadd.s32 $0x5000, s0;
	v8 =	vld [tilespmem:s9+$0x280]  }
0x3fd: {  	s10 =	sadd.s32 s1, s0;
	v9 =	vld [tilespmem:s9+$0x300]  }
0x3fe: {  	s1 =	sadd.s32 s7, s10;
	v10 =	vld [tilespmem:s9+$0x380]  }
0x3ff: {  	v11 =	vld [tilespmem:s1+$0x0]  }
0x400: {  	v12 =	vld [tilespmem:s1+$0x80]  }
0x401: {  	v13 =	vld [tilespmem:s1+$0x100]  }
0x402: {  	v14 =	vld [tilespmem:s1+$0x180]  }
0x403: {  	v15 =	vld [tilespmem:s1+$0x200]  }
0x404: {  	s29 =	simm.s32 $0x20;
	v16 =	vld [tilespmem:s1+$0x280]  }
0x405: {  	s30 =	sand.u32 $0x60, s29;
	s7 =	simm.s32 $0x0;
	v17 =	vld [tilespmem:s1+$0x300]  }
0x406: {  	s31 =	sadd.s32 s30, s10;
	s13 =	sand.u32 $0x40, s7;
	v18 =	vld [tilespmem:s1+$0x380]  }
0x407: {  	v63 =	vld [tilespmem:s31+$0x0];
	s12 =	sadd.s32 s13, s11;
	s14 =	sadd.s32 s13, s10;
	s13 =	simm.s32 $0x10  }
0x408: {  	v19 =	vld [tilespmem:s12+$0x0];
	s21 =	sand.u32 $0x50, s13  }
0x409: {  	v20 =	vld [tilespmem:s12+$0x80];
	s26 =	sadd.s32 s21, s11  }
0x40a: {  	v21 =	vld [tilespmem:s26+$0x100]  }
0x40b: {  	v22 =	vld [tilespmem:s26+$0x180]  }
0x40c: {  	v23 =	vld [tilespmem:s26+$0x200]  }
0x40d: {  	v24 =	vld [tilespmem:s26+$0x280]  }
0x40e: {  	v25 =	vld [tilespmem:s26+$0x300]  }
0x40f: {  	s28 =	sadd.s32 s21, s10;
	v26 =	vld [tilespmem:s26+$0x380]  }
0x410: {  	v27 =	vld [tilespmem:s28+$0x0]  }
0x411: {  	v28 =	vld [tilespmem:s28+$0x80]  }
0x412: {  	v29 =	vld [tilespmem:s28+$0x100]  }
0x413: {  	v30 =	vld [tilespmem:s28+$0x180]  }
0x414: {  	s11 =	sadd.s32 s30, s11;
	v31 =	vld [tilespmem:s28+$0x200]  }
0x415: {  	v62 =	vld [tilespmem:s11+$0x380]  }
0x416: {  	v3 =	vadd.f32 v4, v3;
	v4 =	vadd.f32 v6, v5;
	v5 =	vld [tilespmem:s12+$0x100]  }
0x417: {  	v6 =	vadd.f32 v8, v7;
	v8 =	vld [tilespmem:s12+$0x180]  }
0x418: {  	v7 =	vadd.f32 v10, v9;
	v9 =	vadd.f32 v12, v11;
	v11 =	vld [tilespmem:s12+$0x200]  }
0x419: {  	v10 =	vadd.f32 v14, v13;
	v14 =	vld [tilespmem:s12+$0x280]  }
0x41a: {  	v12 =	vadd.f32 v16, v15;
	v15 =	vld [tilespmem:s14+$0x300]  }
0x41b: {  	v16 =	vld [tilespmem:s14+$0x380]  }
0x41c: {  	v13 =	vadd.f32 v18, v17;
	v17 =	vld [tilespmem:s26+$0x0]  }
0x41d: {  	v3 =	vadd.f32 v4, v3;
	v4 =	vadd.f32 v7, v6;
	v6 =	vld [tilespmem:s12+$0x300]  }
0x41e: {  	v7 =	vadd.f32 v10, v9;
	v9 =	vadd.f32 v13, v12;
	v10 =	vld [tilespmem:s12+$0x380]  }
0x41f: {  	v12 =	vor.u32 s8, v2;
	v13 =	vld [tilespmem:s14+$0x0]  }
0x420: {  	v3 =	vadd.f32 v4, v3;
	v4 =	vadd.f32 v9, v7;
	v7 =	vld [tilespmem:s14+$0x80]  }
0x421: {  	v9 =	vld [tilespmem:s14+$0x100]  }
0x422: {  	v5 =	vadd.f32 v8, v5;
	v8 =	vld [tilespmem:s28+$0x280];
	v3 =	vadd.f32 v4, v3  }
0x423: {  	v4 =	vld [tilespmem:s14+$0x180]  }
0x424: {  	[tilespmem:v12+s23+$0x0] =	vst.idx.add.f32.msk $0xffff, v3  }
0x425: {  	v19 =	vadd.f32 v20, v19;
	v3 =	vld [tilespmem:s14+$0x200]  }
0x426: {  	v20 =	vadd.f32 v30, v29;
	v11 =	vadd.f32 v14, v11;
	v12 =	vld [tilespmem:s14+$0x280]  }
0x427: {  	v14 =	vadd.f32 v22, v21;
	v6 =	vadd.f32 v10, v6;
	v10 =	vld [tilespmem:s28+$0x300]  }
0x428: {  	v5 =	vadd.f32 v5, v19;
	v7 =	vadd.f32 v7, v13;
	v13 =	vld [tilespmem:s28+$0x380]  }
0x429: {  	v18 =	vld [tilespmem:s26+$0x80];
	v19 =	vadd.f32 v28, v27;
	v6 =	vadd.f32 v6, v11  }
0x42a: {  	v11 =	vadd.f32 v16, v15;
	v15 =	vld [tilespmem:s11+$0x200];
	v4 =	vadd.f32 v4, v9  }
0x42b: {  	v8 =	vadd.f32 v8, v31;
	v9 =	vld [tilespmem:s11+$0x0];
	v3 =	vadd.f32 v12, v3  }
0x42c: {  	v5 =	vadd.f32 v6, v5;
	v12 =	vld [tilespmem:s11+$0x80];
	v4 =	vadd.f32 v4, v7  }
0x42d: {  	v16 =	vld [tilespmem:s11+$0x280];
	v10 =	vadd.f32 v13, v10;
	v3 =	vadd.f32 v11, v3  }
0x42e: {  	v11 =	vadd.f32 v18, v17;
	v17 =	vadd.f32 v26, v25;
	v18 =	vld [tilespmem:s11+$0x300]  }
0x42f: {  	v6 =	vld [tilespmem:s11+$0x100];
	v10 =	vadd.f32 v10, v8;
	v3 =	vadd.f32 v3, v4  }
0x430: {  	v7 =	vld [tilespmem:s11+$0x180];
	v4 =	vadd.f32 v24, v23;
	v14 =	vadd.f32 v14, v11  }
0x431: {  	v8 =	vld [tilespmem:s31+$0x100];
	v13 =	vadd.f32 v12, v9;
	v11 =	vadd.f32 v3, v5  }
0x432: {  	v12 =	vld [tilespmem:s31+$0x180];
	v3 =	vadd.f32 v17, v4;
	v4 =	vadd.f32 v20, v19  }
0x433: {  	p2 =	por $0x1, $0x1;
	v15 =	vadd.f32 v16, v15;
	v5 =	vld [tilespmem:s31+$0x80];
	v17 =	vadd.f32 v62, v18  }
.Ltmp36:
0x434: {  	v9 =	vld [tilespmem:s31+$0x200];
	v3 =	vadd.f32 v3, v14;
	v10 =	vadd.f32 v10, v4;
	(pc) =	sbr.rel @!p2 .LBB2_85-.Ltmp36, $4  }
0x435: {  	v7 =	vadd.f32 v7, v6;
	v14 =	vld [tilespmem:s31+$0x280]  }
0x436: {  	v17 =	vadd.f32 v17, v15;
	v15 =	vld [tilespmem:s31+$0x380];
	v18 =	vadd.f32 v10, v3;
	v3 =	vor.u32 s29, v2  }
0x437: {  	v6 =	vor.u32 s7, v2;
	v10 =	vld [tilespmem:s31+$0x300]  }
0x438: {  	p1 =	por $0x0, $0x0;
	s7 =	simm.s32 $0x200;
	v13 =	vadd.f32 v7, v13;
	v4 =	vor.u32 s13, v2;
	v16 =	vadd.f32 v5, v63  }
0x439: {  	_ =	sdelay $0x2  }
0x43a: {  	s1 =	sand.u32 $0xC00, s7;
	s7 =	simm.s32 $0x70  }
0x43b: {  	[tilespmem:v6+s23+$0x0] =	vst.idx.add.f32.msk $0xffff, v11;
	s13 =	sadd.s32 s1, s6;
	s8 =	sand.u32 $0x70, s7  }
0x43c: {  	[tilespmem:v4+s23+$0x0] =	vst.idx.add.f32.msk $0xffff, v18;
	s9 =	sadd.s32 s8, s13  }
0x43d: {  	v4 =	vld [tilespmem:s9+$0x0]  }
0x43e: {  	v5 =	vld [tilespmem:s9+$0x80]  }
0x43f: {  	v6 =	vld [tilespmem:s9+$0x100]  }
0x440: {  	v7 =	vld [tilespmem:s9+$0x180]  }
0x441: {  	v11 =	vld [tilespmem:s9+$0x200]  }
0x442: {  	v18 =	vld [tilespmem:s9+$0x280]  }
0x443: {  	s11 =	sadd.s32 s1, s0;
	v19 =	vld [tilespmem:s9+$0x300]  }
0x444: {  	s1 =	sadd.s32 s8, s11;
	v20 =	vld [tilespmem:s9+$0x380]  }
0x445: {  	v21 =	vld [tilespmem:s1+$0x0]  }
0x446: {  	v22 =	vld [tilespmem:s1+$0x80]  }
0x447: {  	v23 =	vld [tilespmem:s1+$0x100]  }
0x448: {  	v24 =	vld [tilespmem:s1+$0x180]  }
0x449: {  	v25 =	vld [tilespmem:s1+$0x200]  }
0x44a: {  	s10 =	simm.s32 $0x40;
	v26 =	vld [tilespmem:s1+$0x280]  }
0x44b: {  	s30 =	sand.u32 $0x40, s10;
	v27 =	vld [tilespmem:s1+$0x300]  }
0x44c: {  	s31 =	sadd.s32 s30, s13;
	v28 =	vld [tilespmem:s1+$0x380]  }
0x44d: {  	v29 =	vld [tilespmem:s31+$0x0]  }
0x44e: {  	v30 =	vld [tilespmem:s31+$0x80]  }
0x44f: {  	v47 =	vld [tilespmem:s31+$0x200]  }
0x450: {  	s12 =	sadd.s32 s30, s11;
	v50 =	vld [tilespmem:s31+$0x280]  }
0x451: {  	v52 =	vld [tilespmem:s12+$0x0]  }
0x452: {  	s21 =	simm.s32 $0x50;
	v53 =	vld [tilespmem:s12+$0x280]  }
0x453: {  	s14 =	sand.u32 $0x50, s21;
	v54 =	vld [tilespmem:s12+$0x300]  }
0x454: {  	s26 =	sadd.s32 s14, s13;
	v55 =	vld [tilespmem:s12+$0x380]  }
0x455: {  	v56 =	vld [tilespmem:s26+$0x0]  }
0x456: {  	v57 =	vld [tilespmem:s26+$0x80]  }
0x457: {  	v31 =	vld [tilespmem:s26+$0x100]  }
0x458: {  	v32 =	vld [tilespmem:s26+$0x180]  }
0x459: {  	v8 =	vadd.f32 v12, v8;
	v33 =	vld [tilespmem:s26+$0x200]  }
0x45a: {  	v9 =	vadd.f32 v14, v9;
	v34 =	vld [tilespmem:s26+$0x280];
	v10 =	vadd.f32 v15, v10  }
0x45b: {  	v35 =	vld [tilespmem:s26+$0x300]  }
0x45c: {  	s28 =	sadd.s32 s14, s11;
	v8 =	vadd.f32 v8, v16;
	v12 =	vld [tilespmem:s26+$0x380];
	v9 =	vadd.f32 v10, v9  }
0x45d: {  	v14 =	vld [tilespmem:s28+$0x0]  }
0x45e: {  	v15 =	vld [tilespmem:s28+$0x80];
	v8 =	vadd.f32 v9, v8  }
0x45f: {  	v16 =	vld [tilespmem:s28+$0x180];
	v4 =	vadd.f32 v5, v4;
	v5 =	vadd.f32 v7, v6  }
0x460: {  	v10 =	vld [tilespmem:s28+$0x100];
	v7 =	vadd.f32 v18, v11;
	v11 =	vadd.f32 v20, v19  }
0x461: {  	v9 =	vld [tilespmem:s28+$0x200];
	v19 =	vadd.f32 v22, v21;
	v20 =	vadd.f32 v24, v23  }
0x462: {  	v6 =	vld [tilespmem:s31+$0x100];
	v48 =	vadd.f32 v26, v25;
	v49 =	vadd.f32 v28, v27  }
0x463: {  	v18 =	vld [tilespmem:s31+$0x180];
	v4 =	vadd.f32 v5, v4;
	v5 =	vadd.f32 v11, v7  }
0x464: {  	v7 =	vld [tilespmem:s31+$0x300];
	v11 =	vadd.f32 v20, v19;
	v19 =	vadd.f32 v49, v48  }
0x465: {  	v20 =	vld [tilespmem:s31+$0x380]  }
0x466: {  	v51 =	vor.u32 s7, v2;
	v4 =	vadd.f32 v5, v4;
	v5 =	vadd.f32 v19, v11;
	v11 =	vld [tilespmem:s12+$0x80]  }
0x467: {  	v19 =	vld [tilespmem:s12+$0x100]  }
0x468: {  	v6 =	vadd.f32 v18, v6;
	v18 =	vld [tilespmem:s28+$0x280]  }
0x469: {  	v4 =	vadd.f32 v5, v4;
	v5 =	vld [tilespmem:s12+$0x180]  }
0x46a: {  	v7 =	vadd.f32 v20, v7;
	v20 =	vld [tilespmem:s28+$0x300]  }
0x46b: {  	s29 =	simm.s32 $0x60;
	v13 =	vadd.f32 v17, v13;
	v17 =	vadd.f32 v30, v29;
	[tilespmem:v51+s23+$0x0] =	vst.idx.add.f32.msk $0xffff, v4  }
0x46c: {  	s30 =	sand.u32 $0x60, s29;
	v21 =	vadd.f32 v50, v47;
	v4 =	vld [tilespmem:s12+$0x200]  }
0x46d: {  	v59 =	vadd.f32 v55, v54;
	v6 =	vadd.f32 v6, v17;
	v17 =	vld [tilespmem:s28+$0x380];
	s12 =	sadd.s32 s30, s13  }
0x46e: {  	v12 =	vadd.f32 v12, v35;
	v14 =	vadd.f32 v15, v14;
	v58 =	vld [tilespmem:s12+$0x0]  }
0x46f: {  	v10 =	vadd.f32 v16, v10;
	v11 =	vadd.f32 v11, v52;
	v60 =	vld [tilespmem:s12+$0x80]  }
0x470: {  	v7 =	vadd.f32 v7, v21;
	v61 =	vld [tilespmem:s12+$0x200];
	v9 =	vadd.f32 v18, v9  }
0x471: {  	v62 =	vld [tilespmem:s12+$0x280];
	v19 =	vadd.f32 v5, v19;
	v4 =	vadd.f32 v53, v4  }
0x472: {  	v63 =	vld [tilespmem:s12+$0x300];
	v5 =	vadd.f32 v8, v13;
	v6 =	vadd.f32 v7, v6  }
0x473: {  	v7 =	vld [tilespmem:s12+$0x100];
	v8 =	vadd.f32 v19, v11;
	v4 =	vadd.f32 v59, v4  }
0x474: {  	v13 =	vld [tilespmem:s12+$0x180];
	v16 =	vadd.f32 v17, v20;
	v11 =	vadd.f32 v57, v56  }
0x475: {  	s31 =	sadd.s32 s30, s11;
	v15 =	vld [tilespmem:s12+$0x380];
	v19 =	vadd.f32 v32, v31;
	v4 =	vadd.f32 v4, v8  }
0x476: {  	v17 =	vld [tilespmem:s31+$0x0];
	v9 =	vadd.f32 v16, v9;
	v8 =	vadd.f32 v34, v33  }
0x477: {  	v20 =	vld [tilespmem:s31+$0x80];
	v19 =	vadd.f32 v19, v11;
	v11 =	vadd.f32 v4, v6  }
0x478: {  	v4 =	vadd.f32 v12, v8;
	v6 =	vadd.f32 v10, v14;
	v8 =	vld [tilespmem:s31+$0x100]  }
0x479: {  	p2 =	por $0x1, $0x1;
	v16 =	vadd.f32 v60, v58;
	v7 =	vadd.f32 v13, v7;
	v12 =	vld [tilespmem:s31+$0x180]  }
.Ltmp37:
0x47a: {  	v14 =	vld [tilespmem:s31+$0x280];
	v10 =	vadd.f32 v4, v19;
	v18 =	vadd.f32 v9, v6;
	v6 =	vor.u32 s10, v2;
	(pc) =	sbr.rel @!p2 .LBB2_87-.Ltmp37, $4  }
0x47b: {  	v15 =	vadd.f32 v15, v63;
	v9 =	vld [tilespmem:s31+$0x200];
	v4 =	vor.u32 s21, v2;
	v19 =	vadd.f32 v62, v61  }
0x47c: {  	v13 =	vadd.f32 v7, v16;
	v18 =	vadd.f32 v18, v10;
	v10 =	vld [tilespmem:s31+$0x300]  }
0x47d: {  	v16 =	vadd.f32 v20, v17;
	v17 =	vadd.f32 v15, v19;
	v15 =	vld [tilespmem:s31+$0x380]  }
0x47e: {  	p1 =	por $0x1, $0x1;
	s13 =	simm.s32 $0x400;
	v7 =	vor.u32 s29, v2  }
.LBB2_88:
0x47f: {  	s1 =	sand.u32 $0xC00, s13;
	[tilespmem:v6+s23+$0x0] =	vst.idx.add.f32.msk $0xffff, v11;
	v6 =	vadd.f32 v12, v8;
	v8 =	vadd.f32 v17, v13;
	s7 =	sadd.s32 $0x40, s7  }
0x480: {  	s8 =	sadd.s32 s1, s6;
	s9 =	sadd.s32 $0xFFFFFFE0, s7;
	s12 =	sand.u32 $0x70, s7;
	[tilespmem:v4+s23+$0x0] =	vst.idx.add.f32.msk $0xffff, v18  }
0x481: {  	s10 =	sadd.s32 $0xFFFFFFD0, s7;
	s11 =	sadd.s32 $0xFFFFFFF0, s7;
	v4 =	vor.u32 s9, v2;
	s14 =	sadd.s32 s12, s8;
	v9 =	vadd.f32 v14, v9;
	v11 =	vadd.f32 v6, v16;
	[tilespmem:v3+s23+$0x0] =	vst.idx.add.f32.msk $0xffff, v5  }
0x482: {  	s26 =	sand.u32 $0x40, s10;
	v6 =	vor.u32 s10, v2;
	s9 =	sand.u32 $0x50, s9;
	s29 =	sand.u32 $0x60, s11;
	v3 =	vmov v7;
	v7 =	vor.u32 s11, v2;
	v12 =	vld [tilespmem:s14+$0x0]  }
0x483: {  	s28 =	sadd.s32 s26, s8;
	s11 =	sadd.s32 s9, s8;
	s21 =	sadd.s32 s29, s8;
	v13 =	vld [tilespmem:s14+$0x80];
	v5 =	vadd.f32 v15, v10  }
0x484: {  	p2 =	slt.u32 s10, $0x1C0;
	v10 =	vld [tilespmem:s14+$0x100]  }
0x485: {  	v14 =	vld [tilespmem:s14+$0x180];
	v5 =	vadd.f32 v5, v9  }
0x486: {  	v9 =	vld [tilespmem:s14+$0x200]  }
0x487: {  	v15 =	vld [tilespmem:s14+$0x280];
	v5 =	vadd.f32 v5, v11  }
0x488: {  	s1 =	sadd.s32 s1, s0;
	v11 =	vld [tilespmem:s14+$0x300]  }
0x489: {  	s26 =	sadd.s32 s26, s1;
	s10 =	sadd.s32 s9, s1;
	s8 =	sadd.s32 s12, s1;
	v16 =	vld [tilespmem:s14+$0x380];
	v5 =	vadd.f32 v5, v8  }
0x48a: {  	s29 =	sadd.s32 s29, s1;
	v8 =	vld [tilespmem:s8+$0x0]  }
0x48b: {  	v17 =	vld [tilespmem:s8+$0x80]  }
0x48c: {  	v18 =	vld [tilespmem:s8+$0x100]  }
0x48d: {  	v19 =	vld [tilespmem:s8+$0x180]  }
0x48e: {  	v20 =	vld [tilespmem:s8+$0x200]  }
0x48f: {  	v21 =	vld [tilespmem:s8+$0x280]  }
0x490: {  	v22 =	vld [tilespmem:s8+$0x300]  }
0x491: {  	v23 =	vld [tilespmem:s8+$0x380]  }
0x492: {  	v24 =	vld [tilespmem:s28+$0x0]  }
0x493: {  	v12 =	vadd.f32 v13, v12;
	v10 =	vadd.f32 v14, v10;
	v25 =	vld [tilespmem:s28+$0x80]  }
0x494: {  	v9 =	vadd.f32 v15, v9;
	v11 =	vadd.f32 v16, v11;
	v13 =	vld [tilespmem:s28+$0x100]  }
0x495: {  	v8 =	vadd.f32 v17, v8;
	v15 =	vadd.f32 v19, v18;
	v14 =	vld [tilespmem:s28+$0x180]  }
0x496: {  	v17 =	vadd.f32 v21, v20;
	v16 =	vld [tilespmem:s28+$0x200];
	v18 =	vadd.f32 v23, v22  }
0x497: {  	v10 =	vadd.f32 v10, v12;
	v9 =	vadd.f32 v11, v9;
	v19 =	vld [tilespmem:s28+$0x280]  }
0x498: {  	v8 =	vadd.f32 v15, v8;
	v11 =	vld [tilespmem:s28+$0x300];
	v12 =	vadd.f32 v18, v17  }
0x499: {  	v17 =	vadd.f32 v25, v24;
	v18 =	vor.u32 s7, v2;
	v15 =	vld [tilespmem:s28+$0x380]  }
0x49a: {  	v9 =	vadd.f32 v9, v10;
	v20 =	vld [tilespmem:s26+$0x0];
	v8 =	vadd.f32 v12, v8  }
0x49b: {  	v12 =	vadd.f32 v14, v13;
	v10 =	vld [tilespmem:s26+$0x80]  }
0x49c: {  	v13 =	vld [tilespmem:s26+$0x100];
	v14 =	vadd.f32 v19, v16;
	v8 =	vadd.f32 v8, v9  }
0x49d: {  	v12 =	vadd.f32 v12, v17;
	v9 =	vld [tilespmem:s26+$0x180]  }
0x49e: {  	v11 =	vadd.f32 v15, v11;
	[tilespmem:v18+s23+$0x0] =	vst.idx.add.f32.msk $0xffff, v8  }
0x49f: {  	v8 =	vld [tilespmem:s26+$0x200]  }
0x4a0: {  	v15 =	vld [tilespmem:s26+$0x280];
	v10 =	vadd.f32 v10, v20;
	v11 =	vadd.f32 v11, v14  }
0x4a1: {  	v14 =	vld [tilespmem:s26+$0x300]  }
0x4a2: {  	v16 =	vld [tilespmem:s26+$0x380];
	v9 =	vadd.f32 v9, v13;
	v11 =	vadd.f32 v11, v12  }
0x4a3: {  	v12 =	vld [tilespmem:s11+$0x0]  }
0x4a4: {  	v9 =	vadd.f32 v9, v10;
	v10 =	vld [tilespmem:s11+$0x80]  }
0x4a5: {  	v8 =	vadd.f32 v15, v8;
	v13 =	vld [tilespmem:s11+$0x100]  }
0x4a6: {  	v15 =	vld [tilespmem:s11+$0x180]  }
0x4a7: {  	v14 =	vadd.f32 v16, v14;
	v16 =	vld [tilespmem:s11+$0x200]  }
0x4a8: {  	v17 =	vld [tilespmem:s11+$0x280]  }
0x4a9: {  	v8 =	vadd.f32 v14, v8;
	v14 =	vld [tilespmem:s11+$0x300];
	v10 =	vadd.f32 v10, v12  }
0x4aa: {  	v12 =	vld [tilespmem:s11+$0x380]  }
0x4ab: {  	v8 =	vadd.f32 v8, v9;
	v9 =	vld [tilespmem:s10+$0x0];
	v13 =	vadd.f32 v15, v13  }
0x4ac: {  	v15 =	vld [tilespmem:s10+$0x80]  }
0x4ad: {  	v18 =	vld [tilespmem:s10+$0x100];
	v16 =	vadd.f32 v17, v16;
	v10 =	vadd.f32 v13, v10  }
0x4ae: {  	v11 =	vadd.f32 v8, v11;
	v8 =	vld [tilespmem:s10+$0x180]  }
0x4af: {  	v13 =	vld [tilespmem:s10+$0x200];
	v12 =	vadd.f32 v12, v14  }
0x4b0: {  	v14 =	vld [tilespmem:s10+$0x280]  }
0x4b1: {  	v17 =	vld [tilespmem:s10+$0x300];
	v9 =	vadd.f32 v15, v9;
	v12 =	vadd.f32 v12, v16  }
0x4b2: {  	v15 =	vld [tilespmem:s10+$0x380]  }
0x4b3: {  	v8 =	vadd.f32 v8, v18;
	v10 =	vadd.f32 v12, v10;
	v12 =	vld [tilespmem:s21+$0x0]  }
0x4b4: {  	v16 =	vld [tilespmem:s21+$0x80]  }
0x4b5: {  	v13 =	vadd.f32 v14, v13;
	v8 =	vadd.f32 v8, v9;
	v9 =	vld [tilespmem:s21+$0x100]  }
0x4b6: {  	v14 =	vld [tilespmem:s21+$0x180]  }
0x4b7: {  	v15 =	vadd.f32 v15, v17;
	v17 =	vld [tilespmem:s21+$0x200]  }
0x4b8: {  	v18 =	vld [tilespmem:s21+$0x280]  }
0x4b9: {  	v13 =	vadd.f32 v15, v13;
	v15 =	vld [tilespmem:s21+$0x300];
	v12 =	vadd.f32 v16, v12  }
0x4ba: {  	v16 =	vld [tilespmem:s21+$0x380]  }
0x4bb: {  	v19 =	vadd.f32 v13, v8;
	v20 =	vld [tilespmem:s29+$0x0];
	v9 =	vadd.f32 v14, v9  }
0x4bc: {  	v21 =	vld [tilespmem:s29+$0x80]  }
0x4bd: {  	v8 =	vld [tilespmem:s29+$0x100];
	v17 =	vadd.f32 v18, v17;
	v13 =	vadd.f32 v9, v12  }
.Ltmp38:
0x4be: {  	v18 =	vadd.f32 v19, v10;
	v12 =	vld [tilespmem:s29+$0x180];
	(pc) =	sbr.rel @p2 .LBB2_88-.Ltmp38, $4  }
0x4bf: {  	v9 =	vld [tilespmem:s29+$0x200];
	v15 =	vadd.f32 v16, v15  }
0x4c0: {  	v14 =	vld [tilespmem:s29+$0x280]  }
0x4c1: {  	v10 =	vld [tilespmem:s29+$0x300];
	v16 =	vadd.f32 v21, v20;
	v17 =	vadd.f32 v15, v17  }
0x4c2: {  	s13 =	sadd.s32 $0x200, s13;
	v15 =	vld [tilespmem:s29+$0x380]  }
.Ltmp39:
0x4c3: {  	(pc) =	sbr.rel .LBB2_90-.Ltmp39, $2  }
0x4c4: {  	_ =	sdelay $0x2  }
0x4c5: {  	v2 =	vmov v3;
	v3 =	vmov v7  }
.LBB2_51:
0x4c6: {  	s10 =	sadd.s32 $0x4040, s0  }
0x4c7: {  	s7 =	simm.s32 $0x0;
	s13 =	simm.s32 $0x70;
	s11 =	simm.s32 $0x80  }
.LBB2_52:
0x4c8: {  	p1 =	slt.u32 s11, $0x180;
	v3 =	vld [tilespmem:s10+$0x30];
	v4 =	vor.u32 s13, v2  }
0x4c9: {  	v5 =	vld [tilespmem:s10+$0xFFFFFFD0]  }
0x4ca: {  	v6 =	vld [tilespmem:s10+$0xFFFFFFE0]  }
0x4cb: {  	s1 =	sadd.s32 $0x10, s7;
	v7 =	vld [tilespmem:s10+$0xFFFFFFF0]  }
0x4cc: {  	v8 =	vor.u32 s1, v2;
	s1 =	sadd.s32 $0x20, s7;
	v9 =	vld [tilespmem:s10+$0x0]  }
0x4cd: {  	v10 =	vor.u32 s1, v2;
	s1 =	sadd.s32 $0x30, s7;
	[tilespmem:v4+s23+$0x0] =	vst.idx.add.f32.msk $0xffff, v3  }
0x4ce: {  	v3 =	vor.u32 s1, v2;
	s1 =	sadd.s32 $0x40, s7;
	v4 =	vld [tilespmem:s10+$0x10]  }
0x4cf: {  	v11 =	vor.u32 s1, v2;
	s1 =	sadd.s32 $0x50, s7;
	v12 =	vld [tilespmem:s10+$0x20]  }
0x4d0: {  	v14 =	vor.u32 s1, v2;
	s1 =	sadd.s32 $0x60, s7;
	v13 =	vld [tilespmem:s10+$0xFFFFFFC0]  }
0x4d1: {  	[tilespmem:v8+s23+$0x0] =	vst.idx.add.f32.msk $0xffff, v5;
	v5 =	vor.u32 s1, v2  }
0x4d2: {  	v8 =	vor.u32 s7, v2;
	s7 =	smov.u32 s11;
	[tilespmem:v10+s23+$0x0] =	vst.idx.add.f32.msk $0xffff, v6  }
.Ltmp40:
0x4d3: {  	[tilespmem:v3+s23+$0x0] =	vst.idx.add.f32.msk $0xffff, v7;
	(pc) =	sbr.rel @p1 .LBB2_52-.Ltmp40, $4  }
0x4d4: {  	[tilespmem:v11+s23+$0x0] =	vst.idx.add.f32.msk $0xffff, v9  }
0x4d5: {  	[tilespmem:v14+s23+$0x0] =	vst.idx.add.f32.msk $0xffff, v4  }
0x4d6: {  	[tilespmem:v5+s23+$0x0] =	vst.idx.add.f32.msk $0xffff, v12  }
0x4d7: {  	s10 =	sadd.s32 $0x400, s10;
	s11 =	sadd.s32 $0x80, s11;
	s13 =	sadd.s32 $0x70, s7;
	[tilespmem:v8+s23+$0x0] =	vst.idx.add.f32.msk $0xffff, v13  }
0x4d8: {  	v3 =	vld [tilespmem:s10+$0x30]  }
0x4d9: {  	v5 =	vld [tilespmem:s10+$0xFFFFFFD0]  }
0x4da: {  	v6 =	vld [tilespmem:s10+$0xFFFFFFE0]  }
0x4db: {  	v4 =	vor.u32 s13, v2;
	s1 =	sadd.s32 $0x10, s7;
	v7 =	vld [tilespmem:s10+$0xFFFFFFF0]  }
0x4dc: {  	s26 =	sadd.s32 $0x20, s7;
	v9 =	vld [tilespmem:s10+$0x0];
	v8 =	vor.u32 s1, v2  }
0x4dd: {  	s29 =	sadd.s32 $0x40, s7;
	v61 =	vld [tilespmem:s10+$0x10];
	v10 =	vor.u32 s26, v2  }
0x4de: {  	s30 =	sadd.s32 $0x50, s7;
	v12 =	vld [tilespmem:s10+$0x20];
	v11 =	vor.u32 s29, v2  }
0x4df: {  	s8 =	sor.u32 $0x1, s6;
	s31 =	sadd.s32 $0x60, s7;
	v63 =	vld [tilespmem:s10+$0xFFFFFFC0];
	v13 =	vor.u32 s30, v2  }
0x4e0: {  	s28 =	sadd.s32 $0x30, s7;
	v62 =	vmov s8;
	v14 =	vor.u32 s31, v2;
	[tilespmem:v4+s23+$0x0] =	vst.idx.add.f32.msk $0xffff, v3  }
0x4e1: {  	v3 =	vor.u32 s28, v2;
	[tilespmem:v8+s23+$0x0] =	vst.idx.add.f32.msk $0xffff, v5;
	v5 =	vand.u32 $0xFFFFFFF1, v62  }
0x4e2: {  	v2 =	vor.u32 s7, v2;
	[tilespmem:v10+s23+$0x0] =	vst.idx.add.f32.msk $0xffff, v6;
	v5 =	vbroadcast v5, $0x0  }
0x4e3: {  	[tilespmem:v11+s23+$0x0] =	vst.idx.add.f32.msk $0xffff, v9  }
0x4e4: {  	[tilespmem:v13+s23+$0x0] =	vst.idx.add.f32.msk $0xffff, v61  }
0x4e5: {  	[tilespmem:v14+s23+$0x0] =	vst.idx.add.f32.msk $0xffff, v12  }
0x4e6: {  	[tilespmem:v3+s23+$0x0] =	vst.idx.add.f32.msk $0xffff, v7  }
0x4e7: {  	[tilespmem:v2+s23+$0x0] =	vst.idx.add.f32.msk $0xffff, v63  }
0x4e8: {  	v2 =	vld.idx.msk [tilespmem:v5+s22+$0x0], $0xffff;
	_ =	sdelay $0x4  }
0x4e9: {  	s10 =	simm.s32 $0x0;
	v2 =	vshll.u32 v2, $0x9  }
0x4ea: {  	s13 =	simm.s32 $0x70;
	s11 =	simm.s32 $0x80;
	s7 =	sadd.s32 $0x40F0, s0;
	v2 =	vor.u32 v1, v2  }
.LBB2_54:
0x4eb: {  	p1 =	slt.u32 s11, $0x180;
	v3 =	vld [tilespmem:s7+$0x0];
	v4 =	vor.u32 s13, v2  }
0x4ec: {  	v5 =	vld [tilespmem:s7+$0xFFFFFFA0]  }
0x4ed: {  	v6 =	vld [tilespmem:s7+$0xFFFFFFB0]  }
0x4ee: {  	s1 =	sadd.s32 $0x10, s10;
	v7 =	vld [tilespmem:s7+$0xFFFFFFC0]  }
0x4ef: {  	v8 =	vor.u32 s1, v2;
	s1 =	sadd.s32 $0x20, s10;
	v9 =	vld [tilespmem:s7+$0xFFFFFFD0]  }
0x4f0: {  	v10 =	vor.u32 s1, v2;
	s1 =	sadd.s32 $0x30, s10;
	[tilespmem:v4+s23+$0x0] =	vst.idx.add.f32.msk $0xffff, v3  }
0x4f1: {  	v3 =	vor.u32 s1, v2;
	s1 =	sadd.s32 $0x40, s10;
	v4 =	vld [tilespmem:s7+$0xFFFFFFE0]  }
0x4f2: {  	v11 =	vor.u32 s1, v2;
	s1 =	sadd.s32 $0x50, s10;
	v12 =	vld [tilespmem:s7+$0xFFFFFFF0]  }
0x4f3: {  	v14 =	vor.u32 s1, v2;
	s1 =	sadd.s32 $0x60, s10;
	v13 =	vld [tilespmem:s7+$0xFFFFFF90]  }
0x4f4: {  	[tilespmem:v8+s23+$0x0] =	vst.idx.add.f32.msk $0xffff, v5;
	v5 =	vor.u32 s1, v2  }
0x4f5: {  	v8 =	vor.u32 s10, v2;
	s10 =	smov.u32 s11;
	[tilespmem:v10+s23+$0x0] =	vst.idx.add.f32.msk $0xffff, v6  }
.Ltmp41:
0x4f6: {  	[tilespmem:v3+s23+$0x0] =	vst.idx.add.f32.msk $0xffff, v7;
	(pc) =	sbr.rel @p1 .LBB2_54-.Ltmp41, $4  }
0x4f7: {  	[tilespmem:v11+s23+$0x0] =	vst.idx.add.f32.msk $0xffff, v9  }
0x4f8: {  	[tilespmem:v14+s23+$0x0] =	vst.idx.add.f32.msk $0xffff, v4  }
0x4f9: {  	[tilespmem:v5+s23+$0x0] =	vst.idx.add.f32.msk $0xffff, v12  }
0x4fa: {  	s7 =	sadd.s32 $0x400, s7;
	s11 =	sadd.s32 $0x80, s11;
	s13 =	sadd.s32 $0x70, s10;
	[tilespmem:v8+s23+$0x0] =	vst.idx.add.f32.msk $0xffff, v13  }
0x4fb: {  	v3 =	vld [tilespmem:s7+$0x0]  }
0x4fc: {  	v5 =	vld [tilespmem:s7+$0xFFFFFFA0]  }
0x4fd: {  	v6 =	vld [tilespmem:s7+$0xFFFFFFB0]  }
0x4fe: {  	v4 =	vor.u32 s13, v2;
	s1 =	sadd.s32 $0x10, s10;
	v7 =	vld [tilespmem:s7+$0xFFFFFFC0]  }
0x4ff: {  	s26 =	sadd.s32 $0x20, s10;
	v9 =	vld [tilespmem:s7+$0xFFFFFFD0];
	v8 =	vor.u32 s1, v2  }
0x500: {  	s29 =	sadd.s32 $0x40, s10;
	v61 =	vld [tilespmem:s7+$0xFFFFFFE0];
	v10 =	vor.u32 s26, v2  }
0x501: {  	s30 =	sadd.s32 $0x50, s10;
	v12 =	vld [tilespmem:s7+$0xFFFFFFF0];
	v11 =	vor.u32 s29, v2  }
0x502: {  	s8 =	sor.u32 $0x2, s6;
	s31 =	sadd.s32 $0x60, s10;
	v63 =	vld [tilespmem:s7+$0xFFFFFF90];
	v13 =	vor.u32 s30, v2  }
0x503: {  	s28 =	sadd.s32 $0x30, s10;
	v62 =	vmov s8;
	v14 =	vor.u32 s31, v2;
	[tilespmem:v4+s23+$0x0] =	vst.idx.add.f32.msk $0xffff, v3  }
0x504: {  	v3 =	vor.u32 s28, v2;
	[tilespmem:v8+s23+$0x0] =	vst.idx.add.f32.msk $0xffff, v5;
	v5 =	vand.u32 $0xFFFFFFF2, v62  }
0x505: {  	v2 =	vor.u32 s10, v2;
	[tilespmem:v10+s23+$0x0] =	vst.idx.add.f32.msk $0xffff, v6;
	v5 =	vbroadcast v5, $0x0  }
0x506: {  	[tilespmem:v11+s23+$0x0] =	vst.idx.add.f32.msk $0xffff, v9  }
0x507: {  	[tilespmem:v13+s23+$0x0] =	vst.idx.add.f32.msk $0xffff, v61  }
0x508: {  	[tilespmem:v14+s23+$0x0] =	vst.idx.add.f32.msk $0xffff, v12  }
0x509: {  	[tilespmem:v3+s23+$0x0] =	vst.idx.add.f32.msk $0xffff, v7  }
0x50a: {  	[tilespmem:v2+s23+$0x0] =	vst.idx.add.f32.msk $0xffff, v63  }
0x50b: {  	v2 =	vld.idx.msk [tilespmem:v5+s22+$0x0], $0xffff;
	_ =	sdelay $0x4  }
0x50c: {  	s7 =	sadd.s32 $0x4170, s0;
	v2 =	vshll.u32 v2, $0x9  }
0x50d: {  	s13 =	simm.s32 $0x70;
	s11 =	simm.s32 $0x80;
	s10 =	simm.s32 $0x0;
	v2 =	vor.u32 v1, v2  }
.LBB2_56:
0x50e: {  	p1 =	slt.u32 s11, $0x180;
	v3 =	vld [tilespmem:s7+$0x0];
	v4 =	vor.u32 s13, v2  }
0x50f: {  	v5 =	vld [tilespmem:s7+$0xFFFFFFA0]  }
0x510: {  	v6 =	vld [tilespmem:s7+$0xFFFFFFB0]  }
0x511: {  	s1 =	sadd.s32 $0x10, s10;
	v7 =	vld [tilespmem:s7+$0xFFFFFFC0]  }
0x512: {  	v8 =	vor.u32 s1, v2;
	s1 =	sadd.s32 $0x20, s10;
	v9 =	vld [tilespmem:s7+$0xFFFFFFD0]  }
0x513: {  	v10 =	vor.u32 s1, v2;
	s1 =	sadd.s32 $0x30, s10;
	[tilespmem:v4+s23+$0x0] =	vst.idx.add.f32.msk $0xffff, v3  }
0x514: {  	v3 =	vor.u32 s1, v2;
	s1 =	sadd.s32 $0x40, s10;
	v4 =	vld [tilespmem:s7+$0xFFFFFFE0]  }
0x515: {  	v11 =	vor.u32 s1, v2;
	s1 =	sadd.s32 $0x50, s10;
	v12 =	vld [tilespmem:s7+$0xFFFFFFF0]  }
0x516: {  	v14 =	vor.u32 s1, v2;
	s1 =	sadd.s32 $0x60, s10;
	v13 =	vld [tilespmem:s7+$0xFFFFFF90]  }
0x517: {  	[tilespmem:v8+s23+$0x0] =	vst.idx.add.f32.msk $0xffff, v5;
	v5 =	vor.u32 s1, v2  }
0x518: {  	v8 =	vor.u32 s10, v2;
	s10 =	smov.u32 s11;
	[tilespmem:v10+s23+$0x0] =	vst.idx.add.f32.msk $0xffff, v6  }
.Ltmp42:
0x519: {  	[tilespmem:v3+s23+$0x0] =	vst.idx.add.f32.msk $0xffff, v7;
	(pc) =	sbr.rel @p1 .LBB2_56-.Ltmp42, $4  }
0x51a: {  	[tilespmem:v11+s23+$0x0] =	vst.idx.add.f32.msk $0xffff, v9  }
0x51b: {  	[tilespmem:v14+s23+$0x0] =	vst.idx.add.f32.msk $0xffff, v4  }
0x51c: {  	[tilespmem:v5+s23+$0x0] =	vst.idx.add.f32.msk $0xffff, v12  }
0x51d: {  	s7 =	sadd.s32 $0x400, s7;
	s11 =	sadd.s32 $0x80, s11;
	s13 =	sadd.s32 $0x70, s10;
	[tilespmem:v8+s23+$0x0] =	vst.idx.add.f32.msk $0xffff, v13  }
0x51e: {  	v3 =	vld [tilespmem:s7+$0x0]  }
0x51f: {  	v5 =	vld [tilespmem:s7+$0xFFFFFFA0]  }
0x520: {  	v6 =	vld [tilespmem:s7+$0xFFFFFFB0]  }
0x521: {  	v4 =	vor.u32 s13, v2;
	s1 =	sadd.s32 $0x10, s10;
	v7 =	vld [tilespmem:s7+$0xFFFFFFC0]  }
0x522: {  	s26 =	sadd.s32 $0x20, s10;
	v9 =	vld [tilespmem:s7+$0xFFFFFFD0];
	v8 =	vor.u32 s1, v2  }
0x523: {  	s29 =	sadd.s32 $0x40, s10;
	v61 =	vld [tilespmem:s7+$0xFFFFFFE0];
	v10 =	vor.u32 s26, v2  }
0x524: {  	s30 =	sadd.s32 $0x50, s10;
	v12 =	vld [tilespmem:s7+$0xFFFFFFF0];
	v11 =	vor.u32 s29, v2  }
0x525: {  	s8 =	sor.u32 $0x3, s6;
	s31 =	sadd.s32 $0x60, s10;
	v63 =	vld [tilespmem:s7+$0xFFFFFF90];
	v13 =	vor.u32 s30, v2  }
0x526: {  	s28 =	sadd.s32 $0x30, s10;
	v62 =	vmov s8;
	v14 =	vor.u32 s31, v2;
	[tilespmem:v4+s23+$0x0] =	vst.idx.add.f32.msk $0xffff, v3  }
0x527: {  	v3 =	vor.u32 s28, v2;
	[tilespmem:v8+s23+$0x0] =	vst.idx.add.f32.msk $0xffff, v5;
	v5 =	vand.u32 $0xFFFFFFF3, v62  }
0x528: {  	v2 =	vor.u32 s10, v2;
	[tilespmem:v10+s23+$0x0] =	vst.idx.add.f32.msk $0xffff, v6;
	v5 =	vbroadcast v5, $0x0  }
0x529: {  	[tilespmem:v11+s23+$0x0] =	vst.idx.add.f32.msk $0xffff, v9  }
0x52a: {  	[tilespmem:v13+s23+$0x0] =	vst.idx.add.f32.msk $0xffff, v61  }
0x52b: {  	[tilespmem:v14+s23+$0x0] =	vst.idx.add.f32.msk $0xffff, v12  }
0x52c: {  	[tilespmem:v3+s23+$0x0] =	vst.idx.add.f32.msk $0xffff, v7  }
0x52d: {  	[tilespmem:v2+s23+$0x0] =	vst.idx.add.f32.msk $0xffff, v63  }
0x52e: {  	v2 =	vld.idx.msk [tilespmem:v5+s22+$0x0], $0xffff;
	_ =	sdelay $0x4  }
0x52f: {  	s7 =	sadd.s32 $0x41F0, s0;
	v2 =	vshll.u32 v2, $0x9  }
0x530: {  	s13 =	simm.s32 $0x70;
	s11 =	simm.s32 $0x80;
	s10 =	simm.s32 $0x0;
	v2 =	vor.u32 v1, v2  }
.LBB2_58:
0x531: {  	p1 =	slt.u32 s11, $0x180;
	v3 =	vld [tilespmem:s7+$0x0];
	v4 =	vor.u32 s13, v2  }
0x532: {  	v5 =	vld [tilespmem:s7+$0xFFFFFFA0]  }
0x533: {  	v6 =	vld [tilespmem:s7+$0xFFFFFFB0]  }
0x534: {  	s1 =	sadd.s32 $0x10, s10;
	v7 =	vld [tilespmem:s7+$0xFFFFFFC0]  }
0x535: {  	v8 =	vor.u32 s1, v2;
	s1 =	sadd.s32 $0x20, s10;
	v9 =	vld [tilespmem:s7+$0xFFFFFFD0]  }
0x536: {  	v10 =	vor.u32 s1, v2;
	s1 =	sadd.s32 $0x30, s10;
	[tilespmem:v4+s23+$0x0] =	vst.idx.add.f32.msk $0xffff, v3  }
0x537: {  	v3 =	vor.u32 s1, v2;
	s1 =	sadd.s32 $0x40, s10;
	v4 =	vld [tilespmem:s7+$0xFFFFFFE0]  }
0x538: {  	v11 =	vor.u32 s1, v2;
	s1 =	sadd.s32 $0x50, s10;
	v12 =	vld [tilespmem:s7+$0xFFFFFFF0]  }
0x539: {  	v14 =	vor.u32 s1, v2;
	s1 =	sadd.s32 $0x60, s10;
	v13 =	vld [tilespmem:s7+$0xFFFFFF90]  }
0x53a: {  	[tilespmem:v8+s23+$0x0] =	vst.idx.add.f32.msk $0xffff, v5;
	v5 =	vor.u32 s1, v2  }
0x53b: {  	v8 =	vor.u32 s10, v2;
	s10 =	smov.u32 s11;
	[tilespmem:v10+s23+$0x0] =	vst.idx.add.f32.msk $0xffff, v6  }
.Ltmp43:
0x53c: {  	[tilespmem:v3+s23+$0x0] =	vst.idx.add.f32.msk $0xffff, v7;
	(pc) =	sbr.rel @p1 .LBB2_58-.Ltmp43, $4  }
0x53d: {  	[tilespmem:v11+s23+$0x0] =	vst.idx.add.f32.msk $0xffff, v9  }
0x53e: {  	[tilespmem:v14+s23+$0x0] =	vst.idx.add.f32.msk $0xffff, v4  }
0x53f: {  	[tilespmem:v5+s23+$0x0] =	vst.idx.add.f32.msk $0xffff, v12  }
0x540: {  	s7 =	sadd.s32 $0x400, s7;
	s11 =	sadd.s32 $0x80, s11;
	s13 =	sadd.s32 $0x70, s10;
	[tilespmem:v8+s23+$0x0] =	vst.idx.add.f32.msk $0xffff, v13  }
0x541: {  	v3 =	vld [tilespmem:s7+$0x0]  }
0x542: {  	v5 =	vld [tilespmem:s7+$0xFFFFFFA0]  }
0x543: {  	v6 =	vld [tilespmem:s7+$0xFFFFFFB0]  }
0x544: {  	v4 =	vor.u32 s13, v2;
	s1 =	sadd.s32 $0x10, s10;
	v7 =	vld [tilespmem:s7+$0xFFFFFFC0]  }
0x545: {  	s26 =	sadd.s32 $0x20, s10;
	v9 =	vld [tilespmem:s7+$0xFFFFFFD0];
	v8 =	vor.u32 s1, v2  }
0x546: {  	s29 =	sadd.s32 $0x40, s10;
	v61 =	vld [tilespmem:s7+$0xFFFFFFE0];
	v10 =	vor.u32 s26, v2  }
0x547: {  	s30 =	sadd.s32 $0x50, s10;
	v12 =	vld [tilespmem:s7+$0xFFFFFFF0];
	v11 =	vor.u32 s29, v2  }
0x548: {  	s8 =	sor.u32 $0x4, s6;
	s31 =	sadd.s32 $0x60, s10;
	v63 =	vld [tilespmem:s7+$0xFFFFFF90];
	v13 =	vor.u32 s30, v2  }
0x549: {  	s28 =	sadd.s32 $0x30, s10;
	v62 =	vmov s8;
	v14 =	vor.u32 s31, v2;
	[tilespmem:v4+s23+$0x0] =	vst.idx.add.f32.msk $0xffff, v3  }
0x54a: {  	v3 =	vor.u32 s28, v2;
	[tilespmem:v8+s23+$0x0] =	vst.idx.add.f32.msk $0xffff, v5;
	v5 =	vand.u32 $0xFFFFFFF4, v62  }
0x54b: {  	v2 =	vor.u32 s10, v2;
	[tilespmem:v10+s23+$0x0] =	vst.idx.add.f32.msk $0xffff, v6;
	v5 =	vbroadcast v5, $0x0  }
0x54c: {  	[tilespmem:v11+s23+$0x0] =	vst.idx.add.f32.msk $0xffff, v9  }
0x54d: {  	[tilespmem:v13+s23+$0x0] =	vst.idx.add.f32.msk $0xffff, v61  }
0x54e: {  	[tilespmem:v14+s23+$0x0] =	vst.idx.add.f32.msk $0xffff, v12  }
0x54f: {  	[tilespmem:v3+s23+$0x0] =	vst.idx.add.f32.msk $0xffff, v7  }
0x550: {  	[tilespmem:v2+s23+$0x0] =	vst.idx.add.f32.msk $0xffff, v63  }
0x551: {  	v2 =	vld.idx.msk [tilespmem:v5+s22+$0x0], $0xffff;
	_ =	sdelay $0x4  }
0x552: {  	s7 =	sadd.s32 $0x4270, s0;
	v2 =	vshll.u32 v2, $0x9  }
0x553: {  	s13 =	simm.s32 $0x70;
	s11 =	simm.s32 $0x80;
	s10 =	simm.s32 $0x0;
	v2 =	vor.u32 v1, v2  }
.LBB2_60:
0x554: {  	p1 =	slt.u32 s11, $0x180;
	v3 =	vld [tilespmem:s7+$0x0];
	v4 =	vor.u32 s13, v2  }
0x555: {  	v5 =	vld [tilespmem:s7+$0xFFFFFFA0]  }
0x556: {  	v6 =	vld [tilespmem:s7+$0xFFFFFFB0]  }
0x557: {  	s1 =	sadd.s32 $0x10, s10;
	v7 =	vld [tilespmem:s7+$0xFFFFFFC0]  }
0x558: {  	v8 =	vor.u32 s1, v2;
	s1 =	sadd.s32 $0x20, s10;
	v9 =	vld [tilespmem:s7+$0xFFFFFFD0]  }
0x559: {  	v10 =	vor.u32 s1, v2;
	s1 =	sadd.s32 $0x30, s10;
	[tilespmem:v4+s23+$0x0] =	vst.idx.add.f32.msk $0xffff, v3  }
0x55a: {  	v3 =	vor.u32 s1, v2;
	s1 =	sadd.s32 $0x40, s10;
	v4 =	vld [tilespmem:s7+$0xFFFFFFE0]  }
0x55b: {  	v11 =	vor.u32 s1, v2;
	s1 =	sadd.s32 $0x50, s10;
	v12 =	vld [tilespmem:s7+$0xFFFFFFF0]  }
0x55c: {  	v14 =	vor.u32 s1, v2;
	s1 =	sadd.s32 $0x60, s10;
	v13 =	vld [tilespmem:s7+$0xFFFFFF90]  }
0x55d: {  	[tilespmem:v8+s23+$0x0] =	vst.idx.add.f32.msk $0xffff, v5;
	v5 =	vor.u32 s1, v2  }
0x55e: {  	v8 =	vor.u32 s10, v2;
	s10 =	smov.u32 s11;
	[tilespmem:v10+s23+$0x0] =	vst.idx.add.f32.msk $0xffff, v6  }
.Ltmp44:
0x55f: {  	[tilespmem:v3+s23+$0x0] =	vst.idx.add.f32.msk $0xffff, v7;
	(pc) =	sbr.rel @p1 .LBB2_60-.Ltmp44, $4  }
0x560: {  	[tilespmem:v11+s23+$0x0] =	vst.idx.add.f32.msk $0xffff, v9  }
0x561: {  	[tilespmem:v14+s23+$0x0] =	vst.idx.add.f32.msk $0xffff, v4  }
0x562: {  	[tilespmem:v5+s23+$0x0] =	vst.idx.add.f32.msk $0xffff, v12  }
0x563: {  	s7 =	sadd.s32 $0x400, s7;
	s11 =	sadd.s32 $0x80, s11;
	s13 =	sadd.s32 $0x70, s10;
	[tilespmem:v8+s23+$0x0] =	vst.idx.add.f32.msk $0xffff, v13  }
0x564: {  	v3 =	vld [tilespmem:s7+$0x0]  }
0x565: {  	v5 =	vld [tilespmem:s7+$0xFFFFFFA0]  }
0x566: {  	v6 =	vld [tilespmem:s7+$0xFFFFFFB0]  }
0x567: {  	v4 =	vor.u32 s13, v2;
	s1 =	sadd.s32 $0x10, s10;
	v7 =	vld [tilespmem:s7+$0xFFFFFFC0]  }
0x568: {  	s26 =	sadd.s32 $0x20, s10;
	v9 =	vld [tilespmem:s7+$0xFFFFFFD0];
	v8 =	vor.u32 s1, v2  }
0x569: {  	s29 =	sadd.s32 $0x40, s10;
	v61 =	vld [tilespmem:s7+$0xFFFFFFE0];
	v10 =	vor.u32 s26, v2  }
0x56a: {  	s30 =	sadd.s32 $0x50, s10;
	v12 =	vld [tilespmem:s7+$0xFFFFFFF0];
	v11 =	vor.u32 s29, v2  }
0x56b: {  	s8 =	sor.u32 $0x5, s6;
	s31 =	sadd.s32 $0x60, s10;
	v63 =	vld [tilespmem:s7+$0xFFFFFF90];
	v13 =	vor.u32 s30, v2  }
0x56c: {  	s28 =	sadd.s32 $0x30, s10;
	v62 =	vmov s8;
	v14 =	vor.u32 s31, v2;
	[tilespmem:v4+s23+$0x0] =	vst.idx.add.f32.msk $0xffff, v3  }
0x56d: {  	v3 =	vor.u32 s28, v2;
	[tilespmem:v8+s23+$0x0] =	vst.idx.add.f32.msk $0xffff, v5;
	v5 =	vand.u32 $0xFFFFFFF5, v62  }
0x56e: {  	v2 =	vor.u32 s10, v2;
	[tilespmem:v10+s23+$0x0] =	vst.idx.add.f32.msk $0xffff, v6;
	v5 =	vbroadcast v5, $0x0  }
0x56f: {  	[tilespmem:v11+s23+$0x0] =	vst.idx.add.f32.msk $0xffff, v9  }
0x570: {  	[tilespmem:v13+s23+$0x0] =	vst.idx.add.f32.msk $0xffff, v61  }
0x571: {  	[tilespmem:v14+s23+$0x0] =	vst.idx.add.f32.msk $0xffff, v12  }
0x572: {  	[tilespmem:v3+s23+$0x0] =	vst.idx.add.f32.msk $0xffff, v7  }
0x573: {  	[tilespmem:v2+s23+$0x0] =	vst.idx.add.f32.msk $0xffff, v63  }
0x574: {  	v2 =	vld.idx.msk [tilespmem:v5+s22+$0x0], $0xffff;
	_ =	sdelay $0x4  }
0x575: {  	s7 =	sadd.s32 $0x42F0, s0;
	v2 =	vshll.u32 v2, $0x9  }
0x576: {  	s13 =	simm.s32 $0x70;
	s11 =	simm.s32 $0x80;
	s10 =	simm.s32 $0x0;
	v2 =	vor.u32 v1, v2  }
.LBB2_62:
0x577: {  	p1 =	slt.u32 s11, $0x180;
	v3 =	vld [tilespmem:s7+$0x0];
	v4 =	vor.u32 s13, v2  }
0x578: {  	v5 =	vld [tilespmem:s7+$0xFFFFFFA0]  }
0x579: {  	v6 =	vld [tilespmem:s7+$0xFFFFFFB0]  }
0x57a: {  	s1 =	sadd.s32 $0x10, s10;
	v7 =	vld [tilespmem:s7+$0xFFFFFFC0]  }
0x57b: {  	v8 =	vor.u32 s1, v2;
	s1 =	sadd.s32 $0x20, s10;
	v9 =	vld [tilespmem:s7+$0xFFFFFFD0]  }
0x57c: {  	v10 =	vor.u32 s1, v2;
	s1 =	sadd.s32 $0x30, s10;
	[tilespmem:v4+s23+$0x0] =	vst.idx.add.f32.msk $0xffff, v3  }
0x57d: {  	v3 =	vor.u32 s1, v2;
	s1 =	sadd.s32 $0x40, s10;
	v4 =	vld [tilespmem:s7+$0xFFFFFFE0]  }
0x57e: {  	v11 =	vor.u32 s1, v2;
	s1 =	sadd.s32 $0x50, s10;
	v12 =	vld [tilespmem:s7+$0xFFFFFFF0]  }
0x57f: {  	v14 =	vor.u32 s1, v2;
	s1 =	sadd.s32 $0x60, s10;
	v13 =	vld [tilespmem:s7+$0xFFFFFF90]  }
0x580: {  	[tilespmem:v8+s23+$0x0] =	vst.idx.add.f32.msk $0xffff, v5;
	v5 =	vor.u32 s1, v2  }
0x581: {  	v8 =	vor.u32 s10, v2;
	s10 =	smov.u32 s11;
	[tilespmem:v10+s23+$0x0] =	vst.idx.add.f32.msk $0xffff, v6  }
.Ltmp45:
0x582: {  	[tilespmem:v3+s23+$0x0] =	vst.idx.add.f32.msk $0xffff, v7;
	(pc) =	sbr.rel @p1 .LBB2_62-.Ltmp45, $4  }
0x583: {  	[tilespmem:v11+s23+$0x0] =	vst.idx.add.f32.msk $0xffff, v9  }
0x584: {  	[tilespmem:v14+s23+$0x0] =	vst.idx.add.f32.msk $0xffff, v4  }
0x585: {  	[tilespmem:v5+s23+$0x0] =	vst.idx.add.f32.msk $0xffff, v12  }
0x586: {  	s7 =	sadd.s32 $0x400, s7;
	s11 =	sadd.s32 $0x80, s11;
	s13 =	sadd.s32 $0x70, s10;
	[tilespmem:v8+s23+$0x0] =	vst.idx.add.f32.msk $0xffff, v13  }
0x587: {  	v3 =	vld [tilespmem:s7+$0x0]  }
0x588: {  	v5 =	vld [tilespmem:s7+$0xFFFFFFA0]  }
0x589: {  	v6 =	vld [tilespmem:s7+$0xFFFFFFB0]  }
0x58a: {  	v4 =	vor.u32 s13, v2;
	s1 =	sadd.s32 $0x10, s10;
	v7 =	vld [tilespmem:s7+$0xFFFFFFC0]  }
0x58b: {  	s26 =	sadd.s32 $0x20, s10;
	v9 =	vld [tilespmem:s7+$0xFFFFFFD0];
	v8 =	vor.u32 s1, v2  }
0x58c: {  	s29 =	sadd.s32 $0x40, s10;
	v61 =	vld [tilespmem:s7+$0xFFFFFFE0];
	v10 =	vor.u32 s26, v2  }
0x58d: {  	s30 =	sadd.s32 $0x50, s10;
	v12 =	vld [tilespmem:s7+$0xFFFFFFF0];
	v11 =	vor.u32 s29, v2  }
0x58e: {  	s8 =	sor.u32 $0x6, s6;
	s31 =	sadd.s32 $0x60, s10;
	v63 =	vld [tilespmem:s7+$0xFFFFFF90];
	v13 =	vor.u32 s30, v2  }
0x58f: {  	s28 =	sadd.s32 $0x30, s10;
	v62 =	vmov s8;
	v14 =	vor.u32 s31, v2;
	[tilespmem:v4+s23+$0x0] =	vst.idx.add.f32.msk $0xffff, v3  }
0x590: {  	v3 =	vor.u32 s28, v2;
	[tilespmem:v8+s23+$0x0] =	vst.idx.add.f32.msk $0xffff, v5;
	v5 =	vand.u32 $0xFFFFFFF6, v62  }
0x591: {  	v2 =	vor.u32 s10, v2;
	[tilespmem:v10+s23+$0x0] =	vst.idx.add.f32.msk $0xffff, v6;
	v5 =	vbroadcast v5, $0x0  }
0x592: {  	[tilespmem:v11+s23+$0x0] =	vst.idx.add.f32.msk $0xffff, v9  }
0x593: {  	[tilespmem:v13+s23+$0x0] =	vst.idx.add.f32.msk $0xffff, v61  }
0x594: {  	[tilespmem:v14+s23+$0x0] =	vst.idx.add.f32.msk $0xffff, v12  }
0x595: {  	[tilespmem:v3+s23+$0x0] =	vst.idx.add.f32.msk $0xffff, v7  }
0x596: {  	[tilespmem:v2+s23+$0x0] =	vst.idx.add.f32.msk $0xffff, v63  }
0x597: {  	v2 =	vld.idx.msk [tilespmem:v5+s22+$0x0], $0xffff;
	_ =	sdelay $0x4  }
0x598: {  	s7 =	sadd.s32 $0x4370, s0;
	v2 =	vshll.u32 v2, $0x9  }
0x599: {  	s13 =	simm.s32 $0x70;
	s11 =	simm.s32 $0x80;
	s10 =	simm.s32 $0x0;
	v2 =	vor.u32 v1, v2  }
.LBB2_64:
0x59a: {  	p1 =	slt.u32 s11, $0x180;
	v3 =	vld [tilespmem:s7+$0x0];
	v4 =	vor.u32 s13, v2  }
0x59b: {  	v5 =	vld [tilespmem:s7+$0xFFFFFFA0]  }
0x59c: {  	v6 =	vld [tilespmem:s7+$0xFFFFFFB0]  }
0x59d: {  	s1 =	sadd.s32 $0x10, s10;
	v7 =	vld [tilespmem:s7+$0xFFFFFFC0]  }
0x59e: {  	v8 =	vor.u32 s1, v2;
	s1 =	sadd.s32 $0x20, s10;
	v9 =	vld [tilespmem:s7+$0xFFFFFFD0]  }
0x59f: {  	v10 =	vor.u32 s1, v2;
	s1 =	sadd.s32 $0x30, s10;
	[tilespmem:v4+s23+$0x0] =	vst.idx.add.f32.msk $0xffff, v3  }
0x5a0: {  	v3 =	vor.u32 s1, v2;
	s1 =	sadd.s32 $0x40, s10;
	v4 =	vld [tilespmem:s7+$0xFFFFFFE0]  }
0x5a1: {  	v11 =	vor.u32 s1, v2;
	s1 =	sadd.s32 $0x50, s10;
	v12 =	vld [tilespmem:s7+$0xFFFFFFF0]  }
0x5a2: {  	v14 =	vor.u32 s1, v2;
	s1 =	sadd.s32 $0x60, s10;
	v13 =	vld [tilespmem:s7+$0xFFFFFF90]  }
0x5a3: {  	[tilespmem:v8+s23+$0x0] =	vst.idx.add.f32.msk $0xffff, v5;
	v5 =	vor.u32 s1, v2  }
0x5a4: {  	v8 =	vor.u32 s10, v2;
	s10 =	smov.u32 s11;
	[tilespmem:v10+s23+$0x0] =	vst.idx.add.f32.msk $0xffff, v6  }
.Ltmp46:
0x5a5: {  	[tilespmem:v3+s23+$0x0] =	vst.idx.add.f32.msk $0xffff, v7;
	(pc) =	sbr.rel @p1 .LBB2_64-.Ltmp46, $4  }
0x5a6: {  	[tilespmem:v11+s23+$0x0] =	vst.idx.add.f32.msk $0xffff, v9  }
0x5a7: {  	[tilespmem:v14+s23+$0x0] =	vst.idx.add.f32.msk $0xffff, v4  }
0x5a8: {  	[tilespmem:v5+s23+$0x0] =	vst.idx.add.f32.msk $0xffff, v12  }
0x5a9: {  	s7 =	sadd.s32 $0x400, s7;
	s11 =	sadd.s32 $0x80, s11;
	s13 =	sadd.s32 $0x70, s10;
	[tilespmem:v8+s23+$0x0] =	vst.idx.add.f32.msk $0xffff, v13  }
0x5aa: {  	v3 =	vld [tilespmem:s7+$0x0]  }
0x5ab: {  	v5 =	vld [tilespmem:s7+$0xFFFFFFA0]  }
0x5ac: {  	v6 =	vld [tilespmem:s7+$0xFFFFFFB0]  }
0x5ad: {  	v4 =	vor.u32 s13, v2;
	s1 =	sadd.s32 $0x10, s10;
	v7 =	vld [tilespmem:s7+$0xFFFFFFC0]  }
0x5ae: {  	s26 =	sadd.s32 $0x20, s10;
	v9 =	vld [tilespmem:s7+$0xFFFFFFD0];
	v8 =	vor.u32 s1, v2  }
0x5af: {  	s29 =	sadd.s32 $0x40, s10;
	v61 =	vld [tilespmem:s7+$0xFFFFFFE0];
	v10 =	vor.u32 s26, v2  }
0x5b0: {  	s30 =	sadd.s32 $0x50, s10;
	v12 =	vld [tilespmem:s7+$0xFFFFFFF0];
	v11 =	vor.u32 s29, v2  }
0x5b1: {  	s8 =	sor.u32 $0x7, s6;
	s31 =	sadd.s32 $0x60, s10;
	v63 =	vld [tilespmem:s7+$0xFFFFFF90];
	v13 =	vor.u32 s30, v2  }
0x5b2: {  	s28 =	sadd.s32 $0x30, s10;
	v62 =	vmov s8;
	v14 =	vor.u32 s31, v2;
	[tilespmem:v4+s23+$0x0] =	vst.idx.add.f32.msk $0xffff, v3  }
0x5b3: {  	v3 =	vor.u32 s28, v2;
	[tilespmem:v8+s23+$0x0] =	vst.idx.add.f32.msk $0xffff, v5;
	v5 =	vand.u32 $0xFFFFFFF7, v62  }
0x5b4: {  	v2 =	vor.u32 s10, v2;
	[tilespmem:v10+s23+$0x0] =	vst.idx.add.f32.msk $0xffff, v6;
	v5 =	vbroadcast v5, $0x0  }
0x5b5: {  	[tilespmem:v11+s23+$0x0] =	vst.idx.add.f32.msk $0xffff, v9  }
0x5b6: {  	[tilespmem:v13+s23+$0x0] =	vst.idx.add.f32.msk $0xffff, v61  }
0x5b7: {  	[tilespmem:v14+s23+$0x0] =	vst.idx.add.f32.msk $0xffff, v12  }
0x5b8: {  	[tilespmem:v3+s23+$0x0] =	vst.idx.add.f32.msk $0xffff, v7  }
0x5b9: {  	[tilespmem:v2+s23+$0x0] =	vst.idx.add.f32.msk $0xffff, v63  }
0x5ba: {  	v2 =	vld.idx.msk [tilespmem:v5+s22+$0x0], $0xffff;
	_ =	sdelay $0x4  }
0x5bb: {  	s7 =	sadd.s32 $0x43F0, s0;
	v2 =	vshll.u32 v2, $0x9  }
0x5bc: {  	s13 =	simm.s32 $0x70;
	s11 =	simm.s32 $0x80;
	s10 =	simm.s32 $0x0;
	v2 =	vor.u32 v1, v2  }
.LBB2_66:
0x5bd: {  	p1 =	slt.u32 s11, $0x180;
	v3 =	vld [tilespmem:s7+$0x0];
	v4 =	vor.u32 s13, v2  }
0x5be: {  	v5 =	vld [tilespmem:s7+$0xFFFFFFA0]  }
0x5bf: {  	v6 =	vld [tilespmem:s7+$0xFFFFFFB0]  }
0x5c0: {  	s1 =	sadd.s32 $0x10, s10;
	v7 =	vld [tilespmem:s7+$0xFFFFFFC0]  }
0x5c1: {  	v8 =	vor.u32 s1, v2;
	s1 =	sadd.s32 $0x20, s10;
	v9 =	vld [tilespmem:s7+$0xFFFFFFD0]  }
0x5c2: {  	v10 =	vor.u32 s1, v2;
	s1 =	sadd.s32 $0x30, s10;
	[tilespmem:v4+s23+$0x0] =	vst.idx.add.f32.msk $0xffff, v3  }
0x5c3: {  	v3 =	vor.u32 s1, v2;
	s1 =	sadd.s32 $0x40, s10;
	v4 =	vld [tilespmem:s7+$0xFFFFFFE0]  }
0x5c4: {  	v11 =	vor.u32 s1, v2;
	s1 =	sadd.s32 $0x50, s10;
	v12 =	vld [tilespmem:s7+$0xFFFFFFF0]  }
0x5c5: {  	v14 =	vor.u32 s1, v2;
	s1 =	sadd.s32 $0x60, s10;
	v13 =	vld [tilespmem:s7+$0xFFFFFF90]  }
0x5c6: {  	[tilespmem:v8+s23+$0x0] =	vst.idx.add.f32.msk $0xffff, v5;
	v5 =	vor.u32 s1, v2  }
0x5c7: {  	v8 =	vor.u32 s10, v2;
	s10 =	smov.u32 s11;
	[tilespmem:v10+s23+$0x0] =	vst.idx.add.f32.msk $0xffff, v6  }
.Ltmp47:
0x5c8: {  	[tilespmem:v3+s23+$0x0] =	vst.idx.add.f32.msk $0xffff, v7;
	(pc) =	sbr.rel @p1 .LBB2_66-.Ltmp47, $4  }
0x5c9: {  	[tilespmem:v11+s23+$0x0] =	vst.idx.add.f32.msk $0xffff, v9  }
0x5ca: {  	[tilespmem:v14+s23+$0x0] =	vst.idx.add.f32.msk $0xffff, v4  }
0x5cb: {  	[tilespmem:v5+s23+$0x0] =	vst.idx.add.f32.msk $0xffff, v12  }
0x5cc: {  	s7 =	sadd.s32 $0x400, s7;
	s11 =	sadd.s32 $0x80, s11;
	s13 =	sadd.s32 $0x70, s10;
	[tilespmem:v8+s23+$0x0] =	vst.idx.add.f32.msk $0xffff, v13  }
0x5cd: {  	v3 =	vld [tilespmem:s7+$0x0]  }
0x5ce: {  	v5 =	vld [tilespmem:s7+$0xFFFFFFA0]  }
0x5cf: {  	v6 =	vld [tilespmem:s7+$0xFFFFFFB0]  }
0x5d0: {  	v4 =	vor.u32 s13, v2;
	s1 =	sadd.s32 $0x10, s10;
	v7 =	vld [tilespmem:s7+$0xFFFFFFC0]  }
0x5d1: {  	s26 =	sadd.s32 $0x20, s10;
	v9 =	vld [tilespmem:s7+$0xFFFFFFD0];
	v8 =	vor.u32 s1, v2  }
0x5d2: {  	s29 =	sadd.s32 $0x40, s10;
	v60 =	vld [tilespmem:s7+$0xFFFFFFE0];
	v10 =	vor.u32 s26, v2  }
0x5d3: {  	s30 =	sadd.s32 $0x50, s10;
	v12 =	vld [tilespmem:s7+$0xFFFFFFF0];
	v11 =	vor.u32 s29, v2  }
0x5d4: {  	s8 =	sor.u32 $0x8, s6;
	s31 =	sadd.s32 $0x60, s10;
	v61 =	vld [tilespmem:s7+$0xFFFFFF90];
	v13 =	vor.u32 s30, v2  }
0x5d5: {  	s28 =	sadd.s32 $0x30, s10;
	v14 =	vmov s8;
	v62 =	vor.u32 s31, v2;
	[tilespmem:v4+s23+$0x0] =	vst.idx.add.f32.msk $0xffff, v3  }
0x5d6: {  	v14 =	vand.u32 $0xFFFFFFF8, v14;
	v3 =	vor.u32 s28, v2;
	[tilespmem:v8+s23+$0x0] =	vst.idx.add.f32.msk $0xffff, v5  }
0x5d7: {  	v63 =	vbroadcast v14, $0x0;
	v2 =	vor.u32 s10, v2;
	[tilespmem:v10+s23+$0x0] =	vst.idx.add.f32.msk $0xffff, v6  }
0x5d8: {  	[tilespmem:v11+s23+$0x0] =	vst.idx.add.f32.msk $0xffff, v9  }
0x5d9: {  	[tilespmem:v13+s23+$0x0] =	vst.idx.add.f32.msk $0xffff, v60  }
0x5da: {  	[tilespmem:v62+s23+$0x0] =	vst.idx.add.f32.msk $0xffff, v12  }
0x5db: {  	[tilespmem:v3+s23+$0x0] =	vst.idx.add.f32.msk $0xffff, v7  }
0x5dc: {  	[tilespmem:v2+s23+$0x0] =	vst.idx.add.f32.msk $0xffff, v61  }
0x5dd: {  	v2 =	vld.idx.msk [tilespmem:v63+s22+$0x0], $0xffff;
	_ =	sdelay $0x4  }
0x5de: {  	s0 =	sadd.s32 $0x5070, s0;
	v2 =	vshll.u32 v2, $0x9  }
0x5df: {  	s7 =	simm.s32 $0x0;
	s11 =	simm.s32 $0x70;
	s10 =	simm.s32 $0x80;
	v2 =	vor.u32 v1, v2  }
.LBB2_68:
0x5e0: {  	p1 =	slt.u32 s10, $0x180;
	v3 =	vld [tilespmem:s0+$0x0];
	v4 =	vor.u32 s11, v2  }
0x5e1: {  	v5 =	vld [tilespmem:s0+$0xFFFFFFA0]  }
0x5e2: {  	v6 =	vld [tilespmem:s0+$0xFFFFFFB0]  }
0x5e3: {  	s1 =	sadd.s32 $0x10, s7;
	v7 =	vld [tilespmem:s0+$0xFFFFFFC0]  }
0x5e4: {  	v8 =	vor.u32 s1, v2;
	s1 =	sadd.s32 $0x20, s7;
	v9 =	vld [tilespmem:s0+$0xFFFFFFD0]  }
0x5e5: {  	v10 =	vor.u32 s1, v2;
	s1 =	sadd.s32 $0x30, s7;
	[tilespmem:v4+s23+$0x0] =	vst.idx.add.f32.msk $0xffff, v3  }
0x5e6: {  	v3 =	vor.u32 s1, v2;
	s1 =	sadd.s32 $0x40, s7;
	v4 =	vld [tilespmem:s0+$0xFFFFFFE0]  }
0x5e7: {  	v11 =	vor.u32 s1, v2;
	s1 =	sadd.s32 $0x50, s7;
	v12 =	vld [tilespmem:s0+$0xFFFFFFF0]  }
0x5e8: {  	v14 =	vor.u32 s1, v2;
	s1 =	sadd.s32 $0x60, s7;
	v13 =	vld [tilespmem:s0+$0xFFFFFF90]  }
0x5e9: {  	[tilespmem:v8+s23+$0x0] =	vst.idx.add.f32.msk $0xffff, v5;
	v5 =	vor.u32 s1, v2  }
0x5ea: {  	v8 =	vor.u32 s7, v2;
	s7 =	smov.u32 s10;
	[tilespmem:v10+s23+$0x0] =	vst.idx.add.f32.msk $0xffff, v6  }
.Ltmp48:
0x5eb: {  	[tilespmem:v3+s23+$0x0] =	vst.idx.add.f32.msk $0xffff, v7;
	(pc) =	sbr.rel @p1 .LBB2_68-.Ltmp48, $4  }
0x5ec: {  	[tilespmem:v11+s23+$0x0] =	vst.idx.add.f32.msk $0xffff, v9  }
0x5ed: {  	[tilespmem:v14+s23+$0x0] =	vst.idx.add.f32.msk $0xffff, v4  }
0x5ee: {  	[tilespmem:v5+s23+$0x0] =	vst.idx.add.f32.msk $0xffff, v12  }
0x5ef: {  	s0 =	sadd.s32 $0x400, s0;
	s10 =	sadd.s32 $0x80, s10;
	s11 =	sadd.s32 $0x70, s7;
	[tilespmem:v8+s23+$0x0] =	vst.idx.add.f32.msk $0xffff, v13  }
0x5f0: {  	v3 =	vld [tilespmem:s0+$0x0]  }
0x5f1: {  	v5 =	vld [tilespmem:s0+$0xFFFFFFA0]  }
0x5f2: {  	v6 =	vld [tilespmem:s0+$0xFFFFFFB0]  }
0x5f3: {  	v4 =	vor.u32 s11, v2;
	s1 =	sadd.s32 $0x10, s7;
	v7 =	vld [tilespmem:s0+$0xFFFFFFC0]  }
0x5f4: {  	s21 =	sadd.s32 $0x20, s7;
	v9 =	vld [tilespmem:s0+$0xFFFFFFD0];
	v8 =	vor.u32 s1, v2  }
0x5f5: {  	s28 =	sadd.s32 $0x40, s7;
	v61 =	vld [tilespmem:s0+$0xFFFFFFE0];
	v10 =	vor.u32 s21, v2  }
0x5f6: {  	s29 =	sadd.s32 $0x50, s7;
	v12 =	vld [tilespmem:s0+$0xFFFFFFF0];
	v11 =	vor.u32 s28, v2  }
0x5f7: {  	s8 =	sor.u32 $0x9, s6;
	s30 =	sadd.s32 $0x60, s7;
	v63 =	vld [tilespmem:s0+$0xFFFFFF90];
	v13 =	vor.u32 s29, v2  }
0x5f8: {  	s26 =	sadd.s32 $0x30, s7;
	v62 =	vmov s8;
	v14 =	vor.u32 s30, v2;
	[tilespmem:v4+s23+$0x0] =	vst.idx.add.f32.msk $0xffff, v3  }
0x5f9: {  	v3 =	vor.u32 s26, v2;
	[tilespmem:v8+s23+$0x0] =	vst.idx.add.f32.msk $0xffff, v5;
	v5 =	vand.u32 $0xFFFFFFF9, v62  }
0x5fa: {  	v2 =	vor.u32 s7, v2;
	[tilespmem:v10+s23+$0x0] =	vst.idx.add.f32.msk $0xffff, v6;
	v5 =	vbroadcast v5, $0x0  }
0x5fb: {  	[tilespmem:v11+s23+$0x0] =	vst.idx.add.f32.msk $0xffff, v9  }
0x5fc: {  	[tilespmem:v13+s23+$0x0] =	vst.idx.add.f32.msk $0xffff, v61  }
0x5fd: {  	[tilespmem:v14+s23+$0x0] =	vst.idx.add.f32.msk $0xffff, v12  }
0x5fe: {  	[tilespmem:v3+s23+$0x0] =	vst.idx.add.f32.msk $0xffff, v7  }
0x5ff: {  	[tilespmem:v2+s23+$0x0] =	vst.idx.add.f32.msk $0xffff, v63  }
0x600: {  	v2 =	vld.idx.msk [tilespmem:v5+s22+$0x0], $0xffff;
	_ =	sdelay $0x2  }
0x601: {  	s31 =	sshll.u32 s8, $0xB  }
0x602: {  	s0 =	sshra.s32 s31, $0x2  }
0x603: {  	s11 =	simm.s32 $0x70;
	s0 =	sand.u32 $0xFFFFF000, s0;
	v2 =	vshll.u32 v2, $0x9  }
0x604: {  	s10 =	simm.s32 $0x80;
	s0 =	sadd.s32 $0x40F0, s0;
	s7 =	simm.s32 $0x0;
	v2 =	vor.u32 v1, v2  }
.LBB2_70:
0x605: {  	p1 =	slt.u32 s10, $0x180;
	v3 =	vld [tilespmem:s0+$0x0];
	v4 =	vor.u32 s11, v2  }
0x606: {  	v5 =	vld [tilespmem:s0+$0xFFFFFFA0]  }
0x607: {  	v6 =	vld [tilespmem:s0+$0xFFFFFFB0]  }
0x608: {  	s1 =	sadd.s32 $0x10, s7;
	v7 =	vld [tilespmem:s0+$0xFFFFFFC0]  }
0x609: {  	v8 =	vor.u32 s1, v2;
	s1 =	sadd.s32 $0x20, s7;
	v9 =	vld [tilespmem:s0+$0xFFFFFFD0]  }
0x60a: {  	v10 =	vor.u32 s1, v2;
	s1 =	sadd.s32 $0x30, s7;
	[tilespmem:v4+s23+$0x0] =	vst.idx.add.f32.msk $0xffff, v3  }
0x60b: {  	v3 =	vor.u32 s1, v2;
	s1 =	sadd.s32 $0x40, s7;
	v4 =	vld [tilespmem:s0+$0xFFFFFFE0]  }
0x60c: {  	v11 =	vor.u32 s1, v2;
	s1 =	sadd.s32 $0x50, s7;
	v12 =	vld [tilespmem:s0+$0xFFFFFFF0]  }
0x60d: {  	v14 =	vor.u32 s1, v2;
	s1 =	sadd.s32 $0x60, s7;
	v13 =	vld [tilespmem:s0+$0xFFFFFF90]  }
0x60e: {  	[tilespmem:v8+s23+$0x0] =	vst.idx.add.f32.msk $0xffff, v5;
	v5 =	vor.u32 s1, v2  }
0x60f: {  	v8 =	vor.u32 s7, v2;
	s7 =	smov.u32 s10;
	[tilespmem:v10+s23+$0x0] =	vst.idx.add.f32.msk $0xffff, v6  }
.Ltmp49:
0x610: {  	[tilespmem:v3+s23+$0x0] =	vst.idx.add.f32.msk $0xffff, v7;
	(pc) =	sbr.rel @p1 .LBB2_70-.Ltmp49, $4  }
0x611: {  	[tilespmem:v11+s23+$0x0] =	vst.idx.add.f32.msk $0xffff, v9  }
0x612: {  	[tilespmem:v14+s23+$0x0] =	vst.idx.add.f32.msk $0xffff, v4  }
0x613: {  	[tilespmem:v5+s23+$0x0] =	vst.idx.add.f32.msk $0xffff, v12  }
0x614: {  	s0 =	sadd.s32 $0x400, s0;
	s10 =	sadd.s32 $0x80, s10;
	s11 =	sadd.s32 $0x70, s7;
	[tilespmem:v8+s23+$0x0] =	vst.idx.add.f32.msk $0xffff, v13  }
0x615: {  	v3 =	vld [tilespmem:s0+$0x0]  }
0x616: {  	v5 =	vld [tilespmem:s0+$0xFFFFFFA0]  }
0x617: {  	v6 =	vld [tilespmem:s0+$0xFFFFFFB0]  }
0x618: {  	v4 =	vor.u32 s11, v2;
	s1 =	sadd.s32 $0x10, s7;
	v7 =	vld [tilespmem:s0+$0xFFFFFFC0]  }
0x619: {  	s21 =	sadd.s32 $0x20, s7;
	v9 =	vld [tilespmem:s0+$0xFFFFFFD0];
	v8 =	vor.u32 s1, v2  }
0x61a: {  	s28 =	sadd.s32 $0x40, s7;
	v61 =	vld [tilespmem:s0+$0xFFFFFFE0];
	v10 =	vor.u32 s21, v2  }
0x61b: {  	s29 =	sadd.s32 $0x50, s7;
	v12 =	vld [tilespmem:s0+$0xFFFFFFF0];
	v11 =	vor.u32 s28, v2  }
0x61c: {  	s8 =	sor.u32 $0xA, s6;
	s30 =	sadd.s32 $0x60, s7;
	v63 =	vld [tilespmem:s0+$0xFFFFFF90];
	v13 =	vor.u32 s29, v2  }
0x61d: {  	s26 =	sadd.s32 $0x30, s7;
	v62 =	vmov s8;
	v14 =	vor.u32 s30, v2;
	[tilespmem:v4+s23+$0x0] =	vst.idx.add.f32.msk $0xffff, v3  }
0x61e: {  	v3 =	vor.u32 s26, v2;
	[tilespmem:v8+s23+$0x0] =	vst.idx.add.f32.msk $0xffff, v5;
	v5 =	vand.u32 $0xFFFFFFFA, v62  }
0x61f: {  	v2 =	vor.u32 s7, v2;
	[tilespmem:v10+s23+$0x0] =	vst.idx.add.f32.msk $0xffff, v6;
	v5 =	vbroadcast v5, $0x0  }
0x620: {  	[tilespmem:v11+s23+$0x0] =	vst.idx.add.f32.msk $0xffff, v9  }
0x621: {  	[tilespmem:v13+s23+$0x0] =	vst.idx.add.f32.msk $0xffff, v61  }
0x622: {  	[tilespmem:v14+s23+$0x0] =	vst.idx.add.f32.msk $0xffff, v12  }
0x623: {  	[tilespmem:v3+s23+$0x0] =	vst.idx.add.f32.msk $0xffff, v7  }
0x624: {  	[tilespmem:v2+s23+$0x0] =	vst.idx.add.f32.msk $0xffff, v63  }
0x625: {  	v2 =	vld.idx.msk [tilespmem:v5+s22+$0x0], $0xffff;
	_ =	sdelay $0x2  }
0x626: {  	s31 =	sshll.u32 s8, $0xB  }
0x627: {  	s0 =	sshra.s32 s31, $0x2  }
0x628: {  	s11 =	simm.s32 $0x70;
	s0 =	sand.u32 $0xFFFFF000, s0;
	v2 =	vshll.u32 v2, $0x9  }
0x629: {  	s10 =	simm.s32 $0x80;
	s0 =	sadd.s32 $0x4170, s0;
	s7 =	simm.s32 $0x0;
	v2 =	vor.u32 v1, v2  }
.LBB2_72:
0x62a: {  	p1 =	slt.u32 s10, $0x180;
	v3 =	vld [tilespmem:s0+$0x0];
	v4 =	vor.u32 s11, v2  }
0x62b: {  	v5 =	vld [tilespmem:s0+$0xFFFFFFA0]  }
0x62c: {  	v6 =	vld [tilespmem:s0+$0xFFFFFFB0]  }
0x62d: {  	s1 =	sadd.s32 $0x10, s7;
	v7 =	vld [tilespmem:s0+$0xFFFFFFC0]  }
0x62e: {  	v8 =	vor.u32 s1, v2;
	s1 =	sadd.s32 $0x20, s7;
	v9 =	vld [tilespmem:s0+$0xFFFFFFD0]  }
0x62f: {  	v10 =	vor.u32 s1, v2;
	s1 =	sadd.s32 $0x30, s7;
	[tilespmem:v4+s23+$0x0] =	vst.idx.add.f32.msk $0xffff, v3  }
0x630: {  	v3 =	vor.u32 s1, v2;
	s1 =	sadd.s32 $0x40, s7;
	v4 =	vld [tilespmem:s0+$0xFFFFFFE0]  }
0x631: {  	v11 =	vor.u32 s1, v2;
	s1 =	sadd.s32 $0x50, s7;
	v12 =	vld [tilespmem:s0+$0xFFFFFFF0]  }
0x632: {  	v14 =	vor.u32 s1, v2;
	s1 =	sadd.s32 $0x60, s7;
	v13 =	vld [tilespmem:s0+$0xFFFFFF90]  }
0x633: {  	[tilespmem:v8+s23+$0x0] =	vst.idx.add.f32.msk $0xffff, v5;
	v5 =	vor.u32 s1, v2  }
0x634: {  	v8 =	vor.u32 s7, v2;
	s7 =	smov.u32 s10;
	[tilespmem:v10+s23+$0x0] =	vst.idx.add.f32.msk $0xffff, v6  }
.Ltmp50:
0x635: {  	[tilespmem:v3+s23+$0x0] =	vst.idx.add.f32.msk $0xffff, v7;
	(pc) =	sbr.rel @p1 .LBB2_72-.Ltmp50, $4  }
0x636: {  	[tilespmem:v11+s23+$0x0] =	vst.idx.add.f32.msk $0xffff, v9  }
0x637: {  	[tilespmem:v14+s23+$0x0] =	vst.idx.add.f32.msk $0xffff, v4  }
0x638: {  	[tilespmem:v5+s23+$0x0] =	vst.idx.add.f32.msk $0xffff, v12  }
0x639: {  	s0 =	sadd.s32 $0x400, s0;
	s10 =	sadd.s32 $0x80, s10;
	s11 =	sadd.s32 $0x70, s7;
	[tilespmem:v8+s23+$0x0] =	vst.idx.add.f32.msk $0xffff, v13  }
0x63a: {  	v3 =	vld [tilespmem:s0+$0x0]  }
0x63b: {  	v5 =	vld [tilespmem:s0+$0xFFFFFFA0]  }
0x63c: {  	v6 =	vld [tilespmem:s0+$0xFFFFFFB0]  }
0x63d: {  	v4 =	vor.u32 s11, v2;
	s1 =	sadd.s32 $0x10, s7;
	v7 =	vld [tilespmem:s0+$0xFFFFFFC0]  }
0x63e: {  	s21 =	sadd.s32 $0x20, s7;
	v9 =	vld [tilespmem:s0+$0xFFFFFFD0];
	v8 =	vor.u32 s1, v2  }
0x63f: {  	s28 =	sadd.s32 $0x40, s7;
	v61 =	vld [tilespmem:s0+$0xFFFFFFE0];
	v10 =	vor.u32 s21, v2  }
0x640: {  	s29 =	sadd.s32 $0x50, s7;
	v12 =	vld [tilespmem:s0+$0xFFFFFFF0];
	v11 =	vor.u32 s28, v2  }
0x641: {  	s8 =	sor.u32 $0xB, s6;
	s30 =	sadd.s32 $0x60, s7;
	v63 =	vld [tilespmem:s0+$0xFFFFFF90];
	v13 =	vor.u32 s29, v2  }
0x642: {  	s26 =	sadd.s32 $0x30, s7;
	v62 =	vmov s8;
	v14 =	vor.u32 s30, v2;
	[tilespmem:v4+s23+$0x0] =	vst.idx.add.f32.msk $0xffff, v3  }
0x643: {  	v3 =	vor.u32 s26, v2;
	[tilespmem:v8+s23+$0x0] =	vst.idx.add.f32.msk $0xffff, v5;
	v5 =	vand.u32 $0xFFFFFFFB, v62  }
0x644: {  	v2 =	vor.u32 s7, v2;
	[tilespmem:v10+s23+$0x0] =	vst.idx.add.f32.msk $0xffff, v6;
	v5 =	vbroadcast v5, $0x0  }
0x645: {  	[tilespmem:v11+s23+$0x0] =	vst.idx.add.f32.msk $0xffff, v9  }
0x646: {  	[tilespmem:v13+s23+$0x0] =	vst.idx.add.f32.msk $0xffff, v61  }
0x647: {  	[tilespmem:v14+s23+$0x0] =	vst.idx.add.f32.msk $0xffff, v12  }
0x648: {  	[tilespmem:v3+s23+$0x0] =	vst.idx.add.f32.msk $0xffff, v7  }
0x649: {  	[tilespmem:v2+s23+$0x0] =	vst.idx.add.f32.msk $0xffff, v63  }
0x64a: {  	v2 =	vld.idx.msk [tilespmem:v5+s22+$0x0], $0xffff;
	_ =	sdelay $0x2  }
0x64b: {  	s31 =	sshll.u32 s8, $0xB  }
0x64c: {  	s0 =	sshra.s32 s31, $0x2  }
0x64d: {  	s11 =	simm.s32 $0x70;
	s0 =	sand.u32 $0xFFFFF000, s0;
	v2 =	vshll.u32 v2, $0x9  }
0x64e: {  	s10 =	simm.s32 $0x80;
	s0 =	sadd.s32 $0x41F0, s0;
	s7 =	simm.s32 $0x0;
	v2 =	vor.u32 v1, v2  }
.LBB2_74:
0x64f: {  	p1 =	slt.u32 s10, $0x180;
	v3 =	vld [tilespmem:s0+$0x0];
	v4 =	vor.u32 s11, v2  }
0x650: {  	v5 =	vld [tilespmem:s0+$0xFFFFFFA0]  }
0x651: {  	v6 =	vld [tilespmem:s0+$0xFFFFFFB0]  }
0x652: {  	s1 =	sadd.s32 $0x10, s7;
	v7 =	vld [tilespmem:s0+$0xFFFFFFC0]  }
0x653: {  	v8 =	vor.u32 s1, v2;
	s1 =	sadd.s32 $0x20, s7;
	v9 =	vld [tilespmem:s0+$0xFFFFFFD0]  }
0x654: {  	v10 =	vor.u32 s1, v2;
	s1 =	sadd.s32 $0x30, s7;
	[tilespmem:v4+s23+$0x0] =	vst.idx.add.f32.msk $0xffff, v3  }
0x655: {  	v3 =	vor.u32 s1, v2;
	s1 =	sadd.s32 $0x40, s7;
	v4 =	vld [tilespmem:s0+$0xFFFFFFE0]  }
0x656: {  	v11 =	vor.u32 s1, v2;
	s1 =	sadd.s32 $0x50, s7;
	v12 =	vld [tilespmem:s0+$0xFFFFFFF0]  }
0x657: {  	v14 =	vor.u32 s1, v2;
	s1 =	sadd.s32 $0x60, s7;
	v13 =	vld [tilespmem:s0+$0xFFFFFF90]  }
0x658: {  	[tilespmem:v8+s23+$0x0] =	vst.idx.add.f32.msk $0xffff, v5;
	v5 =	vor.u32 s1, v2  }
0x659: {  	v8 =	vor.u32 s7, v2;
	s7 =	smov.u32 s10;
	[tilespmem:v10+s23+$0x0] =	vst.idx.add.f32.msk $0xffff, v6  }
.Ltmp51:
0x65a: {  	[tilespmem:v3+s23+$0x0] =	vst.idx.add.f32.msk $0xffff, v7;
	(pc) =	sbr.rel @p1 .LBB2_74-.Ltmp51, $4  }
0x65b: {  	[tilespmem:v11+s23+$0x0] =	vst.idx.add.f32.msk $0xffff, v9  }
0x65c: {  	[tilespmem:v14+s23+$0x0] =	vst.idx.add.f32.msk $0xffff, v4  }
0x65d: {  	[tilespmem:v5+s23+$0x0] =	vst.idx.add.f32.msk $0xffff, v12  }
0x65e: {  	s0 =	sadd.s32 $0x400, s0;
	s10 =	sadd.s32 $0x80, s10;
	s11 =	sadd.s32 $0x70, s7;
	[tilespmem:v8+s23+$0x0] =	vst.idx.add.f32.msk $0xffff, v13  }
0x65f: {  	v3 =	vld [tilespmem:s0+$0x0]  }
0x660: {  	v5 =	vld [tilespmem:s0+$0xFFFFFFA0]  }
0x661: {  	v6 =	vld [tilespmem:s0+$0xFFFFFFB0]  }
0x662: {  	v4 =	vor.u32 s11, v2;
	s1 =	sadd.s32 $0x10, s7;
	v7 =	vld [tilespmem:s0+$0xFFFFFFC0]  }
0x663: {  	s21 =	sadd.s32 $0x20, s7;
	v9 =	vld [tilespmem:s0+$0xFFFFFFD0];
	v8 =	vor.u32 s1, v2  }
0x664: {  	s28 =	sadd.s32 $0x40, s7;
	v61 =	vld [tilespmem:s0+$0xFFFFFFE0];
	v10 =	vor.u32 s21, v2  }
0x665: {  	s29 =	sadd.s32 $0x50, s7;
	v12 =	vld [tilespmem:s0+$0xFFFFFFF0];
	v11 =	vor.u32 s28, v2  }
0x666: {  	s8 =	sor.u32 $0xC, s6;
	s30 =	sadd.s32 $0x60, s7;
	v63 =	vld [tilespmem:s0+$0xFFFFFF90];
	v13 =	vor.u32 s29, v2  }
0x667: {  	s26 =	sadd.s32 $0x30, s7;
	v62 =	vmov s8;
	v14 =	vor.u32 s30, v2;
	[tilespmem:v4+s23+$0x0] =	vst.idx.add.f32.msk $0xffff, v3  }
0x668: {  	v3 =	vor.u32 s26, v2;
	[tilespmem:v8+s23+$0x0] =	vst.idx.add.f32.msk $0xffff, v5;
	v5 =	vand.u32 $0xFFFFFFFC, v62  }
0x669: {  	v2 =	vor.u32 s7, v2;
	[tilespmem:v10+s23+$0x0] =	vst.idx.add.f32.msk $0xffff, v6;
	v5 =	vbroadcast v5, $0x0  }
0x66a: {  	[tilespmem:v11+s23+$0x0] =	vst.idx.add.f32.msk $0xffff, v9  }
0x66b: {  	[tilespmem:v13+s23+$0x0] =	vst.idx.add.f32.msk $0xffff, v61  }
0x66c: {  	[tilespmem:v14+s23+$0x0] =	vst.idx.add.f32.msk $0xffff, v12  }
0x66d: {  	[tilespmem:v3+s23+$0x0] =	vst.idx.add.f32.msk $0xffff, v7  }
0x66e: {  	[tilespmem:v2+s23+$0x0] =	vst.idx.add.f32.msk $0xffff, v63  }
0x66f: {  	v2 =	vld.idx.msk [tilespmem:v5+s22+$0x0], $0xffff;
	_ =	sdelay $0x2  }
0x670: {  	s31 =	sshll.u32 s8, $0xB  }
0x671: {  	s0 =	sshra.s32 s31, $0x2  }
0x672: {  	s11 =	simm.s32 $0x70;
	s0 =	sand.u32 $0xFFFFF000, s0;
	v2 =	vshll.u32 v2, $0x9  }
0x673: {  	s10 =	simm.s32 $0x80;
	s0 =	sadd.s32 $0x4270, s0;
	s7 =	simm.s32 $0x0;
	v2 =	vor.u32 v1, v2  }
.LBB2_76:
0x674: {  	p1 =	slt.u32 s10, $0x180;
	v3 =	vld [tilespmem:s0+$0x0];
	v4 =	vor.u32 s11, v2  }
0x675: {  	v5 =	vld [tilespmem:s0+$0xFFFFFFA0]  }
0x676: {  	v6 =	vld [tilespmem:s0+$0xFFFFFFB0]  }
0x677: {  	s1 =	sadd.s32 $0x10, s7;
	v7 =	vld [tilespmem:s0+$0xFFFFFFC0]  }
0x678: {  	v8 =	vor.u32 s1, v2;
	s1 =	sadd.s32 $0x20, s7;
	v9 =	vld [tilespmem:s0+$0xFFFFFFD0]  }
0x679: {  	v10 =	vor.u32 s1, v2;
	s1 =	sadd.s32 $0x30, s7;
	[tilespmem:v4+s23+$0x0] =	vst.idx.add.f32.msk $0xffff, v3  }
0x67a: {  	v3 =	vor.u32 s1, v2;
	s1 =	sadd.s32 $0x40, s7;
	v4 =	vld [tilespmem:s0+$0xFFFFFFE0]  }
0x67b: {  	v11 =	vor.u32 s1, v2;
	s1 =	sadd.s32 $0x50, s7;
	v12 =	vld [tilespmem:s0+$0xFFFFFFF0]  }
0x67c: {  	v14 =	vor.u32 s1, v2;
	s1 =	sadd.s32 $0x60, s7;
	v13 =	vld [tilespmem:s0+$0xFFFFFF90]  }
0x67d: {  	[tilespmem:v8+s23+$0x0] =	vst.idx.add.f32.msk $0xffff, v5;
	v5 =	vor.u32 s1, v2  }
0x67e: {  	v8 =	vor.u32 s7, v2;
	s7 =	smov.u32 s10;
	[tilespmem:v10+s23+$0x0] =	vst.idx.add.f32.msk $0xffff, v6  }
.Ltmp52:
0x67f: {  	[tilespmem:v3+s23+$0x0] =	vst.idx.add.f32.msk $0xffff, v7;
	(pc) =	sbr.rel @p1 .LBB2_76-.Ltmp52, $4  }
0x680: {  	[tilespmem:v11+s23+$0x0] =	vst.idx.add.f32.msk $0xffff, v9  }
0x681: {  	[tilespmem:v14+s23+$0x0] =	vst.idx.add.f32.msk $0xffff, v4  }
0x682: {  	[tilespmem:v5+s23+$0x0] =	vst.idx.add.f32.msk $0xffff, v12  }
0x683: {  	s0 =	sadd.s32 $0x400, s0;
	s10 =	sadd.s32 $0x80, s10;
	s11 =	sadd.s32 $0x70, s7;
	[tilespmem:v8+s23+$0x0] =	vst.idx.add.f32.msk $0xffff, v13  }
0x684: {  	v3 =	vld [tilespmem:s0+$0x0]  }
0x685: {  	v5 =	vld [tilespmem:s0+$0xFFFFFFA0]  }
0x686: {  	v6 =	vld [tilespmem:s0+$0xFFFFFFB0]  }
0x687: {  	v4 =	vor.u32 s11, v2;
	s1 =	sadd.s32 $0x10, s7;
	v7 =	vld [tilespmem:s0+$0xFFFFFFC0]  }
0x688: {  	s21 =	sadd.s32 $0x20, s7;
	v9 =	vld [tilespmem:s0+$0xFFFFFFD0];
	v8 =	vor.u32 s1, v2  }
0x689: {  	s28 =	sadd.s32 $0x40, s7;
	v61 =	vld [tilespmem:s0+$0xFFFFFFE0];
	v10 =	vor.u32 s21, v2  }
0x68a: {  	s29 =	sadd.s32 $0x50, s7;
	v12 =	vld [tilespmem:s0+$0xFFFFFFF0];
	v11 =	vor.u32 s28, v2  }
0x68b: {  	s8 =	sor.u32 $0xD, s6;
	s30 =	sadd.s32 $0x60, s7;
	v63 =	vld [tilespmem:s0+$0xFFFFFF90];
	v13 =	vor.u32 s29, v2  }
0x68c: {  	s26 =	sadd.s32 $0x30, s7;
	v62 =	vmov s8;
	v14 =	vor.u32 s30, v2;
	[tilespmem:v4+s23+$0x0] =	vst.idx.add.f32.msk $0xffff, v3  }
0x68d: {  	v3 =	vor.u32 s26, v2;
	[tilespmem:v8+s23+$0x0] =	vst.idx.add.f32.msk $0xffff, v5;
	v5 =	vand.u32 $0xFFFFFFFD, v62  }
0x68e: {  	v2 =	vor.u32 s7, v2;
	[tilespmem:v10+s23+$0x0] =	vst.idx.add.f32.msk $0xffff, v6;
	v5 =	vbroadcast v5, $0x0  }
0x68f: {  	[tilespmem:v11+s23+$0x0] =	vst.idx.add.f32.msk $0xffff, v9  }
0x690: {  	[tilespmem:v13+s23+$0x0] =	vst.idx.add.f32.msk $0xffff, v61  }
0x691: {  	[tilespmem:v14+s23+$0x0] =	vst.idx.add.f32.msk $0xffff, v12  }
0x692: {  	[tilespmem:v3+s23+$0x0] =	vst.idx.add.f32.msk $0xffff, v7  }
0x693: {  	[tilespmem:v2+s23+$0x0] =	vst.idx.add.f32.msk $0xffff, v63  }
0x694: {  	v2 =	vld.idx.msk [tilespmem:v5+s22+$0x0], $0xffff;
	_ =	sdelay $0x2  }
0x695: {  	s31 =	sshll.u32 s8, $0xB  }
0x696: {  	s0 =	sshra.s32 s31, $0x2  }
0x697: {  	s11 =	simm.s32 $0x70;
	s0 =	sand.u32 $0xFFFFF000, s0;
	v2 =	vshll.u32 v2, $0x9  }
0x698: {  	s10 =	simm.s32 $0x80;
	s0 =	sadd.s32 $0x42F0, s0;
	s7 =	simm.s32 $0x0;
	v2 =	vor.u32 v1, v2  }
.LBB2_78:
0x699: {  	p1 =	slt.u32 s10, $0x180;
	v3 =	vld [tilespmem:s0+$0x0];
	v4 =	vor.u32 s11, v2  }
0x69a: {  	v5 =	vld [tilespmem:s0+$0xFFFFFFA0]  }
0x69b: {  	v6 =	vld [tilespmem:s0+$0xFFFFFFB0]  }
0x69c: {  	s1 =	sadd.s32 $0x10, s7;
	v7 =	vld [tilespmem:s0+$0xFFFFFFC0]  }
0x69d: {  	v8 =	vor.u32 s1, v2;
	s1 =	sadd.s32 $0x20, s7;
	v9 =	vld [tilespmem:s0+$0xFFFFFFD0]  }
0x69e: {  	v10 =	vor.u32 s1, v2;
	s1 =	sadd.s32 $0x30, s7;
	[tilespmem:v4+s23+$0x0] =	vst.idx.add.f32.msk $0xffff, v3  }
0x69f: {  	v3 =	vor.u32 s1, v2;
	s1 =	sadd.s32 $0x40, s7;
	v4 =	vld [tilespmem:s0+$0xFFFFFFE0]  }
0x6a0: {  	v11 =	vor.u32 s1, v2;
	s1 =	sadd.s32 $0x50, s7;
	v12 =	vld [tilespmem:s0+$0xFFFFFFF0]  }
0x6a1: {  	v14 =	vor.u32 s1, v2;
	s1 =	sadd.s32 $0x60, s7;
	v13 =	vld [tilespmem:s0+$0xFFFFFF90]  }
0x6a2: {  	[tilespmem:v8+s23+$0x0] =	vst.idx.add.f32.msk $0xffff, v5;
	v5 =	vor.u32 s1, v2  }
0x6a3: {  	v8 =	vor.u32 s7, v2;
	s7 =	smov.u32 s10;
	[tilespmem:v10+s23+$0x0] =	vst.idx.add.f32.msk $0xffff, v6  }
.Ltmp53:
0x6a4: {  	[tilespmem:v3+s23+$0x0] =	vst.idx.add.f32.msk $0xffff, v7;
	(pc) =	sbr.rel @p1 .LBB2_78-.Ltmp53, $4  }
0x6a5: {  	[tilespmem:v11+s23+$0x0] =	vst.idx.add.f32.msk $0xffff, v9  }
0x6a6: {  	[tilespmem:v14+s23+$0x0] =	vst.idx.add.f32.msk $0xffff, v4  }
0x6a7: {  	[tilespmem:v5+s23+$0x0] =	vst.idx.add.f32.msk $0xffff, v12  }
0x6a8: {  	s0 =	sadd.s32 $0x400, s0;
	s10 =	sadd.s32 $0x80, s10;
	s11 =	sadd.s32 $0x70, s7;
	[tilespmem:v8+s23+$0x0] =	vst.idx.add.f32.msk $0xffff, v13  }
0x6a9: {  	v3 =	vld [tilespmem:s0+$0x0]  }
0x6aa: {  	v5 =	vld [tilespmem:s0+$0xFFFFFFA0]  }
0x6ab: {  	v6 =	vld [tilespmem:s0+$0xFFFFFFB0]  }
0x6ac: {  	v4 =	vor.u32 s11, v2;
	s1 =	sadd.s32 $0x10, s7;
	v7 =	vld [tilespmem:s0+$0xFFFFFFC0]  }
0x6ad: {  	s21 =	sadd.s32 $0x20, s7;
	v9 =	vld [tilespmem:s0+$0xFFFFFFD0];
	v8 =	vor.u32 s1, v2  }
0x6ae: {  	s28 =	sadd.s32 $0x40, s7;
	v61 =	vld [tilespmem:s0+$0xFFFFFFE0];
	v10 =	vor.u32 s21, v2  }
0x6af: {  	s29 =	sadd.s32 $0x50, s7;
	v12 =	vld [tilespmem:s0+$0xFFFFFFF0];
	v11 =	vor.u32 s28, v2  }
0x6b0: {  	s8 =	sor.u32 $0xE, s6;
	s30 =	sadd.s32 $0x60, s7;
	v63 =	vld [tilespmem:s0+$0xFFFFFF90];
	v13 =	vor.u32 s29, v2  }
0x6b1: {  	s26 =	sadd.s32 $0x30, s7;
	v62 =	vmov s8;
	v14 =	vor.u32 s30, v2;
	[tilespmem:v4+s23+$0x0] =	vst.idx.add.f32.msk $0xffff, v3  }
0x6b2: {  	v3 =	vor.u32 s26, v2;
	[tilespmem:v8+s23+$0x0] =	vst.idx.add.f32.msk $0xffff, v5;
	v5 =	vand.u32 $0xFFFFFFFE, v62  }
0x6b3: {  	v2 =	vor.u32 s7, v2;
	[tilespmem:v10+s23+$0x0] =	vst.idx.add.f32.msk $0xffff, v6;
	v5 =	vbroadcast v5, $0x0  }
0x6b4: {  	[tilespmem:v11+s23+$0x0] =	vst.idx.add.f32.msk $0xffff, v9  }
0x6b5: {  	[tilespmem:v13+s23+$0x0] =	vst.idx.add.f32.msk $0xffff, v61  }
0x6b6: {  	[tilespmem:v14+s23+$0x0] =	vst.idx.add.f32.msk $0xffff, v12  }
0x6b7: {  	[tilespmem:v3+s23+$0x0] =	vst.idx.add.f32.msk $0xffff, v7  }
0x6b8: {  	[tilespmem:v2+s23+$0x0] =	vst.idx.add.f32.msk $0xffff, v63  }
0x6b9: {  	v2 =	vld.idx.msk [tilespmem:v5+s22+$0x0], $0xffff;
	_ =	sdelay $0x2  }
0x6ba: {  	s31 =	sshll.u32 s8, $0xB  }
0x6bb: {  	s0 =	sshra.s32 s31, $0x2  }
0x6bc: {  	s11 =	simm.s32 $0x70;
	s0 =	sand.u32 $0xFFFFF000, s0;
	v2 =	vshll.u32 v2, $0x9  }
0x6bd: {  	s10 =	simm.s32 $0x80;
	s7 =	sadd.s32 $0x4370, s0;
	s0 =	simm.s32 $0x0;
	v2 =	vor.u32 v1, v2  }
.LBB2_80:
0x6be: {  	p1 =	slt.u32 s10, $0x180;
	v3 =	vld [tilespmem:s7+$0x0];
	v4 =	vor.u32 s11, v2  }
0x6bf: {  	v5 =	vld [tilespmem:s7+$0xFFFFFFA0]  }
0x6c0: {  	v6 =	vld [tilespmem:s7+$0xFFFFFFB0]  }
0x6c1: {  	s1 =	sadd.s32 $0x10, s0;
	v7 =	vld [tilespmem:s7+$0xFFFFFFC0]  }
0x6c2: {  	v8 =	vor.u32 s1, v2;
	s1 =	sadd.s32 $0x20, s0;
	v9 =	vld [tilespmem:s7+$0xFFFFFFD0]  }
0x6c3: {  	v10 =	vor.u32 s1, v2;
	s1 =	sadd.s32 $0x30, s0;
	[tilespmem:v4+s23+$0x0] =	vst.idx.add.f32.msk $0xffff, v3  }
0x6c4: {  	v3 =	vor.u32 s1, v2;
	s1 =	sadd.s32 $0x40, s0;
	v4 =	vld [tilespmem:s7+$0xFFFFFFE0]  }
0x6c5: {  	v11 =	vor.u32 s1, v2;
	s1 =	sadd.s32 $0x50, s0;
	v12 =	vld [tilespmem:s7+$0xFFFFFFF0]  }
0x6c6: {  	v14 =	vor.u32 s1, v2;
	s1 =	sadd.s32 $0x60, s0;
	v13 =	vld [tilespmem:s7+$0xFFFFFF90]  }
0x6c7: {  	[tilespmem:v8+s23+$0x0] =	vst.idx.add.f32.msk $0xffff, v5;
	v5 =	vor.u32 s1, v2  }
0x6c8: {  	v8 =	vor.u32 s0, v2;
	s0 =	smov.u32 s10;
	[tilespmem:v10+s23+$0x0] =	vst.idx.add.f32.msk $0xffff, v6  }
.Ltmp54:
0x6c9: {  	[tilespmem:v3+s23+$0x0] =	vst.idx.add.f32.msk $0xffff, v7;
	(pc) =	sbr.rel @p1 .LBB2_80-.Ltmp54, $4  }
0x6ca: {  	[tilespmem:v11+s23+$0x0] =	vst.idx.add.f32.msk $0xffff, v9  }
0x6cb: {  	[tilespmem:v14+s23+$0x0] =	vst.idx.add.f32.msk $0xffff, v4  }
0x6cc: {  	[tilespmem:v5+s23+$0x0] =	vst.idx.add.f32.msk $0xffff, v12  }
0x6cd: {  	s7 =	sadd.s32 $0x400, s7;
	s10 =	sadd.s32 $0x80, s10;
	s11 =	sadd.s32 $0x70, s0;
	[tilespmem:v8+s23+$0x0] =	vst.idx.add.f32.msk $0xffff, v13  }
0x6ce: {  	v3 =	vld [tilespmem:s7+$0x0]  }
0x6cf: {  	v4 =	vor.u32 s11, v2;
	v5 =	vld [tilespmem:s7+$0xFFFFFFA0]  }
0x6d0: {  	v6 =	vld [tilespmem:s7+$0xFFFFFFB0]  }
0x6d1: {  	s1 =	sadd.s32 $0x10, s0;
	v7 =	vld [tilespmem:s7+$0xFFFFFFC0]  }
0x6d2: {  	s21 =	sadd.s32 $0x20, s0;
	v9 =	vld [tilespmem:s7+$0xFFFFFFD0];
	v8 =	vor.u32 s1, v2  }
0x6d3: {  	s26 =	sadd.s32 $0x30, s0;
	v62 =	vld [tilespmem:s7+$0xFFFFFFE0];
	v10 =	vor.u32 s21, v2  }
0x6d4: {  	s28 =	sadd.s32 $0x40, s0;
	[tilespmem:v4+s23+$0x0] =	vst.idx.add.f32.msk $0xffff, v3;
	v3 =	vor.u32 s26, v2  }
0x6d5: {  	s29 =	sadd.s32 $0x50, s0;
	v12 =	vld [tilespmem:s7+$0xFFFFFFF0];
	v11 =	vor.u32 s28, v2  }
0x6d6: {  	v13 =	vld [tilespmem:s7+$0xFFFFFF90];
	s30 =	sadd.s32 $0x60, s0;
	v14 =	vor.u32 s29, v2  }
0x6d7: {  	v63 =	vor.u32 s30, v2;
	[tilespmem:v8+s23+$0x0] =	vst.idx.add.f32.msk $0xffff, v5  }
0x6d8: {  	s31 =	sor.u32 $0xF, s6;
	v2 =	vor.u32 s0, v2;
	[tilespmem:v10+s23+$0x0] =	vst.idx.add.f32.msk $0xffff, v6  }
0x6d9: {  	[tilespmem:v3+s23+$0x0] =	vst.idx.add.f32.msk $0xffff, v7;
	v3 =	vmov s31  }
0x6da: {  	[tilespmem:v11+s23+$0x0] =	vst.idx.add.f32.msk $0xffff, v9  }
0x6db: {  	[tilespmem:v14+s23+$0x0] =	vst.idx.add.f32.msk $0xffff, v62  }
0x6dc: {  	[tilespmem:v63+s23+$0x0] =	vst.idx.add.f32.msk $0xffff, v12  }
0x6dd: {  	[tilespmem:v2+s23+$0x0] =	vst.idx.add.f32.msk $0xffff, v13  }
0x6de: {  	v2 =	vld.idx.msk [tilespmem:v3+s22+$0x0], $0xffff;
	_ =	sdelay $0x2  }
0x6df: {  	s0 =	sshll.u32 s31, $0xB  }
0x6e0: {  	s0 =	sshra.s32 s0, $0x2  }
0x6e1: {  	s10 =	simm.s32 $0x70;
	s0 =	sand.u32 $0xFFFFF000, s0;
	v2 =	vshll.u32 v2, $0x9  }
0x6e2: {  	s7 =	simm.s32 $0x80;
	s6 =	sadd.s32 $0x43F0, s0;
	s0 =	simm.s32 $0x0;
	v2 =	vor.u32 v1, v2  }
.LBB2_82:
0x6e3: {  	p1 =	slt.u32 s7, $0x180;
	v3 =	vld [tilespmem:s6+$0x0];
	v4 =	vor.u32 s10, v2  }
0x6e4: {  	v5 =	vld [tilespmem:s6+$0xFFFFFFA0]  }
0x6e5: {  	v6 =	vld [tilespmem:s6+$0xFFFFFFB0]  }
0x6e6: {  	s1 =	sadd.s32 $0x10, s0;
	v7 =	vld [tilespmem:s6+$0xFFFFFFC0]  }
0x6e7: {  	v8 =	vor.u32 s1, v2;
	s1 =	sadd.s32 $0x20, s0;
	v9 =	vld [tilespmem:s6+$0xFFFFFFD0]  }
0x6e8: {  	v10 =	vor.u32 s1, v2;
	s1 =	sadd.s32 $0x30, s0;
	[tilespmem:v4+s23+$0x0] =	vst.idx.add.f32.msk $0xffff, v3  }
0x6e9: {  	v3 =	vor.u32 s1, v2;
	s1 =	sadd.s32 $0x40, s0;
	v4 =	vld [tilespmem:s6+$0xFFFFFFE0]  }
0x6ea: {  	v11 =	vor.u32 s1, v2;
	s1 =	sadd.s32 $0x50, s0;
	v12 =	vld [tilespmem:s6+$0xFFFFFFF0]  }
0x6eb: {  	v14 =	vor.u32 s1, v2;
	s1 =	sadd.s32 $0x60, s0;
	v13 =	vld [tilespmem:s6+$0xFFFFFF90]  }
0x6ec: {  	[tilespmem:v8+s23+$0x0] =	vst.idx.add.f32.msk $0xffff, v5;
	v5 =	vor.u32 s1, v2  }
0x6ed: {  	v8 =	vor.u32 s0, v2;
	s0 =	smov.u32 s7;
	[tilespmem:v10+s23+$0x0] =	vst.idx.add.f32.msk $0xffff, v6  }
.Ltmp55:
0x6ee: {  	[tilespmem:v3+s23+$0x0] =	vst.idx.add.f32.msk $0xffff, v7;
	(pc) =	sbr.rel @p1 .LBB2_82-.Ltmp55, $4  }
0x6ef: {  	[tilespmem:v11+s23+$0x0] =	vst.idx.add.f32.msk $0xffff, v9  }
0x6f0: {  	[tilespmem:v14+s23+$0x0] =	vst.idx.add.f32.msk $0xffff, v4  }
0x6f1: {  	[tilespmem:v5+s23+$0x0] =	vst.idx.add.f32.msk $0xffff, v12  }
0x6f2: {  	s6 =	sadd.s32 $0x400, s6;
	s7 =	sadd.s32 $0x80, s7;
	s10 =	sadd.s32 $0x70, s0;
	[tilespmem:v8+s23+$0x0] =	vst.idx.add.f32.msk $0xffff, v13  }
0x6f3: {  	v3 =	vld [tilespmem:s6+$0x0]  }
0x6f4: {  	v5 =	vld [tilespmem:s6+$0xFFFFFFA0]  }
0x6f5: {  	v6 =	vld [tilespmem:s6+$0xFFFFFFB0]  }
0x6f6: {  	v4 =	vor.u32 s10, v2;
	s1 =	sadd.s32 $0x10, s0;
	v7 =	vld [tilespmem:s6+$0xFFFFFFC0]  }
0x6f7: {  	s26 =	sadd.s32 $0x20, s0;
	v9 =	vld [tilespmem:s6+$0xFFFFFFD0];
	v8 =	vor.u32 s1, v2  }
0x6f8: {  	s29 =	sadd.s32 $0x40, s0;
	v62 =	vld [tilespmem:s6+$0xFFFFFFE0];
	v10 =	vor.u32 s26, v2  }
0x6f9: {  	s30 =	sadd.s32 $0x50, s0;
	v12 =	vld [tilespmem:s6+$0xFFFFFFF0];
	v11 =	vor.u32 s29, v2  }
0x6fa: {  	v13 =	vld [tilespmem:s6+$0xFFFFFF90];
	s31 =	sadd.s32 $0x60, s0;
	v14 =	vor.u32 s30, v2  }
0x6fb: {  	s28 =	sadd.s32 $0x30, s0;
	v63 =	vor.u32 s31, v2;
	[tilespmem:v4+s23+$0x0] =	vst.idx.add.f32.msk $0xffff, v3  }
0x6fc: {  	v3 =	vor.u32 s28, v2;
	[tilespmem:v8+s23+$0x0] =	vst.idx.add.f32.msk $0xffff, v5  }
0x6fd: {  	v2 =	vor.u32 s0, v2;
	[tilespmem:v10+s23+$0x0] =	vst.idx.add.f32.msk $0xffff, v6  }
.Ltmp56:
0x6fe: {  	[tilespmem:v11+s23+$0x0] =	vst.idx.add.f32.msk $0xffff, v9;
	(pc) =	sbr.rel .LBB2_91-.Ltmp56, $4  }
0x6ff: {  	[tilespmem:v14+s23+$0x0] =	vst.idx.add.f32.msk $0xffff, v62  }
0x700: {  	[tilespmem:v63+s23+$0x0] =	vst.idx.add.f32.msk $0xffff, v12  }
0x701: {  	[tilespmem:v3+s23+$0x0] =	vst.idx.add.f32.msk $0xffff, v7  }
0x702: {  	[tilespmem:v2+s23+$0x0] =	vst.idx.add.f32.msk $0xffff, v13  }
.LBB2_87:
.Ltmp57:
0x703: {  	(pc) =	sbr.rel .LBB2_90-.Ltmp57, $2  }
0x704: {  	_ =	sdelay $0x2  }
0x705: {  	v2 =	vmov v3;
	v3 =	vmov v7  }
.LBB2_93:
0x706: {  	_ =	swait.ge [sflag:s19], $0x4000  }
.Ltmp58:
0x707: {  	[sflag:s19] =	ssyncset.done $0x0;
	(pc) =	sbr.rel .LBB2_94-.Ltmp58, $4  }
0x708: {  	[sflag:s19] =	ssyncadd.s32 $0xFFFFC000  }
0x709: {  	_ =	swait.ge [sflag:s20], $0x20  }
0x70a: {  	s0 =	simm.s32 $0x0;
	[sflag:s20] =	ssyncset.done $0x0  }
0x70b: {  	s6 =	simm.s32 $0x80;
	s7 =	simm.s32 $0x400;
	[sflag:s20] =	ssyncadd.s32 $0xFFFFFFE0  }
.LBB2_98:
0x70c: {  	[bflag:$0x0] =	sbarrier.arrive $0xFFFF;
	s4 =	simm.s32 $0x1A300  }
.LBB2_99:
0x70d: {  	s1 =	sshll.u32 s0, $0xA;
	s5 =	rddreg [dreg:$0xf]  }
0x70e: {  	s1 =	sadd.s32 s5, s1  }
0x70f: {  	s31 =	rddreg [dreg:$0xc];
	s0 =	sadd.s32 $0x1, s0;
	s1 =	sand.u32 $0x3E00, s1  }
0x710: {  	p0 =	sne.s32 s0, $0x8;
	s1 =	sadd.s32 s1, s31  }
0x711: {  	[hbm4b:s1+s6] =	stream.strided.scatter [tilespmem:s4], [sflag:$0x5], $0x200, s7, s6, $0x38;
	[tilespmem:$0x1C500] =	vst v63  }
.Ltmp59:
0x712: {  	_ =	swait.ge [sflag:s17], $0x200;
	(pc) =	sbr.rel @!p0 .LBB2_100-.Ltmp59, $3  }
0x713: {  	[sflag:s17] =	ssyncset.done $0x0  }
0x714: {  	[sflag:s17] =	ssyncadd.s32 $0xFFFFFE00  }
0x715: {  	[bflag:$0x0] =	sbarrier.arrive $0xFFFF;
	_ =	sdelay $0x1  }
.LBB2_94:
0x716: {  	p0 =	slt.s32 s0, s18  }
0x717: {  	p1 =	sgt.s32 @!p0 s0, s3  }
0x718: {  	p0 =	por p0, p1  }
.Ltmp60:
0x719: {  	_ = 	snop;
	(pc) =	sbr.rel @p0 .LBB2_98-.Ltmp60, $1  }
0x71a: {  	_ =	sdelay $0x3  }
0x71b: {  	s1 =	sshll.u32 s0, $0xD  }
0x71c: {  	s1 =	sand.u32 $0x3FFFE000, s1  }
0x71d: {  	s4 =	rddreg [dreg:$0xa];
	s1 =	sadd.s32 $0x8100, s1  }
0x71e: {  	[spmem:s4] =	stream.strided.scatter [tilespmem:s1], [sflag:$0x5], $0x2000, s7, s6, $0x38;
	[tilespmem:$0x1C500] =	vst v63  }
0x71f: {  	_ =	swait.ge [sflag:s17], $0x2000  }
0x720: {  	[sflag:s17] =	ssyncset.done $0x0  }
0x721: {  	[sflag:s17] =	ssyncadd.s32 $0xFFFFE000  }
0x722: {  	s21 =	simm.s32 $0x1000;
	[bflag:$0x0] =	sbarrier.arrive $0xFFFF  }
0x723: {  	s5 =	simm.s32 $0x10000;
	s26 =	simm.s32 $0x18100;
	s14 =	rddreg [dreg:$0xb]  }
0x724: {  	[tilespmem:s26], [sflag:$0x5] =	stream.strided.gather [spmem:s14], $0x2000, s5, s21, $0x38;
	[tilespmem:$0x1C500] =	vst v63  }
0x725: {  	s28 =	simm.s32 $0x0;
	_ =	swait.ge [sflag:s17], $0x2000  }
0x726: {  	s29 =	sand.u32 $0x70, s28;
	s1 =	sand.u32 $0xC00, s28;
	[sflag:s17] =	ssyncset.done $0x0  }
0x727: {  	s1 =	sor.u32 s29, s1;
	[sflag:s17] =	ssyncadd.s32 $0xFFFFE000  }
0x728: {  	v2 =	vld [tilespmem:s1+$0x18180]  }
0x729: {  	v3 =	vld [tilespmem:s1+$0x18100]  }
0x72a: {  	v4 =	vld [tilespmem:s1+$0x18200]  }
0x72b: {  	v5 =	vld [tilespmem:s1+$0x18280]  }
0x72c: {  	v6 =	vld [tilespmem:s1+$0x18300]  }
0x72d: {  	v7 =	vld [tilespmem:s1+$0x18380]  }
0x72e: {  	v8 =	vld [tilespmem:s1+$0x18400]  }
0x72f: {  	v9 =	vld [tilespmem:s1+$0x18480]  }
0x730: {  	v10 =	vld [tilespmem:s1+$0x19100]  }
0x731: {  	v11 =	vld [tilespmem:s1+$0x19180]  }
0x732: {  	v12 =	vld [tilespmem:s1+$0x19200]  }
0x733: {  	v13 =	vld [tilespmem:s1+$0x19280]  }
0x734: {  	v14 =	vld [tilespmem:s1+$0x19300]  }
0x735: {  	v15 =	vld [tilespmem:s1+$0x19380]  }
0x736: {  	v16 =	vld [tilespmem:s1+$0x19400]  }
0x737: {  	v17 =	vld [tilespmem:s1+$0x19480];
	_ =	sdelay $0x1  }
0x738: {  	v2 =	vadd.f32 v2, v3;
	v3 =	vadd.f32 v5, v4  }
0x739: {  	v4 =	vadd.f32 v7, v6;
	v5 =	vadd.f32 v9, v8  }
0x73a: {  	v6 =	vadd.f32 v11, v10;
	v7 =	vadd.f32 v13, v12  }
0x73b: {  	v8 =	vadd.f32 v15, v14;
	v9 =	vadd.f32 v17, v16  }
0x73c: {  	v2 =	vadd.f32 v3, v2;
	v3 =	vadd.f32 v5, v4  }
0x73d: {  	v4 =	vadd.f32 v7, v6;
	v5 =	vadd.f32 v9, v8;
	_ =	sdelay $0x1  }
0x73e: {  	v2 =	vadd.f32 v3, v2;
	v3 =	vadd.f32 v5, v4;
	_ =	sdelay $0x1  }
0x73f: {  	s30 =	simm.s32 $0x10;
	s5 =	simm.s32 $0x80;
	v2 =	vadd.f32 v3, v2  }
0x740: {  	s4 =	simm.s32 $0x1A100;
	s31 =	sand.u32 $0xC00, s5;
	s1 =	sand.u32 $0x70, s30  }
0x741: {  	s10 =	sor.u32 s1, s31;
	[tilespmem:s4+$0x0] =	vst v2  }
0x742: {  	v2 =	vld [tilespmem:s10+$0x18180]  }
0x743: {  	v3 =	vld [tilespmem:s10+$0x18100]  }
0x744: {  	v4 =	vld [tilespmem:s10+$0x18200]  }
0x745: {  	v5 =	vld [tilespmem:s10+$0x18280]  }
0x746: {  	v6 =	vld [tilespmem:s10+$0x18300]  }
0x747: {  	v7 =	vld [tilespmem:s10+$0x18380]  }
0x748: {  	v8 =	vld [tilespmem:s10+$0x18400]  }
0x749: {  	v9 =	vld [tilespmem:s10+$0x18480]  }
0x74a: {  	v10 =	vld [tilespmem:s10+$0x19100]  }
0x74b: {  	v11 =	vld [tilespmem:s10+$0x19180]  }
0x74c: {  	v12 =	vld [tilespmem:s10+$0x19200]  }
0x74d: {  	v13 =	vld [tilespmem:s10+$0x19280]  }
0x74e: {  	v14 =	vld [tilespmem:s10+$0x19300]  }
0x74f: {  	s7 =	simm.s32 $0x20;
	s6 =	simm.s32 $0x1A100;
	v15 =	vld [tilespmem:s10+$0x19380]  }
.LBB2_96:
0x750: {  	p0 =	seq.s32 s7, $0x1F0;
	v16 =	vld [tilespmem:s10+$0x19400]  }
0x751: {  	v17 =	vld [tilespmem:s10+$0x19480];
	_ =	sdelay $0x1  }
0x752: {  	v2 =	vadd.f32 v2, v3;
	v3 =	vadd.f32 v5, v4  }
0x753: {  	v4 =	vadd.f32 v7, v6;
	v5 =	vadd.f32 v9, v8  }
0x754: {  	v6 =	vadd.f32 v11, v10;
	v7 =	vadd.f32 v13, v12  }
0x755: {  	v8 =	vadd.f32 v15, v14;
	v9 =	vadd.f32 v17, v16  }
0x756: {  	v2 =	vadd.f32 v3, v2;
	v3 =	vadd.f32 v5, v4  }
0x757: {  	v4 =	vadd.f32 v7, v6;
	v5 =	vadd.f32 v9, v8;
	_ =	sdelay $0x1  }
0x758: {  	v2 =	vadd.f32 v3, v2;
	v3 =	vadd.f32 v5, v4;
	_ =	sdelay $0x1  }
0x759: {  	s5 =	sadd.s32 $0x80, s5;
	v2 =	vadd.f32 v3, v2  }
0x75a: {  	s1 =	sand.u32 $0x70, s7;
	s6 =	sadd.s32 $0x10, s6;
	s8 =	sand.u32 $0xC00, s5  }
0x75b: {  	s10 =	sor.u32 s1, s8;
	[tilespmem:s6+$0x0] =	vst v2  }
0x75c: {  	v2 =	vld [tilespmem:s10+$0x18180]  }
0x75d: {  	v3 =	vld [tilespmem:s10+$0x18100]  }
0x75e: {  	v4 =	vld [tilespmem:s10+$0x18200]  }
0x75f: {  	v5 =	vld [tilespmem:s10+$0x18280]  }
0x760: {  	v6 =	vld [tilespmem:s10+$0x18300]  }
0x761: {  	v7 =	vld [tilespmem:s10+$0x18380]  }
0x762: {  	v8 =	vld [tilespmem:s10+$0x18400]  }
0x763: {  	v9 =	vld [tilespmem:s10+$0x18480]  }
0x764: {  	v10 =	vld [tilespmem:s10+$0x19100]  }
.Ltmp61:
0x765: {  	v11 =	vld [tilespmem:s10+$0x19180];
	(pc) =	sbr.rel @!p0 .LBB2_96-.Ltmp61, $4  }
0x766: {  	v12 =	vld [tilespmem:s10+$0x19200]  }
0x767: {  	v13 =	vld [tilespmem:s10+$0x19280]  }
0x768: {  	v14 =	vld [tilespmem:s10+$0x19300]  }
0x769: {  	s7 =	sadd.s32 $0x10, s7;
	v15 =	vld [tilespmem:s10+$0x19380]  }
0x76a: {  	v16 =	vld [tilespmem:s10+$0x19400]  }
0x76b: {  	v17 =	vld [tilespmem:s10+$0x19480];
	_ =	sdelay $0x1  }
0x76c: {  	v2 =	vadd.f32 v2, v3;
	v3 =	vadd.f32 v5, v4  }
0x76d: {  	v56 =	vadd.f32 v7, v6;
	v57 =	vadd.f32 v9, v8  }
0x76e: {  	v58 =	vadd.f32 v11, v10;
	v59 =	vadd.f32 v13, v12  }
0x76f: {  	v60 =	vadd.f32 v15, v14;
	v61 =	vadd.f32 v17, v16  }
0x770: {  	v2 =	vadd.f32 v3, v2;
	v3 =	vadd.f32 v57, v56  }
0x771: {  	v62 =	vadd.f32 v59, v58;
	v63 =	vadd.f32 v61, v60;
	_ =	sdelay $0x1  }
.Ltmp62:
0x772: {  	v2 =	vadd.f32 v3, v2;
	v3 =	vadd.f32 v63, v62;
	(pc) =	sbr.rel .LBB2_99-.Ltmp62, $4  }
0x773: {  	_ = 	snop  }
0x774: {  	v2 =	vadd.f32 v3, v2  }
0x775: {  	s1 =	sadd.s32 $0x10, s6  }
0x776: {  	s6 =	simm.s32 $0x80;
	s7 =	simm.s32 $0x400;
	[tilespmem:s1+$0x0] =	vst v2  }
.LBB2_101:
0x777: {  	_ =	sfence.sel $0x180000  }
0x778: {  	[bflag:$0x0] =	sbarrier.arrive $0xFFFF  }
0x779: {  	_ =	strace $0x90000047  }
0x77a: {  	s0 =	stileid.u32;
	[bflag:$0x2] =	sbarrier.arrive $0xFFFF  }
0x77b: {  	p0 =	sne.s32 s0, $0x0;
	s0 =	rddreg [dreg:$0x4]  }
0x77c: {  	s0 =	sadd.s32 @!p0 $0x100000, s0  }
0x77d: {  	[sflag:s0] =	ssyncadd.tile.s32 @!p0 $0x1;
	_ =	shalt  }
.Lfunc_end2:
_tile_overlayer_lowered:
.L_overlay_start_2:
0x77e: {  	(tag) =	ssettag $0x2  }
0x77f: {  	s0 =	rddreg [dreg:$0x0];
	s2 =	stileid.u32  }
0x780: {  	s1 =	rddreg [dreg:$0x1];
	p0 =	sne.s32 s2, $0x0  }
0x781: {  	s3 =	rddreg [dreg:$0x2];
	[bflag:$0x3] =	sbarrier.arrive $0xFFFF;
	s2 =	simm.s32 @!p0 $0x1C05  }
0x782: {  	[timem:s3], [sflag:s2] =	dma.local @!p0 [hbm:s0], s1  }
0x783: {  	s0 =	simm.s32 @!p0 $0x5  }
0x784: {  	_ =	swait.ge @!p0 [sflag:s0], s1  }
0x785: {  	s1 =	ssub.s32 @!p0 $0x0, s1;
	[sflag:s0] =	ssyncset.done @!p0 $0x0  }
0x786: {  	[sflag:s0] =	ssyncadd.s32 @!p0 s1  }
0x787: {  	[bflag:$0x3] =	sbarrier.arrive $0xFFFF  }
0x788: {  	_ =	shalt  }

</sc_bundles>
